<compile_context>
chip_gen: v7x
topology: tpu7x:2x2x1
jax: 0.10.2.dev20260603
libtpu: 0.0.44.dev20260713+nightly
codegen_flags: <defaults>
</compile_context>

<pallas_src>
import functools

import jax
import jax.numpy as jnp
from jax import lax
from jax.experimental import pallas as pl
from jax.experimental.pallas import tpu as pltpu
from jax.experimental.pallas import tpu_sc as plsc

_B = 4096
_F = 26
_V = 100000
_D = 16
_DD = 13
_H = 400
_EPS = 1e-3

_NC = 2
_NS = 16
_NW = _NC * _NS
_RPW = (_F * _D) // _NW

_BB = 1024
_SD = _F * _D
_DE = _DD * _D

_CT = (((0,), (0,)), ((), ()))



def _sc_rows_body(embT_hbm, lin2d_hbm, idx_hbm, xT_out, linT_out,
                  idx_v, row_v, out_v, sem, sem_out):
    wid = lax.axis_index("s") * _NC + lax.axis_index("c")

    def gather(p):
        def body(g, _):
            ig = idx_v[pl.ds(g * 16, 16)]
            out_v[p, pl.ds(g * 16, 16)] = plsc.load_gather(row_v, [ig])
            return 0

        lax.fori_loop(0, _B // 16, body, 0, unroll=8)

    def gather_row(src_row, p):
        pltpu.async_copy(src_row, row_v, sem).wait()
        gather(p)

    flushes = [None, None]
    for j in range(_RPW):
        r = wid * _RPW + j
        p = j % 2
        cp = pltpu.async_copy(embT_hbm.at[r], row_v, sem)
        if j == 0:
            pltpu.sync_copy(idx_hbm.at[pl.ds((r // _D) * _B, _B)], idx_v)
        else:
            @pl.when(r % _D == 0)
            def _():
                pltpu.sync_copy(idx_hbm.at[pl.ds((r // _D) * _B, _B)], idx_v)
        if flushes[p] is not None:
            flushes[p].wait()
        cp.wait()
        gather(p)
        flushes[p] = pltpu.async_copy(out_v.at[p], xT_out.at[r], sem_out)

    flushes[_RPW % 2].wait()

    @pl.when(wid < _F)
    def _():
        pltpu.sync_copy(idx_hbm.at[pl.ds(wid * _B, _B)], idx_v)
        gather_row(lin2d_hbm.at[wid], _RPW % 2)
        pltpu.sync_copy(out_v.at[_RPW % 2], linT_out.at[wid])

    flushes[(_RPW + 1) % 2].wait()


@functools.cache
def _sc_rows():
    return pl.kernel(
        _sc_rows_body,
        mesh=plsc.VectorSubcoreMesh(core_axis_name="c", subcore_axis_name="s"),
        out_type=[
            jax.ShapeDtypeStruct((_SD, _B), jnp.float32),
            jax.ShapeDtypeStruct((_F, _B), jnp.float32),
        ],
        scratch_types=[
            pltpu.VMEM((_B,), jnp.int32),
            pltpu.VMEM((_V,), jnp.float32),
            pltpu.VMEM((2, _B), jnp.float32),
            pltpu.SemaphoreType.DMA,
            pltpu.SemaphoreType.DMA,
        ],
        compiler_params=pltpu.CompilerParams(use_tc_tiling_on_sc=True,
                                             needs_layout_passes=False),
    )



def _field_sum_mat(n):
    r = lax.broadcasted_iota(jnp.int32, (n, _D), 0)
    c = lax.broadcasted_iota(jnp.int32, (n, _D), 1)
    return (r % _D == c).astype(jnp.float32)


def _tc_body(xT_ref, linT_ref, denseT_ref, wde_ref, bde_ref,
             w1s_ref, w1d_ref, s1_ref, t1_ref,
             w2_ref, s2_ref, t2_ref,
             w3_ref, s3_ref, t3_ref,
             wout_ref, wlin_ref, cst_ref, out_ref):
    f32 = jnp.float32
    xT = xT_ref[...]
    denseT = denseT_ref[...]
    de = lax.dot_general(denseT, wde_ref[...], _CT,
                         preferred_element_type=f32) + bde_ref[...]
    sum_emb = (lax.dot_general(xT, _field_sum_mat(_SD), _CT,
                               preferred_element_type=f32)
               + jnp.dot(de, _field_sum_mat(_DE), preferred_element_type=f32))
    sq_of_sum = jnp.sum(sum_emb * sum_emb, axis=1, keepdims=True)
    sum_of_sq = (lax.dot_general(xT * xT, jnp.ones((_SD, 1), f32), _CT,
                                 preferred_element_type=f32)
                 + jnp.sum(de * de, axis=1, keepdims=True))
    fm = 0.5 * (sq_of_sum - sum_of_sq)
    linear = (lax.dot_general(linT_ref[...], jnp.ones((_F, 1), f32), _CT,
                              preferred_element_type=f32)
              + lax.dot_general(denseT, wlin_ref[...], _CT,
                                preferred_element_type=f32))
    h = lax.dot_general(xT, w1s_ref[...], _CT, preferred_element_type=f32)
    h = h + jnp.dot(de, w1d_ref[...], preferred_element_type=f32)
    h = jnp.maximum(h * s1_ref[...] + t1_ref[...], 0.0)
    h = jnp.dot(h, w2_ref[...], preferred_element_type=f32)
    h = jnp.maximum(h * s2_ref[...] + t2_ref[...], 0.0)
    h = jnp.dot(h, w3_ref[...], preferred_element_type=f32)
    h = jnp.maximum(h * s3_ref[...] + t3_ref[...], 0.0)
    dnn = jnp.dot(h, wout_ref[...], preferred_element_type=f32)
    out_ref[...] = linear + fm + dnn + cst_ref[...]


def _tc_forward(xT, linT, denseT, wde, bde, w1s, w1d, s1, t1,
                w2, s2, t2, w3, s3, t3, wout, wlin, cst):
    nblk = _B // _BB
    full = lambda shape: pl.BlockSpec(shape, lambda i: (0, 0))
    col = lambda rows: pl.BlockSpec((rows, _BB), lambda i: (0, i))
    return pl.pallas_call(
        _tc_body,
        grid=(nblk,),
        in_specs=[
            col(_SD), col(_F), col(_DD),
            full((_DD, _DE)), full((1, _DE)),
            full((_SD, _H)), full((_DE, _H)), full((1, _H)), full((1, _H)),
            full((_H, _H)), full((1, _H)), full((1, _H)),
            full((_H, _H)), full((1, _H)), full((1, _H)),
            full((_H, 1)), full((_DD, 1)), full((1, 1)),
        ],
        out_specs=pl.BlockSpec((_BB, 1), lambda i: (i, 0)),
        out_shape=jax.ShapeDtypeStruct((_B, 1), jnp.float32),
    )(xT, linT, denseT, wde, bde, w1s, w1d, s1, t1,
      w2, s2, t2, w3, s3, t3, wout, wlin, cst)


def kernel(sparse_inputs, dense_inputs, emb_lin, W_lin, b_lin, linear_bias,
           emb, W_de, b_de, W1, b1, g1, be1, W2, b2, g2, be2,
           W3, b3, g3, be3, W_out, b_out):
    embT = emb.transpose(0, 2, 1).reshape(_SD, _V)
    sparse_T = sparse_inputs.T.astype(jnp.int32)
    idx_flat = sparse_T.reshape(-1)
    lin2d = emb_lin.reshape(_F, _V)

    xT, linT = _sc_rows()(embT, lin2d, idx_flat)
    denseT = dense_inputs.T

    inv = 1.0 / jnp.sqrt(1.0 + _EPS)
    s1 = (g1 * inv).reshape(1, _H)
    t1 = (be1 + b1 * g1 * inv).reshape(1, _H)
    s2 = (g2 * inv).reshape(1, _H)
    t2 = (be2 + b2 * g2 * inv).reshape(1, _H)
    s3 = (g3 * inv).reshape(1, _H)
    t3 = (be3 + b3 * g3 * inv).reshape(1, _H)
    wlin = jnp.sum(W_lin, axis=1).reshape(_DD, 1)
    cst = (jnp.sum(b_lin) + linear_bias[0] + b_out[0]).reshape(1, 1)
    return _tc_forward(
        xT, linT, denseT, W_de, b_de.reshape(1, _DE),
        W1[:_SD], W1[_SD:], s1, t1, W2, s2, t2, W3, s3, t3,
        W_out, wlin, cst)

# --- scband reference (transcript-rebuilt; emitter-appended) ---
"""Pipeline reference for scband-deep-fm-73160472920724 (READ-ONLY COPY).

The authoritative reference and input builder live on the scoring server;
editing this copy changes nothing except your own understanding.
"""

import jax, jax.numpy as jnp
import numpy as np

B = 4096
F = 26
V = 100000
D = 16
DD = 13
NF = F + DD
H = 400
EPS = 1e-3


def setup_inputs(seed: int = 0) -> dict:
    key = jax.random.key(seed)
    ks = jax.random.split(key, 30)
    inp = {}
    inp['sparse_inputs'] = jax.random.randint(ks[0], (B, F), 0, V)
    inp['dense_inputs'] = jax.random.normal(ks[1], (B, DD), dtype=jnp.float32)
    inp['emb_lin'] = jax.random.normal(ks[2], (F, V, 1), dtype=jnp.float32) * 0.01
    inp['W_lin'] = jax.random.normal(ks[3], (DD, DD), dtype=jnp.float32) * 0.05
    inp['b_lin'] = jnp.zeros((DD,), jnp.float32)
    inp['linear_bias'] = jnp.zeros((1,), jnp.float32)
    inp['emb'] = jax.random.normal(ks[4], (F, V, D), dtype=jnp.float32) * 0.01
    inp['W_de'] = jax.random.normal(ks[5], (DD, DD * D), dtype=jnp.float32) * 0.05
    inp['b_de'] = jnp.zeros((DD * D,), jnp.float32)
    inp['W1'] = jax.random.normal(ks[6], (NF * D, H), dtype=jnp.float32) * 0.04
    inp['b1'] = jnp.zeros((H,), jnp.float32)
    inp['g1'] = jnp.ones((H,), jnp.float32)
    inp['be1'] = jnp.zeros((H,), jnp.float32)
    inp['W2'] = jax.random.normal(ks[7], (H, H), dtype=jnp.float32) * 0.05
    inp['b2'] = jnp.zeros((H,), jnp.float32)
    inp['g2'] = jnp.ones((H,), jnp.float32)
    inp['be2'] = jnp.zeros((H,), jnp.float32)
    inp['W3'] = jax.random.normal(ks[8], (H, H), dtype=jnp.float32) * 0.05
    inp['b3'] = jnp.zeros((H,), jnp.float32)
    inp['g3'] = jnp.ones((H,), jnp.float32)
    inp['be3'] = jnp.zeros((H,), jnp.float32)
    inp['W_out'] = jax.random.normal(ks[9], (H, 1), dtype=jnp.float32) * 0.05
    inp['b_out'] = jnp.zeros((1,), jnp.float32)
    return inp


_gather = jax.vmap(lambda table, idx: table[idx], in_axes=(0, 1), out_axes=1)


def reference(sparse_inputs, dense_inputs, emb_lin, W_lin, b_lin, linear_bias, emb, W_de, b_de,
              W1, b1, g1, be1, W2, b2, g2, be2, W3, b3, g3, be3, W_out, b_out):
    # linear part
    sparse_linear = _gather(emb_lin, sparse_inputs)                 # [B, F, 1]
    dense_linear = (dense_inputs @ W_lin + b_lin).reshape(-1, DD, 1)
    linear_out = jnp.concatenate([sparse_linear, dense_linear], axis=1)
    linear_logit = jnp.sum(linear_out, axis=1) + linear_bias        # [B, 1]
    # shared embeddings
    sparse_emb = _gather(emb, sparse_inputs)                        # [B, F, D]
    dense_emb = (dense_inputs @ W_de + b_de).reshape(-1, DD, D)
    shared = jnp.concatenate([sparse_emb, dense_emb], axis=1)       # [B, NF, D]
    # FM second order
    sum_emb = jnp.sum(shared, axis=1)
    square_of_sum = jnp.square(sum_emb)
    sum_of_square = jnp.sum(jnp.square(shared), axis=1)
    fm_second = 0.5 * (square_of_sum - sum_of_square)
    fm_logit = jnp.sum(fm_second, axis=1, keepdims=True)            # [B, 1]
    # DNN (inference mode: BN with moving mean=0, var=1; dropout = identity)
    x = shared.reshape(-1, NF * D)
    for (W, b, g, be) in ((W1, b1, g1, be1), (W2, b2, g2, be2), (W3, b3, g3, be3)):
        x = x @ W + b
        x = (x - 0.0) / jnp.sqrt(1.0 + EPS) * g + be
        x = jax.nn.relu(x)
    dnn_logit = x @ W_out + b_out                                   # [B, 1]
    return linear_logit + fm_logit + dnn_logit

if __name__ == "__main__":
    import jax
    _d = setup_inputs()
    print(jax.jit(kernel)(*tuple(_d.values())))

</pallas_src>

<mosaic_0001>
#map = affine_map<(d0, d1) -> (0, 0)>
#map1 = affine_map<(d0, d1) -> (0)>
module attributes {stable_mosaic.version = 14 : i64} {
  func.func @_sc_rows_body(%arg0: i32, %arg1: i32, %arg2: memref<416x100000xf32, #tpu.memory_space<hbm>>, %arg3: memref<26x100000xf32, #tpu.memory_space<hbm>>, %arg4: memref<106496xi32, #tpu.memory_space<hbm>>, %arg5: memref<416x4096xf32, #tpu.memory_space<hbm>>, %arg6: memref<26x4096xf32, #tpu.memory_space<hbm>>, %arg7: memref<4096xi32, #tpu.memory_space<vmem>>, %arg8: memref<100000xf32, #tpu.memory_space<vmem>>, %arg9: memref<2x4096xf32, #tpu.memory_space<vmem>>, %arg10: memref<!tpu.dma_semaphore, #tpu.memory_space<semaphore_mem>>, %arg11: memref<!tpu.dma_semaphore, #tpu.memory_space<semaphore_mem>>) attributes {dimension_semantics = [#tpu.dimension_semantics<core_parallel>, #tpu.dimension_semantics<subcore_parallel>], iteration_bounds = array<i64: 2, 16>, scalar_prefetch = 0 : i64, scratch_operands = 5 : i64, tpu.core_type = #tpu.core_type<sc_vector_subcore>, window_params = [{transform_indices = #map}, {transform_indices = #map}, {transform_indices = #map1}, {transform_indices = #map}, {transform_indices = #map}]} {
    %mul3A = arith.constant 2 : i32
    %mul3A_0 = arith.muli %arg1, %mul3A : i32
    %add3A = arith.addi %mul3A_0, %arg0 : i32
    %mul3A_1 = arith.constant 13 : i32
    %mul3A_2 = arith.muli %add3A, %mul3A_1 : i32
    %add3A_3 = arith.constant 0 : i32
    %add3A_4 = arith.addi %mul3A_2, %add3A_3 : i32
    %dma_start3A = arith.constant 0 : i32
    %dma_start3A_5 = tpu.memref_slice %arg2[%add3A_4, %dma_start3A] : memref<416x100000xf32, #tpu.memory_space<hbm>> -> memref<1x100000xf32, #tpu.memory_space<hbm>>
    %dma_start3A_6 = tpu.memref_squeeze %dma_start3A_5 : memref<1x100000xf32, #tpu.memory_space<hbm>> -> memref<100000xf32, #tpu.memory_space<hbm>>
    %dma_start3A_7 = arith.constant 0 : i32
    %dma_start3A_8 = tpu.memref_slice %arg2[%add3A_4, %dma_start3A_7] : memref<416x100000xf32, #tpu.memory_space<hbm>> -> memref<1x100000xf32, #tpu.memory_space<hbm>>
    %dma_start3A_9 = tpu.memref_squeeze %dma_start3A_8 : memref<1x100000xf32, #tpu.memory_space<hbm>> -> memref<100000xf32, #tpu.memory_space<hbm>>
    tpu.enqueue_dma source(%dma_start3A_9 : memref<100000xf32, #tpu.memory_space<hbm>>) target(%arg8 : memref<100000xf32, #tpu.memory_space<vmem>>) target_semaphore(%arg10 : memref<!tpu.dma_semaphore, #tpu.memory_space<semaphore_mem>>)
    %jit3A = arith.constant 16 : i32
    %div3A = arith.divsi %add3A_4, %jit3A : i32
    %sign3A = arith.constant 0 : i32
    %sign3A_10 = arith.cmpi sgt, %add3A_4, %sign3A : i32
    %sign3A_11 = arith.extui %sign3A_10 : i1 to i32
    %sign3A_12 = arith.constant 0 : i32
    %sign3A_13 = arith.cmpi slt, %add3A_4, %sign3A_12 : i32
    %sign3A_14 = arith.extui %sign3A_13 : i1 to i32
    %sign3A_15 = arith.subi %sign3A_11, %sign3A_14 : i32
    %sign3A_16 = arith.constant 0 : i32
    %sign3A_17 = arith.cmpi sgt, %jit3A, %sign3A_16 : i32
    %sign3A_18 = arith.extui %sign3A_17 : i1 to i32
    %sign3A_19 = arith.constant 0 : i32
    %sign3A_20 = arith.cmpi slt, %jit3A, %sign3A_19 : i32
    %sign3A_21 = arith.extui %sign3A_20 : i1 to i32
    %sign3A_22 = arith.subi %sign3A_18, %sign3A_21 : i32
    %ne3A = arith.cmpi ne, %sign3A_15, %sign3A_22 : i32
    %rem3A = arith.remsi %add3A_4, %jit3A : i32
    %ne3A_23 = arith.constant 0 : i32
    %ne3A_24 = arith.cmpi ne, %rem3A, %ne3A_23 : i32
    %and3A = arith.andi %ne3A, %ne3A_24 : i1
    %sub3A = arith.constant 1 : i32
    %sub3A_25 = arith.subi %div3A, %sub3A : i32
    %select_n3A = arith.select %and3A, %sub3A_25, %div3A : i32
    %mul3A_26 = arith.constant 4096 : i32
    %mul3A_27 = arith.muli %select_n3A, %mul3A_26 : i32
    "tpu.region"() ({
      %run_scoped3A = tpu.sem_alloc : memref<!tpu.dma_semaphore, #tpu.memory_space<semaphore_mem>>
      %dma_start3A_906 = tpu.memref_slice %arg4[%mul3A_27] : memref<106496xi32, #tpu.memory_space<hbm>> -> memref<4096xi32, #tpu.memory_space<hbm>>
      %dma_start3A_907 = tpu.memref_slice %arg4[%mul3A_27] : memref<106496xi32, #tpu.memory_space<hbm>> -> memref<4096xi32, #tpu.memory_space<hbm>>
      tpu.enqueue_dma source(%dma_start3A_907 : memref<4096xi32, #tpu.memory_space<hbm>>) target(%arg7 : memref<4096xi32, #tpu.memory_space<vmem>>) target_semaphore(%run_scoped3A : memref<!tpu.dma_semaphore, #tpu.memory_space<semaphore_mem>>)
      %dma_wait3A_908 = tpu.memref_slice %arg4[%mul3A_27] : memref<106496xi32, #tpu.memory_space<hbm>> -> memref<4096xi32, #tpu.memory_space<hbm>>
      %dma_wait3A_909 = tpu.memref_slice %arg4[%mul3A_27] : memref<106496xi32, #tpu.memory_space<hbm>> -> memref<4096xi32, #tpu.memory_space<hbm>>
      tpu.wait_dma2 semaphore(%run_scoped3A : memref<!tpu.dma_semaphore, #tpu.memory_space<semaphore_mem>>) src(%dma_wait3A_909 : memref<4096xi32, #tpu.memory_space<hbm>>) dst(%arg7 : memref<4096xi32, #tpu.memory_space<vmem>>)
      tpu.yield
    }) : () -> ()
    %dma_wait3A = arith.constant 0 : i32
    %dma_wait3A_28 = tpu.memref_slice %arg2[%add3A_4, %dma_wait3A] : memref<416x100000xf32, #tpu.memory_space<hbm>> -> memref<1x100000xf32, #tpu.memory_space<hbm>>
    %dma_wait3A_29 = tpu.memref_squeeze %dma_wait3A_28 : memref<1x100000xf32, #tpu.memory_space<hbm>> -> memref<100000xf32, #tpu.memory_space<hbm>>
    %dma_wait3A_30 = arith.constant 0 : i32
    %dma_wait3A_31 = tpu.memref_slice %arg2[%add3A_4, %dma_wait3A_30] : memref<416x100000xf32, #tpu.memory_space<hbm>> -> memref<1x100000xf32, #tpu.memory_space<hbm>>
    %dma_wait3A_32 = tpu.memref_squeeze %dma_wait3A_31 : memref<1x100000xf32, #tpu.memory_space<hbm>> -> memref<100000xf32, #tpu.memory_space<hbm>>
    tpu.wait_dma2 semaphore(%arg10 : memref<!tpu.dma_semaphore, #tpu.memory_space<semaphore_mem>>) src(%dma_wait3A_32 : memref<100000xf32, #tpu.memory_space<hbm>>) dst(%arg8 : memref<100000xf32, #tpu.memory_space<vmem>>)
    %scan3A = arith.constant 0 : i32
    %scan3A_33 = arith.constant 0 : i32
    %scan3A_34 = arith.constant 256 : i32
    %scan3A_35 = arith.addi %scan3A_33, %scan3A_34 : i32
    %scan3A_36 = arith.constant 8 : i32
    %scan3A_37 = scf.for %scan3A_906 = %scan3A_33 to %scan3A_35 step %scan3A_36 iter_args(%scan3A_907 = %scan3A) -> (i32)  : i32 {
      %mul3A_908 = arith.constant 16 : i32
      %mul3A_909 = arith.muli %scan3A_906, %mul3A_908 : i32
      %get3A = arith.index_cast %mul3A_909 : i32 to index
      %get3A_910 = tpu.vector_load %arg7[%get3A] {strides = array<i32>} : memref<4096xi32, #tpu.memory_space<vmem>>, vector<16xi32>,
      %gather3A = tpu.vector_load_idx %arg8[%get3A_910] : memref<100000xf32, #tpu.memory_space<vmem>>[vector<16xi32>], vector<16xf32>,
      %mul3A_911 = arith.constant 16 : i32
      %mul3A_912 = arith.muli %scan3A_906, %mul3A_911 : i32
      %swap3A = arith.constant 0 : i32
      %swap3A_913 = arith.index_cast %swap3A : i32 to index
      %swap3A_914 = arith.index_cast %mul3A_912 : i32 to index
      %swap3A_915 = tpu.vector_load %arg9[%swap3A_913, %swap3A_914] {strides = array<i32>} : memref<2x4096xf32, #tpu.memory_space<vmem>>, vector<16xf32>,
      tpu.vector_store %arg9[%swap3A_913, %swap3A_914], %gather3A {strides = array<i32>} : memref<2x4096xf32, #tpu.memory_space<vmem>>, vector<16xf32>,
      %scan3A_916 = arith.constant 0 : i32
      %scan3A_917 = arith.constant 1 : i32
      %scan3A_918 = arith.addi %scan3A_906, %scan3A_917 : i32
      %mul3A_919 = arith.constant 16 : i32
      %mul3A_920 = arith.muli %scan3A_918, %mul3A_919 : i32
      %get3A_921 = arith.index_cast %mul3A_920 : i32 to index
      %get3A_922 = tpu.vector_load %arg7[%get3A_921] {strides = array<i32>} : memref<4096xi32, #tpu.memory_space<vmem>>, vector<16xi32>,
      %gather3A_923 = tpu.vector_load_idx %arg8[%get3A_922] : memref<100000xf32, #tpu.memory_space<vmem>>[vector<16xi32>], vector<16xf32>,
      %mul3A_924 = arith.constant 16 : i32
      %mul3A_925 = arith.muli %scan3A_918, %mul3A_924 : i32
      %swap3A_926 = arith.constant 0 : i32
      %swap3A_927 = arith.index_cast %swap3A_926 : i32 to index
      %swap3A_928 = arith.index_cast %mul3A_925 : i32 to index
      %swap3A_929 = tpu.vector_load %arg9[%swap3A_927, %swap3A_928] {strides = array<i32>} : memref<2x4096xf32, #tpu.memory_space<vmem>>, vector<16xf32>,
      tpu.vector_store %arg9[%swap3A_927, %swap3A_928], %gather3A_923 {strides = array<i32>} : memref<2x4096xf32, #tpu.memory_space<vmem>>, vector<16xf32>,
      %scan3A_930 = arith.constant 0 : i32
      %scan3A_931 = arith.constant 2 : i32
      %scan3A_932 = arith.addi %scan3A_906, %scan3A_931 : i32
      %mul3A_933 = arith.constant 16 : i32
      %mul3A_934 = arith.muli %scan3A_932, %mul3A_933 : i32
      %get3A_935 = arith.index_cast %mul3A_934 : i32 to index
      %get3A_936 = tpu.vector_load %arg7[%get3A_935] {strides = array<i32>} : memref<4096xi32, #tpu.memory_space<vmem>>, vector<16xi32>,
      %gather3A_937 = tpu.vector_load_idx %arg8[%get3A_936] : memref<100000xf32, #tpu.memory_space<vmem>>[vector<16xi32>], vector<16xf32>,
      %mul3A_938 = arith.constant 16 : i32
      %mul3A_939 = arith.muli %scan3A_932, %mul3A_938 : i32
      %swap3A_940 = arith.constant 0 : i32
      %swap3A_941 = arith.index_cast %swap3A_940 : i32 to index
      %swap3A_942 = arith.index_cast %mul3A_939 : i32 to index
      %swap3A_943 = tpu.vector_load %arg9[%swap3A_941, %swap3A_942] {strides = array<i32>} : memref<2x4096xf32, #tpu.memory_space<vmem>>, vector<16xf32>,
      tpu.vector_store %arg9[%swap3A_941, %swap3A_942], %gather3A_937 {strides = array<i32>} : memref<2x4096xf32, #tpu.memory_space<vmem>>, vector<16xf32>,
      %scan3A_944 = arith.constant 0 : i32
      %scan3A_945 = arith.constant 3 : i32
      %scan3A_946 = arith.addi %scan3A_906, %scan3A_945 : i32
      %mul3A_947 = arith.constant 16 : i32
      %mul3A_948 = arith.muli %scan3A_946, %mul3A_947 : i32
      %get3A_949 = arith.index_cast %mul3A_948 : i32 to index
      %get3A_950 = tpu.vector_load %arg7[%get3A_949] {strides = array<i32>} : memref<4096xi32, #tpu.memory_space<vmem>>, vector<16xi32>,
      %gather3A_951 = tpu.vector_load_idx %arg8[%get3A_950] : memref<100000xf32, #tpu.memory_space<vmem>>[vector<16xi32>], vector<16xf32>,
      %mul3A_952 = arith.constant 16 : i32
      %mul3A_953 = arith.muli %scan3A_946, %mul3A_952 : i32
      %swap3A_954 = arith.constant 0 : i32
      %swap3A_955 = arith.index_cast %swap3A_954 : i32 to index
      %swap3A_956 = arith.index_cast %mul3A_953 : i32 to index
      %swap3A_957 = tpu.vector_load %arg9[%swap3A_955, %swap3A_956] {strides = array<i32>} : memref<2x4096xf32, #tpu.memory_space<vmem>>, vector<16xf32>,
      tpu.vector_store %arg9[%swap3A_955, %swap3A_956], %gather3A_951 {strides = array<i32>} : memref<2x4096xf32, #tpu.memory_space<vmem>>, vector<16xf32>,
      %scan3A_958 = arith.constant 0 : i32
      %scan3A_959 = arith.constant 4 : i32
      %scan3A_960 = arith.addi %scan3A_906, %scan3A_959 : i32
      %mul3A_961 = arith.constant 16 : i32
      %mul3A_962 = arith.muli %scan3A_960, %mul3A_961 : i32
      %get3A_963 = arith.index_cast %mul3A_962 : i32 to index
      %get3A_964 = tpu.vector_load %arg7[%get3A_963] {strides = array<i32>} : memref<4096xi32, #tpu.memory_space<vmem>>, vector<16xi32>,
      %gather3A_965 = tpu.vector_load_idx %arg8[%get3A_964] : memref<100000xf32, #tpu.memory_space<vmem>>[vector<16xi32>], vector<16xf32>,
      %mul3A_966 = arith.constant 16 : i32
      %mul3A_967 = arith.muli %scan3A_960, %mul3A_966 : i32
      %swap3A_968 = arith.constant 0 : i32
      %swap3A_969 = arith.index_cast %swap3A_968 : i32 to index
      %swap3A_970 = arith.index_cast %mul3A_967 : i32 to index
      %swap3A_971 = tpu.vector_load %arg9[%swap3A_969, %swap3A_970] {strides = array<i32>} : memref<2x4096xf32, #tpu.memory_space<vmem>>, vector<16xf32>,
      tpu.vector_store %arg9[%swap3A_969, %swap3A_970], %gather3A_965 {strides = array<i32>} : memref<2x4096xf32, #tpu.memory_space<vmem>>, vector<16xf32>,
      %scan3A_972 = arith.constant 0 : i32
      %scan3A_973 = arith.constant 5 : i32
      %scan3A_974 = arith.addi %scan3A_906, %scan3A_973 : i32
      %mul3A_975 = arith.constant 16 : i32
      %mul3A_976 = arith.muli %scan3A_974, %mul3A_975 : i32
      %get3A_977 = arith.index_cast %mul3A_976 : i32 to index
      %get3A_978 = tpu.vector_load %arg7[%get3A_977] {strides = array<i32>} : memref<4096xi32, #tpu.memory_space<vmem>>, vector<16xi32>,
      %gather3A_979 = tpu.vector_load_idx %arg8[%get3A_978] : memref<100000xf32, #tpu.memory_space<vmem>>[vector<16xi32>], vector<16xf32>,
      %mul3A_980 = arith.constant 16 : i32
      %mul3A_981 = arith.muli %scan3A_974, %mul3A_980 : i32
      %swap3A_982 = arith.constant 0 : i32
      %swap3A_983 = arith.index_cast %swap3A_982 : i32 to index
      %swap3A_984 = arith.index_cast %mul3A_981 : i32 to index
      %swap3A_985 = tpu.vector_load %arg9[%swap3A_983, %swap3A_984] {strides = array<i32>} : memref<2x4096xf32, #tpu.memory_space<vmem>>, vector<16xf32>,
      tpu.vector_store %arg9[%swap3A_983, %swap3A_984], %gather3A_979 {strides = array<i32>} : memref<2x4096xf32, #tpu.memory_space<vmem>>, vector<16xf32>,
      %scan3A_986 = arith.constant 0 : i32
      %scan3A_987 = arith.constant 6 : i32
      %scan3A_988 = arith.addi %scan3A_906, %scan3A_987 : i32
      %mul3A_989 = arith.constant 16 : i32
      %mul3A_990 = arith.muli %scan3A_988, %mul3A_989 : i32
      %get3A_991 = arith.index_cast %mul3A_990 : i32 to index
      %get3A_992 = tpu.vector_load %arg7[%get3A_991] {strides = array<i32>} : memref<4096xi32, #tpu.memory_space<vmem>>, vector<16xi32>,
      %gather3A_993 = tpu.vector_load_idx %arg8[%get3A_992] : memref<100000xf32, #tpu.memory_space<vmem>>[vector<16xi32>], vector<16xf32>,
      %mul3A_994 = arith.constant 16 : i32
      %mul3A_995 = arith.muli %scan3A_988, %mul3A_994 : i32
      %swap3A_996 = arith.constant 0 : i32
      %swap3A_997 = arith.index_cast %swap3A_996 : i32 to index
      %swap3A_998 = arith.index_cast %mul3A_995 : i32 to index
      %swap3A_999 = tpu.vector_load %arg9[%swap3A_997, %swap3A_998] {strides = array<i32>} : memref<2x4096xf32, #tpu.memory_space<vmem>>, vector<16xf32>,
      tpu.vector_store %arg9[%swap3A_997, %swap3A_998], %gather3A_993 {strides = array<i32>} : memref<2x4096xf32, #tpu.memory_space<vmem>>, vector<16xf32>,
      %scan3A_1000 = arith.constant 0 : i32
      %scan3A_1001 = arith.constant 7 : i32
      %scan3A_1002 = arith.addi %scan3A_906, %scan3A_1001 : i32
      %mul3A_1003 = arith.constant 16 : i32
      %mul3A_1004 = arith.muli %scan3A_1002, %mul3A_1003 : i32
      %get3A_1005 = arith.index_cast %mul3A_1004 : i32 to index
      %get3A_1006 = tpu.vector_load %arg7[%get3A_1005] {strides = array<i32>} : memref<4096xi32, #tpu.memory_space<vmem>>, vector<16xi32>,
      %gather3A_1007 = tpu.vector_load_idx %arg8[%get3A_1006] : memref<100000xf32, #tpu.memory_space<vmem>>[vector<16xi32>], vector<16xf32>,
      %mul3A_1008 = arith.constant 16 : i32
      %mul3A_1009 = arith.muli %scan3A_1002, %mul3A_1008 : i32
      %swap3A_1010 = arith.constant 0 : i32
      %swap3A_1011 = arith.index_cast %swap3A_1010 : i32 to index
      %swap3A_1012 = arith.index_cast %mul3A_1009 : i32 to index
      %swap3A_1013 = tpu.vector_load %arg9[%swap3A_1011, %swap3A_1012] {strides = array<i32>} : memref<2x4096xf32, #tpu.memory_space<vmem>>, vector<16xf32>,
      tpu.vector_store %arg9[%swap3A_1011, %swap3A_1012], %gather3A_1007 {strides = array<i32>} : memref<2x4096xf32, #tpu.memory_space<vmem>>, vector<16xf32>,
      %scan3A_1014 = arith.constant 0 : i32
      scf.yield %scan3A_1014 : i32
    }
    %scan3A_38 = arith.constant 256 : i32
    %dma_start3A_39 = arith.constant 0 : i32
    %dma_start3A_40 = arith.constant 0 : i32
    %dma_start3A_41 = tpu.memref_slice %arg9[%dma_start3A_39, %dma_start3A_40] : memref<2x4096xf32, #tpu.memory_space<vmem>> -> memref<1x4096xf32, #tpu.memory_space<vmem>>
    %dma_start3A_42 = tpu.memref_squeeze %dma_start3A_41 : memref<1x4096xf32, #tpu.memory_space<vmem>> -> memref<4096xf32, #tpu.memory_space<vmem>>
    %dma_start3A_43 = arith.constant 0 : i32
    %dma_start3A_44 = tpu.memref_slice %arg5[%add3A_4, %dma_start3A_43] : memref<416x4096xf32, #tpu.memory_space<hbm>> -> memref<1x4096xf32, #tpu.memory_space<hbm>>
    %dma_start3A_45 = tpu.memref_squeeze %dma_start3A_44 : memref<1x4096xf32, #tpu.memory_space<hbm>> -> memref<4096xf32, #tpu.memory_space<hbm>>
    %dma_start3A_46 = arith.constant 0 : i32
    %dma_start3A_47 = tpu.memref_slice %arg5[%add3A_4, %dma_start3A_46] : memref<416x4096xf32, #tpu.memory_space<hbm>> -> memref<1x4096xf32, #tpu.memory_space<hbm>>
    %dma_start3A_48 = tpu.memref_squeeze %dma_start3A_47 : memref<1x4096xf32, #tpu.memory_space<hbm>> -> memref<4096xf32, #tpu.memory_space<hbm>>
    %dma_start3A_49 = arith.constant 0 : i32
    %dma_start3A_50 = tpu.memref_slice %arg9[%dma_start3A_39, %dma_start3A_49] : memref<2x4096xf32, #tpu.memory_space<vmem>> -> memref<1x4096xf32, #tpu.memory_space<vmem>>
    %dma_start3A_51 = tpu.memref_squeeze %dma_start3A_50 : memref<1x4096xf32, #tpu.memory_space<vmem>> -> memref<4096xf32, #tpu.memory_space<vmem>>
    tpu.enqueue_dma source(%dma_start3A_51 : memref<4096xf32, #tpu.memory_space<vmem>>) target(%dma_start3A_48 : memref<4096xf32, #tpu.memory_space<hbm>>) target_semaphore(%arg11 : memref<!tpu.dma_semaphore, #tpu.memory_space<semaphore_mem>>)
    %mul3A_52 = arith.constant 13 : i32
    %mul3A_53 = arith.muli %add3A, %mul3A_52 : i32
    %add3A_54 = arith.constant 1 : i32
    %add3A_55 = arith.addi %mul3A_53, %add3A_54 : i32
    %dma_start3A_56 = arith.constant 0 : i32
    %dma_start3A_57 = tpu.memref_slice %arg2[%add3A_55, %dma_start3A_56] : memref<416x100000xf32, #tpu.memory_space<hbm>> -> memref<1x100000xf32, #tpu.memory_space<hbm>>
    %dma_start3A_58 = tpu.memref_squeeze %dma_start3A_57 : memref<1x100000xf32, #tpu.memory_space<hbm>> -> memref<100000xf32, #tpu.memory_space<hbm>>
    %dma_start3A_59 = arith.constant 0 : i32
    %dma_start3A_60 = tpu.memref_slice %arg2[%add3A_55, %dma_start3A_59] : memref<416x100000xf32, #tpu.memory_space<hbm>> -> memref<1x100000xf32, #tpu.memory_space<hbm>>
    %dma_start3A_61 = tpu.memref_squeeze %dma_start3A_60 : memref<1x100000xf32, #tpu.memory_space<hbm>> -> memref<100000xf32, #tpu.memory_space<hbm>>
    tpu.enqueue_dma source(%dma_start3A_61 : memref<100000xf32, #tpu.memory_space<hbm>>) target(%arg8 : memref<100000xf32, #tpu.memory_space<vmem>>) target_semaphore(%arg10 : memref<!tpu.dma_semaphore, #tpu.memory_space<semaphore_mem>>)
    %jit3A_62 = arith.constant 16 : i32
    %eq3A = arith.constant 0 : i32
    %eq3A_63 = arith.cmpi eq, %jit3A_62, %eq3A : i32
    %jit3A_64 = arith.constant 1 : i32
    %select_n3A_65 = arith.select %eq3A_63, %jit3A_64, %jit3A_62 : i32
    %rem3A_66 = arith.remsi %add3A_55, %select_n3A_65 : i32
    %ne3A_67 = arith.constant 0 : i32
    %ne3A_68 = arith.cmpi ne, %rem3A_66, %ne3A_67 : i32
    %lt3A = arith.constant 0 : i32
    %lt3A_69 = arith.cmpi slt, %rem3A_66, %lt3A : i32
    %lt3A_70 = arith.constant 0 : i32
    %lt3A_71 = arith.cmpi slt, %select_n3A_65, %lt3A_70 : i32
    %ne3A_72 = arith.xori %lt3A_69, %lt3A_71 : i1
    %and3A_73 = arith.andi %ne3A_72, %ne3A_68 : i1
    %add3A_74 = arith.addi %rem3A_66, %select_n3A_65 : i32
    %select_n3A_75 = arith.select %and3A_73, %add3A_74, %rem3A_66 : i32
    %eq3A_76 = arith.constant 0 : i32
    %eq3A_77 = arith.cmpi eq, %select_n3A_75, %eq3A_76 : i32
    %convert_element_type3A = arith.extui %eq3A_77 : i1 to i32
    %cond3A = arith.constant 0 : i32
    %cond3A_78 = arith.cmpi ne, %convert_element_type3A, %cond3A : i32
    scf.if %cond3A_78 {
      %jit3A_906 = arith.constant 16 : i32
      %div3A_907 = arith.divsi %add3A_55, %jit3A_906 : i32
      %sign3A_908 = arith.constant 0 : i32
      %sign3A_909 = arith.cmpi sgt, %add3A_55, %sign3A_908 : i32
      %sign3A_910 = arith.extui %sign3A_909 : i1 to i32
      %sign3A_911 = arith.constant 0 : i32
      %sign3A_912 = arith.cmpi slt, %add3A_55, %sign3A_911 : i32
      %sign3A_913 = arith.extui %sign3A_912 : i1 to i32
      %sign3A_914 = arith.subi %sign3A_910, %sign3A_913 : i32
      %sign3A_915 = arith.constant 0 : i32
      %sign3A_916 = arith.cmpi sgt, %jit3A_906, %sign3A_915 : i32
      %sign3A_917 = arith.extui %sign3A_916 : i1 to i32
      %sign3A_918 = arith.constant 0 : i32
      %sign3A_919 = arith.cmpi slt, %jit3A_906, %sign3A_918 : i32
      %sign3A_920 = arith.extui %sign3A_919 : i1 to i32
      %sign3A_921 = arith.subi %sign3A_917, %sign3A_920 : i32
      %ne3A_922 = arith.cmpi ne, %sign3A_914, %sign3A_921 : i32
      %rem3A_923 = arith.remsi %add3A_55, %jit3A_906 : i32
      %ne3A_924 = arith.constant 0 : i32
      %ne3A_925 = arith.cmpi ne, %rem3A_923, %ne3A_924 : i32
      %and3A_926 = arith.andi %ne3A_922, %ne3A_925 : i1
      %sub3A_927 = arith.constant 1 : i32
      %sub3A_928 = arith.subi %div3A_907, %sub3A_927 : i32
      %select_n3A_929 = arith.select %and3A_926, %sub3A_928, %div3A_907 : i32
      %mul3A_930 = arith.constant 4096 : i32
      %mul3A_931 = arith.muli %select_n3A_929, %mul3A_930 : i32
      "tpu.region"() ({
        %run_scoped3A = tpu.sem_alloc : memref<!tpu.dma_semaphore, #tpu.memory_space<semaphore_mem>>
        %dma_start3A_932 = tpu.memref_slice %arg4[%mul3A_931] : memref<106496xi32, #tpu.memory_space<hbm>> -> memref<4096xi32, #tpu.memory_space<hbm>>
        %dma_start3A_933 = tpu.memref_slice %arg4[%mul3A_931] : memref<106496xi32, #tpu.memory_space<hbm>> -> memref<4096xi32, #tpu.memory_space<hbm>>
        tpu.enqueue_dma source(%dma_start3A_933 : memref<4096xi32, #tpu.memory_space<hbm>>) target(%arg7 : memref<4096xi32, #tpu.memory_space<vmem>>) target_semaphore(%run_scoped3A : memref<!tpu.dma_semaphore, #tpu.memory_space<semaphore_mem>>)
        %dma_wait3A_934 = tpu.memref_slice %arg4[%mul3A_931] : memref<106496xi32, #tpu.memory_space<hbm>> -> memref<4096xi32, #tpu.memory_space<hbm>>
        %dma_wait3A_935 = tpu.memref_slice %arg4[%mul3A_931] : memref<106496xi32, #tpu.memory_space<hbm>> -> memref<4096xi32, #tpu.memory_space<hbm>>
        tpu.wait_dma2 semaphore(%run_scoped3A : memref<!tpu.dma_semaphore, #tpu.memory_space<semaphore_mem>>) src(%dma_wait3A_935 : memref<4096xi32, #tpu.memory_space<hbm>>) dst(%arg7 : memref<4096xi32, #tpu.memory_space<vmem>>)
        tpu.yield
      }) : () -> ()
    } else {
    }
    %dma_wait3A_79 = arith.constant 0 : i32
    %dma_wait3A_80 = tpu.memref_slice %arg2[%add3A_55, %dma_wait3A_79] : memref<416x100000xf32, #tpu.memory_space<hbm>> -> memref<1x100000xf32, #tpu.memory_space<hbm>>
    %dma_wait3A_81 = tpu.memref_squeeze %dma_wait3A_80 : memref<1x100000xf32, #tpu.memory_space<hbm>> -> memref<100000xf32, #tpu.memory_space<hbm>>
    %dma_wait3A_82 = arith.constant 0 : i32
    %dma_wait3A_83 = tpu.memref_slice %arg2[%add3A_55, %dma_wait3A_82] : memref<416x100000xf32, #tpu.memory_space<hbm>> -> memref<1x100000xf32, #tpu.memory_space<hbm>>
    %dma_wait3A_84 = tpu.memref_squeeze %dma_wait3A_83 : memref<1x100000xf32, #tpu.memory_space<hbm>> -> memref<100000xf32, #tpu.memory_space<hbm>>
    tpu.wait_dma2 semaphore(%arg10 : memref<!tpu.dma_semaphore, #tpu.memory_space<semaphore_mem>>) src(%dma_wait3A_84 : memref<100000xf32, #tpu.memory_space<hbm>>) dst(%arg8 : memref<100000xf32, #tpu.memory_space<vmem>>)
    %scan3A_85 = arith.constant 0 : i32
    %scan3A_86 = arith.constant 0 : i32
    %scan3A_87 = arith.constant 256 : i32
    %scan3A_88 = arith.addi %scan3A_86, %scan3A_87 : i32
    %scan3A_89 = arith.constant 8 : i32
    %scan3A_90 = scf.for %scan3A_906 = %scan3A_86 to %scan3A_88 step %scan3A_89 iter_args(%scan3A_907 = %scan3A_85) -> (i32)  : i32 {
      %mul3A_908 = arith.constant 16 : i32
      %mul3A_909 = arith.muli %scan3A_906, %mul3A_908 : i32
      %get3A = arith.index_cast %mul3A_909 : i32 to index
      %get3A_910 = tpu.vector_load %arg7[%get3A] {strides = array<i32>} : memref<4096xi32, #tpu.memory_space<vmem>>, vector<16xi32>,
      %gather3A = tpu.vector_load_idx %arg8[%get3A_910] : memref<100000xf32, #tpu.memory_space<vmem>>[vector<16xi32>], vector<16xf32>,
      %mul3A_911 = arith.constant 16 : i32
      %mul3A_912 = arith.muli %scan3A_906, %mul3A_911 : i32
      %swap3A = arith.constant 1 : i32
      %swap3A_913 = arith.index_cast %swap3A : i32 to index
      %swap3A_914 = arith.index_cast %mul3A_912 : i32 to index
      %swap3A_915 = tpu.vector_load %arg9[%swap3A_913, %swap3A_914] {strides = array<i32>} : memref<2x4096xf32, #tpu.memory_space<vmem>>, vector<16xf32>,
      tpu.vector_store %arg9[%swap3A_913, %swap3A_914], %gather3A {strides = array<i32>} : memref<2x4096xf32, #tpu.memory_space<vmem>>, vector<16xf32>,
      %scan3A_916 = arith.constant 0 : i32
      %scan3A_917 = arith.constant 1 : i32
      %scan3A_918 = arith.addi %scan3A_906, %scan3A_917 : i32
      %mul3A_919 = arith.constant 16 : i32
      %mul3A_920 = arith.muli %scan3A_918, %mul3A_919 : i32
      %get3A_921 = arith.index_cast %mul3A_920 : i32 to index
      %get3A_922 = tpu.vector_load %arg7[%get3A_921] {strides = array<i32>} : memref<4096xi32, #tpu.memory_space<vmem>>, vector<16xi32>,
      %gather3A_923 = tpu.vector_load_idx %arg8[%get3A_922] : memref<100000xf32, #tpu.memory_space<vmem>>[vector<16xi32>], vector<16xf32>,
      %mul3A_924 = arith.constant 16 : i32
      %mul3A_925 = arith.muli %scan3A_918, %mul3A_924 : i32
      %swap3A_926 = arith.constant 1 : i32
      %swap3A_927 = arith.index_cast %swap3A_926 : i32 to index
      %swap3A_928 = arith.index_cast %mul3A_925 : i32 to index
      %swap3A_929 = tpu.vector_load %arg9[%swap3A_927, %swap3A_928] {strides = array<i32>} : memref<2x4096xf32, #tpu.memory_space<vmem>>, vector<16xf32>,
      tpu.vector_store %arg9[%swap3A_927, %swap3A_928], %gather3A_923 {strides = array<i32>} : memref<2x4096xf32, #tpu.memory_space<vmem>>, vector<16xf32>,
      %scan3A_930 = arith.constant 0 : i32
      %scan3A_931 = arith.constant 2 : i32
      %scan3A_932 = arith.addi %scan3A_906, %scan3A_931 : i32
      %mul3A_933 = arith.constant 16 : i32
      %mul3A_934 = arith.muli %scan3A_932, %mul3A_933 : i32
      %get3A_935 = arith.index_cast %mul3A_934 : i32 to index
      %get3A_936 = tpu.vector_load %arg7[%get3A_935] {strides = array<i32>} : memref<4096xi32, #tpu.memory_space<vmem>>, vector<16xi32>,
      %gather3A_937 = tpu.vector_load_idx %arg8[%get3A_936] : memref<100000xf32, #tpu.memory_space<vmem>>[vector<16xi32>], vector<16xf32>,
      %mul3A_938 = arith.constant 16 : i32
      %mul3A_939 = arith.muli %scan3A_932, %mul3A_938 : i32
      %swap3A_940 = arith.constant 1 : i32
      %swap3A_941 = arith.index_cast %swap3A_940 : i32 to index
      %swap3A_942 = arith.index_cast %mul3A_939 : i32 to index
      %swap3A_943 = tpu.vector_load %arg9[%swap3A_941, %swap3A_942] {strides = array<i32>} : memref<2x4096xf32, #tpu.memory_space<vmem>>, vector<16xf32>,
      tpu.vector_store %arg9[%swap3A_941, %swap3A_942], %gather3A_937 {strides = array<i32>} : memref<2x4096xf32, #tpu.memory_space<vmem>>, vector<16xf32>,
      %scan3A_944 = arith.constant 0 : i32
      %scan3A_945 = arith.constant 3 : i32
      %scan3A_946 = arith.addi %scan3A_906, %scan3A_945 : i32
      %mul3A_947 = arith.constant 16 : i32
      %mul3A_948 = arith.muli %scan3A_946, %mul3A_947 : i32
      %get3A_949 = arith.index_cast %mul3A_948 : i32 to index
      %get3A_950 = tpu.vector_load %arg7[%get3A_949] {strides = array<i32>} : memref<4096xi32, #tpu.memory_space<vmem>>, vector<16xi32>,
      %gather3A_951 = tpu.vector_load_idx %arg8[%get3A_950] : memref<100000xf32, #tpu.memory_space<vmem>>[vector<16xi32>], vector<16xf32>,
      %mul3A_952 = arith.constant 16 : i32
      %mul3A_953 = arith.muli %scan3A_946, %mul3A_952 : i32
      %swap3A_954 = arith.constant 1 : i32
      %swap3A_955 = arith.index_cast %swap3A_954 : i32 to index
      %swap3A_956 = arith.index_cast %mul3A_953 : i32 to index
      %swap3A_957 = tpu.vector_load %arg9[%swap3A_955, %swap3A_956] {strides = array<i32>} : memref<2x4096xf32, #tpu.memory_space<vmem>>, vector<16xf32>,
      tpu.vector_store %arg9[%swap3A_955, %swap3A_956], %gather3A_951 {strides = array<i32>} : memref<2x4096xf32, #tpu.memory_space<vmem>>, vector<16xf32>,
      %scan3A_958 = arith.constant 0 : i32
      %scan3A_959 = arith.constant 4 : i32
      %scan3A_960 = arith.addi %scan3A_906, %scan3A_959 : i32
      %mul3A_961 = arith.constant 16 : i32
      %mul3A_962 = arith.muli %scan3A_960, %mul3A_961 : i32
      %get3A_963 = arith.index_cast %mul3A_962 : i32 to index
      %get3A_964 = tpu.vector_load %arg7[%get3A_963] {strides = array<i32>} : memref<4096xi32, #tpu.memory_space<vmem>>, vector<16xi32>,
      %gather3A_965 = tpu.vector_load_idx %arg8[%get3A_964] : memref<100000xf32, #tpu.memory_space<vmem>>[vector<16xi32>], vector<16xf32>,
      %mul3A_966 = arith.constant 16 : i32
      %mul3A_967 = arith.muli %scan3A_960, %mul3A_966 : i32
      %swap3A_968 = arith.constant 1 : i32
      %swap3A_969 = arith.index_cast %swap3A_968 : i32 to index
      %swap3A_970 = arith.index_cast %mul3A_967 : i32 to index
      %swap3A_971 = tpu.vector_load %arg9[%swap3A_969, %swap3A_970] {strides = array<i32>} : memref<2x4096xf32, #tpu.memory_space<vmem>>, vector<16xf32>,
      tpu.vector_store %arg9[%swap3A_969, %swap3A_970], %gather3A_965 {strides = array<i32>} : memref<2x4096xf32, #tpu.memory_space<vmem>>, vector<16xf32>,
      %scan3A_972 = arith.constant 0 : i32
      %scan3A_973 = arith.constant 5 : i32
      %scan3A_974 = arith.addi %scan3A_906, %scan3A_973 : i32
      %mul3A_975 = arith.constant 16 : i32
      %mul3A_976 = arith.muli %scan3A_974, %mul3A_975 : i32
      %get3A_977 = arith.index_cast %mul3A_976 : i32 to index
      %get3A_978 = tpu.vector_load %arg7[%get3A_977] {strides = array<i32>} : memref<4096xi32, #tpu.memory_space<vmem>>, vector<16xi32>,
      %gather3A_979 = tpu.vector_load_idx %arg8[%get3A_978] : memref<100000xf32, #tpu.memory_space<vmem>>[vector<16xi32>], vector<16xf32>,
      %mul3A_980 = arith.constant 16 : i32
      %mul3A_981 = arith.muli %scan3A_974, %mul3A_980 : i32
      %swap3A_982 = arith.constant 1 : i32
      %swap3A_983 = arith.index_cast %swap3A_982 : i32 to index
      %swap3A_984 = arith.index_cast %mul3A_981 : i32 to index
      %swap3A_985 = tpu.vector_load %arg9[%swap3A_983, %swap3A_984] {strides = array<i32>} : memref<2x4096xf32, #tpu.memory_space<vmem>>, vector<16xf32>,
      tpu.vector_store %arg9[%swap3A_983, %swap3A_984], %gather3A_979 {strides = array<i32>} : memref<2x4096xf32, #tpu.memory_space<vmem>>, vector<16xf32>,
      %scan3A_986 = arith.constant 0 : i32
      %scan3A_987 = arith.constant 6 : i32
      %scan3A_988 = arith.addi %scan3A_906, %scan3A_987 : i32
      %mul3A_989 = arith.constant 16 : i32
      %mul3A_990 = arith.muli %scan3A_988, %mul3A_989 : i32
      %get3A_991 = arith.index_cast %mul3A_990 : i32 to index
      %get3A_992 = tpu.vector_load %arg7[%get3A_991] {strides = array<i32>} : memref<4096xi32, #tpu.memory_space<vmem>>, vector<16xi32>,
      %gather3A_993 = tpu.vector_load_idx %arg8[%get3A_992] : memref<100000xf32, #tpu.memory_space<vmem>>[vector<16xi32>], vector<16xf32>,
      %mul3A_994 = arith.constant 16 : i32
      %mul3A_995 = arith.muli %scan3A_988, %mul3A_994 : i32
      %swap3A_996 = arith.constant 1 : i32
      %swap3A_997 = arith.index_cast %swap3A_996 : i32 to index
      %swap3A_998 = arith.index_cast %mul3A_995 : i32 to index
      %swap3A_999 = tpu.vector_load %arg9[%swap3A_997, %swap3A_998] {strides = array<i32>} : memref<2x4096xf32, #tpu.memory_space<vmem>>, vector<16xf32>,
      tpu.vector_store %arg9[%swap3A_997, %swap3A_998], %gather3A_993 {strides = array<i32>} : memref<2x4096xf32, #tpu.memory_space<vmem>>, vector<16xf32>,
      %scan3A_1000 = arith.constant 0 : i32
      %scan3A_1001 = arith.constant 7 : i32
      %scan3A_1002 = arith.addi %scan3A_906, %scan3A_1001 : i32
      %mul3A_1003 = arith.constant 16 : i32
      %mul3A_1004 = arith.muli %scan3A_1002, %mul3A_1003 : i32
      %get3A_1005 = arith.index_cast %mul3A_1004 : i32 to index
      %get3A_1006 = tpu.vector_load %arg7[%get3A_1005] {strides = array<i32>} : memref<4096xi32, #tpu.memory_space<vmem>>, vector<16xi32>,
      %gather3A_1007 = tpu.vector_load_idx %arg8[%get3A_1006] : memref<100000xf32, #tpu.memory_space<vmem>>[vector<16xi32>], vector<16xf32>,
      %mul3A_1008 = arith.constant 16 : i32
      %mul3A_1009 = arith.muli %scan3A_1002, %mul3A_1008 : i32
      %swap3A_1010 = arith.constant 1 : i32
      %swap3A_1011 = arith.index_cast %swap3A_1010 : i32 to index
      %swap3A_1012 = arith.index_cast %mul3A_1009 : i32 to index
      %swap3A_1013 = tpu.vector_load %arg9[%swap3A_1011, %swap3A_1012] {strides = array<i32>} : memref<2x4096xf32, #tpu.memory_space<vmem>>, vector<16xf32>,
      tpu.vector_store %arg9[%swap3A_1011, %swap3A_1012], %gather3A_1007 {strides = array<i32>} : memref<2x4096xf32, #tpu.memory_space<vmem>>, vector<16xf32>,
      %scan3A_1014 = arith.constant 0 : i32
      scf.yield %scan3A_1014 : i32
    }
    %scan3A_91 = arith.constant 256 : i32
    %dma_start3A_92 = arith.constant 1 : i32
    %dma_start3A_93 = arith.constant 0 : i32
    %dma_start3A_94 = tpu.memref_slice %arg9[%dma_start3A_92, %dma_start3A_93] : memref<2x4096xf32, #tpu.memory_space<vmem>> -> memref<1x4096xf32, #tpu.memory_space<vmem>>
    %dma_start3A_95 = tpu.memref_squeeze %dma_start3A_94 : memref<1x4096xf32, #tpu.memory_space<vmem>> -> memref<4096xf32, #tpu.memory_space<vmem>>
    %dma_start3A_96 = arith.constant 0 : i32
    %dma_start3A_97 = tpu.memref_slice %arg5[%add3A_55, %dma_start3A_96] : memref<416x4096xf32, #tpu.memory_space<hbm>> -> memref<1x4096xf32, #tpu.memory_space<hbm>>
    %dma_start3A_98 = tpu.memref_squeeze %dma_start3A_97 : memref<1x4096xf32, #tpu.memory_space<hbm>> -> memref<4096xf32, #tpu.memory_space<hbm>>
    %dma_start3A_99 = arith.constant 0 : i32
    %dma_start3A_100 = tpu.memref_slice %arg5[%add3A_55, %dma_start3A_99] : memref<416x4096xf32, #tpu.memory_space<hbm>> -> memref<1x4096xf32, #tpu.memory_space<hbm>>
    %dma_start3A_101 = tpu.memref_squeeze %dma_start3A_100 : memref<1x4096xf32, #tpu.memory_space<hbm>> -> memref<4096xf32, #tpu.memory_space<hbm>>
    %dma_start3A_102 = arith.constant 0 : i32
    %dma_start3A_103 = tpu.memref_slice %arg9[%dma_start3A_92, %dma_start3A_102] : memref<2x4096xf32, #tpu.memory_space<vmem>> -> memref<1x4096xf32, #tpu.memory_space<vmem>>
    %dma_start3A_104 = tpu.memref_squeeze %dma_start3A_103 : memref<1x4096xf32, #tpu.memory_space<vmem>> -> memref<4096xf32, #tpu.memory_space<vmem>>
    tpu.enqueue_dma source(%dma_start3A_104 : memref<4096xf32, #tpu.memory_space<vmem>>) target(%dma_start3A_101 : memref<4096xf32, #tpu.memory_space<hbm>>) target_semaphore(%arg11 : memref<!tpu.dma_semaphore, #tpu.memory_space<semaphore_mem>>)
    %mul3A_105 = arith.constant 13 : i32
    %mul3A_106 = arith.muli %add3A, %mul3A_105 : i32
    %add3A_107 = arith.constant 2 : i32
    %add3A_108 = arith.addi %mul3A_106, %add3A_107 : i32
    %dma_start3A_109 = arith.constant 0 : i32
    %dma_start3A_110 = tpu.memref_slice %arg2[%add3A_108, %dma_start3A_109] : memref<416x100000xf32, #tpu.memory_space<hbm>> -> memref<1x100000xf32, #tpu.memory_space<hbm>>
    %dma_start3A_111 = tpu.memref_squeeze %dma_start3A_110 : memref<1x100000xf32, #tpu.memory_space<hbm>> -> memref<100000xf32, #tpu.memory_space<hbm>>
    %dma_start3A_112 = arith.constant 0 : i32
    %dma_start3A_113 = tpu.memref_slice %arg2[%add3A_108, %dma_start3A_112] : memref<416x100000xf32, #tpu.memory_space<hbm>> -> memref<1x100000xf32, #tpu.memory_space<hbm>>
    %dma_start3A_114 = tpu.memref_squeeze %dma_start3A_113 : memref<1x100000xf32, #tpu.memory_space<hbm>> -> memref<100000xf32, #tpu.memory_space<hbm>>
    tpu.enqueue_dma source(%dma_start3A_114 : memref<100000xf32, #tpu.memory_space<hbm>>) target(%arg8 : memref<100000xf32, #tpu.memory_space<vmem>>) target_semaphore(%arg10 : memref<!tpu.dma_semaphore, #tpu.memory_space<semaphore_mem>>)
    %jit3A_115 = arith.constant 16 : i32
    %eq3A_116 = arith.constant 0 : i32
    %eq3A_117 = arith.cmpi eq, %jit3A_115, %eq3A_116 : i32
    %jit3A_118 = arith.constant 1 : i32
    %select_n3A_119 = arith.select %eq3A_117, %jit3A_118, %jit3A_115 : i32
    %rem3A_120 = arith.remsi %add3A_108, %select_n3A_119 : i32
    %ne3A_121 = arith.constant 0 : i32
    %ne3A_122 = arith.cmpi ne, %rem3A_120, %ne3A_121 : i32
    %lt3A_123 = arith.constant 0 : i32
    %lt3A_124 = arith.cmpi slt, %rem3A_120, %lt3A_123 : i32
    %lt3A_125 = arith.constant 0 : i32
    %lt3A_126 = arith.cmpi slt, %select_n3A_119, %lt3A_125 : i32
    %ne3A_127 = arith.xori %lt3A_124, %lt3A_126 : i1
    %and3A_128 = arith.andi %ne3A_127, %ne3A_122 : i1
    %add3A_129 = arith.addi %rem3A_120, %select_n3A_119 : i32
    %select_n3A_130 = arith.select %and3A_128, %add3A_129, %rem3A_120 : i32
    %eq3A_131 = arith.constant 0 : i32
    %eq3A_132 = arith.cmpi eq, %select_n3A_130, %eq3A_131 : i32
    %convert_element_type3A_133 = arith.extui %eq3A_132 : i1 to i32
    %cond3A_134 = arith.constant 0 : i32
    %cond3A_135 = arith.cmpi ne, %convert_element_type3A_133, %cond3A_134 : i32
    scf.if %cond3A_135 {
      %jit3A_906 = arith.constant 16 : i32
      %div3A_907 = arith.divsi %add3A_108, %jit3A_906 : i32
      %sign3A_908 = arith.constant 0 : i32
      %sign3A_909 = arith.cmpi sgt, %add3A_108, %sign3A_908 : i32
      %sign3A_910 = arith.extui %sign3A_909 : i1 to i32
      %sign3A_911 = arith.constant 0 : i32
      %sign3A_912 = arith.cmpi slt, %add3A_108, %sign3A_911 : i32
      %sign3A_913 = arith.extui %sign3A_912 : i1 to i32
      %sign3A_914 = arith.subi %sign3A_910, %sign3A_913 : i32
      %sign3A_915 = arith.constant 0 : i32
      %sign3A_916 = arith.cmpi sgt, %jit3A_906, %sign3A_915 : i32
      %sign3A_917 = arith.extui %sign3A_916 : i1 to i32
      %sign3A_918 = arith.constant 0 : i32
      %sign3A_919 = arith.cmpi slt, %jit3A_906, %sign3A_918 : i32
      %sign3A_920 = arith.extui %sign3A_919 : i1 to i32
      %sign3A_921 = arith.subi %sign3A_917, %sign3A_920 : i32
      %ne3A_922 = arith.cmpi ne, %sign3A_914, %sign3A_921 : i32
      %rem3A_923 = arith.remsi %add3A_108, %jit3A_906 : i32
      %ne3A_924 = arith.constant 0 : i32
      %ne3A_925 = arith.cmpi ne, %rem3A_923, %ne3A_924 : i32
      %and3A_926 = arith.andi %ne3A_922, %ne3A_925 : i1
      %sub3A_927 = arith.constant 1 : i32
      %sub3A_928 = arith.subi %div3A_907, %sub3A_927 : i32
      %select_n3A_929 = arith.select %and3A_926, %sub3A_928, %div3A_907 : i32
      %mul3A_930 = arith.constant 4096 : i32
      %mul3A_931 = arith.muli %select_n3A_929, %mul3A_930 : i32
      "tpu.region"() ({
        %run_scoped3A = tpu.sem_alloc : memref<!tpu.dma_semaphore, #tpu.memory_space<semaphore_mem>>
        %dma_start3A_932 = tpu.memref_slice %arg4[%mul3A_931] : memref<106496xi32, #tpu.memory_space<hbm>> -> memref<4096xi32, #tpu.memory_space<hbm>>
        %dma_start3A_933 = tpu.memref_slice %arg4[%mul3A_931] : memref<106496xi32, #tpu.memory_space<hbm>> -> memref<4096xi32, #tpu.memory_space<hbm>>
        tpu.enqueue_dma source(%dma_start3A_933 : memref<4096xi32, #tpu.memory_space<hbm>>) target(%arg7 : memref<4096xi32, #tpu.memory_space<vmem>>) target_semaphore(%run_scoped3A : memref<!tpu.dma_semaphore, #tpu.memory_space<semaphore_mem>>)
        %dma_wait3A_934 = tpu.memref_slice %arg4[%mul3A_931] : memref<106496xi32, #tpu.memory_space<hbm>> -> memref<4096xi32, #tpu.memory_space<hbm>>
        %dma_wait3A_935 = tpu.memref_slice %arg4[%mul3A_931] : memref<106496xi32, #tpu.memory_space<hbm>> -> memref<4096xi32, #tpu.memory_space<hbm>>
        tpu.wait_dma2 semaphore(%run_scoped3A : memref<!tpu.dma_semaphore, #tpu.memory_space<semaphore_mem>>) src(%dma_wait3A_935 : memref<4096xi32, #tpu.memory_space<hbm>>) dst(%arg7 : memref<4096xi32, #tpu.memory_space<vmem>>)
        tpu.yield
      }) : () -> ()
    } else {
    }
    %dma_wait3A_136 = arith.constant 0 : i32
    %dma_wait3A_137 = arith.constant 0 : i32
    %dma_wait3A_138 = tpu.memref_slice %arg9[%dma_wait3A_136, %dma_wait3A_137] : memref<2x4096xf32, #tpu.memory_space<vmem>> -> memref<1x4096xf32, #tpu.memory_space<vmem>>
    %dma_wait3A_139 = tpu.memref_squeeze %dma_wait3A_138 : memref<1x4096xf32, #tpu.memory_space<vmem>> -> memref<4096xf32, #tpu.memory_space<vmem>>
    %dma_wait3A_140 = arith.constant 0 : i32
    %dma_wait3A_141 = tpu.memref_slice %arg5[%add3A_4, %dma_wait3A_140] : memref<416x4096xf32, #tpu.memory_space<hbm>> -> memref<1x4096xf32, #tpu.memory_space<hbm>>
    %dma_wait3A_142 = tpu.memref_squeeze %dma_wait3A_141 : memref<1x4096xf32, #tpu.memory_space<hbm>> -> memref<4096xf32, #tpu.memory_space<hbm>>
    %dma_wait3A_143 = arith.constant 0 : i32
    %dma_wait3A_144 = tpu.memref_slice %arg5[%add3A_4, %dma_wait3A_143] : memref<416x4096xf32, #tpu.memory_space<hbm>> -> memref<1x4096xf32, #tpu.memory_space<hbm>>
    %dma_wait3A_145 = tpu.memref_squeeze %dma_wait3A_144 : memref<1x4096xf32, #tpu.memory_space<hbm>> -> memref<4096xf32, #tpu.memory_space<hbm>>
    %dma_wait3A_146 = arith.constant 0 : i32
    %dma_wait3A_147 = tpu.memref_slice %arg9[%dma_wait3A_136, %dma_wait3A_146] : memref<2x4096xf32, #tpu.memory_space<vmem>> -> memref<1x4096xf32, #tpu.memory_space<vmem>>
    %dma_wait3A_148 = tpu.memref_squeeze %dma_wait3A_147 : memref<1x4096xf32, #tpu.memory_space<vmem>> -> memref<4096xf32, #tpu.memory_space<vmem>>
    tpu.wait_dma2 semaphore(%arg11 : memref<!tpu.dma_semaphore, #tpu.memory_space<semaphore_mem>>) src(%dma_wait3A_148 : memref<4096xf32, #tpu.memory_space<vmem>>) dst(%dma_wait3A_145 : memref<4096xf32, #tpu.memory_space<hbm>>)
    %dma_wait3A_149 = arith.constant 0 : i32
    %dma_wait3A_150 = tpu.memref_slice %arg2[%add3A_108, %dma_wait3A_149] : memref<416x100000xf32, #tpu.memory_space<hbm>> -> memref<1x100000xf32, #tpu.memory_space<hbm>>
    %dma_wait3A_151 = tpu.memref_squeeze %dma_wait3A_150 : memref<1x100000xf32, #tpu.memory_space<hbm>> -> memref<100000xf32, #tpu.memory_space<hbm>>
    %dma_wait3A_152 = arith.constant 0 : i32
    %dma_wait3A_153 = tpu.memref_slice %arg2[%add3A_108, %dma_wait3A_152] : memref<416x100000xf32, #tpu.memory_space<hbm>> -> memref<1x100000xf32, #tpu.memory_space<hbm>>
    %dma_wait3A_154 = tpu.memref_squeeze %dma_wait3A_153 : memref<1x100000xf32, #tpu.memory_space<hbm>> -> memref<100000xf32, #tpu.memory_space<hbm>>
    tpu.wait_dma2 semaphore(%arg10 : memref<!tpu.dma_semaphore, #tpu.memory_space<semaphore_mem>>) src(%dma_wait3A_154 : memref<100000xf32, #tpu.memory_space<hbm>>) dst(%arg8 : memref<100000xf32, #tpu.memory_space<vmem>>)
    %scan3A_155 = arith.constant 0 : i32
    %scan3A_156 = arith.constant 0 : i32
    %scan3A_157 = arith.constant 256 : i32
    %scan3A_158 = arith.addi %scan3A_156, %scan3A_157 : i32
    %scan3A_159 = arith.constant 8 : i32
    %scan3A_160 = scf.for %scan3A_906 = %scan3A_156 to %scan3A_158 step %scan3A_159 iter_args(%scan3A_907 = %scan3A_155) -> (i32)  : i32 {
      %mul3A_908 = arith.constant 16 : i32
      %mul3A_909 = arith.muli %scan3A_906, %mul3A_908 : i32
      %get3A = arith.index_cast %mul3A_909 : i32 to index
      %get3A_910 = tpu.vector_load %arg7[%get3A] {strides = array<i32>} : memref<4096xi32, #tpu.memory_space<vmem>>, vector<16xi32>,
      %gather3A = tpu.vector_load_idx %arg8[%get3A_910] : memref<100000xf32, #tpu.memory_space<vmem>>[vector<16xi32>], vector<16xf32>,
      %mul3A_911 = arith.constant 16 : i32
      %mul3A_912 = arith.muli %scan3A_906, %mul3A_911 : i32
      %swap3A = arith.constant 0 : i32
      %swap3A_913 = arith.index_cast %swap3A : i32 to index
      %swap3A_914 = arith.index_cast %mul3A_912 : i32 to index
      %swap3A_915 = tpu.vector_load %arg9[%swap3A_913, %swap3A_914] {strides = array<i32>} : memref<2x4096xf32, #tpu.memory_space<vmem>>, vector<16xf32>,
      tpu.vector_store %arg9[%swap3A_913, %swap3A_914], %gather3A {strides = array<i32>} : memref<2x4096xf32, #tpu.memory_space<vmem>>, vector<16xf32>,
      %scan3A_916 = arith.constant 0 : i32
      %scan3A_917 = arith.constant 1 : i32
      %scan3A_918 = arith.addi %scan3A_906, %scan3A_917 : i32
      %mul3A_919 = arith.constant 16 : i32
      %mul3A_920 = arith.muli %scan3A_918, %mul3A_919 : i32
      %get3A_921 = arith.index_cast %mul3A_920 : i32 to index
      %get3A_922 = tpu.vector_load %arg7[%get3A_921] {strides = array<i32>} : memref<4096xi32, #tpu.memory_space<vmem>>, vector<16xi32>,
      %gather3A_923 = tpu.vector_load_idx %arg8[%get3A_922] : memref<100000xf32, #tpu.memory_space<vmem>>[vector<16xi32>], vector<16xf32>,
      %mul3A_924 = arith.constant 16 : i32
      %mul3A_925 = arith.muli %scan3A_918, %mul3A_924 : i32
      %swap3A_926 = arith.constant 0 : i32
      %swap3A_927 = arith.index_cast %swap3A_926 : i32 to index
      %swap3A_928 = arith.index_cast %mul3A_925 : i32 to index
      %swap3A_929 = tpu.vector_load %arg9[%swap3A_927, %swap3A_928] {strides = array<i32>} : memref<2x4096xf32, #tpu.memory_space<vmem>>, vector<16xf32>,
      tpu.vector_store %arg9[%swap3A_927, %swap3A_928], %gather3A_923 {strides = array<i32>} : memref<2x4096xf32, #tpu.memory_space<vmem>>, vector<16xf32>,
      %scan3A_930 = arith.constant 0 : i32
      %scan3A_931 = arith.constant 2 : i32
      %scan3A_932 = arith.addi %scan3A_906, %scan3A_931 : i32
      %mul3A_933 = arith.constant 16 : i32
      %mul3A_934 = arith.muli %scan3A_932, %mul3A_933 : i32
      %get3A_935 = arith.index_cast %mul3A_934 : i32 to index
      %get3A_936 = tpu.vector_load %arg7[%get3A_935] {strides = array<i32>} : memref<4096xi32, #tpu.memory_space<vmem>>, vector<16xi32>,
      %gather3A_937 = tpu.vector_load_idx %arg8[%get3A_936] : memref<100000xf32, #tpu.memory_space<vmem>>[vector<16xi32>], vector<16xf32>,
      %mul3A_938 = arith.constant 16 : i32
      %mul3A_939 = arith.muli %scan3A_932, %mul3A_938 : i32
      %swap3A_940 = arith.constant 0 : i32
      %swap3A_941 = arith.index_cast %swap3A_940 : i32 to index
      %swap3A_942 = arith.index_cast %mul3A_939 : i32 to index
      %swap3A_943 = tpu.vector_load %arg9[%swap3A_941, %swap3A_942] {strides = array<i32>} : memref<2x4096xf32, #tpu.memory_space<vmem>>, vector<16xf32>,
      tpu.vector_store %arg9[%swap3A_941, %swap3A_942], %gather3A_937 {strides = array<i32>} : memref<2x4096xf32, #tpu.memory_space<vmem>>, vector<16xf32>,
      %scan3A_944 = arith.constant 0 : i32
      %scan3A_945 = arith.constant 3 : i32
      %scan3A_946 = arith.addi %scan3A_906, %scan3A_945 : i32
      %mul3A_947 = arith.constant 16 : i32
      %mul3A_948 = arith.muli %scan3A_946, %mul3A_947 : i32
      %get3A_949 = arith.index_cast %mul3A_948 : i32 to index
      %get3A_950 = tpu.vector_load %arg7[%get3A_949] {strides = array<i32>} : memref<4096xi32, #tpu.memory_space<vmem>>, vector<16xi32>,
      %gather3A_951 = tpu.vector_load_idx %arg8[%get3A_950] : memref<100000xf32, #tpu.memory_space<vmem>>[vector<16xi32>], vector<16xf32>,
      %mul3A_952 = arith.constant 16 : i32
      %mul3A_953 = arith.muli %scan3A_946, %mul3A_952 : i32
      %swap3A_954 = arith.constant 0 : i32
      %swap3A_955 = arith.index_cast %swap3A_954 : i32 to index
      %swap3A_956 = arith.index_cast %mul3A_953 : i32 to index
      %swap3A_957 = tpu.vector_load %arg9[%swap3A_955, %swap3A_956] {strides = array<i32>} : memref<2x4096xf32, #tpu.memory_space<vmem>>, vector<16xf32>,
      tpu.vector_store %arg9[%swap3A_955, %swap3A_956], %gather3A_951 {strides = array<i32>} : memref<2x4096xf32, #tpu.memory_space<vmem>>, vector<16xf32>,
      %scan3A_958 = arith.constant 0 : i32
      %scan3A_959 = arith.constant 4 : i32
      %scan3A_960 = arith.addi %scan3A_906, %scan3A_959 : i32
      %mul3A_961 = arith.constant 16 : i32
      %mul3A_962 = arith.muli %scan3A_960, %mul3A_961 : i32
      %get3A_963 = arith.index_cast %mul3A_962 : i32 to index
      %get3A_964 = tpu.vector_load %arg7[%get3A_963] {strides = array<i32>} : memref<4096xi32, #tpu.memory_space<vmem>>, vector<16xi32>,
      %gather3A_965 = tpu.vector_load_idx %arg8[%get3A_964] : memref<100000xf32, #tpu.memory_space<vmem>>[vector<16xi32>], vector<16xf32>,
      %mul3A_966 = arith.constant 16 : i32
      %mul3A_967 = arith.muli %scan3A_960, %mul3A_966 : i32
      %swap3A_968 = arith.constant 0 : i32
      %swap3A_969 = arith.index_cast %swap3A_968 : i32 to index
      %swap3A_970 = arith.index_cast %mul3A_967 : i32 to index
      %swap3A_971 = tpu.vector_load %arg9[%swap3A_969, %swap3A_970] {strides = array<i32>} : memref<2x4096xf32, #tpu.memory_space<vmem>>, vector<16xf32>,
      tpu.vector_store %arg9[%swap3A_969, %swap3A_970], %gather3A_965 {strides = array<i32>} : memref<2x4096xf32, #tpu.memory_space<vmem>>, vector<16xf32>,
      %scan3A_972 = arith.constant 0 : i32
      %scan3A_973 = arith.constant 5 : i32
      %scan3A_974 = arith.addi %scan3A_906, %scan3A_973 : i32
      %mul3A_975 = arith.constant 16 : i32
      %mul3A_976 = arith.muli %scan3A_974, %mul3A_975 : i32
      %get3A_977 = arith.index_cast %mul3A_976 : i32 to index
      %get3A_978 = tpu.vector_load %arg7[%get3A_977] {strides = array<i32>} : memref<4096xi32, #tpu.memory_space<vmem>>, vector<16xi32>,
      %gather3A_979 = tpu.vector_load_idx %arg8[%get3A_978] : memref<100000xf32, #tpu.memory_space<vmem>>[vector<16xi32>], vector<16xf32>,
      %mul3A_980 = arith.constant 16 : i32
      %mul3A_981 = arith.muli %scan3A_974, %mul3A_980 : i32
      %swap3A_982 = arith.constant 0 : i32
      %swap3A_983 = arith.index_cast %swap3A_982 : i32 to index
      %swap3A_984 = arith.index_cast %mul3A_981 : i32 to index
      %swap3A_985 = tpu.vector_load %arg9[%swap3A_983, %swap3A_984] {strides = array<i32>} : memref<2x4096xf32, #tpu.memory_space<vmem>>, vector<16xf32>,
      tpu.vector_store %arg9[%swap3A_983, %swap3A_984], %gather3A_979 {strides = array<i32>} : memref<2x4096xf32, #tpu.memory_space<vmem>>, vector<16xf32>,
      %scan3A_986 = arith.constant 0 : i32
      %scan3A_987 = arith.constant 6 : i32
      %scan3A_988 = arith.addi %scan3A_906, %scan3A_987 : i32
      %mul3A_989 = arith.constant 16 : i32
      %mul3A_990 = arith.muli %scan3A_988, %mul3A_989 : i32
      %get3A_991 = arith.index_cast %mul3A_990 : i32 to index
      %get3A_992 = tpu.vector_load %arg7[%get3A_991] {strides = array<i32>} : memref<4096xi32, #tpu.memory_space<vmem>>, vector<16xi32>,
      %gather3A_993 = tpu.vector_load_idx %arg8[%get3A_992] : memref<100000xf32, #tpu.memory_space<vmem>>[vector<16xi32>], vector<16xf32>,
      %mul3A_994 = arith.constant 16 : i32
      %mul3A_995 = arith.muli %scan3A_988, %mul3A_994 : i32
      %swap3A_996 = arith.constant 0 : i32
      %swap3A_997 = arith.index_cast %swap3A_996 : i32 to index
      %swap3A_998 = arith.index_cast %mul3A_995 : i32 to index
      %swap3A_999 = tpu.vector_load %arg9[%swap3A_997, %swap3A_998] {strides = array<i32>} : memref<2x4096xf32, #tpu.memory_space<vmem>>, vector<16xf32>,
      tpu.vector_store %arg9[%swap3A_997, %swap3A_998], %gather3A_993 {strides = array<i32>} : memref<2x4096xf32, #tpu.memory_space<vmem>>, vector<16xf32>,
      %scan3A_1000 = arith.constant 0 : i32
      %scan3A_1001 = arith.constant 7 : i32
      %scan3A_1002 = arith.addi %scan3A_906, %scan3A_1001 : i32
      %mul3A_1003 = arith.constant 16 : i32
      %mul3A_1004 = arith.muli %scan3A_1002, %mul3A_1003 : i32
      %get3A_1005 = arith.index_cast %mul3A_1004 : i32 to index
      %get3A_1006 = tpu.vector_load %arg7[%get3A_1005] {strides = array<i32>} : memref<4096xi32, #tpu.memory_space<vmem>>, vector<16xi32>,
      %gather3A_1007 = tpu.vector_load_idx %arg8[%get3A_1006] : memref<100000xf32, #tpu.memory_space<vmem>>[vector<16xi32>], vector<16xf32>,
      %mul3A_1008 = arith.constant 16 : i32
      %mul3A_1009 = arith.muli %scan3A_1002, %mul3A_1008 : i32
      %swap3A_1010 = arith.constant 0 : i32
      %swap3A_1011 = arith.index_cast %swap3A_1010 : i32 to index
      %swap3A_1012 = arith.index_cast %mul3A_1009 : i32 to index
      %swap3A_1013 = tpu.vector_load %arg9[%swap3A_1011, %swap3A_1012] {strides = array<i32>} : memref<2x4096xf32, #tpu.memory_space<vmem>>, vector<16xf32>,
      tpu.vector_store %arg9[%swap3A_1011, %swap3A_1012], %gather3A_1007 {strides = array<i32>} : memref<2x4096xf32, #tpu.memory_space<vmem>>, vector<16xf32>,
      %scan3A_1014 = arith.constant 0 : i32
      scf.yield %scan3A_1014 : i32
    }
    %scan3A_161 = arith.constant 256 : i32
    %dma_start3A_162 = arith.constant 0 : i32
    %dma_start3A_163 = arith.constant 0 : i32
    %dma_start3A_164 = tpu.memref_slice %arg9[%dma_start3A_162, %dma_start3A_163] : memref<2x4096xf32, #tpu.memory_space<vmem>> -> memref<1x4096xf32, #tpu.memory_space<vmem>>
    %dma_start3A_165 = tpu.memref_squeeze %dma_start3A_164 : memref<1x4096xf32, #tpu.memory_space<vmem>> -> memref<4096xf32, #tpu.memory_space<vmem>>
    %dma_start3A_166 = arith.constant 0 : i32
    %dma_start3A_167 = tpu.memref_slice %arg5[%add3A_108, %dma_start3A_166] : memref<416x4096xf32, #tpu.memory_space<hbm>> -> memref<1x4096xf32, #tpu.memory_space<hbm>>
    %dma_start3A_168 = tpu.memref_squeeze %dma_start3A_167 : memref<1x4096xf32, #tpu.memory_space<hbm>> -> memref<4096xf32, #tpu.memory_space<hbm>>
    %dma_start3A_169 = arith.constant 0 : i32
    %dma_start3A_170 = tpu.memref_slice %arg5[%add3A_108, %dma_start3A_169] : memref<416x4096xf32, #tpu.memory_space<hbm>> -> memref<1x4096xf32, #tpu.memory_space<hbm>>
    %dma_start3A_171 = tpu.memref_squeeze %dma_start3A_170 : memref<1x4096xf32, #tpu.memory_space<hbm>> -> memref<4096xf32, #tpu.memory_space<hbm>>
    %dma_start3A_172 = arith.constant 0 : i32
    %dma_start3A_173 = tpu.memref_slice %arg9[%dma_start3A_162, %dma_start3A_172] : memref<2x4096xf32, #tpu.memory_space<vmem>> -> memref<1x4096xf32, #tpu.memory_space<vmem>>
    %dma_start3A_174 = tpu.memref_squeeze %dma_start3A_173 : memref<1x4096xf32, #tpu.memory_space<vmem>> -> memref<4096xf32, #tpu.memory_space<vmem>>
    tpu.enqueue_dma source(%dma_start3A_174 : memref<4096xf32, #tpu.memory_space<vmem>>) target(%dma_start3A_171 : memref<4096xf32, #tpu.memory_space<hbm>>) target_semaphore(%arg11 : memref<!tpu.dma_semaphore, #tpu.memory_space<semaphore_mem>>)
    %mul3A_175 = arith.constant 13 : i32
    %mul3A_176 = arith.muli %add3A, %mul3A_175 : i32
    %add3A_177 = arith.constant 3 : i32
    %add3A_178 = arith.addi %mul3A_176, %add3A_177 : i32
    %dma_start3A_179 = arith.constant 0 : i32
    %dma_start3A_180 = tpu.memref_slice %arg2[%add3A_178, %dma_start3A_179] : memref<416x100000xf32, #tpu.memory_space<hbm>> -> memref<1x100000xf32, #tpu.memory_space<hbm>>
    %dma_start3A_181 = tpu.memref_squeeze %dma_start3A_180 : memref<1x100000xf32, #tpu.memory_space<hbm>> -> memref<100000xf32, #tpu.memory_space<hbm>>
    %dma_start3A_182 = arith.constant 0 : i32
    %dma_start3A_183 = tpu.memref_slice %arg2[%add3A_178, %dma_start3A_182] : memref<416x100000xf32, #tpu.memory_space<hbm>> -> memref<1x100000xf32, #tpu.memory_space<hbm>>
    %dma_start3A_184 = tpu.memref_squeeze %dma_start3A_183 : memref<1x100000xf32, #tpu.memory_space<hbm>> -> memref<100000xf32, #tpu.memory_space<hbm>>
    tpu.enqueue_dma source(%dma_start3A_184 : memref<100000xf32, #tpu.memory_space<hbm>>) target(%arg8 : memref<100000xf32, #tpu.memory_space<vmem>>) target_semaphore(%arg10 : memref<!tpu.dma_semaphore, #tpu.memory_space<semaphore_mem>>)
    %jit3A_185 = arith.constant 16 : i32
    %eq3A_186 = arith.constant 0 : i32
    %eq3A_187 = arith.cmpi eq, %jit3A_185, %eq3A_186 : i32
    %jit3A_188 = arith.constant 1 : i32
    %select_n3A_189 = arith.select %eq3A_187, %jit3A_188, %jit3A_185 : i32
    %rem3A_190 = arith.remsi %add3A_178, %select_n3A_189 : i32
    %ne3A_191 = arith.constant 0 : i32
    %ne3A_192 = arith.cmpi ne, %rem3A_190, %ne3A_191 : i32
    %lt3A_193 = arith.constant 0 : i32
    %lt3A_194 = arith.cmpi slt, %rem3A_190, %lt3A_193 : i32
    %lt3A_195 = arith.constant 0 : i32
    %lt3A_196 = arith.cmpi slt, %select_n3A_189, %lt3A_195 : i32
    %ne3A_197 = arith.xori %lt3A_194, %lt3A_196 : i1
    %and3A_198 = arith.andi %ne3A_197, %ne3A_192 : i1
    %add3A_199 = arith.addi %rem3A_190, %select_n3A_189 : i32
    %select_n3A_200 = arith.select %and3A_198, %add3A_199, %rem3A_190 : i32
    %eq3A_201 = arith.constant 0 : i32
    %eq3A_202 = arith.cmpi eq, %select_n3A_200, %eq3A_201 : i32
    %convert_element_type3A_203 = arith.extui %eq3A_202 : i1 to i32
    %cond3A_204 = arith.constant 0 : i32
    %cond3A_205 = arith.cmpi ne, %convert_element_type3A_203, %cond3A_204 : i32
    scf.if %cond3A_205 {
      %jit3A_906 = arith.constant 16 : i32
      %div3A_907 = arith.divsi %add3A_178, %jit3A_906 : i32
      %sign3A_908 = arith.constant 0 : i32
      %sign3A_909 = arith.cmpi sgt, %add3A_178, %sign3A_908 : i32
      %sign3A_910 = arith.extui %sign3A_909 : i1 to i32
      %sign3A_911 = arith.constant 0 : i32
      %sign3A_912 = arith.cmpi slt, %add3A_178, %sign3A_911 : i32
      %sign3A_913 = arith.extui %sign3A_912 : i1 to i32
      %sign3A_914 = arith.subi %sign3A_910, %sign3A_913 : i32
      %sign3A_915 = arith.constant 0 : i32
      %sign3A_916 = arith.cmpi sgt, %jit3A_906, %sign3A_915 : i32
      %sign3A_917 = arith.extui %sign3A_916 : i1 to i32
      %sign3A_918 = arith.constant 0 : i32
      %sign3A_919 = arith.cmpi slt, %jit3A_906, %sign3A_918 : i32
      %sign3A_920 = arith.extui %sign3A_919 : i1 to i32
      %sign3A_921 = arith.subi %sign3A_917, %sign3A_920 : i32
      %ne3A_922 = arith.cmpi ne, %sign3A_914, %sign3A_921 : i32
      %rem3A_923 = arith.remsi %add3A_178, %jit3A_906 : i32
      %ne3A_924 = arith.constant 0 : i32
      %ne3A_925 = arith.cmpi ne, %rem3A_923, %ne3A_924 : i32
      %and3A_926 = arith.andi %ne3A_922, %ne3A_925 : i1
      %sub3A_927 = arith.constant 1 : i32
      %sub3A_928 = arith.subi %div3A_907, %sub3A_927 : i32
      %select_n3A_929 = arith.select %and3A_926, %sub3A_928, %div3A_907 : i32
      %mul3A_930 = arith.constant 4096 : i32
      %mul3A_931 = arith.muli %select_n3A_929, %mul3A_930 : i32
      "tpu.region"() ({
        %run_scoped3A = tpu.sem_alloc : memref<!tpu.dma_semaphore, #tpu.memory_space<semaphore_mem>>
        %dma_start3A_932 = tpu.memref_slice %arg4[%mul3A_931] : memref<106496xi32, #tpu.memory_space<hbm>> -> memref<4096xi32, #tpu.memory_space<hbm>>
        %dma_start3A_933 = tpu.memref_slice %arg4[%mul3A_931] : memref<106496xi32, #tpu.memory_space<hbm>> -> memref<4096xi32, #tpu.memory_space<hbm>>
        tpu.enqueue_dma source(%dma_start3A_933 : memref<4096xi32, #tpu.memory_space<hbm>>) target(%arg7 : memref<4096xi32, #tpu.memory_space<vmem>>) target_semaphore(%run_scoped3A : memref<!tpu.dma_semaphore, #tpu.memory_space<semaphore_mem>>)
        %dma_wait3A_934 = tpu.memref_slice %arg4[%mul3A_931] : memref<106496xi32, #tpu.memory_space<hbm>> -> memref<4096xi32, #tpu.memory_space<hbm>>
        %dma_wait3A_935 = tpu.memref_slice %arg4[%mul3A_931] : memref<106496xi32, #tpu.memory_space<hbm>> -> memref<4096xi32, #tpu.memory_space<hbm>>
        tpu.wait_dma2 semaphore(%run_scoped3A : memref<!tpu.dma_semaphore, #tpu.memory_space<semaphore_mem>>) src(%dma_wait3A_935 : memref<4096xi32, #tpu.memory_space<hbm>>) dst(%arg7 : memref<4096xi32, #tpu.memory_space<vmem>>)
        tpu.yield
      }) : () -> ()
    } else {
    }
    %dma_wait3A_206 = arith.constant 1 : i32
    %dma_wait3A_207 = arith.constant 0 : i32
    %dma_wait3A_208 = tpu.memref_slice %arg9[%dma_wait3A_206, %dma_wait3A_207] : memref<2x4096xf32, #tpu.memory_space<vmem>> -> memref<1x4096xf32, #tpu.memory_space<vmem>>
    %dma_wait3A_209 = tpu.memref_squeeze %dma_wait3A_208 : memref<1x4096xf32, #tpu.memory_space<vmem>> -> memref<4096xf32, #tpu.memory_space<vmem>>
    %dma_wait3A_210 = arith.constant 0 : i32
    %dma_wait3A_211 = tpu.memref_slice %arg5[%add3A_55, %dma_wait3A_210] : memref<416x4096xf32, #tpu.memory_space<hbm>> -> memref<1x4096xf32, #tpu.memory_space<hbm>>
    %dma_wait3A_212 = tpu.memref_squeeze %dma_wait3A_211 : memref<1x4096xf32, #tpu.memory_space<hbm>> -> memref<4096xf32, #tpu.memory_space<hbm>>
    %dma_wait3A_213 = arith.constant 0 : i32
    %dma_wait3A_214 = tpu.memref_slice %arg5[%add3A_55, %dma_wait3A_213] : memref<416x4096xf32, #tpu.memory_space<hbm>> -> memref<1x4096xf32, #tpu.memory_space<hbm>>
    %dma_wait3A_215 = tpu.memref_squeeze %dma_wait3A_214 : memref<1x4096xf32, #tpu.memory_space<hbm>> -> memref<4096xf32, #tpu.memory_space<hbm>>
    %dma_wait3A_216 = arith.constant 0 : i32
    %dma_wait3A_217 = tpu.memref_slice %arg9[%dma_wait3A_206, %dma_wait3A_216] : memref<2x4096xf32, #tpu.memory_space<vmem>> -> memref<1x4096xf32, #tpu.memory_space<vmem>>
    %dma_wait3A_218 = tpu.memref_squeeze %dma_wait3A_217 : memref<1x4096xf32, #tpu.memory_space<vmem>> -> memref<4096xf32, #tpu.memory_space<vmem>>
    tpu.wait_dma2 semaphore(%arg11 : memref<!tpu.dma_semaphore, #tpu.memory_space<semaphore_mem>>) src(%dma_wait3A_218 : memref<4096xf32, #tpu.memory_space<vmem>>) dst(%dma_wait3A_215 : memref<4096xf32, #tpu.memory_space<hbm>>)
    %dma_wait3A_219 = arith.constant 0 : i32
    %dma_wait3A_220 = tpu.memref_slice %arg2[%add3A_178, %dma_wait3A_219] : memref<416x100000xf32, #tpu.memory_space<hbm>> -> memref<1x100000xf32, #tpu.memory_space<hbm>>
    %dma_wait3A_221 = tpu.memref_squeeze %dma_wait3A_220 : memref<1x100000xf32, #tpu.memory_space<hbm>> -> memref<100000xf32, #tpu.memory_space<hbm>>
    %dma_wait3A_222 = arith.constant 0 : i32
    %dma_wait3A_223 = tpu.memref_slice %arg2[%add3A_178, %dma_wait3A_222] : memref<416x100000xf32, #tpu.memory_space<hbm>> -> memref<1x100000xf32, #tpu.memory_space<hbm>>
    %dma_wait3A_224 = tpu.memref_squeeze %dma_wait3A_223 : memref<1x100000xf32, #tpu.memory_space<hbm>> -> memref<100000xf32, #tpu.memory_space<hbm>>
    tpu.wait_dma2 semaphore(%arg10 : memref<!tpu.dma_semaphore, #tpu.memory_space<semaphore_mem>>) src(%dma_wait3A_224 : memref<100000xf32, #tpu.memory_space<hbm>>) dst(%arg8 : memref<100000xf32, #tpu.memory_space<vmem>>)
    %scan3A_225 = arith.constant 0 : i32
    %scan3A_226 = arith.constant 0 : i32
    %scan3A_227 = arith.constant 256 : i32
    %scan3A_228 = arith.addi %scan3A_226, %scan3A_227 : i32
    %scan3A_229 = arith.constant 8 : i32
    %scan3A_230 = scf.for %scan3A_906 = %scan3A_226 to %scan3A_228 step %scan3A_229 iter_args(%scan3A_907 = %scan3A_225) -> (i32)  : i32 {
      %mul3A_908 = arith.constant 16 : i32
      %mul3A_909 = arith.muli %scan3A_906, %mul3A_908 : i32
      %get3A = arith.index_cast %mul3A_909 : i32 to index
      %get3A_910 = tpu.vector_load %arg7[%get3A] {strides = array<i32>} : memref<4096xi32, #tpu.memory_space<vmem>>, vector<16xi32>,
      %gather3A = tpu.vector_load_idx %arg8[%get3A_910] : memref<100000xf32, #tpu.memory_space<vmem>>[vector<16xi32>], vector<16xf32>,
      %mul3A_911 = arith.constant 16 : i32
      %mul3A_912 = arith.muli %scan3A_906, %mul3A_911 : i32
      %swap3A = arith.constant 1 : i32
      %swap3A_913 = arith.index_cast %swap3A : i32 to index
      %swap3A_914 = arith.index_cast %mul3A_912 : i32 to index
      %swap3A_915 = tpu.vector_load %arg9[%swap3A_913, %swap3A_914] {strides = array<i32>} : memref<2x4096xf32, #tpu.memory_space<vmem>>, vector<16xf32>,
      tpu.vector_store %arg9[%swap3A_913, %swap3A_914], %gather3A {strides = array<i32>} : memref<2x4096xf32, #tpu.memory_space<vmem>>, vector<16xf32>,
      %scan3A_916 = arith.constant 0 : i32
      %scan3A_917 = arith.constant 1 : i32
      %scan3A_918 = arith.addi %scan3A_906, %scan3A_917 : i32
      %mul3A_919 = arith.constant 16 : i32
      %mul3A_920 = arith.muli %scan3A_918, %mul3A_919 : i32
      %get3A_921 = arith.index_cast %mul3A_920 : i32 to index
      %get3A_922 = tpu.vector_load %arg7[%get3A_921] {strides = array<i32>} : memref<4096xi32, #tpu.memory_space<vmem>>, vector<16xi32>,
      %gather3A_923 = tpu.vector_load_idx %arg8[%get3A_922] : memref<100000xf32, #tpu.memory_space<vmem>>[vector<16xi32>], vector<16xf32>,
      %mul3A_924 = arith.constant 16 : i32
      %mul3A_925 = arith.muli %scan3A_918, %mul3A_924 : i32
      %swap3A_926 = arith.constant 1 : i32
      %swap3A_927 = arith.index_cast %swap3A_926 : i32 to index
      %swap3A_928 = arith.index_cast %mul3A_925 : i32 to index
      %swap3A_929 = tpu.vector_load %arg9[%swap3A_927, %swap3A_928] {strides = array<i32>} : memref<2x4096xf32, #tpu.memory_space<vmem>>, vector<16xf32>,
      tpu.vector_store %arg9[%swap3A_927, %swap3A_928], %gather3A_923 {strides = array<i32>} : memref<2x4096xf32, #tpu.memory_space<vmem>>, vector<16xf32>,
      %scan3A_930 = arith.constant 0 : i32
      %scan3A_931 = arith.constant 2 : i32
      %scan3A_932 = arith.addi %scan3A_906, %scan3A_931 : i32
      %mul3A_933 = arith.constant 16 : i32
      %mul3A_934 = arith.muli %scan3A_932, %mul3A_933 : i32
      %get3A_935 = arith.index_cast %mul3A_934 : i32 to index
      %get3A_936 = tpu.vector_load %arg7[%get3A_935] {strides = array<i32>} : memref<4096xi32, #tpu.memory_space<vmem>>, vector<16xi32>,
      %gather3A_937 = tpu.vector_load_idx %arg8[%get3A_936] : memref<100000xf32, #tpu.memory_space<vmem>>[vector<16xi32>], vector<16xf32>,
      %mul3A_938 = arith.constant 16 : i32
      %mul3A_939 = arith.muli %scan3A_932, %mul3A_938 : i32
      %swap3A_940 = arith.constant 1 : i32
      %swap3A_941 = arith.index_cast %swap3A_940 : i32 to index
      %swap3A_942 = arith.index_cast %mul3A_939 : i32 to index
      %swap3A_943 = tpu.vector_load %arg9[%swap3A_941, %swap3A_942] {strides = array<i32>} : memref<2x4096xf32, #tpu.memory_space<vmem>>, vector<16xf32>,
      tpu.vector_store %arg9[%swap3A_941, %swap3A_942], %gather3A_937 {strides = array<i32>} : memref<2x4096xf32, #tpu.memory_space<vmem>>, vector<16xf32>,
      %scan3A_944 = arith.constant 0 : i32
      %scan3A_945 = arith.constant 3 : i32
      %scan3A_946 = arith.addi %scan3A_906, %scan3A_945 : i32
      %mul3A_947 = arith.constant 16 : i32
      %mul3A_948 = arith.muli %scan3A_946, %mul3A_947 : i32
      %get3A_949 = arith.index_cast %mul3A_948 : i32 to index
      %get3A_950 = tpu.vector_load %arg7[%get3A_949] {strides = array<i32>} : memref<4096xi32, #tpu.memory_space<vmem>>, vector<16xi32>,
      %gather3A_951 = tpu.vector_load_idx %arg8[%get3A_950] : memref<100000xf32, #tpu.memory_space<vmem>>[vector<16xi32>], vector<16xf32>,
      %mul3A_952 = arith.constant 16 : i32
      %mul3A_953 = arith.muli %scan3A_946, %mul3A_952 : i32
      %swap3A_954 = arith.constant 1 : i32
      %swap3A_955 = arith.index_cast %swap3A_954 : i32 to index
      %swap3A_956 = arith.index_cast %mul3A_953 : i32 to index
      %swap3A_957 = tpu.vector_load %arg9[%swap3A_955, %swap3A_956] {strides = array<i32>} : memref<2x4096xf32, #tpu.memory_space<vmem>>, vector<16xf32>,
      tpu.vector_store %arg9[%swap3A_955, %swap3A_956], %gather3A_951 {strides = array<i32>} : memref<2x4096xf32, #tpu.memory_space<vmem>>, vector<16xf32>,
      %scan3A_958 = arith.constant 0 : i32
      %scan3A_959 = arith.constant 4 : i32
      %scan3A_960 = arith.addi %scan3A_906, %scan3A_959 : i32
      %mul3A_961 = arith.constant 16 : i32
      %mul3A_962 = arith.muli %scan3A_960, %mul3A_961 : i32
      %get3A_963 = arith.index_cast %mul3A_962 : i32 to index
      %get3A_964 = tpu.vector_load %arg7[%get3A_963] {strides = array<i32>} : memref<4096xi32, #tpu.memory_space<vmem>>, vector<16xi32>,
      %gather3A_965 = tpu.vector_load_idx %arg8[%get3A_964] : memref<100000xf32, #tpu.memory_space<vmem>>[vector<16xi32>], vector<16xf32>,
      %mul3A_966 = arith.constant 16 : i32
      %mul3A_967 = arith.muli %scan3A_960, %mul3A_966 : i32
      %swap3A_968 = arith.constant 1 : i32
      %swap3A_969 = arith.index_cast %swap3A_968 : i32 to index
      %swap3A_970 = arith.index_cast %mul3A_967 : i32 to index
      %swap3A_971 = tpu.vector_load %arg9[%swap3A_969, %swap3A_970] {strides = array<i32>} : memref<2x4096xf32, #tpu.memory_space<vmem>>, vector<16xf32>,
      tpu.vector_store %arg9[%swap3A_969, %swap3A_970], %gather3A_965 {strides = array<i32>} : memref<2x4096xf32, #tpu.memory_space<vmem>>, vector<16xf32>,
      %scan3A_972 = arith.constant 0 : i32
      %scan3A_973 = arith.constant 5 : i32
      %scan3A_974 = arith.addi %scan3A_906, %scan3A_973 : i32
      %mul3A_975 = arith.constant 16 : i32
      %mul3A_976 = arith.muli %scan3A_974, %mul3A_975 : i32
      %get3A_977 = arith.index_cast %mul3A_976 : i32 to index
      %get3A_978 = tpu.vector_load %arg7[%get3A_977] {strides = array<i32>} : memref<4096xi32, #tpu.memory_space<vmem>>, vector<16xi32>,
      %gather3A_979 = tpu.vector_load_idx %arg8[%get3A_978] : memref<100000xf32, #tpu.memory_space<vmem>>[vector<16xi32>], vector<16xf32>,
      %mul3A_980 = arith.constant 16 : i32
      %mul3A_981 = arith.muli %scan3A_974, %mul3A_980 : i32
      %swap3A_982 = arith.constant 1 : i32
      %swap3A_983 = arith.index_cast %swap3A_982 : i32 to index
      %swap3A_984 = arith.index_cast %mul3A_981 : i32 to index
      %swap3A_985 = tpu.vector_load %arg9[%swap3A_983, %swap3A_984] {strides = array<i32>} : memref<2x4096xf32, #tpu.memory_space<vmem>>, vector<16xf32>,
      tpu.vector_store %arg9[%swap3A_983, %swap3A_984], %gather3A_979 {strides = array<i32>} : memref<2x4096xf32, #tpu.memory_space<vmem>>, vector<16xf32>,
      %scan3A_986 = arith.constant 0 : i32
      %scan3A_987 = arith.constant 6 : i32
      %scan3A_988 = arith.addi %scan3A_906, %scan3A_987 : i32
      %mul3A_989 = arith.constant 16 : i32
      %mul3A_990 = arith.muli %scan3A_988, %mul3A_989 : i32
      %get3A_991 = arith.index_cast %mul3A_990 : i32 to index
      %get3A_992 = tpu.vector_load %arg7[%get3A_991] {strides = array<i32>} : memref<4096xi32, #tpu.memory_space<vmem>>, vector<16xi32>,
      %gather3A_993 = tpu.vector_load_idx %arg8[%get3A_992] : memref<100000xf32, #tpu.memory_space<vmem>>[vector<16xi32>], vector<16xf32>,
      %mul3A_994 = arith.constant 16 : i32
      %mul3A_995 = arith.muli %scan3A_988, %mul3A_994 : i32
      %swap3A_996 = arith.constant 1 : i32
      %swap3A_997 = arith.index_cast %swap3A_996 : i32 to index
      %swap3A_998 = arith.index_cast %mul3A_995 : i32 to index
      %swap3A_999 = tpu.vector_load %arg9[%swap3A_997, %swap3A_998] {strides = array<i32>} : memref<2x4096xf32, #tpu.memory_space<vmem>>, vector<16xf32>,
      tpu.vector_store %arg9[%swap3A_997, %swap3A_998], %gather3A_993 {strides = array<i32>} : memref<2x4096xf32, #tpu.memory_space<vmem>>, vector<16xf32>,
      %scan3A_1000 = arith.constant 0 : i32
      %scan3A_1001 = arith.constant 7 : i32
      %scan3A_1002 = arith.addi %scan3A_906, %scan3A_1001 : i32
      %mul3A_1003 = arith.constant 16 : i32
      %mul3A_1004 = arith.muli %scan3A_1002, %mul3A_1003 : i32
      %get3A_1005 = arith.index_cast %mul3A_1004 : i32 to index
      %get3A_1006 = tpu.vector_load %arg7[%get3A_1005] {strides = array<i32>} : memref<4096xi32, #tpu.memory_space<vmem>>, vector<16xi32>,
      %gather3A_1007 = tpu.vector_load_idx %arg8[%get3A_1006] : memref<100000xf32, #tpu.memory_space<vmem>>[vector<16xi32>], vector<16xf32>,
      %mul3A_1008 = arith.constant 16 : i32
      %mul3A_1009 = arith.muli %scan3A_1002, %mul3A_1008 : i32
      %swap3A_1010 = arith.constant 1 : i32
      %swap3A_1011 = arith.index_cast %swap3A_1010 : i32 to index
      %swap3A_1012 = arith.index_cast %mul3A_1009 : i32 to index
      %swap3A_1013 = tpu.vector_load %arg9[%swap3A_1011, %swap3A_1012] {strides = array<i32>} : memref<2x4096xf32, #tpu.memory_space<vmem>>, vector<16xf32>,
      tpu.vector_store %arg9[%swap3A_1011, %swap3A_1012], %gather3A_1007 {strides = array<i32>} : memref<2x4096xf32, #tpu.memory_space<vmem>>, vector<16xf32>,
      %scan3A_1014 = arith.constant 0 : i32
      scf.yield %scan3A_1014 : i32
    }
    %scan3A_231 = arith.constant 256 : i32
    %dma_start3A_232 = arith.constant 1 : i32
    %dma_start3A_233 = arith.constant 0 : i32
    %dma_start3A_234 = tpu.memref_slice %arg9[%dma_start3A_232, %dma_start3A_233] : memref<2x4096xf32, #tpu.memory_space<vmem>> -> memref<1x4096xf32, #tpu.memory_space<vmem>>
    %dma_start3A_235 = tpu.memref_squeeze %dma_start3A_234 : memref<1x4096xf32, #tpu.memory_space<vmem>> -> memref<4096xf32, #tpu.memory_space<vmem>>
    %dma_start3A_236 = arith.constant 0 : i32
    %dma_start3A_237 = tpu.memref_slice %arg5[%add3A_178, %dma_start3A_236] : memref<416x4096xf32, #tpu.memory_space<hbm>> -> memref<1x4096xf32, #tpu.memory_space<hbm>>
    %dma_start3A_238 = tpu.memref_squeeze %dma_start3A_237 : memref<1x4096xf32, #tpu.memory_space<hbm>> -> memref<4096xf32, #tpu.memory_space<hbm>>
    %dma_start3A_239 = arith.constant 0 : i32
    %dma_start3A_240 = tpu.memref_slice %arg5[%add3A_178, %dma_start3A_239] : memref<416x4096xf32, #tpu.memory_space<hbm>> -> memref<1x4096xf32, #tpu.memory_space<hbm>>
    %dma_start3A_241 = tpu.memref_squeeze %dma_start3A_240 : memref<1x4096xf32, #tpu.memory_space<hbm>> -> memref<4096xf32, #tpu.memory_space<hbm>>
    %dma_start3A_242 = arith.constant 0 : i32
    %dma_start3A_243 = tpu.memref_slice %arg9[%dma_start3A_232, %dma_start3A_242] : memref<2x4096xf32, #tpu.memory_space<vmem>> -> memref<1x4096xf32, #tpu.memory_space<vmem>>
    %dma_start3A_244 = tpu.memref_squeeze %dma_start3A_243 : memref<1x4096xf32, #tpu.memory_space<vmem>> -> memref<4096xf32, #tpu.memory_space<vmem>>
    tpu.enqueue_dma source(%dma_start3A_244 : memref<4096xf32, #tpu.memory_space<vmem>>) target(%dma_start3A_241 : memref<4096xf32, #tpu.memory_space<hbm>>) target_semaphore(%arg11 : memref<!tpu.dma_semaphore, #tpu.memory_space<semaphore_mem>>)
    %mul3A_245 = arith.constant 13 : i32
    %mul3A_246 = arith.muli %add3A, %mul3A_245 : i32
    %add3A_247 = arith.constant 4 : i32
    %add3A_248 = arith.addi %mul3A_246, %add3A_247 : i32
    %dma_start3A_249 = arith.constant 0 : i32
    %dma_start3A_250 = tpu.memref_slice %arg2[%add3A_248, %dma_start3A_249] : memref<416x100000xf32, #tpu.memory_space<hbm>> -> memref<1x100000xf32, #tpu.memory_space<hbm>>
    %dma_start3A_251 = tpu.memref_squeeze %dma_start3A_250 : memref<1x100000xf32, #tpu.memory_space<hbm>> -> memref<100000xf32, #tpu.memory_space<hbm>>
    %dma_start3A_252 = arith.constant 0 : i32
    %dma_start3A_253 = tpu.memref_slice %arg2[%add3A_248, %dma_start3A_252] : memref<416x100000xf32, #tpu.memory_space<hbm>> -> memref<1x100000xf32, #tpu.memory_space<hbm>>
    %dma_start3A_254 = tpu.memref_squeeze %dma_start3A_253 : memref<1x100000xf32, #tpu.memory_space<hbm>> -> memref<100000xf32, #tpu.memory_space<hbm>>
    tpu.enqueue_dma source(%dma_start3A_254 : memref<100000xf32, #tpu.memory_space<hbm>>) target(%arg8 : memref<100000xf32, #tpu.memory_space<vmem>>) target_semaphore(%arg10 : memref<!tpu.dma_semaphore, #tpu.memory_space<semaphore_mem>>)
    %jit3A_255 = arith.constant 16 : i32
    %eq3A_256 = arith.constant 0 : i32
    %eq3A_257 = arith.cmpi eq, %jit3A_255, %eq3A_256 : i32
    %jit3A_258 = arith.constant 1 : i32
    %select_n3A_259 = arith.select %eq3A_257, %jit3A_258, %jit3A_255 : i32
    %rem3A_260 = arith.remsi %add3A_248, %select_n3A_259 : i32
    %ne3A_261 = arith.constant 0 : i32
    %ne3A_262 = arith.cmpi ne, %rem3A_260, %ne3A_261 : i32
    %lt3A_263 = arith.constant 0 : i32
    %lt3A_264 = arith.cmpi slt, %rem3A_260, %lt3A_263 : i32
    %lt3A_265 = arith.constant 0 : i32
    %lt3A_266 = arith.cmpi slt, %select_n3A_259, %lt3A_265 : i32
    %ne3A_267 = arith.xori %lt3A_264, %lt3A_266 : i1
    %and3A_268 = arith.andi %ne3A_267, %ne3A_262 : i1
    %add3A_269 = arith.addi %rem3A_260, %select_n3A_259 : i32
    %select_n3A_270 = arith.select %and3A_268, %add3A_269, %rem3A_260 : i32
    %eq3A_271 = arith.constant 0 : i32
    %eq3A_272 = arith.cmpi eq, %select_n3A_270, %eq3A_271 : i32
    %convert_element_type3A_273 = arith.extui %eq3A_272 : i1 to i32
    %cond3A_274 = arith.constant 0 : i32
    %cond3A_275 = arith.cmpi ne, %convert_element_type3A_273, %cond3A_274 : i32
    scf.if %cond3A_275 {
      %jit3A_906 = arith.constant 16 : i32
      %div3A_907 = arith.divsi %add3A_248, %jit3A_906 : i32
      %sign3A_908 = arith.constant 0 : i32
      %sign3A_909 = arith.cmpi sgt, %add3A_248, %sign3A_908 : i32
      %sign3A_910 = arith.extui %sign3A_909 : i1 to i32
      %sign3A_911 = arith.constant 0 : i32
      %sign3A_912 = arith.cmpi slt, %add3A_248, %sign3A_911 : i32
      %sign3A_913 = arith.extui %sign3A_912 : i1 to i32
      %sign3A_914 = arith.subi %sign3A_910, %sign3A_913 : i32
      %sign3A_915 = arith.constant 0 : i32
      %sign3A_916 = arith.cmpi sgt, %jit3A_906, %sign3A_915 : i32
      %sign3A_917 = arith.extui %sign3A_916 : i1 to i32
      %sign3A_918 = arith.constant 0 : i32
      %sign3A_919 = arith.cmpi slt, %jit3A_906, %sign3A_918 : i32
      %sign3A_920 = arith.extui %sign3A_919 : i1 to i32
      %sign3A_921 = arith.subi %sign3A_917, %sign3A_920 : i32
      %ne3A_922 = arith.cmpi ne, %sign3A_914, %sign3A_921 : i32
      %rem3A_923 = arith.remsi %add3A_248, %jit3A_906 : i32
      %ne3A_924 = arith.constant 0 : i32
      %ne3A_925 = arith.cmpi ne, %rem3A_923, %ne3A_924 : i32
      %and3A_926 = arith.andi %ne3A_922, %ne3A_925 : i1
      %sub3A_927 = arith.constant 1 : i32
      %sub3A_928 = arith.subi %div3A_907, %sub3A_927 : i32
      %select_n3A_929 = arith.select %and3A_926, %sub3A_928, %div3A_907 : i32
      %mul3A_930 = arith.constant 4096 : i32
      %mul3A_931 = arith.muli %select_n3A_929, %mul3A_930 : i32
      "tpu.region"() ({
        %run_scoped3A = tpu.sem_alloc : memref<!tpu.dma_semaphore, #tpu.memory_space<semaphore_mem>>
        %dma_start3A_932 = tpu.memref_slice %arg4[%mul3A_931] : memref<106496xi32, #tpu.memory_space<hbm>> -> memref<4096xi32, #tpu.memory_space<hbm>>
        %dma_start3A_933 = tpu.memref_slice %arg4[%mul3A_931] : memref<106496xi32, #tpu.memory_space<hbm>> -> memref<4096xi32, #tpu.memory_space<hbm>>
        tpu.enqueue_dma source(%dma_start3A_933 : memref<4096xi32, #tpu.memory_space<hbm>>) target(%arg7 : memref<4096xi32, #tpu.memory_space<vmem>>) target_semaphore(%run_scoped3A : memref<!tpu.dma_semaphore, #tpu.memory_space<semaphore_mem>>)
        %dma_wait3A_934 = tpu.memref_slice %arg4[%mul3A_931] : memref<106496xi32, #tpu.memory_space<hbm>> -> memref<4096xi32, #tpu.memory_space<hbm>>
        %dma_wait3A_935 = tpu.memref_slice %arg4[%mul3A_931] : memref<106496xi32, #tpu.memory_space<hbm>> -> memref<4096xi32, #tpu.memory_space<hbm>>
        tpu.wait_dma2 semaphore(%run_scoped3A : memref<!tpu.dma_semaphore, #tpu.memory_space<semaphore_mem>>) src(%dma_wait3A_935 : memref<4096xi32, #tpu.memory_space<hbm>>) dst(%arg7 : memref<4096xi32, #tpu.memory_space<vmem>>)
        tpu.yield
      }) : () -> ()
    } else {
    }
    %dma_wait3A_276 = arith.constant 0 : i32
    %dma_wait3A_277 = arith.constant 0 : i32
    %dma_wait3A_278 = tpu.memref_slice %arg9[%dma_wait3A_276, %dma_wait3A_277] : memref<2x4096xf32, #tpu.memory_space<vmem>> -> memref<1x4096xf32, #tpu.memory_space<vmem>>
    %dma_wait3A_279 = tpu.memref_squeeze %dma_wait3A_278 : memref<1x4096xf32, #tpu.memory_space<vmem>> -> memref<4096xf32, #tpu.memory_space<vmem>>
    %dma_wait3A_280 = arith.constant 0 : i32
    %dma_wait3A_281 = tpu.memref_slice %arg5[%add3A_108, %dma_wait3A_280] : memref<416x4096xf32, #tpu.memory_space<hbm>> -> memref<1x4096xf32, #tpu.memory_space<hbm>>
    %dma_wait3A_282 = tpu.memref_squeeze %dma_wait3A_281 : memref<1x4096xf32, #tpu.memory_space<hbm>> -> memref<4096xf32, #tpu.memory_space<hbm>>
    %dma_wait3A_283 = arith.constant 0 : i32
    %dma_wait3A_284 = tpu.memref_slice %arg5[%add3A_108, %dma_wait3A_283] : memref<416x4096xf32, #tpu.memory_space<hbm>> -> memref<1x4096xf32, #tpu.memory_space<hbm>>
    %dma_wait3A_285 = tpu.memref_squeeze %dma_wait3A_284 : memref<1x4096xf32, #tpu.memory_space<hbm>> -> memref<4096xf32, #tpu.memory_space<hbm>>
    %dma_wait3A_286 = arith.constant 0 : i32
    %dma_wait3A_287 = tpu.memref_slice %arg9[%dma_wait3A_276, %dma_wait3A_286] : memref<2x4096xf32, #tpu.memory_space<vmem>> -> memref<1x4096xf32, #tpu.memory_space<vmem>>
    %dma_wait3A_288 = tpu.memref_squeeze %dma_wait3A_287 : memref<1x4096xf32, #tpu.memory_space<vmem>> -> memref<4096xf32, #tpu.memory_space<vmem>>
    tpu.wait_dma2 semaphore(%arg11 : memref<!tpu.dma_semaphore, #tpu.memory_space<semaphore_mem>>) src(%dma_wait3A_288 : memref<4096xf32, #tpu.memory_space<vmem>>) dst(%dma_wait3A_285 : memref<4096xf32, #tpu.memory_space<hbm>>)
    %dma_wait3A_289 = arith.constant 0 : i32
    %dma_wait3A_290 = tpu.memref_slice %arg2[%add3A_248, %dma_wait3A_289] : memref<416x100000xf32, #tpu.memory_space<hbm>> -> memref<1x100000xf32, #tpu.memory_space<hbm>>
    %dma_wait3A_291 = tpu.memref_squeeze %dma_wait3A_290 : memref<1x100000xf32, #tpu.memory_space<hbm>> -> memref<100000xf32, #tpu.memory_space<hbm>>
    %dma_wait3A_292 = arith.constant 0 : i32
    %dma_wait3A_293 = tpu.memref_slice %arg2[%add3A_248, %dma_wait3A_292] : memref<416x100000xf32, #tpu.memory_space<hbm>> -> memref<1x100000xf32, #tpu.memory_space<hbm>>
    %dma_wait3A_294 = tpu.memref_squeeze %dma_wait3A_293 : memref<1x100000xf32, #tpu.memory_space<hbm>> -> memref<100000xf32, #tpu.memory_space<hbm>>
    tpu.wait_dma2 semaphore(%arg10 : memref<!tpu.dma_semaphore, #tpu.memory_space<semaphore_mem>>) src(%dma_wait3A_294 : memref<100000xf32, #tpu.memory_space<hbm>>) dst(%arg8 : memref<100000xf32, #tpu.memory_space<vmem>>)
    %scan3A_295 = arith.constant 0 : i32
    %scan3A_296 = arith.constant 0 : i32
    %scan3A_297 = arith.constant 256 : i32
    %scan3A_298 = arith.addi %scan3A_296, %scan3A_297 : i32
    %scan3A_299 = arith.constant 8 : i32
    %scan3A_300 = scf.for %scan3A_906 = %scan3A_296 to %scan3A_298 step %scan3A_299 iter_args(%scan3A_907 = %scan3A_295) -> (i32)  : i32 {
      %mul3A_908 = arith.constant 16 : i32
      %mul3A_909 = arith.muli %scan3A_906, %mul3A_908 : i32
      %get3A = arith.index_cast %mul3A_909 : i32 to index
      %get3A_910 = tpu.vector_load %arg7[%get3A] {strides = array<i32>} : memref<4096xi32, #tpu.memory_space<vmem>>, vector<16xi32>,
      %gather3A = tpu.vector_load_idx %arg8[%get3A_910] : memref<100000xf32, #tpu.memory_space<vmem>>[vector<16xi32>], vector<16xf32>,
      %mul3A_911 = arith.constant 16 : i32
      %mul3A_912 = arith.muli %scan3A_906, %mul3A_911 : i32
      %swap3A = arith.constant 0 : i32
      %swap3A_913 = arith.index_cast %swap3A : i32 to index
      %swap3A_914 = arith.index_cast %mul3A_912 : i32 to index
      %swap3A_915 = tpu.vector_load %arg9[%swap3A_913, %swap3A_914] {strides = array<i32>} : memref<2x4096xf32, #tpu.memory_space<vmem>>, vector<16xf32>,
      tpu.vector_store %arg9[%swap3A_913, %swap3A_914], %gather3A {strides = array<i32>} : memref<2x4096xf32, #tpu.memory_space<vmem>>, vector<16xf32>,
      %scan3A_916 = arith.constant 0 : i32
      %scan3A_917 = arith.constant 1 : i32
      %scan3A_918 = arith.addi %scan3A_906, %scan3A_917 : i32
      %mul3A_919 = arith.constant 16 : i32
      %mul3A_920 = arith.muli %scan3A_918, %mul3A_919 : i32
      %get3A_921 = arith.index_cast %mul3A_920 : i32 to index
      %get3A_922 = tpu.vector_load %arg7[%get3A_921] {strides = array<i32>} : memref<4096xi32, #tpu.memory_space<vmem>>, vector<16xi32>,
      %gather3A_923 = tpu.vector_load_idx %arg8[%get3A_922] : memref<100000xf32, #tpu.memory_space<vmem>>[vector<16xi32>], vector<16xf32>,
      %mul3A_924 = arith.constant 16 : i32
      %mul3A_925 = arith.muli %scan3A_918, %mul3A_924 : i32
      %swap3A_926 = arith.constant 0 : i32
      %swap3A_927 = arith.index_cast %swap3A_926 : i32 to index
      %swap3A_928 = arith.index_cast %mul3A_925 : i32 to index
      %swap3A_929 = tpu.vector_load %arg9[%swap3A_927, %swap3A_928] {strides = array<i32>} : memref<2x4096xf32, #tpu.memory_space<vmem>>, vector<16xf32>,
      tpu.vector_store %arg9[%swap3A_927, %swap3A_928], %gather3A_923 {strides = array<i32>} : memref<2x4096xf32, #tpu.memory_space<vmem>>, vector<16xf32>,
      %scan3A_930 = arith.constant 0 : i32
      %scan3A_931 = arith.constant 2 : i32
      %scan3A_932 = arith.addi %scan3A_906, %scan3A_931 : i32
      %mul3A_933 = arith.constant 16 : i32
      %mul3A_934 = arith.muli %scan3A_932, %mul3A_933 : i32
      %get3A_935 = arith.index_cast %mul3A_934 : i32 to index
      %get3A_936 = tpu.vector_load %arg7[%get3A_935] {strides = array<i32>} : memref<4096xi32, #tpu.memory_space<vmem>>, vector<16xi32>,
      %gather3A_937 = tpu.vector_load_idx %arg8[%get3A_936] : memref<100000xf32, #tpu.memory_space<vmem>>[vector<16xi32>], vector<16xf32>,
      %mul3A_938 = arith.constant 16 : i32
      %mul3A_939 = arith.muli %scan3A_932, %mul3A_938 : i32
      %swap3A_940 = arith.constant 0 : i32
      %swap3A_941 = arith.index_cast %swap3A_940 : i32 to index
      %swap3A_942 = arith.index_cast %mul3A_939 : i32 to index
      %swap3A_943 = tpu.vector_load %arg9[%swap3A_941, %swap3A_942] {strides = array<i32>} : memref<2x4096xf32, #tpu.memory_space<vmem>>, vector<16xf32>,
      tpu.vector_store %arg9[%swap3A_941, %swap3A_942], %gather3A_937 {strides = array<i32>} : memref<2x4096xf32, #tpu.memory_space<vmem>>, vector<16xf32>,
      %scan3A_944 = arith.constant 0 : i32
      %scan3A_945 = arith.constant 3 : i32
      %scan3A_946 = arith.addi %scan3A_906, %scan3A_945 : i32
      %mul3A_947 = arith.constant 16 : i32
      %mul3A_948 = arith.muli %scan3A_946, %mul3A_947 : i32
      %get3A_949 = arith.index_cast %mul3A_948 : i32 to index
      %get3A_950 = tpu.vector_load %arg7[%get3A_949] {strides = array<i32>} : memref<4096xi32, #tpu.memory_space<vmem>>, vector<16xi32>,
      %gather3A_951 = tpu.vector_load_idx %arg8[%get3A_950] : memref<100000xf32, #tpu.memory_space<vmem>>[vector<16xi32>], vector<16xf32>,
      %mul3A_952 = arith.constant 16 : i32
      %mul3A_953 = arith.muli %scan3A_946, %mul3A_952 : i32
      %swap3A_954 = arith.constant 0 : i32
      %swap3A_955 = arith.index_cast %swap3A_954 : i32 to index
      %swap3A_956 = arith.index_cast %mul3A_953 : i32 to index
      %swap3A_957 = tpu.vector_load %arg9[%swap3A_955, %swap3A_956] {strides = array<i32>} : memref<2x4096xf32, #tpu.memory_space<vmem>>, vector<16xf32>,
      tpu.vector_store %arg9[%swap3A_955, %swap3A_956], %gather3A_951 {strides = array<i32>} : memref<2x4096xf32, #tpu.memory_space<vmem>>, vector<16xf32>,
      %scan3A_958 = arith.constant 0 : i32
      %scan3A_959 = arith.constant 4 : i32
      %scan3A_960 = arith.addi %scan3A_906, %scan3A_959 : i32
      %mul3A_961 = arith.constant 16 : i32
      %mul3A_962 = arith.muli %scan3A_960, %mul3A_961 : i32
      %get3A_963 = arith.index_cast %mul3A_962 : i32 to index
      %get3A_964 = tpu.vector_load %arg7[%get3A_963] {strides = array<i32>} : memref<4096xi32, #tpu.memory_space<vmem>>, vector<16xi32>,
      %gather3A_965 = tpu.vector_load_idx %arg8[%get3A_964] : memref<100000xf32, #tpu.memory_space<vmem>>[vector<16xi32>], vector<16xf32>,
      %mul3A_966 = arith.constant 16 : i32
      %mul3A_967 = arith.muli %scan3A_960, %mul3A_966 : i32
      %swap3A_968 = arith.constant 0 : i32
      %swap3A_969 = arith.index_cast %swap3A_968 : i32 to index
      %swap3A_970 = arith.index_cast %mul3A_967 : i32 to index
      %swap3A_971 = tpu.vector_load %arg9[%swap3A_969, %swap3A_970] {strides = array<i32>} : memref<2x4096xf32, #tpu.memory_space<vmem>>, vector<16xf32>,
      tpu.vector_store %arg9[%swap3A_969, %swap3A_970], %gather3A_965 {strides = array<i32>} : memref<2x4096xf32, #tpu.memory_space<vmem>>, vector<16xf32>,
      %scan3A_972 = arith.constant 0 : i32
      %scan3A_973 = arith.constant 5 : i32
      %scan3A_974 = arith.addi %scan3A_906, %scan3A_973 : i32
      %mul3A_975 = arith.constant 16 : i32
      %mul3A_976 = arith.muli %scan3A_974, %mul3A_975 : i32
      %get3A_977 = arith.index_cast %mul3A_976 : i32 to index
      %get3A_978 = tpu.vector_load %arg7[%get3A_977] {strides = array<i32>} : memref<4096xi32, #tpu.memory_space<vmem>>, vector<16xi32>,
      %gather3A_979 = tpu.vector_load_idx %arg8[%get3A_978] : memref<100000xf32, #tpu.memory_space<vmem>>[vector<16xi32>], vector<16xf32>,
      %mul3A_980 = arith.constant 16 : i32
      %mul3A_981 = arith.muli %scan3A_974, %mul3A_980 : i32
      %swap3A_982 = arith.constant 0 : i32
      %swap3A_983 = arith.index_cast %swap3A_982 : i32 to index
      %swap3A_984 = arith.index_cast %mul3A_981 : i32 to index
      %swap3A_985 = tpu.vector_load %arg9[%swap3A_983, %swap3A_984] {strides = array<i32>} : memref<2x4096xf32, #tpu.memory_space<vmem>>, vector<16xf32>,
      tpu.vector_store %arg9[%swap3A_983, %swap3A_984], %gather3A_979 {strides = array<i32>} : memref<2x4096xf32, #tpu.memory_space<vmem>>, vector<16xf32>,
      %scan3A_986 = arith.constant 0 : i32
      %scan3A_987 = arith.constant 6 : i32
      %scan3A_988 = arith.addi %scan3A_906, %scan3A_987 : i32
      %mul3A_989 = arith.constant 16 : i32
      %mul3A_990 = arith.muli %scan3A_988, %mul3A_989 : i32
      %get3A_991 = arith.index_cast %mul3A_990 : i32 to index
      %get3A_992 = tpu.vector_load %arg7[%get3A_991] {strides = array<i32>} : memref<4096xi32, #tpu.memory_space<vmem>>, vector<16xi32>,
      %gather3A_993 = tpu.vector_load_idx %arg8[%get3A_992] : memref<100000xf32, #tpu.memory_space<vmem>>[vector<16xi32>], vector<16xf32>,
      %mul3A_994 = arith.constant 16 : i32
      %mul3A_995 = arith.muli %scan3A_988, %mul3A_994 : i32
      %swap3A_996 = arith.constant 0 : i32
      %swap3A_997 = arith.index_cast %swap3A_996 : i32 to index
      %swap3A_998 = arith.index_cast %mul3A_995 : i32 to index
      %swap3A_999 = tpu.vector_load %arg9[%swap3A_997, %swap3A_998] {strides = array<i32>} : memref<2x4096xf32, #tpu.memory_space<vmem>>, vector<16xf32>,
      tpu.vector_store %arg9[%swap3A_997, %swap3A_998], %gather3A_993 {strides = array<i32>} : memref<2x4096xf32, #tpu.memory_space<vmem>>, vector<16xf32>,
      %scan3A_1000 = arith.constant 0 : i32
      %scan3A_1001 = arith.constant 7 : i32
      %scan3A_1002 = arith.addi %scan3A_906, %scan3A_1001 : i32
      %mul3A_1003 = arith.constant 16 : i32
      %mul3A_1004 = arith.muli %scan3A_1002, %mul3A_1003 : i32
      %get3A_1005 = arith.index_cast %mul3A_1004 : i32 to index
      %get3A_1006 = tpu.vector_load %arg7[%get3A_1005] {strides = array<i32>} : memref<4096xi32, #tpu.memory_space<vmem>>, vector<16xi32>,
      %gather3A_1007 = tpu.vector_load_idx %arg8[%get3A_1006] : memref<100000xf32, #tpu.memory_space<vmem>>[vector<16xi32>], vector<16xf32>,
      %mul3A_1008 = arith.constant 16 : i32
      %mul3A_1009 = arith.muli %scan3A_1002, %mul3A_1008 : i32
      %swap3A_1010 = arith.constant 0 : i32
      %swap3A_1011 = arith.index_cast %swap3A_1010 : i32 to index
      %swap3A_1012 = arith.index_cast %mul3A_1009 : i32 to index
      %swap3A_1013 = tpu.vector_load %arg9[%swap3A_1011, %swap3A_1012] {strides = array<i32>} : memref<2x4096xf32, #tpu.memory_space<vmem>>, vector<16xf32>,
      tpu.vector_store %arg9[%swap3A_1011, %swap3A_1012], %gather3A_1007 {strides = array<i32>} : memref<2x4096xf32, #tpu.memory_space<vmem>>, vector<16xf32>,
      %scan3A_1014 = arith.constant 0 : i32
      scf.yield %scan3A_1014 : i32
    }
    %scan3A_301 = arith.constant 256 : i32
    %dma_start3A_302 = arith.constant 0 : i32
    %dma_start3A_303 = arith.constant 0 : i32
    %dma_start3A_304 = tpu.memref_slice %arg9[%dma_start3A_302, %dma_start3A_303] : memref<2x4096xf32, #tpu.memory_space<vmem>> -> memref<1x4096xf32, #tpu.memory_space<vmem>>
    %dma_start3A_305 = tpu.memref_squeeze %dma_start3A_304 : memref<1x4096xf32, #tpu.memory_space<vmem>> -> memref<4096xf32, #tpu.memory_space<vmem>>
    %dma_start3A_306 = arith.constant 0 : i32
    %dma_start3A_307 = tpu.memref_slice %arg5[%add3A_248, %dma_start3A_306] : memref<416x4096xf32, #tpu.memory_space<hbm>> -> memref<1x4096xf32, #tpu.memory_space<hbm>>
    %dma_start3A_308 = tpu.memref_squeeze %dma_start3A_307 : memref<1x4096xf32, #tpu.memory_space<hbm>> -> memref<4096xf32, #tpu.memory_space<hbm>>
    %dma_start3A_309 = arith.constant 0 : i32
    %dma_start3A_310 = tpu.memref_slice %arg5[%add3A_248, %dma_start3A_309] : memref<416x4096xf32, #tpu.memory_space<hbm>> -> memref<1x4096xf32, #tpu.memory_space<hbm>>
    %dma_start3A_311 = tpu.memref_squeeze %dma_start3A_310 : memref<1x4096xf32, #tpu.memory_space<hbm>> -> memref<4096xf32, #tpu.memory_space<hbm>>
    %dma_start3A_312 = arith.constant 0 : i32
    %dma_start3A_313 = tpu.memref_slice %arg9[%dma_start3A_302, %dma_start3A_312] : memref<2x4096xf32, #tpu.memory_space<vmem>> -> memref<1x4096xf32, #tpu.memory_space<vmem>>
    %dma_start3A_314 = tpu.memref_squeeze %dma_start3A_313 : memref<1x4096xf32, #tpu.memory_space<vmem>> -> memref<4096xf32, #tpu.memory_space<vmem>>
    tpu.enqueue_dma source(%dma_start3A_314 : memref<4096xf32, #tpu.memory_space<vmem>>) target(%dma_start3A_311 : memref<4096xf32, #tpu.memory_space<hbm>>) target_semaphore(%arg11 : memref<!tpu.dma_semaphore, #tpu.memory_space<semaphore_mem>>)
    %mul3A_315 = arith.constant 13 : i32
    %mul3A_316 = arith.muli %add3A, %mul3A_315 : i32
    %add3A_317 = arith.constant 5 : i32
    %add3A_318 = arith.addi %mul3A_316, %add3A_317 : i32
    %dma_start3A_319 = arith.constant 0 : i32
    %dma_start3A_320 = tpu.memref_slice %arg2[%add3A_318, %dma_start3A_319] : memref<416x100000xf32, #tpu.memory_space<hbm>> -> memref<1x100000xf32, #tpu.memory_space<hbm>>
    %dma_start3A_321 = tpu.memref_squeeze %dma_start3A_320 : memref<1x100000xf32, #tpu.memory_space<hbm>> -> memref<100000xf32, #tpu.memory_space<hbm>>
    %dma_start3A_322 = arith.constant 0 : i32
    %dma_start3A_323 = tpu.memref_slice %arg2[%add3A_318, %dma_start3A_322] : memref<416x100000xf32, #tpu.memory_space<hbm>> -> memref<1x100000xf32, #tpu.memory_space<hbm>>
    %dma_start3A_324 = tpu.memref_squeeze %dma_start3A_323 : memref<1x100000xf32, #tpu.memory_space<hbm>> -> memref<100000xf32, #tpu.memory_space<hbm>>
    tpu.enqueue_dma source(%dma_start3A_324 : memref<100000xf32, #tpu.memory_space<hbm>>) target(%arg8 : memref<100000xf32, #tpu.memory_space<vmem>>) target_semaphore(%arg10 : memref<!tpu.dma_semaphore, #tpu.memory_space<semaphore_mem>>)
    %jit3A_325 = arith.constant 16 : i32
    %eq3A_326 = arith.constant 0 : i32
    %eq3A_327 = arith.cmpi eq, %jit3A_325, %eq3A_326 : i32
    %jit3A_328 = arith.constant 1 : i32
    %select_n3A_329 = arith.select %eq3A_327, %jit3A_328, %jit3A_325 : i32
    %rem3A_330 = arith.remsi %add3A_318, %select_n3A_329 : i32
    %ne3A_331 = arith.constant 0 : i32
    %ne3A_332 = arith.cmpi ne, %rem3A_330, %ne3A_331 : i32
    %lt3A_333 = arith.constant 0 : i32
    %lt3A_334 = arith.cmpi slt, %rem3A_330, %lt3A_333 : i32
    %lt3A_335 = arith.constant 0 : i32
    %lt3A_336 = arith.cmpi slt, %select_n3A_329, %lt3A_335 : i32
    %ne3A_337 = arith.xori %lt3A_334, %lt3A_336 : i1
    %and3A_338 = arith.andi %ne3A_337, %ne3A_332 : i1
    %add3A_339 = arith.addi %rem3A_330, %select_n3A_329 : i32
    %select_n3A_340 = arith.select %and3A_338, %add3A_339, %rem3A_330 : i32
    %eq3A_341 = arith.constant 0 : i32
    %eq3A_342 = arith.cmpi eq, %select_n3A_340, %eq3A_341 : i32
    %convert_element_type3A_343 = arith.extui %eq3A_342 : i1 to i32
    %cond3A_344 = arith.constant 0 : i32
    %cond3A_345 = arith.cmpi ne, %convert_element_type3A_343, %cond3A_344 : i32
    scf.if %cond3A_345 {
      %jit3A_906 = arith.constant 16 : i32
      %div3A_907 = arith.divsi %add3A_318, %jit3A_906 : i32
      %sign3A_908 = arith.constant 0 : i32
      %sign3A_909 = arith.cmpi sgt, %add3A_318, %sign3A_908 : i32
      %sign3A_910 = arith.extui %sign3A_909 : i1 to i32
      %sign3A_911 = arith.constant 0 : i32
      %sign3A_912 = arith.cmpi slt, %add3A_318, %sign3A_911 : i32
      %sign3A_913 = arith.extui %sign3A_912 : i1 to i32
      %sign3A_914 = arith.subi %sign3A_910, %sign3A_913 : i32
      %sign3A_915 = arith.constant 0 : i32
      %sign3A_916 = arith.cmpi sgt, %jit3A_906, %sign3A_915 : i32
      %sign3A_917 = arith.extui %sign3A_916 : i1 to i32
      %sign3A_918 = arith.constant 0 : i32
      %sign3A_919 = arith.cmpi slt, %jit3A_906, %sign3A_918 : i32
      %sign3A_920 = arith.extui %sign3A_919 : i1 to i32
      %sign3A_921 = arith.subi %sign3A_917, %sign3A_920 : i32
      %ne3A_922 = arith.cmpi ne, %sign3A_914, %sign3A_921 : i32
      %rem3A_923 = arith.remsi %add3A_318, %jit3A_906 : i32
      %ne3A_924 = arith.constant 0 : i32
      %ne3A_925 = arith.cmpi ne, %rem3A_923, %ne3A_924 : i32
      %and3A_926 = arith.andi %ne3A_922, %ne3A_925 : i1
      %sub3A_927 = arith.constant 1 : i32
      %sub3A_928 = arith.subi %div3A_907, %sub3A_927 : i32
      %select_n3A_929 = arith.select %and3A_926, %sub3A_928, %div3A_907 : i32
      %mul3A_930 = arith.constant 4096 : i32
      %mul3A_931 = arith.muli %select_n3A_929, %mul3A_930 : i32
      "tpu.region"() ({
        %run_scoped3A = tpu.sem_alloc : memref<!tpu.dma_semaphore, #tpu.memory_space<semaphore_mem>>
        %dma_start3A_932 = tpu.memref_slice %arg4[%mul3A_931] : memref<106496xi32, #tpu.memory_space<hbm>> -> memref<4096xi32, #tpu.memory_space<hbm>>
        %dma_start3A_933 = tpu.memref_slice %arg4[%mul3A_931] : memref<106496xi32, #tpu.memory_space<hbm>> -> memref<4096xi32, #tpu.memory_space<hbm>>
        tpu.enqueue_dma source(%dma_start3A_933 : memref<4096xi32, #tpu.memory_space<hbm>>) target(%arg7 : memref<4096xi32, #tpu.memory_space<vmem>>) target_semaphore(%run_scoped3A : memref<!tpu.dma_semaphore, #tpu.memory_space<semaphore_mem>>)
        %dma_wait3A_934 = tpu.memref_slice %arg4[%mul3A_931] : memref<106496xi32, #tpu.memory_space<hbm>> -> memref<4096xi32, #tpu.memory_space<hbm>>
        %dma_wait3A_935 = tpu.memref_slice %arg4[%mul3A_931] : memref<106496xi32, #tpu.memory_space<hbm>> -> memref<4096xi32, #tpu.memory_space<hbm>>
        tpu.wait_dma2 semaphore(%run_scoped3A : memref<!tpu.dma_semaphore, #tpu.memory_space<semaphore_mem>>) src(%dma_wait3A_935 : memref<4096xi32, #tpu.memory_space<hbm>>) dst(%arg7 : memref<4096xi32, #tpu.memory_space<vmem>>)
        tpu.yield
      }) : () -> ()
    } else {
    }
    %dma_wait3A_346 = arith.constant 1 : i32
    %dma_wait3A_347 = arith.constant 0 : i32
    %dma_wait3A_348 = tpu.memref_slice %arg9[%dma_wait3A_346, %dma_wait3A_347] : memref<2x4096xf32, #tpu.memory_space<vmem>> -> memref<1x4096xf32, #tpu.memory_space<vmem>>
    %dma_wait3A_349 = tpu.memref_squeeze %dma_wait3A_348 : memref<1x4096xf32, #tpu.memory_space<vmem>> -> memref<4096xf32, #tpu.memory_space<vmem>>
    %dma_wait3A_350 = arith.constant 0 : i32
    %dma_wait3A_351 = tpu.memref_slice %arg5[%add3A_178, %dma_wait3A_350] : memref<416x4096xf32, #tpu.memory_space<hbm>> -> memref<1x4096xf32, #tpu.memory_space<hbm>>
    %dma_wait3A_352 = tpu.memref_squeeze %dma_wait3A_351 : memref<1x4096xf32, #tpu.memory_space<hbm>> -> memref<4096xf32, #tpu.memory_space<hbm>>
    %dma_wait3A_353 = arith.constant 0 : i32
    %dma_wait3A_354 = tpu.memref_slice %arg5[%add3A_178, %dma_wait3A_353] : memref<416x4096xf32, #tpu.memory_space<hbm>> -> memref<1x4096xf32, #tpu.memory_space<hbm>>
    %dma_wait3A_355 = tpu.memref_squeeze %dma_wait3A_354 : memref<1x4096xf32, #tpu.memory_space<hbm>> -> memref<4096xf32, #tpu.memory_space<hbm>>
    %dma_wait3A_356 = arith.constant 0 : i32
    %dma_wait3A_357 = tpu.memref_slice %arg9[%dma_wait3A_346, %dma_wait3A_356] : memref<2x4096xf32, #tpu.memory_space<vmem>> -> memref<1x4096xf32, #tpu.memory_space<vmem>>
    %dma_wait3A_358 = tpu.memref_squeeze %dma_wait3A_357 : memref<1x4096xf32, #tpu.memory_space<vmem>> -> memref<4096xf32, #tpu.memory_space<vmem>>
    tpu.wait_dma2 semaphore(%arg11 : memref<!tpu.dma_semaphore, #tpu.memory_space<semaphore_mem>>) src(%dma_wait3A_358 : memref<4096xf32, #tpu.memory_space<vmem>>) dst(%dma_wait3A_355 : memref<4096xf32, #tpu.memory_space<hbm>>)
    %dma_wait3A_359 = arith.constant 0 : i32
    %dma_wait3A_360 = tpu.memref_slice %arg2[%add3A_318, %dma_wait3A_359] : memref<416x100000xf32, #tpu.memory_space<hbm>> -> memref<1x100000xf32, #tpu.memory_space<hbm>>
    %dma_wait3A_361 = tpu.memref_squeeze %dma_wait3A_360 : memref<1x100000xf32, #tpu.memory_space<hbm>> -> memref<100000xf32, #tpu.memory_space<hbm>>
    %dma_wait3A_362 = arith.constant 0 : i32
    %dma_wait3A_363 = tpu.memref_slice %arg2[%add3A_318, %dma_wait3A_362] : memref<416x100000xf32, #tpu.memory_space<hbm>> -> memref<1x100000xf32, #tpu.memory_space<hbm>>
    %dma_wait3A_364 = tpu.memref_squeeze %dma_wait3A_363 : memref<1x100000xf32, #tpu.memory_space<hbm>> -> memref<100000xf32, #tpu.memory_space<hbm>>
    tpu.wait_dma2 semaphore(%arg10 : memref<!tpu.dma_semaphore, #tpu.memory_space<semaphore_mem>>) src(%dma_wait3A_364 : memref<100000xf32, #tpu.memory_space<hbm>>) dst(%arg8 : memref<100000xf32, #tpu.memory_space<vmem>>)
    %scan3A_365 = arith.constant 0 : i32
    %scan3A_366 = arith.constant 0 : i32
    %scan3A_367 = arith.constant 256 : i32
    %scan3A_368 = arith.addi %scan3A_366, %scan3A_367 : i32
    %scan3A_369 = arith.constant 8 : i32
    %scan3A_370 = scf.for %scan3A_906 = %scan3A_366 to %scan3A_368 step %scan3A_369 iter_args(%scan3A_907 = %scan3A_365) -> (i32)  : i32 {
      %mul3A_908 = arith.constant 16 : i32
      %mul3A_909 = arith.muli %scan3A_906, %mul3A_908 : i32
      %get3A = arith.index_cast %mul3A_909 : i32 to index
      %get3A_910 = tpu.vector_load %arg7[%get3A] {strides = array<i32>} : memref<4096xi32, #tpu.memory_space<vmem>>, vector<16xi32>,
      %gather3A = tpu.vector_load_idx %arg8[%get3A_910] : memref<100000xf32, #tpu.memory_space<vmem>>[vector<16xi32>], vector<16xf32>,
      %mul3A_911 = arith.constant 16 : i32
      %mul3A_912 = arith.muli %scan3A_906, %mul3A_911 : i32
      %swap3A = arith.constant 1 : i32
      %swap3A_913 = arith.index_cast %swap3A : i32 to index
      %swap3A_914 = arith.index_cast %mul3A_912 : i32 to index
      %swap3A_915 = tpu.vector_load %arg9[%swap3A_913, %swap3A_914] {strides = array<i32>} : memref<2x4096xf32, #tpu.memory_space<vmem>>, vector<16xf32>,
      tpu.vector_store %arg9[%swap3A_913, %swap3A_914], %gather3A {strides = array<i32>} : memref<2x4096xf32, #tpu.memory_space<vmem>>, vector<16xf32>,
      %scan3A_916 = arith.constant 0 : i32
      %scan3A_917 = arith.constant 1 : i32
      %scan3A_918 = arith.addi %scan3A_906, %scan3A_917 : i32
      %mul3A_919 = arith.constant 16 : i32
      %mul3A_920 = arith.muli %scan3A_918, %mul3A_919 : i32
      %get3A_921 = arith.index_cast %mul3A_920 : i32 to index
      %get3A_922 = tpu.vector_load %arg7[%get3A_921] {strides = array<i32>} : memref<4096xi32, #tpu.memory_space<vmem>>, vector<16xi32>,
      %gather3A_923 = tpu.vector_load_idx %arg8[%get3A_922] : memref<100000xf32, #tpu.memory_space<vmem>>[vector<16xi32>], vector<16xf32>,
      %mul3A_924 = arith.constant 16 : i32
      %mul3A_925 = arith.muli %scan3A_918, %mul3A_924 : i32
      %swap3A_926 = arith.constant 1 : i32
      %swap3A_927 = arith.index_cast %swap3A_926 : i32 to index
      %swap3A_928 = arith.index_cast %mul3A_925 : i32 to index
      %swap3A_929 = tpu.vector_load %arg9[%swap3A_927, %swap3A_928] {strides = array<i32>} : memref<2x4096xf32, #tpu.memory_space<vmem>>, vector<16xf32>,
      tpu.vector_store %arg9[%swap3A_927, %swap3A_928], %gather3A_923 {strides = array<i32>} : memref<2x4096xf32, #tpu.memory_space<vmem>>, vector<16xf32>,
      %scan3A_930 = arith.constant 0 : i32
      %scan3A_931 = arith.constant 2 : i32
      %scan3A_932 = arith.addi %scan3A_906, %scan3A_931 : i32
      %mul3A_933 = arith.constant 16 : i32
      %mul3A_934 = arith.muli %scan3A_932, %mul3A_933 : i32
      %get3A_935 = arith.index_cast %mul3A_934 : i32 to index
      %get3A_936 = tpu.vector_load %arg7[%get3A_935] {strides = array<i32>} : memref<4096xi32, #tpu.memory_space<vmem>>, vector<16xi32>,
      %gather3A_937 = tpu.vector_load_idx %arg8[%get3A_936] : memref<100000xf32, #tpu.memory_space<vmem>>[vector<16xi32>], vector<16xf32>,
      %mul3A_938 = arith.constant 16 : i32
      %mul3A_939 = arith.muli %scan3A_932, %mul3A_938 : i32
      %swap3A_940 = arith.constant 1 : i32
      %swap3A_941 = arith.index_cast %swap3A_940 : i32 to index
      %swap3A_942 = arith.index_cast %mul3A_939 : i32 to index
      %swap3A_943 = tpu.vector_load %arg9[%swap3A_941, %swap3A_942] {strides = array<i32>} : memref<2x4096xf32, #tpu.memory_space<vmem>>, vector<16xf32>,
      tpu.vector_store %arg9[%swap3A_941, %swap3A_942], %gather3A_937 {strides = array<i32>} : memref<2x4096xf32, #tpu.memory_space<vmem>>, vector<16xf32>,
      %scan3A_944 = arith.constant 0 : i32
      %scan3A_945 = arith.constant 3 : i32
      %scan3A_946 = arith.addi %scan3A_906, %scan3A_945 : i32
      %mul3A_947 = arith.constant 16 : i32
      %mul3A_948 = arith.muli %scan3A_946, %mul3A_947 : i32
      %get3A_949 = arith.index_cast %mul3A_948 : i32 to index
      %get3A_950 = tpu.vector_load %arg7[%get3A_949] {strides = array<i32>} : memref<4096xi32, #tpu.memory_space<vmem>>, vector<16xi32>,
      %gather3A_951 = tpu.vector_load_idx %arg8[%get3A_950] : memref<100000xf32, #tpu.memory_space<vmem>>[vector<16xi32>], vector<16xf32>,
      %mul3A_952 = arith.constant 16 : i32
      %mul3A_953 = arith.muli %scan3A_946, %mul3A_952 : i32
      %swap3A_954 = arith.constant 1 : i32
      %swap3A_955 = arith.index_cast %swap3A_954 : i32 to index
      %swap3A_956 = arith.index_cast %mul3A_953 : i32 to index
      %swap3A_957 = tpu.vector_load %arg9[%swap3A_955, %swap3A_956] {strides = array<i32>} : memref<2x4096xf32, #tpu.memory_space<vmem>>, vector<16xf32>,
      tpu.vector_store %arg9[%swap3A_955, %swap3A_956], %gather3A_951 {strides = array<i32>} : memref<2x4096xf32, #tpu.memory_space<vmem>>, vector<16xf32>,
      %scan3A_958 = arith.constant 0 : i32
      %scan3A_959 = arith.constant 4 : i32
      %scan3A_960 = arith.addi %scan3A_906, %scan3A_959 : i32
      %mul3A_961 = arith.constant 16 : i32
      %mul3A_962 = arith.muli %scan3A_960, %mul3A_961 : i32
      %get3A_963 = arith.index_cast %mul3A_962 : i32 to index
      %get3A_964 = tpu.vector_load %arg7[%get3A_963] {strides = array<i32>} : memref<4096xi32, #tpu.memory_space<vmem>>, vector<16xi32>,
      %gather3A_965 = tpu.vector_load_idx %arg8[%get3A_964] : memref<100000xf32, #tpu.memory_space<vmem>>[vector<16xi32>], vector<16xf32>,
      %mul3A_966 = arith.constant 16 : i32
      %mul3A_967 = arith.muli %scan3A_960, %mul3A_966 : i32
      %swap3A_968 = arith.constant 1 : i32
      %swap3A_969 = arith.index_cast %swap3A_968 : i32 to index
      %swap3A_970 = arith.index_cast %mul3A_967 : i32 to index
      %swap3A_971 = tpu.vector_load %arg9[%swap3A_969, %swap3A_970] {strides = array<i32>} : memref<2x4096xf32, #tpu.memory_space<vmem>>, vector<16xf32>,
      tpu.vector_store %arg9[%swap3A_969, %swap3A_970], %gather3A_965 {strides = array<i32>} : memref<2x4096xf32, #tpu.memory_space<vmem>>, vector<16xf32>,
      %scan3A_972 = arith.constant 0 : i32
      %scan3A_973 = arith.constant 5 : i32
      %scan3A_974 = arith.addi %scan3A_906, %scan3A_973 : i32
      %mul3A_975 = arith.constant 16 : i32
      %mul3A_976 = arith.muli %scan3A_974, %mul3A_975 : i32
      %get3A_977 = arith.index_cast %mul3A_976 : i32 to index
      %get3A_978 = tpu.vector_load %arg7[%get3A_977] {strides = array<i32>} : memref<4096xi32, #tpu.memory_space<vmem>>, vector<16xi32>,
      %gather3A_979 = tpu.vector_load_idx %arg8[%get3A_978] : memref<100000xf32, #tpu.memory_space<vmem>>[vector<16xi32>], vector<16xf32>,
      %mul3A_980 = arith.constant 16 : i32
      %mul3A_981 = arith.muli %scan3A_974, %mul3A_980 : i32
      %swap3A_982 = arith.constant 1 : i32
      %swap3A_983 = arith.index_cast %swap3A_982 : i32 to index
      %swap3A_984 = arith.index_cast %mul3A_981 : i32 to index
      %swap3A_985 = tpu.vector_load %arg9[%swap3A_983, %swap3A_984] {strides = array<i32>} : memref<2x4096xf32, #tpu.memory_space<vmem>>, vector<16xf32>,
      tpu.vector_store %arg9[%swap3A_983, %swap3A_984], %gather3A_979 {strides = array<i32>} : memref<2x4096xf32, #tpu.memory_space<vmem>>, vector<16xf32>,
      %scan3A_986 = arith.constant 0 : i32
      %scan3A_987 = arith.constant 6 : i32
      %scan3A_988 = arith.addi %scan3A_906, %scan3A_987 : i32
      %mul3A_989 = arith.constant 16 : i32
      %mul3A_990 = arith.muli %scan3A_988, %mul3A_989 : i32
      %get3A_991 = arith.index_cast %mul3A_990 : i32 to index
      %get3A_992 = tpu.vector_load %arg7[%get3A_991] {strides = array<i32>} : memref<4096xi32, #tpu.memory_space<vmem>>, vector<16xi32>,
      %gather3A_993 = tpu.vector_load_idx %arg8[%get3A_992] : memref<100000xf32, #tpu.memory_space<vmem>>[vector<16xi32>], vector<16xf32>,
      %mul3A_994 = arith.constant 16 : i32
      %mul3A_995 = arith.muli %scan3A_988, %mul3A_994 : i32
      %swap3A_996 = arith.constant 1 : i32
      %swap3A_997 = arith.index_cast %swap3A_996 : i32 to index
      %swap3A_998 = arith.index_cast %mul3A_995 : i32 to index
      %swap3A_999 = tpu.vector_load %arg9[%swap3A_997, %swap3A_998] {strides = array<i32>} : memref<2x4096xf32, #tpu.memory_space<vmem>>, vector<16xf32>,
      tpu.vector_store %arg9[%swap3A_997, %swap3A_998], %gather3A_993 {strides = array<i32>} : memref<2x4096xf32, #tpu.memory_space<vmem>>, vector<16xf32>,
      %scan3A_1000 = arith.constant 0 : i32
      %scan3A_1001 = arith.constant 7 : i32
      %scan3A_1002 = arith.addi %scan3A_906, %scan3A_1001 : i32
      %mul3A_1003 = arith.constant 16 : i32
      %mul3A_1004 = arith.muli %scan3A_1002, %mul3A_1003 : i32
      %get3A_1005 = arith.index_cast %mul3A_1004 : i32 to index
      %get3A_1006 = tpu.vector_load %arg7[%get3A_1005] {strides = array<i32>} : memref<4096xi32, #tpu.memory_space<vmem>>, vector<16xi32>,
      %gather3A_1007 = tpu.vector_load_idx %arg8[%get3A_1006] : memref<100000xf32, #tpu.memory_space<vmem>>[vector<16xi32>], vector<16xf32>,
      %mul3A_1008 = arith.constant 16 : i32
      %mul3A_1009 = arith.muli %scan3A_1002, %mul3A_1008 : i32
      %swap3A_1010 = arith.constant 1 : i32
      %swap3A_1011 = arith.index_cast %swap3A_1010 : i32 to index
      %swap3A_1012 = arith.index_cast %mul3A_1009 : i32 to index
      %swap3A_1013 = tpu.vector_load %arg9[%swap3A_1011, %swap3A_1012] {strides = array<i32>} : memref<2x4096xf32, #tpu.memory_space<vmem>>, vector<16xf32>,
      tpu.vector_store %arg9[%swap3A_1011, %swap3A_1012], %gather3A_1007 {strides = array<i32>} : memref<2x4096xf32, #tpu.memory_space<vmem>>, vector<16xf32>,
      %scan3A_1014 = arith.constant 0 : i32
      scf.yield %scan3A_1014 : i32
    }
    %scan3A_371 = arith.constant 256 : i32
    %dma_start3A_372 = arith.constant 1 : i32
    %dma_start3A_373 = arith.constant 0 : i32
    %dma_start3A_374 = tpu.memref_slice %arg9[%dma_start3A_372, %dma_start3A_373] : memref<2x4096xf32, #tpu.memory_space<vmem>> -> memref<1x4096xf32, #tpu.memory_space<vmem>>
    %dma_start3A_375 = tpu.memref_squeeze %dma_start3A_374 : memref<1x4096xf32, #tpu.memory_space<vmem>> -> memref<4096xf32, #tpu.memory_space<vmem>>
    %dma_start3A_376 = arith.constant 0 : i32
    %dma_start3A_377 = tpu.memref_slice %arg5[%add3A_318, %dma_start3A_376] : memref<416x4096xf32, #tpu.memory_space<hbm>> -> memref<1x4096xf32, #tpu.memory_space<hbm>>
    %dma_start3A_378 = tpu.memref_squeeze %dma_start3A_377 : memref<1x4096xf32, #tpu.memory_space<hbm>> -> memref<4096xf32, #tpu.memory_space<hbm>>
    %dma_start3A_379 = arith.constant 0 : i32
    %dma_start3A_380 = tpu.memref_slice %arg5[%add3A_318, %dma_start3A_379] : memref<416x4096xf32, #tpu.memory_space<hbm>> -> memref<1x4096xf32, #tpu.memory_space<hbm>>
    %dma_start3A_381 = tpu.memref_squeeze %dma_start3A_380 : memref<1x4096xf32, #tpu.memory_space<hbm>> -> memref<4096xf32, #tpu.memory_space<hbm>>
    %dma_start3A_382 = arith.constant 0 : i32
    %dma_start3A_383 = tpu.memref_slice %arg9[%dma_start3A_372, %dma_start3A_382] : memref<2x4096xf32, #tpu.memory_space<vmem>> -> memref<1x4096xf32, #tpu.memory_space<vmem>>
    %dma_start3A_384 = tpu.memref_squeeze %dma_start3A_383 : memref<1x4096xf32, #tpu.memory_space<vmem>> -> memref<4096xf32, #tpu.memory_space<vmem>>
    tpu.enqueue_dma source(%dma_start3A_384 : memref<4096xf32, #tpu.memory_space<vmem>>) target(%dma_start3A_381 : memref<4096xf32, #tpu.memory_space<hbm>>) target_semaphore(%arg11 : memref<!tpu.dma_semaphore, #tpu.memory_space<semaphore_mem>>)
    %mul3A_385 = arith.constant 13 : i32
    %mul3A_386 = arith.muli %add3A, %mul3A_385 : i32
    %add3A_387 = arith.constant 6 : i32
    %add3A_388 = arith.addi %mul3A_386, %add3A_387 : i32
    %dma_start3A_389 = arith.constant 0 : i32
    %dma_start3A_390 = tpu.memref_slice %arg2[%add3A_388, %dma_start3A_389] : memref<416x100000xf32, #tpu.memory_space<hbm>> -> memref<1x100000xf32, #tpu.memory_space<hbm>>
    %dma_start3A_391 = tpu.memref_squeeze %dma_start3A_390 : memref<1x100000xf32, #tpu.memory_space<hbm>> -> memref<100000xf32, #tpu.memory_space<hbm>>
    %dma_start3A_392 = arith.constant 0 : i32
    %dma_start3A_393 = tpu.memref_slice %arg2[%add3A_388, %dma_start3A_392] : memref<416x100000xf32, #tpu.memory_space<hbm>> -> memref<1x100000xf32, #tpu.memory_space<hbm>>
    %dma_start3A_394 = tpu.memref_squeeze %dma_start3A_393 : memref<1x100000xf32, #tpu.memory_space<hbm>> -> memref<100000xf32, #tpu.memory_space<hbm>>
    tpu.enqueue_dma source(%dma_start3A_394 : memref<100000xf32, #tpu.memory_space<hbm>>) target(%arg8 : memref<100000xf32, #tpu.memory_space<vmem>>) target_semaphore(%arg10 : memref<!tpu.dma_semaphore, #tpu.memory_space<semaphore_mem>>)
    %jit3A_395 = arith.constant 16 : i32
    %eq3A_396 = arith.constant 0 : i32
    %eq3A_397 = arith.cmpi eq, %jit3A_395, %eq3A_396 : i32
    %jit3A_398 = arith.constant 1 : i32
    %select_n3A_399 = arith.select %eq3A_397, %jit3A_398, %jit3A_395 : i32
    %rem3A_400 = arith.remsi %add3A_388, %select_n3A_399 : i32
    %ne3A_401 = arith.constant 0 : i32
    %ne3A_402 = arith.cmpi ne, %rem3A_400, %ne3A_401 : i32
    %lt3A_403 = arith.constant 0 : i32
    %lt3A_404 = arith.cmpi slt, %rem3A_400, %lt3A_403 : i32
    %lt3A_405 = arith.constant 0 : i32
    %lt3A_406 = arith.cmpi slt, %select_n3A_399, %lt3A_405 : i32
    %ne3A_407 = arith.xori %lt3A_404, %lt3A_406 : i1
    %and3A_408 = arith.andi %ne3A_407, %ne3A_402 : i1
    %add3A_409 = arith.addi %rem3A_400, %select_n3A_399 : i32
    %select_n3A_410 = arith.select %and3A_408, %add3A_409, %rem3A_400 : i32
    %eq3A_411 = arith.constant 0 : i32
    %eq3A_412 = arith.cmpi eq, %select_n3A_410, %eq3A_411 : i32
    %convert_element_type3A_413 = arith.extui %eq3A_412 : i1 to i32
    %cond3A_414 = arith.constant 0 : i32
    %cond3A_415 = arith.cmpi ne, %convert_element_type3A_413, %cond3A_414 : i32
    scf.if %cond3A_415 {
      %jit3A_906 = arith.constant 16 : i32
      %div3A_907 = arith.divsi %add3A_388, %jit3A_906 : i32
      %sign3A_908 = arith.constant 0 : i32
      %sign3A_909 = arith.cmpi sgt, %add3A_388, %sign3A_908 : i32
      %sign3A_910 = arith.extui %sign3A_909 : i1 to i32
      %sign3A_911 = arith.constant 0 : i32
      %sign3A_912 = arith.cmpi slt, %add3A_388, %sign3A_911 : i32
      %sign3A_913 = arith.extui %sign3A_912 : i1 to i32
      %sign3A_914 = arith.subi %sign3A_910, %sign3A_913 : i32
      %sign3A_915 = arith.constant 0 : i32
      %sign3A_916 = arith.cmpi sgt, %jit3A_906, %sign3A_915 : i32
      %sign3A_917 = arith.extui %sign3A_916 : i1 to i32
      %sign3A_918 = arith.constant 0 : i32
      %sign3A_919 = arith.cmpi slt, %jit3A_906, %sign3A_918 : i32
      %sign3A_920 = arith.extui %sign3A_919 : i1 to i32
      %sign3A_921 = arith.subi %sign3A_917, %sign3A_920 : i32
      %ne3A_922 = arith.cmpi ne, %sign3A_914, %sign3A_921 : i32
      %rem3A_923 = arith.remsi %add3A_388, %jit3A_906 : i32
      %ne3A_924 = arith.constant 0 : i32
      %ne3A_925 = arith.cmpi ne, %rem3A_923, %ne3A_924 : i32
      %and3A_926 = arith.andi %ne3A_922, %ne3A_925 : i1
      %sub3A_927 = arith.constant 1 : i32
      %sub3A_928 = arith.subi %div3A_907, %sub3A_927 : i32
      %select_n3A_929 = arith.select %and3A_926, %sub3A_928, %div3A_907 : i32
      %mul3A_930 = arith.constant 4096 : i32
      %mul3A_931 = arith.muli %select_n3A_929, %mul3A_930 : i32
      "tpu.region"() ({
        %run_scoped3A = tpu.sem_alloc : memref<!tpu.dma_semaphore, #tpu.memory_space<semaphore_mem>>
        %dma_start3A_932 = tpu.memref_slice %arg4[%mul3A_931] : memref<106496xi32, #tpu.memory_space<hbm>> -> memref<4096xi32, #tpu.memory_space<hbm>>
        %dma_start3A_933 = tpu.memref_slice %arg4[%mul3A_931] : memref<106496xi32, #tpu.memory_space<hbm>> -> memref<4096xi32, #tpu.memory_space<hbm>>
        tpu.enqueue_dma source(%dma_start3A_933 : memref<4096xi32, #tpu.memory_space<hbm>>) target(%arg7 : memref<4096xi32, #tpu.memory_space<vmem>>) target_semaphore(%run_scoped3A : memref<!tpu.dma_semaphore, #tpu.memory_space<semaphore_mem>>)
        %dma_wait3A_934 = tpu.memref_slice %arg4[%mul3A_931] : memref<106496xi32, #tpu.memory_space<hbm>> -> memref<4096xi32, #tpu.memory_space<hbm>>
        %dma_wait3A_935 = tpu.memref_slice %arg4[%mul3A_931] : memref<106496xi32, #tpu.memory_space<hbm>> -> memref<4096xi32, #tpu.memory_space<hbm>>
        tpu.wait_dma2 semaphore(%run_scoped3A : memref<!tpu.dma_semaphore, #tpu.memory_space<semaphore_mem>>) src(%dma_wait3A_935 : memref<4096xi32, #tpu.memory_space<hbm>>) dst(%arg7 : memref<4096xi32, #tpu.memory_space<vmem>>)
        tpu.yield
      }) : () -> ()
    } else {
    }
    %dma_wait3A_416 = arith.constant 0 : i32
    %dma_wait3A_417 = arith.constant 0 : i32
    %dma_wait3A_418 = tpu.memref_slice %arg9[%dma_wait3A_416, %dma_wait3A_417] : memref<2x4096xf32, #tpu.memory_space<vmem>> -> memref<1x4096xf32, #tpu.memory_space<vmem>>
    %dma_wait3A_419 = tpu.memref_squeeze %dma_wait3A_418 : memref<1x4096xf32, #tpu.memory_space<vmem>> -> memref<4096xf32, #tpu.memory_space<vmem>>
    %dma_wait3A_420 = arith.constant 0 : i32
    %dma_wait3A_421 = tpu.memref_slice %arg5[%add3A_248, %dma_wait3A_420] : memref<416x4096xf32, #tpu.memory_space<hbm>> -> memref<1x4096xf32, #tpu.memory_space<hbm>>
    %dma_wait3A_422 = tpu.memref_squeeze %dma_wait3A_421 : memref<1x4096xf32, #tpu.memory_space<hbm>> -> memref<4096xf32, #tpu.memory_space<hbm>>
    %dma_wait3A_423 = arith.constant 0 : i32
    %dma_wait3A_424 = tpu.memref_slice %arg5[%add3A_248, %dma_wait3A_423] : memref<416x4096xf32, #tpu.memory_space<hbm>> -> memref<1x4096xf32, #tpu.memory_space<hbm>>
    %dma_wait3A_425 = tpu.memref_squeeze %dma_wait3A_424 : memref<1x4096xf32, #tpu.memory_space<hbm>> -> memref<4096xf32, #tpu.memory_space<hbm>>
    %dma_wait3A_426 = arith.constant 0 : i32
    %dma_wait3A_427 = tpu.memref_slice %arg9[%dma_wait3A_416, %dma_wait3A_426] : memref<2x4096xf32, #tpu.memory_space<vmem>> -> memref<1x4096xf32, #tpu.memory_space<vmem>>
    %dma_wait3A_428 = tpu.memref_squeeze %dma_wait3A_427 : memref<1x4096xf32, #tpu.memory_space<vmem>> -> memref<4096xf32, #tpu.memory_space<vmem>>
    tpu.wait_dma2 semaphore(%arg11 : memref<!tpu.dma_semaphore, #tpu.memory_space<semaphore_mem>>) src(%dma_wait3A_428 : memref<4096xf32, #tpu.memory_space<vmem>>) dst(%dma_wait3A_425 : memref<4096xf32, #tpu.memory_space<hbm>>)
    %dma_wait3A_429 = arith.constant 0 : i32
    %dma_wait3A_430 = tpu.memref_slice %arg2[%add3A_388, %dma_wait3A_429] : memref<416x100000xf32, #tpu.memory_space<hbm>> -> memref<1x100000xf32, #tpu.memory_space<hbm>>
    %dma_wait3A_431 = tpu.memref_squeeze %dma_wait3A_430 : memref<1x100000xf32, #tpu.memory_space<hbm>> -> memref<100000xf32, #tpu.memory_space<hbm>>
    %dma_wait3A_432 = arith.constant 0 : i32
    %dma_wait3A_433 = tpu.memref_slice %arg2[%add3A_388, %dma_wait3A_432] : memref<416x100000xf32, #tpu.memory_space<hbm>> -> memref<1x100000xf32, #tpu.memory_space<hbm>>
    %dma_wait3A_434 = tpu.memref_squeeze %dma_wait3A_433 : memref<1x100000xf32, #tpu.memory_space<hbm>> -> memref<100000xf32, #tpu.memory_space<hbm>>
    tpu.wait_dma2 semaphore(%arg10 : memref<!tpu.dma_semaphore, #tpu.memory_space<semaphore_mem>>) src(%dma_wait3A_434 : memref<100000xf32, #tpu.memory_space<hbm>>) dst(%arg8 : memref<100000xf32, #tpu.memory_space<vmem>>)
    %scan3A_435 = arith.constant 0 : i32
    %scan3A_436 = arith.constant 0 : i32
    %scan3A_437 = arith.constant 256 : i32
    %scan3A_438 = arith.addi %scan3A_436, %scan3A_437 : i32
    %scan3A_439 = arith.constant 8 : i32
    %scan3A_440 = scf.for %scan3A_906 = %scan3A_436 to %scan3A_438 step %scan3A_439 iter_args(%scan3A_907 = %scan3A_435) -> (i32)  : i32 {
      %mul3A_908 = arith.constant 16 : i32
      %mul3A_909 = arith.muli %scan3A_906, %mul3A_908 : i32
      %get3A = arith.index_cast %mul3A_909 : i32 to index
      %get3A_910 = tpu.vector_load %arg7[%get3A] {strides = array<i32>} : memref<4096xi32, #tpu.memory_space<vmem>>, vector<16xi32>,
      %gather3A = tpu.vector_load_idx %arg8[%get3A_910] : memref<100000xf32, #tpu.memory_space<vmem>>[vector<16xi32>], vector<16xf32>,
      %mul3A_911 = arith.constant 16 : i32
      %mul3A_912 = arith.muli %scan3A_906, %mul3A_911 : i32
      %swap3A = arith.constant 0 : i32
      %swap3A_913 = arith.index_cast %swap3A : i32 to index
      %swap3A_914 = arith.index_cast %mul3A_912 : i32 to index
      %swap3A_915 = tpu.vector_load %arg9[%swap3A_913, %swap3A_914] {strides = array<i32>} : memref<2x4096xf32, #tpu.memory_space<vmem>>, vector<16xf32>,
      tpu.vector_store %arg9[%swap3A_913, %swap3A_914], %gather3A {strides = array<i32>} : memref<2x4096xf32, #tpu.memory_space<vmem>>, vector<16xf32>,
      %scan3A_916 = arith.constant 0 : i32
      %scan3A_917 = arith.constant 1 : i32
      %scan3A_918 = arith.addi %scan3A_906, %scan3A_917 : i32
      %mul3A_919 = arith.constant 16 : i32
      %mul3A_920 = arith.muli %scan3A_918, %mul3A_919 : i32
      %get3A_921 = arith.index_cast %mul3A_920 : i32 to index
      %get3A_922 = tpu.vector_load %arg7[%get3A_921] {strides = array<i32>} : memref<4096xi32, #tpu.memory_space<vmem>>, vector<16xi32>,
      %gather3A_923 = tpu.vector_load_idx %arg8[%get3A_922] : memref<100000xf32, #tpu.memory_space<vmem>>[vector<16xi32>], vector<16xf32>,
      %mul3A_924 = arith.constant 16 : i32
      %mul3A_925 = arith.muli %scan3A_918, %mul3A_924 : i32
      %swap3A_926 = arith.constant 0 : i32
      %swap3A_927 = arith.index_cast %swap3A_926 : i32 to index
      %swap3A_928 = arith.index_cast %mul3A_925 : i32 to index
      %swap3A_929 = tpu.vector_load %arg9[%swap3A_927, %swap3A_928] {strides = array<i32>} : memref<2x4096xf32, #tpu.memory_space<vmem>>, vector<16xf32>,
      tpu.vector_store %arg9[%swap3A_927, %swap3A_928], %gather3A_923 {strides = array<i32>} : memref<2x4096xf32, #tpu.memory_space<vmem>>, vector<16xf32>,
      %scan3A_930 = arith.constant 0 : i32
      %scan3A_931 = arith.constant 2 : i32
      %scan3A_932 = arith.addi %scan3A_906, %scan3A_931 : i32
      %mul3A_933 = arith.constant 16 : i32
      %mul3A_934 = arith.muli %scan3A_932, %mul3A_933 : i32
      %get3A_935 = arith.index_cast %mul3A_934 : i32 to index
      %get3A_936 = tpu.vector_load %arg7[%get3A_935] {strides = array<i32>} : memref<4096xi32, #tpu.memory_space<vmem>>, vector<16xi32>,
      %gather3A_937 = tpu.vector_load_idx %arg8[%get3A_936] : memref<100000xf32, #tpu.memory_space<vmem>>[vector<16xi32>], vector<16xf32>,
      %mul3A_938 = arith.constant 16 : i32
      %mul3A_939 = arith.muli %scan3A_932, %mul3A_938 : i32
      %swap3A_940 = arith.constant 0 : i32
      %swap3A_941 = arith.index_cast %swap3A_940 : i32 to index
      %swap3A_942 = arith.index_cast %mul3A_939 : i32 to index
      %swap3A_943 = tpu.vector_load %arg9[%swap3A_941, %swap3A_942] {strides = array<i32>} : memref<2x4096xf32, #tpu.memory_space<vmem>>, vector<16xf32>,
      tpu.vector_store %arg9[%swap3A_941, %swap3A_942], %gather3A_937 {strides = array<i32>} : memref<2x4096xf32, #tpu.memory_space<vmem>>, vector<16xf32>,
      %scan3A_944 = arith.constant 0 : i32
      %scan3A_945 = arith.constant 3 : i32
      %scan3A_946 = arith.addi %scan3A_906, %scan3A_945 : i32
      %mul3A_947 = arith.constant 16 : i32
      %mul3A_948 = arith.muli %scan3A_946, %mul3A_947 : i32
      %get3A_949 = arith.index_cast %mul3A_948 : i32 to index
      %get3A_950 = tpu.vector_load %arg7[%get3A_949] {strides = array<i32>} : memref<4096xi32, #tpu.memory_space<vmem>>, vector<16xi32>,
      %gather3A_951 = tpu.vector_load_idx %arg8[%get3A_950] : memref<100000xf32, #tpu.memory_space<vmem>>[vector<16xi32>], vector<16xf32>,
      %mul3A_952 = arith.constant 16 : i32
      %mul3A_953 = arith.muli %scan3A_946, %mul3A_952 : i32
      %swap3A_954 = arith.constant 0 : i32
      %swap3A_955 = arith.index_cast %swap3A_954 : i32 to index
      %swap3A_956 = arith.index_cast %mul3A_953 : i32 to index
      %swap3A_957 = tpu.vector_load %arg9[%swap3A_955, %swap3A_956] {strides = array<i32>} : memref<2x4096xf32, #tpu.memory_space<vmem>>, vector<16xf32>,
      tpu.vector_store %arg9[%swap3A_955, %swap3A_956], %gather3A_951 {strides = array<i32>} : memref<2x4096xf32, #tpu.memory_space<vmem>>, vector<16xf32>,
      %scan3A_958 = arith.constant 0 : i32
      %scan3A_959 = arith.constant 4 : i32
      %scan3A_960 = arith.addi %scan3A_906, %scan3A_959 : i32
      %mul3A_961 = arith.constant 16 : i32
      %mul3A_962 = arith.muli %scan3A_960, %mul3A_961 : i32
      %get3A_963 = arith.index_cast %mul3A_962 : i32 to index
      %get3A_964 = tpu.vector_load %arg7[%get3A_963] {strides = array<i32>} : memref<4096xi32, #tpu.memory_space<vmem>>, vector<16xi32>,
      %gather3A_965 = tpu.vector_load_idx %arg8[%get3A_964] : memref<100000xf32, #tpu.memory_space<vmem>>[vector<16xi32>], vector<16xf32>,
      %mul3A_966 = arith.constant 16 : i32
      %mul3A_967 = arith.muli %scan3A_960, %mul3A_966 : i32
      %swap3A_968 = arith.constant 0 : i32
      %swap3A_969 = arith.index_cast %swap3A_968 : i32 to index
      %swap3A_970 = arith.index_cast %mul3A_967 : i32 to index
      %swap3A_971 = tpu.vector_load %arg9[%swap3A_969, %swap3A_970] {strides = array<i32>} : memref<2x4096xf32, #tpu.memory_space<vmem>>, vector<16xf32>,
      tpu.vector_store %arg9[%swap3A_969, %swap3A_970], %gather3A_965 {strides = array<i32>} : memref<2x4096xf32, #tpu.memory_space<vmem>>, vector<16xf32>,
      %scan3A_972 = arith.constant 0 : i32
      %scan3A_973 = arith.constant 5 : i32
      %scan3A_974 = arith.addi %scan3A_906, %scan3A_973 : i32
      %mul3A_975 = arith.constant 16 : i32
      %mul3A_976 = arith.muli %scan3A_974, %mul3A_975 : i32
      %get3A_977 = arith.index_cast %mul3A_976 : i32 to index
      %get3A_978 = tpu.vector_load %arg7[%get3A_977] {strides = array<i32>} : memref<4096xi32, #tpu.memory_space<vmem>>, vector<16xi32>,
      %gather3A_979 = tpu.vector_load_idx %arg8[%get3A_978] : memref<100000xf32, #tpu.memory_space<vmem>>[vector<16xi32>], vector<16xf32>,
      %mul3A_980 = arith.constant 16 : i32
      %mul3A_981 = arith.muli %scan3A_974, %mul3A_980 : i32
      %swap3A_982 = arith.constant 0 : i32
      %swap3A_983 = arith.index_cast %swap3A_982 : i32 to index
      %swap3A_984 = arith.index_cast %mul3A_981 : i32 to index
      %swap3A_985 = tpu.vector_load %arg9[%swap3A_983, %swap3A_984] {strides = array<i32>} : memref<2x4096xf32, #tpu.memory_space<vmem>>, vector<16xf32>,
      tpu.vector_store %arg9[%swap3A_983, %swap3A_984], %gather3A_979 {strides = array<i32>} : memref<2x4096xf32, #tpu.memory_space<vmem>>, vector<16xf32>,
      %scan3A_986 = arith.constant 0 : i32
      %scan3A_987 = arith.constant 6 : i32
      %scan3A_988 = arith.addi %scan3A_906, %scan3A_987 : i32
      %mul3A_989 = arith.constant 16 : i32
      %mul3A_990 = arith.muli %scan3A_988, %mul3A_989 : i32
      %get3A_991 = arith.index_cast %mul3A_990 : i32 to index
      %get3A_992 = tpu.vector_load %arg7[%get3A_991] {strides = array<i32>} : memref<4096xi32, #tpu.memory_space<vmem>>, vector<16xi32>,
      %gather3A_993 = tpu.vector_load_idx %arg8[%get3A_992] : memref<100000xf32, #tpu.memory_space<vmem>>[vector<16xi32>], vector<16xf32>,
      %mul3A_994 = arith.constant 16 : i32
      %mul3A_995 = arith.muli %scan3A_988, %mul3A_994 : i32
      %swap3A_996 = arith.constant 0 : i32
      %swap3A_997 = arith.index_cast %swap3A_996 : i32 to index
      %swap3A_998 = arith.index_cast %mul3A_995 : i32 to index
      %swap3A_999 = tpu.vector_load %arg9[%swap3A_997, %swap3A_998] {strides = array<i32>} : memref<2x4096xf32, #tpu.memory_space<vmem>>, vector<16xf32>,
      tpu.vector_store %arg9[%swap3A_997, %swap3A_998], %gather3A_993 {strides = array<i32>} : memref<2x4096xf32, #tpu.memory_space<vmem>>, vector<16xf32>,
      %scan3A_1000 = arith.constant 0 : i32
      %scan3A_1001 = arith.constant 7 : i32
      %scan3A_1002 = arith.addi %scan3A_906, %scan3A_1001 : i32
      %mul3A_1003 = arith.constant 16 : i32
      %mul3A_1004 = arith.muli %scan3A_1002, %mul3A_1003 : i32
      %get3A_1005 = arith.index_cast %mul3A_1004 : i32 to index
      %get3A_1006 = tpu.vector_load %arg7[%get3A_1005] {strides = array<i32>} : memref<4096xi32, #tpu.memory_space<vmem>>, vector<16xi32>,
      %gather3A_1007 = tpu.vector_load_idx %arg8[%get3A_1006] : memref<100000xf32, #tpu.memory_space<vmem>>[vector<16xi32>], vector<16xf32>,
      %mul3A_1008 = arith.constant 16 : i32
      %mul3A_1009 = arith.muli %scan3A_1002, %mul3A_1008 : i32
      %swap3A_1010 = arith.constant 0 : i32
      %swap3A_1011 = arith.index_cast %swap3A_1010 : i32 to index
      %swap3A_1012 = arith.index_cast %mul3A_1009 : i32 to index
      %swap3A_1013 = tpu.vector_load %arg9[%swap3A_1011, %swap3A_1012] {strides = array<i32>} : memref<2x4096xf32, #tpu.memory_space<vmem>>, vector<16xf32>,
      tpu.vector_store %arg9[%swap3A_1011, %swap3A_1012], %gather3A_1007 {strides = array<i32>} : memref<2x4096xf32, #tpu.memory_space<vmem>>, vector<16xf32>,
      %scan3A_1014 = arith.constant 0 : i32
      scf.yield %scan3A_1014 : i32
    }
    %scan3A_441 = arith.constant 256 : i32
    %dma_start3A_442 = arith.constant 0 : i32
    %dma_start3A_443 = arith.constant 0 : i32
    %dma_start3A_444 = tpu.memref_slice %arg9[%dma_start3A_442, %dma_start3A_443] : memref<2x4096xf32, #tpu.memory_space<vmem>> -> memref<1x4096xf32, #tpu.memory_space<vmem>>
    %dma_start3A_445 = tpu.memref_squeeze %dma_start3A_444 : memref<1x4096xf32, #tpu.memory_space<vmem>> -> memref<4096xf32, #tpu.memory_space<vmem>>
    %dma_start3A_446 = arith.constant 0 : i32
    %dma_start3A_447 = tpu.memref_slice %arg5[%add3A_388, %dma_start3A_446] : memref<416x4096xf32, #tpu.memory_space<hbm>> -> memref<1x4096xf32, #tpu.memory_space<hbm>>
    %dma_start3A_448 = tpu.memref_squeeze %dma_start3A_447 : memref<1x4096xf32, #tpu.memory_space<hbm>> -> memref<4096xf32, #tpu.memory_space<hbm>>
    %dma_start3A_449 = arith.constant 0 : i32
    %dma_start3A_450 = tpu.memref_slice %arg5[%add3A_388, %dma_start3A_449] : memref<416x4096xf32, #tpu.memory_space<hbm>> -> memref<1x4096xf32, #tpu.memory_space<hbm>>
    %dma_start3A_451 = tpu.memref_squeeze %dma_start3A_450 : memref<1x4096xf32, #tpu.memory_space<hbm>> -> memref<4096xf32, #tpu.memory_space<hbm>>
    %dma_start3A_452 = arith.constant 0 : i32
    %dma_start3A_453 = tpu.memref_slice %arg9[%dma_start3A_442, %dma_start3A_452] : memref<2x4096xf32, #tpu.memory_space<vmem>> -> memref<1x4096xf32, #tpu.memory_space<vmem>>
    %dma_start3A_454 = tpu.memref_squeeze %dma_start3A_453 : memref<1x4096xf32, #tpu.memory_space<vmem>> -> memref<4096xf32, #tpu.memory_space<vmem>>
    tpu.enqueue_dma source(%dma_start3A_454 : memref<4096xf32, #tpu.memory_space<vmem>>) target(%dma_start3A_451 : memref<4096xf32, #tpu.memory_space<hbm>>) target_semaphore(%arg11 : memref<!tpu.dma_semaphore, #tpu.memory_space<semaphore_mem>>)
    %mul3A_455 = arith.constant 13 : i32
    %mul3A_456 = arith.muli %add3A, %mul3A_455 : i32
    %add3A_457 = arith.constant 7 : i32
    %add3A_458 = arith.addi %mul3A_456, %add3A_457 : i32
    %dma_start3A_459 = arith.constant 0 : i32
    %dma_start3A_460 = tpu.memref_slice %arg2[%add3A_458, %dma_start3A_459] : memref<416x100000xf32, #tpu.memory_space<hbm>> -> memref<1x100000xf32, #tpu.memory_space<hbm>>
    %dma_start3A_461 = tpu.memref_squeeze %dma_start3A_460 : memref<1x100000xf32, #tpu.memory_space<hbm>> -> memref<100000xf32, #tpu.memory_space<hbm>>
    %dma_start3A_462 = arith.constant 0 : i32
    %dma_start3A_463 = tpu.memref_slice %arg2[%add3A_458, %dma_start3A_462] : memref<416x100000xf32, #tpu.memory_space<hbm>> -> memref<1x100000xf32, #tpu.memory_space<hbm>>
    %dma_start3A_464 = tpu.memref_squeeze %dma_start3A_463 : memref<1x100000xf32, #tpu.memory_space<hbm>> -> memref<100000xf32, #tpu.memory_space<hbm>>
    tpu.enqueue_dma source(%dma_start3A_464 : memref<100000xf32, #tpu.memory_space<hbm>>) target(%arg8 : memref<100000xf32, #tpu.memory_space<vmem>>) target_semaphore(%arg10 : memref<!tpu.dma_semaphore, #tpu.memory_space<semaphore_mem>>)
    %jit3A_465 = arith.constant 16 : i32
    %eq3A_466 = arith.constant 0 : i32
    %eq3A_467 = arith.cmpi eq, %jit3A_465, %eq3A_466 : i32
    %jit3A_468 = arith.constant 1 : i32
    %select_n3A_469 = arith.select %eq3A_467, %jit3A_468, %jit3A_465 : i32
    %rem3A_470 = arith.remsi %add3A_458, %select_n3A_469 : i32
    %ne3A_471 = arith.constant 0 : i32
    %ne3A_472 = arith.cmpi ne, %rem3A_470, %ne3A_471 : i32
    %lt3A_473 = arith.constant 0 : i32
    %lt3A_474 = arith.cmpi slt, %rem3A_470, %lt3A_473 : i32
    %lt3A_475 = arith.constant 0 : i32
    %lt3A_476 = arith.cmpi slt, %select_n3A_469, %lt3A_475 : i32
    %ne3A_477 = arith.xori %lt3A_474, %lt3A_476 : i1
    %and3A_478 = arith.andi %ne3A_477, %ne3A_472 : i1
    %add3A_479 = arith.addi %rem3A_470, %select_n3A_469 : i32
    %select_n3A_480 = arith.select %and3A_478, %add3A_479, %rem3A_470 : i32
    %eq3A_481 = arith.constant 0 : i32
    %eq3A_482 = arith.cmpi eq, %select_n3A_480, %eq3A_481 : i32
    %convert_element_type3A_483 = arith.extui %eq3A_482 : i1 to i32
    %cond3A_484 = arith.constant 0 : i32
    %cond3A_485 = arith.cmpi ne, %convert_element_type3A_483, %cond3A_484 : i32
    scf.if %cond3A_485 {
      %jit3A_906 = arith.constant 16 : i32
      %div3A_907 = arith.divsi %add3A_458, %jit3A_906 : i32
      %sign3A_908 = arith.constant 0 : i32
      %sign3A_909 = arith.cmpi sgt, %add3A_458, %sign3A_908 : i32
      %sign3A_910 = arith.extui %sign3A_909 : i1 to i32
      %sign3A_911 = arith.constant 0 : i32
      %sign3A_912 = arith.cmpi slt, %add3A_458, %sign3A_911 : i32
      %sign3A_913 = arith.extui %sign3A_912 : i1 to i32
      %sign3A_914 = arith.subi %sign3A_910, %sign3A_913 : i32
      %sign3A_915 = arith.constant 0 : i32
      %sign3A_916 = arith.cmpi sgt, %jit3A_906, %sign3A_915 : i32
      %sign3A_917 = arith.extui %sign3A_916 : i1 to i32
      %sign3A_918 = arith.constant 0 : i32
      %sign3A_919 = arith.cmpi slt, %jit3A_906, %sign3A_918 : i32
      %sign3A_920 = arith.extui %sign3A_919 : i1 to i32
      %sign3A_921 = arith.subi %sign3A_917, %sign3A_920 : i32
      %ne3A_922 = arith.cmpi ne, %sign3A_914, %sign3A_921 : i32
      %rem3A_923 = arith.remsi %add3A_458, %jit3A_906 : i32
      %ne3A_924 = arith.constant 0 : i32
      %ne3A_925 = arith.cmpi ne, %rem3A_923, %ne3A_924 : i32
      %and3A_926 = arith.andi %ne3A_922, %ne3A_925 : i1
      %sub3A_927 = arith.constant 1 : i32
      %sub3A_928 = arith.subi %div3A_907, %sub3A_927 : i32
      %select_n3A_929 = arith.select %and3A_926, %sub3A_928, %div3A_907 : i32
      %mul3A_930 = arith.constant 4096 : i32
      %mul3A_931 = arith.muli %select_n3A_929, %mul3A_930 : i32
      "tpu.region"() ({
        %run_scoped3A = tpu.sem_alloc : memref<!tpu.dma_semaphore, #tpu.memory_space<semaphore_mem>>
        %dma_start3A_932 = tpu.memref_slice %arg4[%mul3A_931] : memref<106496xi32, #tpu.memory_space<hbm>> -> memref<4096xi32, #tpu.memory_space<hbm>>
        %dma_start3A_933 = tpu.memref_slice %arg4[%mul3A_931] : memref<106496xi32, #tpu.memory_space<hbm>> -> memref<4096xi32, #tpu.memory_space<hbm>>
        tpu.enqueue_dma source(%dma_start3A_933 : memref<4096xi32, #tpu.memory_space<hbm>>) target(%arg7 : memref<4096xi32, #tpu.memory_space<vmem>>) target_semaphore(%run_scoped3A : memref<!tpu.dma_semaphore, #tpu.memory_space<semaphore_mem>>)
        %dma_wait3A_934 = tpu.memref_slice %arg4[%mul3A_931] : memref<106496xi32, #tpu.memory_space<hbm>> -> memref<4096xi32, #tpu.memory_space<hbm>>
        %dma_wait3A_935 = tpu.memref_slice %arg4[%mul3A_931] : memref<106496xi32, #tpu.memory_space<hbm>> -> memref<4096xi32, #tpu.memory_space<hbm>>
        tpu.wait_dma2 semaphore(%run_scoped3A : memref<!tpu.dma_semaphore, #tpu.memory_space<semaphore_mem>>) src(%dma_wait3A_935 : memref<4096xi32, #tpu.memory_space<hbm>>) dst(%arg7 : memref<4096xi32, #tpu.memory_space<vmem>>)
        tpu.yield
      }) : () -> ()
    } else {
    }
    %dma_wait3A_486 = arith.constant 1 : i32
    %dma_wait3A_487 = arith.constant 0 : i32
    %dma_wait3A_488 = tpu.memref_slice %arg9[%dma_wait3A_486, %dma_wait3A_487] : memref<2x4096xf32, #tpu.memory_space<vmem>> -> memref<1x4096xf32, #tpu.memory_space<vmem>>
    %dma_wait3A_489 = tpu.memref_squeeze %dma_wait3A_488 : memref<1x4096xf32, #tpu.memory_space<vmem>> -> memref<4096xf32, #tpu.memory_space<vmem>>
    %dma_wait3A_490 = arith.constant 0 : i32
    %dma_wait3A_491 = tpu.memref_slice %arg5[%add3A_318, %dma_wait3A_490] : memref<416x4096xf32, #tpu.memory_space<hbm>> -> memref<1x4096xf32, #tpu.memory_space<hbm>>
    %dma_wait3A_492 = tpu.memref_squeeze %dma_wait3A_491 : memref<1x4096xf32, #tpu.memory_space<hbm>> -> memref<4096xf32, #tpu.memory_space<hbm>>
    %dma_wait3A_493 = arith.constant 0 : i32
    %dma_wait3A_494 = tpu.memref_slice %arg5[%add3A_318, %dma_wait3A_493] : memref<416x4096xf32, #tpu.memory_space<hbm>> -> memref<1x4096xf32, #tpu.memory_space<hbm>>
    %dma_wait3A_495 = tpu.memref_squeeze %dma_wait3A_494 : memref<1x4096xf32, #tpu.memory_space<hbm>> -> memref<4096xf32, #tpu.memory_space<hbm>>
    %dma_wait3A_496 = arith.constant 0 : i32
    %dma_wait3A_497 = tpu.memref_slice %arg9[%dma_wait3A_486, %dma_wait3A_496] : memref<2x4096xf32, #tpu.memory_space<vmem>> -> memref<1x4096xf32, #tpu.memory_space<vmem>>
    %dma_wait3A_498 = tpu.memref_squeeze %dma_wait3A_497 : memref<1x4096xf32, #tpu.memory_space<vmem>> -> memref<4096xf32, #tpu.memory_space<vmem>>
    tpu.wait_dma2 semaphore(%arg11 : memref<!tpu.dma_semaphore, #tpu.memory_space<semaphore_mem>>) src(%dma_wait3A_498 : memref<4096xf32, #tpu.memory_space<vmem>>) dst(%dma_wait3A_495 : memref<4096xf32, #tpu.memory_space<hbm>>)
    %dma_wait3A_499 = arith.constant 0 : i32
    %dma_wait3A_500 = tpu.memref_slice %arg2[%add3A_458, %dma_wait3A_499] : memref<416x100000xf32, #tpu.memory_space<hbm>> -> memref<1x100000xf32, #tpu.memory_space<hbm>>
    %dma_wait3A_501 = tpu.memref_squeeze %dma_wait3A_500 : memref<1x100000xf32, #tpu.memory_space<hbm>> -> memref<100000xf32, #tpu.memory_space<hbm>>
    %dma_wait3A_502 = arith.constant 0 : i32
    %dma_wait3A_503 = tpu.memref_slice %arg2[%add3A_458, %dma_wait3A_502] : memref<416x100000xf32, #tpu.memory_space<hbm>> -> memref<1x100000xf32, #tpu.memory_space<hbm>>
    %dma_wait3A_504 = tpu.memref_squeeze %dma_wait3A_503 : memref<1x100000xf32, #tpu.memory_space<hbm>> -> memref<100000xf32, #tpu.memory_space<hbm>>
    tpu.wait_dma2 semaphore(%arg10 : memref<!tpu.dma_semaphore, #tpu.memory_space<semaphore_mem>>) src(%dma_wait3A_504 : memref<100000xf32, #tpu.memory_space<hbm>>) dst(%arg8 : memref<100000xf32, #tpu.memory_space<vmem>>)
    %scan3A_505 = arith.constant 0 : i32
    %scan3A_506 = arith.constant 0 : i32
    %scan3A_507 = arith.constant 256 : i32
    %scan3A_508 = arith.addi %scan3A_506, %scan3A_507 : i32
    %scan3A_509 = arith.constant 8 : i32
    %scan3A_510 = scf.for %scan3A_906 = %scan3A_506 to %scan3A_508 step %scan3A_509 iter_args(%scan3A_907 = %scan3A_505) -> (i32)  : i32 {
      %mul3A_908 = arith.constant 16 : i32
      %mul3A_909 = arith.muli %scan3A_906, %mul3A_908 : i32
      %get3A = arith.index_cast %mul3A_909 : i32 to index
      %get3A_910 = tpu.vector_load %arg7[%get3A] {strides = array<i32>} : memref<4096xi32, #tpu.memory_space<vmem>>, vector<16xi32>,
      %gather3A = tpu.vector_load_idx %arg8[%get3A_910] : memref<100000xf32, #tpu.memory_space<vmem>>[vector<16xi32>], vector<16xf32>,
      %mul3A_911 = arith.constant 16 : i32
      %mul3A_912 = arith.muli %scan3A_906, %mul3A_911 : i32
      %swap3A = arith.constant 1 : i32
      %swap3A_913 = arith.index_cast %swap3A : i32 to index
      %swap3A_914 = arith.index_cast %mul3A_912 : i32 to index
      %swap3A_915 = tpu.vector_load %arg9[%swap3A_913, %swap3A_914] {strides = array<i32>} : memref<2x4096xf32, #tpu.memory_space<vmem>>, vector<16xf32>,
      tpu.vector_store %arg9[%swap3A_913, %swap3A_914], %gather3A {strides = array<i32>} : memref<2x4096xf32, #tpu.memory_space<vmem>>, vector<16xf32>,
      %scan3A_916 = arith.constant 0 : i32
      %scan3A_917 = arith.constant 1 : i32
      %scan3A_918 = arith.addi %scan3A_906, %scan3A_917 : i32
      %mul3A_919 = arith.constant 16 : i32
      %mul3A_920 = arith.muli %scan3A_918, %mul3A_919 : i32
      %get3A_921 = arith.index_cast %mul3A_920 : i32 to index
      %get3A_922 = tpu.vector_load %arg7[%get3A_921] {strides = array<i32>} : memref<4096xi32, #tpu.memory_space<vmem>>, vector<16xi32>,
      %gather3A_923 = tpu.vector_load_idx %arg8[%get3A_922] : memref<100000xf32, #tpu.memory_space<vmem>>[vector<16xi32>], vector<16xf32>,
      %mul3A_924 = arith.constant 16 : i32
      %mul3A_925 = arith.muli %scan3A_918, %mul3A_924 : i32
      %swap3A_926 = arith.constant 1 : i32
      %swap3A_927 = arith.index_cast %swap3A_926 : i32 to index
      %swap3A_928 = arith.index_cast %mul3A_925 : i32 to index
      %swap3A_929 = tpu.vector_load %arg9[%swap3A_927, %swap3A_928] {strides = array<i32>} : memref<2x4096xf32, #tpu.memory_space<vmem>>, vector<16xf32>,
      tpu.vector_store %arg9[%swap3A_927, %swap3A_928], %gather3A_923 {strides = array<i32>} : memref<2x4096xf32, #tpu.memory_space<vmem>>, vector<16xf32>,
      %scan3A_930 = arith.constant 0 : i32
      %scan3A_931 = arith.constant 2 : i32
      %scan3A_932 = arith.addi %scan3A_906, %scan3A_931 : i32
      %mul3A_933 = arith.constant 16 : i32
      %mul3A_934 = arith.muli %scan3A_932, %mul3A_933 : i32
      %get3A_935 = arith.index_cast %mul3A_934 : i32 to index
      %get3A_936 = tpu.vector_load %arg7[%get3A_935] {strides = array<i32>} : memref<4096xi32, #tpu.memory_space<vmem>>, vector<16xi32>,
      %gather3A_937 = tpu.vector_load_idx %arg8[%get3A_936] : memref<100000xf32, #tpu.memory_space<vmem>>[vector<16xi32>], vector<16xf32>,
      %mul3A_938 = arith.constant 16 : i32
      %mul3A_939 = arith.muli %scan3A_932, %mul3A_938 : i32
      %swap3A_940 = arith.constant 1 : i32
      %swap3A_941 = arith.index_cast %swap3A_940 : i32 to index
      %swap3A_942 = arith.index_cast %mul3A_939 : i32 to index
      %swap3A_943 = tpu.vector_load %arg9[%swap3A_941, %swap3A_942] {strides = array<i32>} : memref<2x4096xf32, #tpu.memory_space<vmem>>, vector<16xf32>,
      tpu.vector_store %arg9[%swap3A_941, %swap3A_942], %gather3A_937 {strides = array<i32>} : memref<2x4096xf32, #tpu.memory_space<vmem>>, vector<16xf32>,
      %scan3A_944 = arith.constant 0 : i32
      %scan3A_945 = arith.constant 3 : i32
      %scan3A_946 = arith.addi %scan3A_906, %scan3A_945 : i32
      %mul3A_947 = arith.constant 16 : i32
      %mul3A_948 = arith.muli %scan3A_946, %mul3A_947 : i32
      %get3A_949 = arith.index_cast %mul3A_948 : i32 to index
      %get3A_950 = tpu.vector_load %arg7[%get3A_949] {strides = array<i32>} : memref<4096xi32, #tpu.memory_space<vmem>>, vector<16xi32>,
      %gather3A_951 = tpu.vector_load_idx %arg8[%get3A_950] : memref<100000xf32, #tpu.memory_space<vmem>>[vector<16xi32>], vector<16xf32>,
      %mul3A_952 = arith.constant 16 : i32
      %mul3A_953 = arith.muli %scan3A_946, %mul3A_952 : i32
      %swap3A_954 = arith.constant 1 : i32
      %swap3A_955 = arith.index_cast %swap3A_954 : i32 to index
      %swap3A_956 = arith.index_cast %mul3A_953 : i32 to index
      %swap3A_957 = tpu.vector_load %arg9[%swap3A_955, %swap3A_956] {strides = array<i32>} : memref<2x4096xf32, #tpu.memory_space<vmem>>, vector<16xf32>,
      tpu.vector_store %arg9[%swap3A_955, %swap3A_956], %gather3A_951 {strides = array<i32>} : memref<2x4096xf32, #tpu.memory_space<vmem>>, vector<16xf32>,
      %scan3A_958 = arith.constant 0 : i32
      %scan3A_959 = arith.constant 4 : i32
      %scan3A_960 = arith.addi %scan3A_906, %scan3A_959 : i32
      %mul3A_961 = arith.constant 16 : i32
      %mul3A_962 = arith.muli %scan3A_960, %mul3A_961 : i32
      %get3A_963 = arith.index_cast %mul3A_962 : i32 to index
      %get3A_964 = tpu.vector_load %arg7[%get3A_963] {strides = array<i32>} : memref<4096xi32, #tpu.memory_space<vmem>>, vector<16xi32>,
      %gather3A_965 = tpu.vector_load_idx %arg8[%get3A_964] : memref<100000xf32, #tpu.memory_space<vmem>>[vector<16xi32>], vector<16xf32>,
      %mul3A_966 = arith.constant 16 : i32
      %mul3A_967 = arith.muli %scan3A_960, %mul3A_966 : i32
      %swap3A_968 = arith.constant 1 : i32
      %swap3A_969 = arith.index_cast %swap3A_968 : i32 to index
      %swap3A_970 = arith.index_cast %mul3A_967 : i32 to index
      %swap3A_971 = tpu.vector_load %arg9[%swap3A_969, %swap3A_970] {strides = array<i32>} : memref<2x4096xf32, #tpu.memory_space<vmem>>, vector<16xf32>,
      tpu.vector_store %arg9[%swap3A_969, %swap3A_970], %gather3A_965 {strides = array<i32>} : memref<2x4096xf32, #tpu.memory_space<vmem>>, vector<16xf32>,
      %scan3A_972 = arith.constant 0 : i32
      %scan3A_973 = arith.constant 5 : i32
      %scan3A_974 = arith.addi %scan3A_906, %scan3A_973 : i32
      %mul3A_975 = arith.constant 16 : i32
      %mul3A_976 = arith.muli %scan3A_974, %mul3A_975 : i32
      %get3A_977 = arith.index_cast %mul3A_976 : i32 to index
      %get3A_978 = tpu.vector_load %arg7[%get3A_977] {strides = array<i32>} : memref<4096xi32, #tpu.memory_space<vmem>>, vector<16xi32>,
      %gather3A_979 = tpu.vector_load_idx %arg8[%get3A_978] : memref<100000xf32, #tpu.memory_space<vmem>>[vector<16xi32>], vector<16xf32>,
      %mul3A_980 = arith.constant 16 : i32
      %mul3A_981 = arith.muli %scan3A_974, %mul3A_980 : i32
      %swap3A_982 = arith.constant 1 : i32
      %swap3A_983 = arith.index_cast %swap3A_982 : i32 to index
      %swap3A_984 = arith.index_cast %mul3A_981 : i32 to index
      %swap3A_985 = tpu.vector_load %arg9[%swap3A_983, %swap3A_984] {strides = array<i32>} : memref<2x4096xf32, #tpu.memory_space<vmem>>, vector<16xf32>,
      tpu.vector_store %arg9[%swap3A_983, %swap3A_984], %gather3A_979 {strides = array<i32>} : memref<2x4096xf32, #tpu.memory_space<vmem>>, vector<16xf32>,
      %scan3A_986 = arith.constant 0 : i32
      %scan3A_987 = arith.constant 6 : i32
      %scan3A_988 = arith.addi %scan3A_906, %scan3A_987 : i32
      %mul3A_989 = arith.constant 16 : i32
      %mul3A_990 = arith.muli %scan3A_988, %mul3A_989 : i32
      %get3A_991 = arith.index_cast %mul3A_990 : i32 to index
      %get3A_992 = tpu.vector_load %arg7[%get3A_991] {strides = array<i32>} : memref<4096xi32, #tpu.memory_space<vmem>>, vector<16xi32>,
      %gather3A_993 = tpu.vector_load_idx %arg8[%get3A_992] : memref<100000xf32, #tpu.memory_space<vmem>>[vector<16xi32>], vector<16xf32>,
      %mul3A_994 = arith.constant 16 : i32
      %mul3A_995 = arith.muli %scan3A_988, %mul3A_994 : i32
      %swap3A_996 = arith.constant 1 : i32
      %swap3A_997 = arith.index_cast %swap3A_996 : i32 to index
      %swap3A_998 = arith.index_cast %mul3A_995 : i32 to index
      %swap3A_999 = tpu.vector_load %arg9[%swap3A_997, %swap3A_998] {strides = array<i32>} : memref<2x4096xf32, #tpu.memory_space<vmem>>, vector<16xf32>,
      tpu.vector_store %arg9[%swap3A_997, %swap3A_998], %gather3A_993 {strides = array<i32>} : memref<2x4096xf32, #tpu.memory_space<vmem>>, vector<16xf32>,
      %scan3A_1000 = arith.constant 0 : i32
      %scan3A_1001 = arith.constant 7 : i32
      %scan3A_1002 = arith.addi %scan3A_906, %scan3A_1001 : i32
      %mul3A_1003 = arith.constant 16 : i32
      %mul3A_1004 = arith.muli %scan3A_1002, %mul3A_1003 : i32
      %get3A_1005 = arith.index_cast %mul3A_1004 : i32 to index
      %get3A_1006 = tpu.vector_load %arg7[%get3A_1005] {strides = array<i32>} : memref<4096xi32, #tpu.memory_space<vmem>>, vector<16xi32>,
      %gather3A_1007 = tpu.vector_load_idx %arg8[%get3A_1006] : memref<100000xf32, #tpu.memory_space<vmem>>[vector<16xi32>], vector<16xf32>,
      %mul3A_1008 = arith.constant 16 : i32
      %mul3A_1009 = arith.muli %scan3A_1002, %mul3A_1008 : i32
      %swap3A_1010 = arith.constant 1 : i32
      %swap3A_1011 = arith.index_cast %swap3A_1010 : i32 to index
      %swap3A_1012 = arith.index_cast %mul3A_1009 : i32 to index
      %swap3A_1013 = tpu.vector_load %arg9[%swap3A_1011, %swap3A_1012] {strides = array<i32>} : memref<2x4096xf32, #tpu.memory_space<vmem>>, vector<16xf32>,
      tpu.vector_store %arg9[%swap3A_1011, %swap3A_1012], %gather3A_1007 {strides = array<i32>} : memref<2x4096xf32, #tpu.memory_space<vmem>>, vector<16xf32>,
      %scan3A_1014 = arith.constant 0 : i32
      scf.yield %scan3A_1014 : i32
    }
    %scan3A_511 = arith.constant 256 : i32
    %dma_start3A_512 = arith.constant 1 : i32
    %dma_start3A_513 = arith.constant 0 : i32
    %dma_start3A_514 = tpu.memref_slice %arg9[%dma_start3A_512, %dma_start3A_513] : memref<2x4096xf32, #tpu.memory_space<vmem>> -> memref<1x4096xf32, #tpu.memory_space<vmem>>
    %dma_start3A_515 = tpu.memref_squeeze %dma_start3A_514 : memref<1x4096xf32, #tpu.memory_space<vmem>> -> memref<4096xf32, #tpu.memory_space<vmem>>
    %dma_start3A_516 = arith.constant 0 : i32
    %dma_start3A_517 = tpu.memref_slice %arg5[%add3A_458, %dma_start3A_516] : memref<416x4096xf32, #tpu.memory_space<hbm>> -> memref<1x4096xf32, #tpu.memory_space<hbm>>
    %dma_start3A_518 = tpu.memref_squeeze %dma_start3A_517 : memref<1x4096xf32, #tpu.memory_space<hbm>> -> memref<4096xf32, #tpu.memory_space<hbm>>
    %dma_start3A_519 = arith.constant 0 : i32
    %dma_start3A_520 = tpu.memref_slice %arg5[%add3A_458, %dma_start3A_519] : memref<416x4096xf32, #tpu.memory_space<hbm>> -> memref<1x4096xf32, #tpu.memory_space<hbm>>
    %dma_start3A_521 = tpu.memref_squeeze %dma_start3A_520 : memref<1x4096xf32, #tpu.memory_space<hbm>> -> memref<4096xf32, #tpu.memory_space<hbm>>
    %dma_start3A_522 = arith.constant 0 : i32
    %dma_start3A_523 = tpu.memref_slice %arg9[%dma_start3A_512, %dma_start3A_522] : memref<2x4096xf32, #tpu.memory_space<vmem>> -> memref<1x4096xf32, #tpu.memory_space<vmem>>
    %dma_start3A_524 = tpu.memref_squeeze %dma_start3A_523 : memref<1x4096xf32, #tpu.memory_space<vmem>> -> memref<4096xf32, #tpu.memory_space<vmem>>
    tpu.enqueue_dma source(%dma_start3A_524 : memref<4096xf32, #tpu.memory_space<vmem>>) target(%dma_start3A_521 : memref<4096xf32, #tpu.memory_space<hbm>>) target_semaphore(%arg11 : memref<!tpu.dma_semaphore, #tpu.memory_space<semaphore_mem>>)
    %mul3A_525 = arith.constant 13 : i32
    %mul3A_526 = arith.muli %add3A, %mul3A_525 : i32
    %add3A_527 = arith.constant 8 : i32
    %add3A_528 = arith.addi %mul3A_526, %add3A_527 : i32
    %dma_start3A_529 = arith.constant 0 : i32
    %dma_start3A_530 = tpu.memref_slice %arg2[%add3A_528, %dma_start3A_529] : memref<416x100000xf32, #tpu.memory_space<hbm>> -> memref<1x100000xf32, #tpu.memory_space<hbm>>
    %dma_start3A_531 = tpu.memref_squeeze %dma_start3A_530 : memref<1x100000xf32, #tpu.memory_space<hbm>> -> memref<100000xf32, #tpu.memory_space<hbm>>
    %dma_start3A_532 = arith.constant 0 : i32
    %dma_start3A_533 = tpu.memref_slice %arg2[%add3A_528, %dma_start3A_532] : memref<416x100000xf32, #tpu.memory_space<hbm>> -> memref<1x100000xf32, #tpu.memory_space<hbm>>
    %dma_start3A_534 = tpu.memref_squeeze %dma_start3A_533 : memref<1x100000xf32, #tpu.memory_space<hbm>> -> memref<100000xf32, #tpu.memory_space<hbm>>
    tpu.enqueue_dma source(%dma_start3A_534 : memref<100000xf32, #tpu.memory_space<hbm>>) target(%arg8 : memref<100000xf32, #tpu.memory_space<vmem>>) target_semaphore(%arg10 : memref<!tpu.dma_semaphore, #tpu.memory_space<semaphore_mem>>)
    %jit3A_535 = arith.constant 16 : i32
    %eq3A_536 = arith.constant 0 : i32
    %eq3A_537 = arith.cmpi eq, %jit3A_535, %eq3A_536 : i32
    %jit3A_538 = arith.constant 1 : i32
    %select_n3A_539 = arith.select %eq3A_537, %jit3A_538, %jit3A_535 : i32
    %rem3A_540 = arith.remsi %add3A_528, %select_n3A_539 : i32
    %ne3A_541 = arith.constant 0 : i32
    %ne3A_542 = arith.cmpi ne, %rem3A_540, %ne3A_541 : i32
    %lt3A_543 = arith.constant 0 : i32
    %lt3A_544 = arith.cmpi slt, %rem3A_540, %lt3A_543 : i32
    %lt3A_545 = arith.constant 0 : i32
    %lt3A_546 = arith.cmpi slt, %select_n3A_539, %lt3A_545 : i32
    %ne3A_547 = arith.xori %lt3A_544, %lt3A_546 : i1
    %and3A_548 = arith.andi %ne3A_547, %ne3A_542 : i1
    %add3A_549 = arith.addi %rem3A_540, %select_n3A_539 : i32
    %select_n3A_550 = arith.select %and3A_548, %add3A_549, %rem3A_540 : i32
    %eq3A_551 = arith.constant 0 : i32
    %eq3A_552 = arith.cmpi eq, %select_n3A_550, %eq3A_551 : i32
    %convert_element_type3A_553 = arith.extui %eq3A_552 : i1 to i32
    %cond3A_554 = arith.constant 0 : i32
    %cond3A_555 = arith.cmpi ne, %convert_element_type3A_553, %cond3A_554 : i32
    scf.if %cond3A_555 {
      %jit3A_906 = arith.constant 16 : i32
      %div3A_907 = arith.divsi %add3A_528, %jit3A_906 : i32
      %sign3A_908 = arith.constant 0 : i32
      %sign3A_909 = arith.cmpi sgt, %add3A_528, %sign3A_908 : i32
      %sign3A_910 = arith.extui %sign3A_909 : i1 to i32
      %sign3A_911 = arith.constant 0 : i32
      %sign3A_912 = arith.cmpi slt, %add3A_528, %sign3A_911 : i32
      %sign3A_913 = arith.extui %sign3A_912 : i1 to i32
      %sign3A_914 = arith.subi %sign3A_910, %sign3A_913 : i32
      %sign3A_915 = arith.constant 0 : i32
      %sign3A_916 = arith.cmpi sgt, %jit3A_906, %sign3A_915 : i32
      %sign3A_917 = arith.extui %sign3A_916 : i1 to i32
      %sign3A_918 = arith.constant 0 : i32
      %sign3A_919 = arith.cmpi slt, %jit3A_906, %sign3A_918 : i32
      %sign3A_920 = arith.extui %sign3A_919 : i1 to i32
      %sign3A_921 = arith.subi %sign3A_917, %sign3A_920 : i32
      %ne3A_922 = arith.cmpi ne, %sign3A_914, %sign3A_921 : i32
      %rem3A_923 = arith.remsi %add3A_528, %jit3A_906 : i32
      %ne3A_924 = arith.constant 0 : i32
      %ne3A_925 = arith.cmpi ne, %rem3A_923, %ne3A_924 : i32
      %and3A_926 = arith.andi %ne3A_922, %ne3A_925 : i1
      %sub3A_927 = arith.constant 1 : i32
      %sub3A_928 = arith.subi %div3A_907, %sub3A_927 : i32
      %select_n3A_929 = arith.select %and3A_926, %sub3A_928, %div3A_907 : i32
      %mul3A_930 = arith.constant 4096 : i32
      %mul3A_931 = arith.muli %select_n3A_929, %mul3A_930 : i32
      "tpu.region"() ({
        %run_scoped3A = tpu.sem_alloc : memref<!tpu.dma_semaphore, #tpu.memory_space<semaphore_mem>>
        %dma_start3A_932 = tpu.memref_slice %arg4[%mul3A_931] : memref<106496xi32, #tpu.memory_space<hbm>> -> memref<4096xi32, #tpu.memory_space<hbm>>
        %dma_start3A_933 = tpu.memref_slice %arg4[%mul3A_931] : memref<106496xi32, #tpu.memory_space<hbm>> -> memref<4096xi32, #tpu.memory_space<hbm>>
        tpu.enqueue_dma source(%dma_start3A_933 : memref<4096xi32, #tpu.memory_space<hbm>>) target(%arg7 : memref<4096xi32, #tpu.memory_space<vmem>>) target_semaphore(%run_scoped3A : memref<!tpu.dma_semaphore, #tpu.memory_space<semaphore_mem>>)
        %dma_wait3A_934 = tpu.memref_slice %arg4[%mul3A_931] : memref<106496xi32, #tpu.memory_space<hbm>> -> memref<4096xi32, #tpu.memory_space<hbm>>
        %dma_wait3A_935 = tpu.memref_slice %arg4[%mul3A_931] : memref<106496xi32, #tpu.memory_space<hbm>> -> memref<4096xi32, #tpu.memory_space<hbm>>
        tpu.wait_dma2 semaphore(%run_scoped3A : memref<!tpu.dma_semaphore, #tpu.memory_space<semaphore_mem>>) src(%dma_wait3A_935 : memref<4096xi32, #tpu.memory_space<hbm>>) dst(%arg7 : memref<4096xi32, #tpu.memory_space<vmem>>)
        tpu.yield
      }) : () -> ()
    } else {
    }
    %dma_wait3A_556 = arith.constant 0 : i32
    %dma_wait3A_557 = arith.constant 0 : i32
    %dma_wait3A_558 = tpu.memref_slice %arg9[%dma_wait3A_556, %dma_wait3A_557] : memref<2x4096xf32, #tpu.memory_space<vmem>> -> memref<1x4096xf32, #tpu.memory_space<vmem>>
    %dma_wait3A_559 = tpu.memref_squeeze %dma_wait3A_558 : memref<1x4096xf32, #tpu.memory_space<vmem>> -> memref<4096xf32, #tpu.memory_space<vmem>>
    %dma_wait3A_560 = arith.constant 0 : i32
    %dma_wait3A_561 = tpu.memref_slice %arg5[%add3A_388, %dma_wait3A_560] : memref<416x4096xf32, #tpu.memory_space<hbm>> -> memref<1x4096xf32, #tpu.memory_space<hbm>>
    %dma_wait3A_562 = tpu.memref_squeeze %dma_wait3A_561 : memref<1x4096xf32, #tpu.memory_space<hbm>> -> memref<4096xf32, #tpu.memory_space<hbm>>
    %dma_wait3A_563 = arith.constant 0 : i32
    %dma_wait3A_564 = tpu.memref_slice %arg5[%add3A_388, %dma_wait3A_563] : memref<416x4096xf32, #tpu.memory_space<hbm>> -> memref<1x4096xf32, #tpu.memory_space<hbm>>
    %dma_wait3A_565 = tpu.memref_squeeze %dma_wait3A_564 : memref<1x4096xf32, #tpu.memory_space<hbm>> -> memref<4096xf32, #tpu.memory_space<hbm>>
    %dma_wait3A_566 = arith.constant 0 : i32
    %dma_wait3A_567 = tpu.memref_slice %arg9[%dma_wait3A_556, %dma_wait3A_566] : memref<2x4096xf32, #tpu.memory_space<vmem>> -> memref<1x4096xf32, #tpu.memory_space<vmem>>
    %dma_wait3A_568 = tpu.memref_squeeze %dma_wait3A_567 : memref<1x4096xf32, #tpu.memory_space<vmem>> -> memref<4096xf32, #tpu.memory_space<vmem>>
    tpu.wait_dma2 semaphore(%arg11 : memref<!tpu.dma_semaphore, #tpu.memory_space<semaphore_mem>>) src(%dma_wait3A_568 : memref<4096xf32, #tpu.memory_space<vmem>>) dst(%dma_wait3A_565 : memref<4096xf32, #tpu.memory_space<hbm>>)
    %dma_wait3A_569 = arith.constant 0 : i32
    %dma_wait3A_570 = tpu.memref_slice %arg2[%add3A_528, %dma_wait3A_569] : memref<416x100000xf32, #tpu.memory_space<hbm>> -> memref<1x100000xf32, #tpu.memory_space<hbm>>
    %dma_wait3A_571 = tpu.memref_squeeze %dma_wait3A_570 : memref<1x100000xf32, #tpu.memory_space<hbm>> -> memref<100000xf32, #tpu.memory_space<hbm>>
    %dma_wait3A_572 = arith.constant 0 : i32
    %dma_wait3A_573 = tpu.memref_slice %arg2[%add3A_528, %dma_wait3A_572] : memref<416x100000xf32, #tpu.memory_space<hbm>> -> memref<1x100000xf32, #tpu.memory_space<hbm>>
    %dma_wait3A_574 = tpu.memref_squeeze %dma_wait3A_573 : memref<1x100000xf32, #tpu.memory_space<hbm>> -> memref<100000xf32, #tpu.memory_space<hbm>>
    tpu.wait_dma2 semaphore(%arg10 : memref<!tpu.dma_semaphore, #tpu.memory_space<semaphore_mem>>) src(%dma_wait3A_574 : memref<100000xf32, #tpu.memory_space<hbm>>) dst(%arg8 : memref<100000xf32, #tpu.memory_space<vmem>>)
    %scan3A_575 = arith.constant 0 : i32
    %scan3A_576 = arith.constant 0 : i32
    %scan3A_577 = arith.constant 256 : i32
    %scan3A_578 = arith.addi %scan3A_576, %scan3A_577 : i32
    %scan3A_579 = arith.constant 8 : i32
    %scan3A_580 = scf.for %scan3A_906 = %scan3A_576 to %scan3A_578 step %scan3A_579 iter_args(%scan3A_907 = %scan3A_575) -> (i32)  : i32 {
      %mul3A_908 = arith.constant 16 : i32
      %mul3A_909 = arith.muli %scan3A_906, %mul3A_908 : i32
      %get3A = arith.index_cast %mul3A_909 : i32 to index
      %get3A_910 = tpu.vector_load %arg7[%get3A] {strides = array<i32>} : memref<4096xi32, #tpu.memory_space<vmem>>, vector<16xi32>,
      %gather3A = tpu.vector_load_idx %arg8[%get3A_910] : memref<100000xf32, #tpu.memory_space<vmem>>[vector<16xi32>], vector<16xf32>,
      %mul3A_911 = arith.constant 16 : i32
      %mul3A_912 = arith.muli %scan3A_906, %mul3A_911 : i32
      %swap3A = arith.constant 0 : i32
      %swap3A_913 = arith.index_cast %swap3A : i32 to index
      %swap3A_914 = arith.index_cast %mul3A_912 : i32 to index
      %swap3A_915 = tpu.vector_load %arg9[%swap3A_913, %swap3A_914] {strides = array<i32>} : memref<2x4096xf32, #tpu.memory_space<vmem>>, vector<16xf32>,
      tpu.vector_store %arg9[%swap3A_913, %swap3A_914], %gather3A {strides = array<i32>} : memref<2x4096xf32, #tpu.memory_space<vmem>>, vector<16xf32>,
      %scan3A_916 = arith.constant 0 : i32
      %scan3A_917 = arith.constant 1 : i32
      %scan3A_918 = arith.addi %scan3A_906, %scan3A_917 : i32
      %mul3A_919 = arith.constant 16 : i32
      %mul3A_920 = arith.muli %scan3A_918, %mul3A_919 : i32
      %get3A_921 = arith.index_cast %mul3A_920 : i32 to index
      %get3A_922 = tpu.vector_load %arg7[%get3A_921] {strides = array<i32>} : memref<4096xi32, #tpu.memory_space<vmem>>, vector<16xi32>,
      %gather3A_923 = tpu.vector_load_idx %arg8[%get3A_922] : memref<100000xf32, #tpu.memory_space<vmem>>[vector<16xi32>], vector<16xf32>,
      %mul3A_924 = arith.constant 16 : i32
      %mul3A_925 = arith.muli %scan3A_918, %mul3A_924 : i32
      %swap3A_926 = arith.constant 0 : i32
      %swap3A_927 = arith.index_cast %swap3A_926 : i32 to index
      %swap3A_928 = arith.index_cast %mul3A_925 : i32 to index
      %swap3A_929 = tpu.vector_load %arg9[%swap3A_927, %swap3A_928] {strides = array<i32>} : memref<2x4096xf32, #tpu.memory_space<vmem>>, vector<16xf32>,
      tpu.vector_store %arg9[%swap3A_927, %swap3A_928], %gather3A_923 {strides = array<i32>} : memref<2x4096xf32, #tpu.memory_space<vmem>>, vector<16xf32>,
      %scan3A_930 = arith.constant 0 : i32
      %scan3A_931 = arith.constant 2 : i32
      %scan3A_932 = arith.addi %scan3A_906, %scan3A_931 : i32
      %mul3A_933 = arith.constant 16 : i32
      %mul3A_934 = arith.muli %scan3A_932, %mul3A_933 : i32
      %get3A_935 = arith.index_cast %mul3A_934 : i32 to index
      %get3A_936 = tpu.vector_load %arg7[%get3A_935] {strides = array<i32>} : memref<4096xi32, #tpu.memory_space<vmem>>, vector<16xi32>,
      %gather3A_937 = tpu.vector_load_idx %arg8[%get3A_936] : memref<100000xf32, #tpu.memory_space<vmem>>[vector<16xi32>], vector<16xf32>,
      %mul3A_938 = arith.constant 16 : i32
      %mul3A_939 = arith.muli %scan3A_932, %mul3A_938 : i32
      %swap3A_940 = arith.constant 0 : i32
      %swap3A_941 = arith.index_cast %swap3A_940 : i32 to index
      %swap3A_942 = arith.index_cast %mul3A_939 : i32 to index
      %swap3A_943 = tpu.vector_load %arg9[%swap3A_941, %swap3A_942] {strides = array<i32>} : memref<2x4096xf32, #tpu.memory_space<vmem>>, vector<16xf32>,
      tpu.vector_store %arg9[%swap3A_941, %swap3A_942], %gather3A_937 {strides = array<i32>} : memref<2x4096xf32, #tpu.memory_space<vmem>>, vector<16xf32>,
      %scan3A_944 = arith.constant 0 : i32
      %scan3A_945 = arith.constant 3 : i32
      %scan3A_946 = arith.addi %scan3A_906, %scan3A_945 : i32
      %mul3A_947 = arith.constant 16 : i32
      %mul3A_948 = arith.muli %scan3A_946, %mul3A_947 : i32
      %get3A_949 = arith.index_cast %mul3A_948 : i32 to index
      %get3A_950 = tpu.vector_load %arg7[%get3A_949] {strides = array<i32>} : memref<4096xi32, #tpu.memory_space<vmem>>, vector<16xi32>,
      %gather3A_951 = tpu.vector_load_idx %arg8[%get3A_950] : memref<100000xf32, #tpu.memory_space<vmem>>[vector<16xi32>], vector<16xf32>,
      %mul3A_952 = arith.constant 16 : i32
      %mul3A_953 = arith.muli %scan3A_946, %mul3A_952 : i32
      %swap3A_954 = arith.constant 0 : i32
      %swap3A_955 = arith.index_cast %swap3A_954 : i32 to index
      %swap3A_956 = arith.index_cast %mul3A_953 : i32 to index
      %swap3A_957 = tpu.vector_load %arg9[%swap3A_955, %swap3A_956] {strides = array<i32>} : memref<2x4096xf32, #tpu.memory_space<vmem>>, vector<16xf32>,
      tpu.vector_store %arg9[%swap3A_955, %swap3A_956], %gather3A_951 {strides = array<i32>} : memref<2x4096xf32, #tpu.memory_space<vmem>>, vector<16xf32>,
      %scan3A_958 = arith.constant 0 : i32
      %scan3A_959 = arith.constant 4 : i32
      %scan3A_960 = arith.addi %scan3A_906, %scan3A_959 : i32
      %mul3A_961 = arith.constant 16 : i32
      %mul3A_962 = arith.muli %scan3A_960, %mul3A_961 : i32
      %get3A_963 = arith.index_cast %mul3A_962 : i32 to index
      %get3A_964 = tpu.vector_load %arg7[%get3A_963] {strides = array<i32>} : memref<4096xi32, #tpu.memory_space<vmem>>, vector<16xi32>,
      %gather3A_965 = tpu.vector_load_idx %arg8[%get3A_964] : memref<100000xf32, #tpu.memory_space<vmem>>[vector<16xi32>], vector<16xf32>,
      %mul3A_966 = arith.constant 16 : i32
      %mul3A_967 = arith.muli %scan3A_960, %mul3A_966 : i32
      %swap3A_968 = arith.constant 0 : i32
      %swap3A_969 = arith.index_cast %swap3A_968 : i32 to index
      %swap3A_970 = arith.index_cast %mul3A_967 : i32 to index
      %swap3A_971 = tpu.vector_load %arg9[%swap3A_969, %swap3A_970] {strides = array<i32>} : memref<2x4096xf32, #tpu.memory_space<vmem>>, vector<16xf32>,
      tpu.vector_store %arg9[%swap3A_969, %swap3A_970], %gather3A_965 {strides = array<i32>} : memref<2x4096xf32, #tpu.memory_space<vmem>>, vector<16xf32>,
      %scan3A_972 = arith.constant 0 : i32
      %scan3A_973 = arith.constant 5 : i32
      %scan3A_974 = arith.addi %scan3A_906, %scan3A_973 : i32
      %mul3A_975 = arith.constant 16 : i32
      %mul3A_976 = arith.muli %scan3A_974, %mul3A_975 : i32
      %get3A_977 = arith.index_cast %mul3A_976 : i32 to index
      %get3A_978 = tpu.vector_load %arg7[%get3A_977] {strides = array<i32>} : memref<4096xi32, #tpu.memory_space<vmem>>, vector<16xi32>,
      %gather3A_979 = tpu.vector_load_idx %arg8[%get3A_978] : memref<100000xf32, #tpu.memory_space<vmem>>[vector<16xi32>], vector<16xf32>,
      %mul3A_980 = arith.constant 16 : i32
      %mul3A_981 = arith.muli %scan3A_974, %mul3A_980 : i32
      %swap3A_982 = arith.constant 0 : i32
      %swap3A_983 = arith.index_cast %swap3A_982 : i32 to index
      %swap3A_984 = arith.index_cast %mul3A_981 : i32 to index
      %swap3A_985 = tpu.vector_load %arg9[%swap3A_983, %swap3A_984] {strides = array<i32>} : memref<2x4096xf32, #tpu.memory_space<vmem>>, vector<16xf32>,
      tpu.vector_store %arg9[%swap3A_983, %swap3A_984], %gather3A_979 {strides = array<i32>} : memref<2x4096xf32, #tpu.memory_space<vmem>>, vector<16xf32>,
      %scan3A_986 = arith.constant 0 : i32
      %scan3A_987 = arith.constant 6 : i32
      %scan3A_988 = arith.addi %scan3A_906, %scan3A_987 : i32
      %mul3A_989 = arith.constant 16 : i32
      %mul3A_990 = arith.muli %scan3A_988, %mul3A_989 : i32
      %get3A_991 = arith.index_cast %mul3A_990 : i32 to index
      %get3A_992 = tpu.vector_load %arg7[%get3A_991] {strides = array<i32>} : memref<4096xi32, #tpu.memory_space<vmem>>, vector<16xi32>,
      %gather3A_993 = tpu.vector_load_idx %arg8[%get3A_992] : memref<100000xf32, #tpu.memory_space<vmem>>[vector<16xi32>], vector<16xf32>,
      %mul3A_994 = arith.constant 16 : i32
      %mul3A_995 = arith.muli %scan3A_988, %mul3A_994 : i32
      %swap3A_996 = arith.constant 0 : i32
      %swap3A_997 = arith.index_cast %swap3A_996 : i32 to index
      %swap3A_998 = arith.index_cast %mul3A_995 : i32 to index
      %swap3A_999 = tpu.vector_load %arg9[%swap3A_997, %swap3A_998] {strides = array<i32>} : memref<2x4096xf32, #tpu.memory_space<vmem>>, vector<16xf32>,
      tpu.vector_store %arg9[%swap3A_997, %swap3A_998], %gather3A_993 {strides = array<i32>} : memref<2x4096xf32, #tpu.memory_space<vmem>>, vector<16xf32>,
      %scan3A_1000 = arith.constant 0 : i32
      %scan3A_1001 = arith.constant 7 : i32
      %scan3A_1002 = arith.addi %scan3A_906, %scan3A_1001 : i32
      %mul3A_1003 = arith.constant 16 : i32
      %mul3A_1004 = arith.muli %scan3A_1002, %mul3A_1003 : i32
      %get3A_1005 = arith.index_cast %mul3A_1004 : i32 to index
      %get3A_1006 = tpu.vector_load %arg7[%get3A_1005] {strides = array<i32>} : memref<4096xi32, #tpu.memory_space<vmem>>, vector<16xi32>,
      %gather3A_1007 = tpu.vector_load_idx %arg8[%get3A_1006] : memref<100000xf32, #tpu.memory_space<vmem>>[vector<16xi32>], vector<16xf32>,
      %mul3A_1008 = arith.constant 16 : i32
      %mul3A_1009 = arith.muli %scan3A_1002, %mul3A_1008 : i32
      %swap3A_1010 = arith.constant 0 : i32
      %swap3A_1011 = arith.index_cast %swap3A_1010 : i32 to index
      %swap3A_1012 = arith.index_cast %mul3A_1009 : i32 to index
      %swap3A_1013 = tpu.vector_load %arg9[%swap3A_1011, %swap3A_1012] {strides = array<i32>} : memref<2x4096xf32, #tpu.memory_space<vmem>>, vector<16xf32>,
      tpu.vector_store %arg9[%swap3A_1011, %swap3A_1012], %gather3A_1007 {strides = array<i32>} : memref<2x4096xf32, #tpu.memory_space<vmem>>, vector<16xf32>,
      %scan3A_1014 = arith.constant 0 : i32
      scf.yield %scan3A_1014 : i32
    }
    %scan3A_581 = arith.constant 256 : i32
    %dma_start3A_582 = arith.constant 0 : i32
    %dma_start3A_583 = arith.constant 0 : i32
    %dma_start3A_584 = tpu.memref_slice %arg9[%dma_start3A_582, %dma_start3A_583] : memref<2x4096xf32, #tpu.memory_space<vmem>> -> memref<1x4096xf32, #tpu.memory_space<vmem>>
    %dma_start3A_585 = tpu.memref_squeeze %dma_start3A_584 : memref<1x4096xf32, #tpu.memory_space<vmem>> -> memref<4096xf32, #tpu.memory_space<vmem>>
    %dma_start3A_586 = arith.constant 0 : i32
    %dma_start3A_587 = tpu.memref_slice %arg5[%add3A_528, %dma_start3A_586] : memref<416x4096xf32, #tpu.memory_space<hbm>> -> memref<1x4096xf32, #tpu.memory_space<hbm>>
    %dma_start3A_588 = tpu.memref_squeeze %dma_start3A_587 : memref<1x4096xf32, #tpu.memory_space<hbm>> -> memref<4096xf32, #tpu.memory_space<hbm>>
    %dma_start3A_589 = arith.constant 0 : i32
    %dma_start3A_590 = tpu.memref_slice %arg5[%add3A_528, %dma_start3A_589] : memref<416x4096xf32, #tpu.memory_space<hbm>> -> memref<1x4096xf32, #tpu.memory_space<hbm>>
    %dma_start3A_591 = tpu.memref_squeeze %dma_start3A_590 : memref<1x4096xf32, #tpu.memory_space<hbm>> -> memref<4096xf32, #tpu.memory_space<hbm>>
    %dma_start3A_592 = arith.constant 0 : i32
    %dma_start3A_593 = tpu.memref_slice %arg9[%dma_start3A_582, %dma_start3A_592] : memref<2x4096xf32, #tpu.memory_space<vmem>> -> memref<1x4096xf32, #tpu.memory_space<vmem>>
    %dma_start3A_594 = tpu.memref_squeeze %dma_start3A_593 : memref<1x4096xf32, #tpu.memory_space<vmem>> -> memref<4096xf32, #tpu.memory_space<vmem>>
    tpu.enqueue_dma source(%dma_start3A_594 : memref<4096xf32, #tpu.memory_space<vmem>>) target(%dma_start3A_591 : memref<4096xf32, #tpu.memory_space<hbm>>) target_semaphore(%arg11 : memref<!tpu.dma_semaphore, #tpu.memory_space<semaphore_mem>>)
    %mul3A_595 = arith.constant 13 : i32
    %mul3A_596 = arith.muli %add3A, %mul3A_595 : i32
    %add3A_597 = arith.constant 9 : i32
    %add3A_598 = arith.addi %mul3A_596, %add3A_597 : i32
    %dma_start3A_599 = arith.constant 0 : i32
    %dma_start3A_600 = tpu.memref_slice %arg2[%add3A_598, %dma_start3A_599] : memref<416x100000xf32, #tpu.memory_space<hbm>> -> memref<1x100000xf32, #tpu.memory_space<hbm>>
    %dma_start3A_601 = tpu.memref_squeeze %dma_start3A_600 : memref<1x100000xf32, #tpu.memory_space<hbm>> -> memref<100000xf32, #tpu.memory_space<hbm>>
    %dma_start3A_602 = arith.constant 0 : i32
    %dma_start3A_603 = tpu.memref_slice %arg2[%add3A_598, %dma_start3A_602] : memref<416x100000xf32, #tpu.memory_space<hbm>> -> memref<1x100000xf32, #tpu.memory_space<hbm>>
    %dma_start3A_604 = tpu.memref_squeeze %dma_start3A_603 : memref<1x100000xf32, #tpu.memory_space<hbm>> -> memref<100000xf32, #tpu.memory_space<hbm>>
    tpu.enqueue_dma source(%dma_start3A_604 : memref<100000xf32, #tpu.memory_space<hbm>>) target(%arg8 : memref<100000xf32, #tpu.memory_space<vmem>>) target_semaphore(%arg10 : memref<!tpu.dma_semaphore, #tpu.memory_space<semaphore_mem>>)
    %jit3A_605 = arith.constant 16 : i32
    %eq3A_606 = arith.constant 0 : i32
    %eq3A_607 = arith.cmpi eq, %jit3A_605, %eq3A_606 : i32
    %jit3A_608 = arith.constant 1 : i32
    %select_n3A_609 = arith.select %eq3A_607, %jit3A_608, %jit3A_605 : i32
    %rem3A_610 = arith.remsi %add3A_598, %select_n3A_609 : i32
    %ne3A_611 = arith.constant 0 : i32
    %ne3A_612 = arith.cmpi ne, %rem3A_610, %ne3A_611 : i32
    %lt3A_613 = arith.constant 0 : i32
    %lt3A_614 = arith.cmpi slt, %rem3A_610, %lt3A_613 : i32
    %lt3A_615 = arith.constant 0 : i32
    %lt3A_616 = arith.cmpi slt, %select_n3A_609, %lt3A_615 : i32
    %ne3A_617 = arith.xori %lt3A_614, %lt3A_616 : i1
    %and3A_618 = arith.andi %ne3A_617, %ne3A_612 : i1
    %add3A_619 = arith.addi %rem3A_610, %select_n3A_609 : i32
    %select_n3A_620 = arith.select %and3A_618, %add3A_619, %rem3A_610 : i32
    %eq3A_621 = arith.constant 0 : i32
    %eq3A_622 = arith.cmpi eq, %select_n3A_620, %eq3A_621 : i32
    %convert_element_type3A_623 = arith.extui %eq3A_622 : i1 to i32
    %cond3A_624 = arith.constant 0 : i32
    %cond3A_625 = arith.cmpi ne, %convert_element_type3A_623, %cond3A_624 : i32
    scf.if %cond3A_625 {
      %jit3A_906 = arith.constant 16 : i32
      %div3A_907 = arith.divsi %add3A_598, %jit3A_906 : i32
      %sign3A_908 = arith.constant 0 : i32
      %sign3A_909 = arith.cmpi sgt, %add3A_598, %sign3A_908 : i32
      %sign3A_910 = arith.extui %sign3A_909 : i1 to i32
      %sign3A_911 = arith.constant 0 : i32
      %sign3A_912 = arith.cmpi slt, %add3A_598, %sign3A_911 : i32
      %sign3A_913 = arith.extui %sign3A_912 : i1 to i32
      %sign3A_914 = arith.subi %sign3A_910, %sign3A_913 : i32
      %sign3A_915 = arith.constant 0 : i32
      %sign3A_916 = arith.cmpi sgt, %jit3A_906, %sign3A_915 : i32
      %sign3A_917 = arith.extui %sign3A_916 : i1 to i32
      %sign3A_918 = arith.constant 0 : i32
      %sign3A_919 = arith.cmpi slt, %jit3A_906, %sign3A_918 : i32
      %sign3A_920 = arith.extui %sign3A_919 : i1 to i32
      %sign3A_921 = arith.subi %sign3A_917, %sign3A_920 : i32
      %ne3A_922 = arith.cmpi ne, %sign3A_914, %sign3A_921 : i32
      %rem3A_923 = arith.remsi %add3A_598, %jit3A_906 : i32
      %ne3A_924 = arith.constant 0 : i32
      %ne3A_925 = arith.cmpi ne, %rem3A_923, %ne3A_924 : i32
      %and3A_926 = arith.andi %ne3A_922, %ne3A_925 : i1
      %sub3A_927 = arith.constant 1 : i32
      %sub3A_928 = arith.subi %div3A_907, %sub3A_927 : i32
      %select_n3A_929 = arith.select %and3A_926, %sub3A_928, %div3A_907 : i32
      %mul3A_930 = arith.constant 4096 : i32
      %mul3A_931 = arith.muli %select_n3A_929, %mul3A_930 : i32
      "tpu.region"() ({
        %run_scoped3A = tpu.sem_alloc : memref<!tpu.dma_semaphore, #tpu.memory_space<semaphore_mem>>
        %dma_start3A_932 = tpu.memref_slice %arg4[%mul3A_931] : memref<106496xi32, #tpu.memory_space<hbm>> -> memref<4096xi32, #tpu.memory_space<hbm>>
        %dma_start3A_933 = tpu.memref_slice %arg4[%mul3A_931] : memref<106496xi32, #tpu.memory_space<hbm>> -> memref<4096xi32, #tpu.memory_space<hbm>>
        tpu.enqueue_dma source(%dma_start3A_933 : memref<4096xi32, #tpu.memory_space<hbm>>) target(%arg7 : memref<4096xi32, #tpu.memory_space<vmem>>) target_semaphore(%run_scoped3A : memref<!tpu.dma_semaphore, #tpu.memory_space<semaphore_mem>>)
        %dma_wait3A_934 = tpu.memref_slice %arg4[%mul3A_931] : memref<106496xi32, #tpu.memory_space<hbm>> -> memref<4096xi32, #tpu.memory_space<hbm>>
        %dma_wait3A_935 = tpu.memref_slice %arg4[%mul3A_931] : memref<106496xi32, #tpu.memory_space<hbm>> -> memref<4096xi32, #tpu.memory_space<hbm>>
        tpu.wait_dma2 semaphore(%run_scoped3A : memref<!tpu.dma_semaphore, #tpu.memory_space<semaphore_mem>>) src(%dma_wait3A_935 : memref<4096xi32, #tpu.memory_space<hbm>>) dst(%arg7 : memref<4096xi32, #tpu.memory_space<vmem>>)
        tpu.yield
      }) : () -> ()
    } else {
    }
    %dma_wait3A_626 = arith.constant 1 : i32
    %dma_wait3A_627 = arith.constant 0 : i32
    %dma_wait3A_628 = tpu.memref_slice %arg9[%dma_wait3A_626, %dma_wait3A_627] : memref<2x4096xf32, #tpu.memory_space<vmem>> -> memref<1x4096xf32, #tpu.memory_space<vmem>>
    %dma_wait3A_629 = tpu.memref_squeeze %dma_wait3A_628 : memref<1x4096xf32, #tpu.memory_space<vmem>> -> memref<4096xf32, #tpu.memory_space<vmem>>
    %dma_wait3A_630 = arith.constant 0 : i32
    %dma_wait3A_631 = tpu.memref_slice %arg5[%add3A_458, %dma_wait3A_630] : memref<416x4096xf32, #tpu.memory_space<hbm>> -> memref<1x4096xf32, #tpu.memory_space<hbm>>
    %dma_wait3A_632 = tpu.memref_squeeze %dma_wait3A_631 : memref<1x4096xf32, #tpu.memory_space<hbm>> -> memref<4096xf32, #tpu.memory_space<hbm>>
    %dma_wait3A_633 = arith.constant 0 : i32
    %dma_wait3A_634 = tpu.memref_slice %arg5[%add3A_458, %dma_wait3A_633] : memref<416x4096xf32, #tpu.memory_space<hbm>> -> memref<1x4096xf32, #tpu.memory_space<hbm>>
    %dma_wait3A_635 = tpu.memref_squeeze %dma_wait3A_634 : memref<1x4096xf32, #tpu.memory_space<hbm>> -> memref<4096xf32, #tpu.memory_space<hbm>>
    %dma_wait3A_636 = arith.constant 0 : i32
    %dma_wait3A_637 = tpu.memref_slice %arg9[%dma_wait3A_626, %dma_wait3A_636] : memref<2x4096xf32, #tpu.memory_space<vmem>> -> memref<1x4096xf32, #tpu.memory_space<vmem>>
    %dma_wait3A_638 = tpu.memref_squeeze %dma_wait3A_637 : memref<1x4096xf32, #tpu.memory_space<vmem>> -> memref<4096xf32, #tpu.memory_space<vmem>>
    tpu.wait_dma2 semaphore(%arg11 : memref<!tpu.dma_semaphore, #tpu.memory_space<semaphore_mem>>) src(%dma_wait3A_638 : memref<4096xf32, #tpu.memory_space<vmem>>) dst(%dma_wait3A_635 : memref<4096xf32, #tpu.memory_space<hbm>>)
    %dma_wait3A_639 = arith.constant 0 : i32
    %dma_wait3A_640 = tpu.memref_slice %arg2[%add3A_598, %dma_wait3A_639] : memref<416x100000xf32, #tpu.memory_space<hbm>> -> memref<1x100000xf32, #tpu.memory_space<hbm>>
    %dma_wait3A_641 = tpu.memref_squeeze %dma_wait3A_640 : memref<1x100000xf32, #tpu.memory_space<hbm>> -> memref<100000xf32, #tpu.memory_space<hbm>>
    %dma_wait3A_642 = arith.constant 0 : i32
    %dma_wait3A_643 = tpu.memref_slice %arg2[%add3A_598, %dma_wait3A_642] : memref<416x100000xf32, #tpu.memory_space<hbm>> -> memref<1x100000xf32, #tpu.memory_space<hbm>>
    %dma_wait3A_644 = tpu.memref_squeeze %dma_wait3A_643 : memref<1x100000xf32, #tpu.memory_space<hbm>> -> memref<100000xf32, #tpu.memory_space<hbm>>
    tpu.wait_dma2 semaphore(%arg10 : memref<!tpu.dma_semaphore, #tpu.memory_space<semaphore_mem>>) src(%dma_wait3A_644 : memref<100000xf32, #tpu.memory_space<hbm>>) dst(%arg8 : memref<100000xf32, #tpu.memory_space<vmem>>)
    %scan3A_645 = arith.constant 0 : i32
    %scan3A_646 = arith.constant 0 : i32
    %scan3A_647 = arith.constant 256 : i32
    %scan3A_648 = arith.addi %scan3A_646, %scan3A_647 : i32
    %scan3A_649 = arith.constant 8 : i32
    %scan3A_650 = scf.for %scan3A_906 = %scan3A_646 to %scan3A_648 step %scan3A_649 iter_args(%scan3A_907 = %scan3A_645) -> (i32)  : i32 {
      %mul3A_908 = arith.constant 16 : i32
      %mul3A_909 = arith.muli %scan3A_906, %mul3A_908 : i32
      %get3A = arith.index_cast %mul3A_909 : i32 to index
      %get3A_910 = tpu.vector_load %arg7[%get3A] {strides = array<i32>} : memref<4096xi32, #tpu.memory_space<vmem>>, vector<16xi32>,
      %gather3A = tpu.vector_load_idx %arg8[%get3A_910] : memref<100000xf32, #tpu.memory_space<vmem>>[vector<16xi32>], vector<16xf32>,
      %mul3A_911 = arith.constant 16 : i32
      %mul3A_912 = arith.muli %scan3A_906, %mul3A_911 : i32
      %swap3A = arith.constant 1 : i32
      %swap3A_913 = arith.index_cast %swap3A : i32 to index
      %swap3A_914 = arith.index_cast %mul3A_912 : i32 to index
      %swap3A_915 = tpu.vector_load %arg9[%swap3A_913, %swap3A_914] {strides = array<i32>} : memref<2x4096xf32, #tpu.memory_space<vmem>>, vector<16xf32>,
      tpu.vector_store %arg9[%swap3A_913, %swap3A_914], %gather3A {strides = array<i32>} : memref<2x4096xf32, #tpu.memory_space<vmem>>, vector<16xf32>,
      %scan3A_916 = arith.constant 0 : i32
      %scan3A_917 = arith.constant 1 : i32
      %scan3A_918 = arith.addi %scan3A_906, %scan3A_917 : i32
      %mul3A_919 = arith.constant 16 : i32
      %mul3A_920 = arith.muli %scan3A_918, %mul3A_919 : i32
      %get3A_921 = arith.index_cast %mul3A_920 : i32 to index
      %get3A_922 = tpu.vector_load %arg7[%get3A_921] {strides = array<i32>} : memref<4096xi32, #tpu.memory_space<vmem>>, vector<16xi32>,
      %gather3A_923 = tpu.vector_load_idx %arg8[%get3A_922] : memref<100000xf32, #tpu.memory_space<vmem>>[vector<16xi32>], vector<16xf32>,
      %mul3A_924 = arith.constant 16 : i32
      %mul3A_925 = arith.muli %scan3A_918, %mul3A_924 : i32
      %swap3A_926 = arith.constant 1 : i32
      %swap3A_927 = arith.index_cast %swap3A_926 : i32 to index
      %swap3A_928 = arith.index_cast %mul3A_925 : i32 to index
      %swap3A_929 = tpu.vector_load %arg9[%swap3A_927, %swap3A_928] {strides = array<i32>} : memref<2x4096xf32, #tpu.memory_space<vmem>>, vector<16xf32>,
      tpu.vector_store %arg9[%swap3A_927, %swap3A_928], %gather3A_923 {strides = array<i32>} : memref<2x4096xf32, #tpu.memory_space<vmem>>, vector<16xf32>,
      %scan3A_930 = arith.constant 0 : i32
      %scan3A_931 = arith.constant 2 : i32
      %scan3A_932 = arith.addi %scan3A_906, %scan3A_931 : i32
      %mul3A_933 = arith.constant 16 : i32
      %mul3A_934 = arith.muli %scan3A_932, %mul3A_933 : i32
      %get3A_935 = arith.index_cast %mul3A_934 : i32 to index
      %get3A_936 = tpu.vector_load %arg7[%get3A_935] {strides = array<i32>} : memref<4096xi32, #tpu.memory_space<vmem>>, vector<16xi32>,
      %gather3A_937 = tpu.vector_load_idx %arg8[%get3A_936] : memref<100000xf32, #tpu.memory_space<vmem>>[vector<16xi32>], vector<16xf32>,
      %mul3A_938 = arith.constant 16 : i32
      %mul3A_939 = arith.muli %scan3A_932, %mul3A_938 : i32
      %swap3A_940 = arith.constant 1 : i32
      %swap3A_941 = arith.index_cast %swap3A_940 : i32 to index
      %swap3A_942 = arith.index_cast %mul3A_939 : i32 to index
      %swap3A_943 = tpu.vector_load %arg9[%swap3A_941, %swap3A_942] {strides = array<i32>} : memref<2x4096xf32, #tpu.memory_space<vmem>>, vector<16xf32>,
      tpu.vector_store %arg9[%swap3A_941, %swap3A_942], %gather3A_937 {strides = array<i32>} : memref<2x4096xf32, #tpu.memory_space<vmem>>, vector<16xf32>,
      %scan3A_944 = arith.constant 0 : i32
      %scan3A_945 = arith.constant 3 : i32
      %scan3A_946 = arith.addi %scan3A_906, %scan3A_945 : i32
      %mul3A_947 = arith.constant 16 : i32
      %mul3A_948 = arith.muli %scan3A_946, %mul3A_947 : i32
      %get3A_949 = arith.index_cast %mul3A_948 : i32 to index
      %get3A_950 = tpu.vector_load %arg7[%get3A_949] {strides = array<i32>} : memref<4096xi32, #tpu.memory_space<vmem>>, vector<16xi32>,
      %gather3A_951 = tpu.vector_load_idx %arg8[%get3A_950] : memref<100000xf32, #tpu.memory_space<vmem>>[vector<16xi32>], vector<16xf32>,
      %mul3A_952 = arith.constant 16 : i32
      %mul3A_953 = arith.muli %scan3A_946, %mul3A_952 : i32
      %swap3A_954 = arith.constant 1 : i32
      %swap3A_955 = arith.index_cast %swap3A_954 : i32 to index
      %swap3A_956 = arith.index_cast %mul3A_953 : i32 to index
      %swap3A_957 = tpu.vector_load %arg9[%swap3A_955, %swap3A_956] {strides = array<i32>} : memref<2x4096xf32, #tpu.memory_space<vmem>>, vector<16xf32>,
      tpu.vector_store %arg9[%swap3A_955, %swap3A_956], %gather3A_951 {strides = array<i32>} : memref<2x4096xf32, #tpu.memory_space<vmem>>, vector<16xf32>,
      %scan3A_958 = arith.constant 0 : i32
      %scan3A_959 = arith.constant 4 : i32
      %scan3A_960 = arith.addi %scan3A_906, %scan3A_959 : i32
      %mul3A_961 = arith.constant 16 : i32
      %mul3A_962 = arith.muli %scan3A_960, %mul3A_961 : i32
      %get3A_963 = arith.index_cast %mul3A_962 : i32 to index
      %get3A_964 = tpu.vector_load %arg7[%get3A_963] {strides = array<i32>} : memref<4096xi32, #tpu.memory_space<vmem>>, vector<16xi32>,
      %gather3A_965 = tpu.vector_load_idx %arg8[%get3A_964] : memref<100000xf32, #tpu.memory_space<vmem>>[vector<16xi32>], vector<16xf32>,
      %mul3A_966 = arith.constant 16 : i32
      %mul3A_967 = arith.muli %scan3A_960, %mul3A_966 : i32
      %swap3A_968 = arith.constant 1 : i32
      %swap3A_969 = arith.index_cast %swap3A_968 : i32 to index
      %swap3A_970 = arith.index_cast %mul3A_967 : i32 to index
      %swap3A_971 = tpu.vector_load %arg9[%swap3A_969, %swap3A_970] {strides = array<i32>} : memref<2x4096xf32, #tpu.memory_space<vmem>>, vector<16xf32>,
      tpu.vector_store %arg9[%swap3A_969, %swap3A_970], %gather3A_965 {strides = array<i32>} : memref<2x4096xf32, #tpu.memory_space<vmem>>, vector<16xf32>,
      %scan3A_972 = arith.constant 0 : i32
      %scan3A_973 = arith.constant 5 : i32
      %scan3A_974 = arith.addi %scan3A_906, %scan3A_973 : i32
      %mul3A_975 = arith.constant 16 : i32
      %mul3A_976 = arith.muli %scan3A_974, %mul3A_975 : i32
      %get3A_977 = arith.index_cast %mul3A_976 : i32 to index
      %get3A_978 = tpu.vector_load %arg7[%get3A_977] {strides = array<i32>} : memref<4096xi32, #tpu.memory_space<vmem>>, vector<16xi32>,
      %gather3A_979 = tpu.vector_load_idx %arg8[%get3A_978] : memref<100000xf32, #tpu.memory_space<vmem>>[vector<16xi32>], vector<16xf32>,
      %mul3A_980 = arith.constant 16 : i32
      %mul3A_981 = arith.muli %scan3A_974, %mul3A_980 : i32
      %swap3A_982 = arith.constant 1 : i32
      %swap3A_983 = arith.index_cast %swap3A_982 : i32 to index
      %swap3A_984 = arith.index_cast %mul3A_981 : i32 to index
      %swap3A_985 = tpu.vector_load %arg9[%swap3A_983, %swap3A_984] {strides = array<i32>} : memref<2x4096xf32, #tpu.memory_space<vmem>>, vector<16xf32>,
      tpu.vector_store %arg9[%swap3A_983, %swap3A_984], %gather3A_979 {strides = array<i32>} : memref<2x4096xf32, #tpu.memory_space<vmem>>, vector<16xf32>,
      %scan3A_986 = arith.constant 0 : i32
      %scan3A_987 = arith.constant 6 : i32
      %scan3A_988 = arith.addi %scan3A_906, %scan3A_987 : i32
      %mul3A_989 = arith.constant 16 : i32
      %mul3A_990 = arith.muli %scan3A_988, %mul3A_989 : i32
      %get3A_991 = arith.index_cast %mul3A_990 : i32 to index
      %get3A_992 = tpu.vector_load %arg7[%get3A_991] {strides = array<i32>} : memref<4096xi32, #tpu.memory_space<vmem>>, vector<16xi32>,
      %gather3A_993 = tpu.vector_load_idx %arg8[%get3A_992] : memref<100000xf32, #tpu.memory_space<vmem>>[vector<16xi32>], vector<16xf32>,
      %mul3A_994 = arith.constant 16 : i32
      %mul3A_995 = arith.muli %scan3A_988, %mul3A_994 : i32
      %swap3A_996 = arith.constant 1 : i32
      %swap3A_997 = arith.index_cast %swap3A_996 : i32 to index
      %swap3A_998 = arith.index_cast %mul3A_995 : i32 to index
      %swap3A_999 = tpu.vector_load %arg9[%swap3A_997, %swap3A_998] {strides = array<i32>} : memref<2x4096xf32, #tpu.memory_space<vmem>>, vector<16xf32>,
      tpu.vector_store %arg9[%swap3A_997, %swap3A_998], %gather3A_993 {strides = array<i32>} : memref<2x4096xf32, #tpu.memory_space<vmem>>, vector<16xf32>,
      %scan3A_1000 = arith.constant 0 : i32
      %scan3A_1001 = arith.constant 7 : i32
      %scan3A_1002 = arith.addi %scan3A_906, %scan3A_1001 : i32
      %mul3A_1003 = arith.constant 16 : i32
      %mul3A_1004 = arith.muli %scan3A_1002, %mul3A_1003 : i32
      %get3A_1005 = arith.index_cast %mul3A_1004 : i32 to index
      %get3A_1006 = tpu.vector_load %arg7[%get3A_1005] {strides = array<i32>} : memref<4096xi32, #tpu.memory_space<vmem>>, vector<16xi32>,
      %gather3A_1007 = tpu.vector_load_idx %arg8[%get3A_1006] : memref<100000xf32, #tpu.memory_space<vmem>>[vector<16xi32>], vector<16xf32>,
      %mul3A_1008 = arith.constant 16 : i32
      %mul3A_1009 = arith.muli %scan3A_1002, %mul3A_1008 : i32
      %swap3A_1010 = arith.constant 1 : i32
      %swap3A_1011 = arith.index_cast %swap3A_1010 : i32 to index
      %swap3A_1012 = arith.index_cast %mul3A_1009 : i32 to index
      %swap3A_1013 = tpu.vector_load %arg9[%swap3A_1011, %swap3A_1012] {strides = array<i32>} : memref<2x4096xf32, #tpu.memory_space<vmem>>, vector<16xf32>,
      tpu.vector_store %arg9[%swap3A_1011, %swap3A_1012], %gather3A_1007 {strides = array<i32>} : memref<2x4096xf32, #tpu.memory_space<vmem>>, vector<16xf32>,
      %scan3A_1014 = arith.constant 0 : i32
      scf.yield %scan3A_1014 : i32
    }
    %scan3A_651 = arith.constant 256 : i32
    %dma_start3A_652 = arith.constant 1 : i32
    %dma_start3A_653 = arith.constant 0 : i32
    %dma_start3A_654 = tpu.memref_slice %arg9[%dma_start3A_652, %dma_start3A_653] : memref<2x4096xf32, #tpu.memory_space<vmem>> -> memref<1x4096xf32, #tpu.memory_space<vmem>>
    %dma_start3A_655 = tpu.memref_squeeze %dma_start3A_654 : memref<1x4096xf32, #tpu.memory_space<vmem>> -> memref<4096xf32, #tpu.memory_space<vmem>>
    %dma_start3A_656 = arith.constant 0 : i32
    %dma_start3A_657 = tpu.memref_slice %arg5[%add3A_598, %dma_start3A_656] : memref<416x4096xf32, #tpu.memory_space<hbm>> -> memref<1x4096xf32, #tpu.memory_space<hbm>>
    %dma_start3A_658 = tpu.memref_squeeze %dma_start3A_657 : memref<1x4096xf32, #tpu.memory_space<hbm>> -> memref<4096xf32, #tpu.memory_space<hbm>>
    %dma_start3A_659 = arith.constant 0 : i32
    %dma_start3A_660 = tpu.memref_slice %arg5[%add3A_598, %dma_start3A_659] : memref<416x4096xf32, #tpu.memory_space<hbm>> -> memref<1x4096xf32, #tpu.memory_space<hbm>>
    %dma_start3A_661 = tpu.memref_squeeze %dma_start3A_660 : memref<1x4096xf32, #tpu.memory_space<hbm>> -> memref<4096xf32, #tpu.memory_space<hbm>>
    %dma_start3A_662 = arith.constant 0 : i32
    %dma_start3A_663 = tpu.memref_slice %arg9[%dma_start3A_652, %dma_start3A_662] : memref<2x4096xf32, #tpu.memory_space<vmem>> -> memref<1x4096xf32, #tpu.memory_space<vmem>>
    %dma_start3A_664 = tpu.memref_squeeze %dma_start3A_663 : memref<1x4096xf32, #tpu.memory_space<vmem>> -> memref<4096xf32, #tpu.memory_space<vmem>>
    tpu.enqueue_dma source(%dma_start3A_664 : memref<4096xf32, #tpu.memory_space<vmem>>) target(%dma_start3A_661 : memref<4096xf32, #tpu.memory_space<hbm>>) target_semaphore(%arg11 : memref<!tpu.dma_semaphore, #tpu.memory_space<semaphore_mem>>)
    %mul3A_665 = arith.constant 13 : i32
    %mul3A_666 = arith.muli %add3A, %mul3A_665 : i32
    %add3A_667 = arith.constant 10 : i32
    %add3A_668 = arith.addi %mul3A_666, %add3A_667 : i32
    %dma_start3A_669 = arith.constant 0 : i32
    %dma_start3A_670 = tpu.memref_slice %arg2[%add3A_668, %dma_start3A_669] : memref<416x100000xf32, #tpu.memory_space<hbm>> -> memref<1x100000xf32, #tpu.memory_space<hbm>>
    %dma_start3A_671 = tpu.memref_squeeze %dma_start3A_670 : memref<1x100000xf32, #tpu.memory_space<hbm>> -> memref<100000xf32, #tpu.memory_space<hbm>>
    %dma_start3A_672 = arith.constant 0 : i32
    %dma_start3A_673 = tpu.memref_slice %arg2[%add3A_668, %dma_start3A_672] : memref<416x100000xf32, #tpu.memory_space<hbm>> -> memref<1x100000xf32, #tpu.memory_space<hbm>>
    %dma_start3A_674 = tpu.memref_squeeze %dma_start3A_673 : memref<1x100000xf32, #tpu.memory_space<hbm>> -> memref<100000xf32, #tpu.memory_space<hbm>>
    tpu.enqueue_dma source(%dma_start3A_674 : memref<100000xf32, #tpu.memory_space<hbm>>) target(%arg8 : memref<100000xf32, #tpu.memory_space<vmem>>) target_semaphore(%arg10 : memref<!tpu.dma_semaphore, #tpu.memory_space<semaphore_mem>>)
    %jit3A_675 = arith.constant 16 : i32
    %eq3A_676 = arith.constant 0 : i32
    %eq3A_677 = arith.cmpi eq, %jit3A_675, %eq3A_676 : i32
    %jit3A_678 = arith.constant 1 : i32
    %select_n3A_679 = arith.select %eq3A_677, %jit3A_678, %jit3A_675 : i32
    %rem3A_680 = arith.remsi %add3A_668, %select_n3A_679 : i32
    %ne3A_681 = arith.constant 0 : i32
    %ne3A_682 = arith.cmpi ne, %rem3A_680, %ne3A_681 : i32
    %lt3A_683 = arith.constant 0 : i32
    %lt3A_684 = arith.cmpi slt, %rem3A_680, %lt3A_683 : i32
    %lt3A_685 = arith.constant 0 : i32
    %lt3A_686 = arith.cmpi slt, %select_n3A_679, %lt3A_685 : i32
    %ne3A_687 = arith.xori %lt3A_684, %lt3A_686 : i1
    %and3A_688 = arith.andi %ne3A_687, %ne3A_682 : i1
    %add3A_689 = arith.addi %rem3A_680, %select_n3A_679 : i32
    %select_n3A_690 = arith.select %and3A_688, %add3A_689, %rem3A_680 : i32
    %eq3A_691 = arith.constant 0 : i32
    %eq3A_692 = arith.cmpi eq, %select_n3A_690, %eq3A_691 : i32
    %convert_element_type3A_693 = arith.extui %eq3A_692 : i1 to i32
    %cond3A_694 = arith.constant 0 : i32
    %cond3A_695 = arith.cmpi ne, %convert_element_type3A_693, %cond3A_694 : i32
    scf.if %cond3A_695 {
      %jit3A_906 = arith.constant 16 : i32
      %div3A_907 = arith.divsi %add3A_668, %jit3A_906 : i32
      %sign3A_908 = arith.constant 0 : i32
      %sign3A_909 = arith.cmpi sgt, %add3A_668, %sign3A_908 : i32
      %sign3A_910 = arith.extui %sign3A_909 : i1 to i32
      %sign3A_911 = arith.constant 0 : i32
      %sign3A_912 = arith.cmpi slt, %add3A_668, %sign3A_911 : i32
      %sign3A_913 = arith.extui %sign3A_912 : i1 to i32
      %sign3A_914 = arith.subi %sign3A_910, %sign3A_913 : i32
      %sign3A_915 = arith.constant 0 : i32
      %sign3A_916 = arith.cmpi sgt, %jit3A_906, %sign3A_915 : i32
      %sign3A_917 = arith.extui %sign3A_916 : i1 to i32
      %sign3A_918 = arith.constant 0 : i32
      %sign3A_919 = arith.cmpi slt, %jit3A_906, %sign3A_918 : i32
      %sign3A_920 = arith.extui %sign3A_919 : i1 to i32
      %sign3A_921 = arith.subi %sign3A_917, %sign3A_920 : i32
      %ne3A_922 = arith.cmpi ne, %sign3A_914, %sign3A_921 : i32
      %rem3A_923 = arith.remsi %add3A_668, %jit3A_906 : i32
      %ne3A_924 = arith.constant 0 : i32
      %ne3A_925 = arith.cmpi ne, %rem3A_923, %ne3A_924 : i32
      %and3A_926 = arith.andi %ne3A_922, %ne3A_925 : i1
      %sub3A_927 = arith.constant 1 : i32
      %sub3A_928 = arith.subi %div3A_907, %sub3A_927 : i32
      %select_n3A_929 = arith.select %and3A_926, %sub3A_928, %div3A_907 : i32
      %mul3A_930 = arith.constant 4096 : i32
      %mul3A_931 = arith.muli %select_n3A_929, %mul3A_930 : i32
      "tpu.region"() ({
        %run_scoped3A = tpu.sem_alloc : memref<!tpu.dma_semaphore, #tpu.memory_space<semaphore_mem>>
        %dma_start3A_932 = tpu.memref_slice %arg4[%mul3A_931] : memref<106496xi32, #tpu.memory_space<hbm>> -> memref<4096xi32, #tpu.memory_space<hbm>>
        %dma_start3A_933 = tpu.memref_slice %arg4[%mul3A_931] : memref<106496xi32, #tpu.memory_space<hbm>> -> memref<4096xi32, #tpu.memory_space<hbm>>
        tpu.enqueue_dma source(%dma_start3A_933 : memref<4096xi32, #tpu.memory_space<hbm>>) target(%arg7 : memref<4096xi32, #tpu.memory_space<vmem>>) target_semaphore(%run_scoped3A : memref<!tpu.dma_semaphore, #tpu.memory_space<semaphore_mem>>)
        %dma_wait3A_934 = tpu.memref_slice %arg4[%mul3A_931] : memref<106496xi32, #tpu.memory_space<hbm>> -> memref<4096xi32, #tpu.memory_space<hbm>>
        %dma_wait3A_935 = tpu.memref_slice %arg4[%mul3A_931] : memref<106496xi32, #tpu.memory_space<hbm>> -> memref<4096xi32, #tpu.memory_space<hbm>>
        tpu.wait_dma2 semaphore(%run_scoped3A : memref<!tpu.dma_semaphore, #tpu.memory_space<semaphore_mem>>) src(%dma_wait3A_935 : memref<4096xi32, #tpu.memory_space<hbm>>) dst(%arg7 : memref<4096xi32, #tpu.memory_space<vmem>>)
        tpu.yield
      }) : () -> ()
    } else {
    }
    %dma_wait3A_696 = arith.constant 0 : i32
    %dma_wait3A_697 = arith.constant 0 : i32
    %dma_wait3A_698 = tpu.memref_slice %arg9[%dma_wait3A_696, %dma_wait3A_697] : memref<2x4096xf32, #tpu.memory_space<vmem>> -> memref<1x4096xf32, #tpu.memory_space<vmem>>
    %dma_wait3A_699 = tpu.memref_squeeze %dma_wait3A_698 : memref<1x4096xf32, #tpu.memory_space<vmem>> -> memref<4096xf32, #tpu.memory_space<vmem>>
    %dma_wait3A_700 = arith.constant 0 : i32
    %dma_wait3A_701 = tpu.memref_slice %arg5[%add3A_528, %dma_wait3A_700] : memref<416x4096xf32, #tpu.memory_space<hbm>> -> memref<1x4096xf32, #tpu.memory_space<hbm>>
    %dma_wait3A_702 = tpu.memref_squeeze %dma_wait3A_701 : memref<1x4096xf32, #tpu.memory_space<hbm>> -> memref<4096xf32, #tpu.memory_space<hbm>>
    %dma_wait3A_703 = arith.constant 0 : i32
    %dma_wait3A_704 = tpu.memref_slice %arg5[%add3A_528, %dma_wait3A_703] : memref<416x4096xf32, #tpu.memory_space<hbm>> -> memref<1x4096xf32, #tpu.memory_space<hbm>>
    %dma_wait3A_705 = tpu.memref_squeeze %dma_wait3A_704 : memref<1x4096xf32, #tpu.memory_space<hbm>> -> memref<4096xf32, #tpu.memory_space<hbm>>
    %dma_wait3A_706 = arith.constant 0 : i32
    %dma_wait3A_707 = tpu.memref_slice %arg9[%dma_wait3A_696, %dma_wait3A_706] : memref<2x4096xf32, #tpu.memory_space<vmem>> -> memref<1x4096xf32, #tpu.memory_space<vmem>>
    %dma_wait3A_708 = tpu.memref_squeeze %dma_wait3A_707 : memref<1x4096xf32, #tpu.memory_space<vmem>> -> memref<4096xf32, #tpu.memory_space<vmem>>
    tpu.wait_dma2 semaphore(%arg11 : memref<!tpu.dma_semaphore, #tpu.memory_space<semaphore_mem>>) src(%dma_wait3A_708 : memref<4096xf32, #tpu.memory_space<vmem>>) dst(%dma_wait3A_705 : memref<4096xf32, #tpu.memory_space<hbm>>)
    %dma_wait3A_709 = arith.constant 0 : i32
    %dma_wait3A_710 = tpu.memref_slice %arg2[%add3A_668, %dma_wait3A_709] : memref<416x100000xf32, #tpu.memory_space<hbm>> -> memref<1x100000xf32, #tpu.memory_space<hbm>>
    %dma_wait3A_711 = tpu.memref_squeeze %dma_wait3A_710 : memref<1x100000xf32, #tpu.memory_space<hbm>> -> memref<100000xf32, #tpu.memory_space<hbm>>
    %dma_wait3A_712 = arith.constant 0 : i32
    %dma_wait3A_713 = tpu.memref_slice %arg2[%add3A_668, %dma_wait3A_712] : memref<416x100000xf32, #tpu.memory_space<hbm>> -> memref<1x100000xf32, #tpu.memory_space<hbm>>
    %dma_wait3A_714 = tpu.memref_squeeze %dma_wait3A_713 : memref<1x100000xf32, #tpu.memory_space<hbm>> -> memref<100000xf32, #tpu.memory_space<hbm>>
    tpu.wait_dma2 semaphore(%arg10 : memref<!tpu.dma_semaphore, #tpu.memory_space<semaphore_mem>>) src(%dma_wait3A_714 : memref<100000xf32, #tpu.memory_space<hbm>>) dst(%arg8 : memref<100000xf32, #tpu.memory_space<vmem>>)
    %scan3A_715 = arith.constant 0 : i32
    %scan3A_716 = arith.constant 0 : i32
    %scan3A_717 = arith.constant 256 : i32
    %scan3A_718 = arith.addi %scan3A_716, %scan3A_717 : i32
    %scan3A_719 = arith.constant 8 : i32
    %scan3A_720 = scf.for %scan3A_906 = %scan3A_716 to %scan3A_718 step %scan3A_719 iter_args(%scan3A_907 = %scan3A_715) -> (i32)  : i32 {
      %mul3A_908 = arith.constant 16 : i32
      %mul3A_909 = arith.muli %scan3A_906, %mul3A_908 : i32
      %get3A = arith.index_cast %mul3A_909 : i32 to index
      %get3A_910 = tpu.vector_load %arg7[%get3A] {strides = array<i32>} : memref<4096xi32, #tpu.memory_space<vmem>>, vector<16xi32>,
      %gather3A = tpu.vector_load_idx %arg8[%get3A_910] : memref<100000xf32, #tpu.memory_space<vmem>>[vector<16xi32>], vector<16xf32>,
      %mul3A_911 = arith.constant 16 : i32
      %mul3A_912 = arith.muli %scan3A_906, %mul3A_911 : i32
      %swap3A = arith.constant 0 : i32
      %swap3A_913 = arith.index_cast %swap3A : i32 to index
      %swap3A_914 = arith.index_cast %mul3A_912 : i32 to index
      %swap3A_915 = tpu.vector_load %arg9[%swap3A_913, %swap3A_914] {strides = array<i32>} : memref<2x4096xf32, #tpu.memory_space<vmem>>, vector<16xf32>,
      tpu.vector_store %arg9[%swap3A_913, %swap3A_914], %gather3A {strides = array<i32>} : memref<2x4096xf32, #tpu.memory_space<vmem>>, vector<16xf32>,
      %scan3A_916 = arith.constant 0 : i32
      %scan3A_917 = arith.constant 1 : i32
      %scan3A_918 = arith.addi %scan3A_906, %scan3A_917 : i32
      %mul3A_919 = arith.constant 16 : i32
      %mul3A_920 = arith.muli %scan3A_918, %mul3A_919 : i32
      %get3A_921 = arith.index_cast %mul3A_920 : i32 to index
      %get3A_922 = tpu.vector_load %arg7[%get3A_921] {strides = array<i32>} : memref<4096xi32, #tpu.memory_space<vmem>>, vector<16xi32>,
      %gather3A_923 = tpu.vector_load_idx %arg8[%get3A_922] : memref<100000xf32, #tpu.memory_space<vmem>>[vector<16xi32>], vector<16xf32>,
      %mul3A_924 = arith.constant 16 : i32
      %mul3A_925 = arith.muli %scan3A_918, %mul3A_924 : i32
      %swap3A_926 = arith.constant 0 : i32
      %swap3A_927 = arith.index_cast %swap3A_926 : i32 to index
      %swap3A_928 = arith.index_cast %mul3A_925 : i32 to index
      %swap3A_929 = tpu.vector_load %arg9[%swap3A_927, %swap3A_928] {strides = array<i32>} : memref<2x4096xf32, #tpu.memory_space<vmem>>, vector<16xf32>,
      tpu.vector_store %arg9[%swap3A_927, %swap3A_928], %gather3A_923 {strides = array<i32>} : memref<2x4096xf32, #tpu.memory_space<vmem>>, vector<16xf32>,
      %scan3A_930 = arith.constant 0 : i32
      %scan3A_931 = arith.constant 2 : i32
      %scan3A_932 = arith.addi %scan3A_906, %scan3A_931 : i32
      %mul3A_933 = arith.constant 16 : i32
      %mul3A_934 = arith.muli %scan3A_932, %mul3A_933 : i32
      %get3A_935 = arith.index_cast %mul3A_934 : i32 to index
      %get3A_936 = tpu.vector_load %arg7[%get3A_935] {strides = array<i32>} : memref<4096xi32, #tpu.memory_space<vmem>>, vector<16xi32>,
      %gather3A_937 = tpu.vector_load_idx %arg8[%get3A_936] : memref<100000xf32, #tpu.memory_space<vmem>>[vector<16xi32>], vector<16xf32>,
      %mul3A_938 = arith.constant 16 : i32
      %mul3A_939 = arith.muli %scan3A_932, %mul3A_938 : i32
      %swap3A_940 = arith.constant 0 : i32
      %swap3A_941 = arith.index_cast %swap3A_940 : i32 to index
      %swap3A_942 = arith.index_cast %mul3A_939 : i32 to index
      %swap3A_943 = tpu.vector_load %arg9[%swap3A_941, %swap3A_942] {strides = array<i32>} : memref<2x4096xf32, #tpu.memory_space<vmem>>, vector<16xf32>,
      tpu.vector_store %arg9[%swap3A_941, %swap3A_942], %gather3A_937 {strides = array<i32>} : memref<2x4096xf32, #tpu.memory_space<vmem>>, vector<16xf32>,
      %scan3A_944 = arith.constant 0 : i32
      %scan3A_945 = arith.constant 3 : i32
      %scan3A_946 = arith.addi %scan3A_906, %scan3A_945 : i32
      %mul3A_947 = arith.constant 16 : i32
      %mul3A_948 = arith.muli %scan3A_946, %mul3A_947 : i32
      %get3A_949 = arith.index_cast %mul3A_948 : i32 to index
      %get3A_950 = tpu.vector_load %arg7[%get3A_949] {strides = array<i32>} : memref<4096xi32, #tpu.memory_space<vmem>>, vector<16xi32>,
      %gather3A_951 = tpu.vector_load_idx %arg8[%get3A_950] : memref<100000xf32, #tpu.memory_space<vmem>>[vector<16xi32>], vector<16xf32>,
      %mul3A_952 = arith.constant 16 : i32
      %mul3A_953 = arith.muli %scan3A_946, %mul3A_952 : i32
      %swap3A_954 = arith.constant 0 : i32
      %swap3A_955 = arith.index_cast %swap3A_954 : i32 to index
      %swap3A_956 = arith.index_cast %mul3A_953 : i32 to index
      %swap3A_957 = tpu.vector_load %arg9[%swap3A_955, %swap3A_956] {strides = array<i32>} : memref<2x4096xf32, #tpu.memory_space<vmem>>, vector<16xf32>,
      tpu.vector_store %arg9[%swap3A_955, %swap3A_956], %gather3A_951 {strides = array<i32>} : memref<2x4096xf32, #tpu.memory_space<vmem>>, vector<16xf32>,
      %scan3A_958 = arith.constant 0 : i32
      %scan3A_959 = arith.constant 4 : i32
      %scan3A_960 = arith.addi %scan3A_906, %scan3A_959 : i32
      %mul3A_961 = arith.constant 16 : i32
      %mul3A_962 = arith.muli %scan3A_960, %mul3A_961 : i32
      %get3A_963 = arith.index_cast %mul3A_962 : i32 to index
      %get3A_964 = tpu.vector_load %arg7[%get3A_963] {strides = array<i32>} : memref<4096xi32, #tpu.memory_space<vmem>>, vector<16xi32>,
      %gather3A_965 = tpu.vector_load_idx %arg8[%get3A_964] : memref<100000xf32, #tpu.memory_space<vmem>>[vector<16xi32>], vector<16xf32>,
      %mul3A_966 = arith.constant 16 : i32
      %mul3A_967 = arith.muli %scan3A_960, %mul3A_966 : i32
      %swap3A_968 = arith.constant 0 : i32
      %swap3A_969 = arith.index_cast %swap3A_968 : i32 to index
      %swap3A_970 = arith.index_cast %mul3A_967 : i32 to index
      %swap3A_971 = tpu.vector_load %arg9[%swap3A_969, %swap3A_970] {strides = array<i32>} : memref<2x4096xf32, #tpu.memory_space<vmem>>, vector<16xf32>,
      tpu.vector_store %arg9[%swap3A_969, %swap3A_970], %gather3A_965 {strides = array<i32>} : memref<2x4096xf32, #tpu.memory_space<vmem>>, vector<16xf32>,
      %scan3A_972 = arith.constant 0 : i32
      %scan3A_973 = arith.constant 5 : i32
      %scan3A_974 = arith.addi %scan3A_906, %scan3A_973 : i32
      %mul3A_975 = arith.constant 16 : i32
      %mul3A_976 = arith.muli %scan3A_974, %mul3A_975 : i32
      %get3A_977 = arith.index_cast %mul3A_976 : i32 to index
      %get3A_978 = tpu.vector_load %arg7[%get3A_977] {strides = array<i32>} : memref<4096xi32, #tpu.memory_space<vmem>>, vector<16xi32>,
      %gather3A_979 = tpu.vector_load_idx %arg8[%get3A_978] : memref<100000xf32, #tpu.memory_space<vmem>>[vector<16xi32>], vector<16xf32>,
      %mul3A_980 = arith.constant 16 : i32
      %mul3A_981 = arith.muli %scan3A_974, %mul3A_980 : i32
      %swap3A_982 = arith.constant 0 : i32
      %swap3A_983 = arith.index_cast %swap3A_982 : i32 to index
      %swap3A_984 = arith.index_cast %mul3A_981 : i32 to index
      %swap3A_985 = tpu.vector_load %arg9[%swap3A_983, %swap3A_984] {strides = array<i32>} : memref<2x4096xf32, #tpu.memory_space<vmem>>, vector<16xf32>,
      tpu.vector_store %arg9[%swap3A_983, %swap3A_984], %gather3A_979 {strides = array<i32>} : memref<2x4096xf32, #tpu.memory_space<vmem>>, vector<16xf32>,
      %scan3A_986 = arith.constant 0 : i32
      %scan3A_987 = arith.constant 6 : i32
      %scan3A_988 = arith.addi %scan3A_906, %scan3A_987 : i32
      %mul3A_989 = arith.constant 16 : i32
      %mul3A_990 = arith.muli %scan3A_988, %mul3A_989 : i32
      %get3A_991 = arith.index_cast %mul3A_990 : i32 to index
      %get3A_992 = tpu.vector_load %arg7[%get3A_991] {strides = array<i32>} : memref<4096xi32, #tpu.memory_space<vmem>>, vector<16xi32>,
      %gather3A_993 = tpu.vector_load_idx %arg8[%get3A_992] : memref<100000xf32, #tpu.memory_space<vmem>>[vector<16xi32>], vector<16xf32>,
      %mul3A_994 = arith.constant 16 : i32
      %mul3A_995 = arith.muli %scan3A_988, %mul3A_994 : i32
      %swap3A_996 = arith.constant 0 : i32
      %swap3A_997 = arith.index_cast %swap3A_996 : i32 to index
      %swap3A_998 = arith.index_cast %mul3A_995 : i32 to index
      %swap3A_999 = tpu.vector_load %arg9[%swap3A_997, %swap3A_998] {strides = array<i32>} : memref<2x4096xf32, #tpu.memory_space<vmem>>, vector<16xf32>,
      tpu.vector_store %arg9[%swap3A_997, %swap3A_998], %gather3A_993 {strides = array<i32>} : memref<2x4096xf32, #tpu.memory_space<vmem>>, vector<16xf32>,
      %scan3A_1000 = arith.constant 0 : i32
      %scan3A_1001 = arith.constant 7 : i32
      %scan3A_1002 = arith.addi %scan3A_906, %scan3A_1001 : i32
      %mul3A_1003 = arith.constant 16 : i32
      %mul3A_1004 = arith.muli %scan3A_1002, %mul3A_1003 : i32
      %get3A_1005 = arith.index_cast %mul3A_1004 : i32 to index
      %get3A_1006 = tpu.vector_load %arg7[%get3A_1005] {strides = array<i32>} : memref<4096xi32, #tpu.memory_space<vmem>>, vector<16xi32>,
      %gather3A_1007 = tpu.vector_load_idx %arg8[%get3A_1006] : memref<100000xf32, #tpu.memory_space<vmem>>[vector<16xi32>], vector<16xf32>,
      %mul3A_1008 = arith.constant 16 : i32
      %mul3A_1009 = arith.muli %scan3A_1002, %mul3A_1008 : i32
      %swap3A_1010 = arith.constant 0 : i32
      %swap3A_1011 = arith.index_cast %swap3A_1010 : i32 to index
      %swap3A_1012 = arith.index_cast %mul3A_1009 : i32 to index
      %swap3A_1013 = tpu.vector_load %arg9[%swap3A_1011, %swap3A_1012] {strides = array<i32>} : memref<2x4096xf32, #tpu.memory_space<vmem>>, vector<16xf32>,
      tpu.vector_store %arg9[%swap3A_1011, %swap3A_1012], %gather3A_1007 {strides = array<i32>} : memref<2x4096xf32, #tpu.memory_space<vmem>>, vector<16xf32>,
      %scan3A_1014 = arith.constant 0 : i32
      scf.yield %scan3A_1014 : i32
    }
    %scan3A_721 = arith.constant 256 : i32
    %dma_start3A_722 = arith.constant 0 : i32
    %dma_start3A_723 = arith.constant 0 : i32
    %dma_start3A_724 = tpu.memref_slice %arg9[%dma_start3A_722, %dma_start3A_723] : memref<2x4096xf32, #tpu.memory_space<vmem>> -> memref<1x4096xf32, #tpu.memory_space<vmem>>
    %dma_start3A_725 = tpu.memref_squeeze %dma_start3A_724 : memref<1x4096xf32, #tpu.memory_space<vmem>> -> memref<4096xf32, #tpu.memory_space<vmem>>
    %dma_start3A_726 = arith.constant 0 : i32
    %dma_start3A_727 = tpu.memref_slice %arg5[%add3A_668, %dma_start3A_726] : memref<416x4096xf32, #tpu.memory_space<hbm>> -> memref<1x4096xf32, #tpu.memory_space<hbm>>
    %dma_start3A_728 = tpu.memref_squeeze %dma_start3A_727 : memref<1x4096xf32, #tpu.memory_space<hbm>> -> memref<4096xf32, #tpu.memory_space<hbm>>
    %dma_start3A_729 = arith.constant 0 : i32
    %dma_start3A_730 = tpu.memref_slice %arg5[%add3A_668, %dma_start3A_729] : memref<416x4096xf32, #tpu.memory_space<hbm>> -> memref<1x4096xf32, #tpu.memory_space<hbm>>
    %dma_start3A_731 = tpu.memref_squeeze %dma_start3A_730 : memref<1x4096xf32, #tpu.memory_space<hbm>> -> memref<4096xf32, #tpu.memory_space<hbm>>
    %dma_start3A_732 = arith.constant 0 : i32
    %dma_start3A_733 = tpu.memref_slice %arg9[%dma_start3A_722, %dma_start3A_732] : memref<2x4096xf32, #tpu.memory_space<vmem>> -> memref<1x4096xf32, #tpu.memory_space<vmem>>
    %dma_start3A_734 = tpu.memref_squeeze %dma_start3A_733 : memref<1x4096xf32, #tpu.memory_space<vmem>> -> memref<4096xf32, #tpu.memory_space<vmem>>
    tpu.enqueue_dma source(%dma_start3A_734 : memref<4096xf32, #tpu.memory_space<vmem>>) target(%dma_start3A_731 : memref<4096xf32, #tpu.memory_space<hbm>>) target_semaphore(%arg11 : memref<!tpu.dma_semaphore, #tpu.memory_space<semaphore_mem>>)
    %mul3A_735 = arith.constant 13 : i32
    %mul3A_736 = arith.muli %add3A, %mul3A_735 : i32
    %add3A_737 = arith.constant 11 : i32
    %add3A_738 = arith.addi %mul3A_736, %add3A_737 : i32
    %dma_start3A_739 = arith.constant 0 : i32
    %dma_start3A_740 = tpu.memref_slice %arg2[%add3A_738, %dma_start3A_739] : memref<416x100000xf32, #tpu.memory_space<hbm>> -> memref<1x100000xf32, #tpu.memory_space<hbm>>
    %dma_start3A_741 = tpu.memref_squeeze %dma_start3A_740 : memref<1x100000xf32, #tpu.memory_space<hbm>> -> memref<100000xf32, #tpu.memory_space<hbm>>
    %dma_start3A_742 = arith.constant 0 : i32
    %dma_start3A_743 = tpu.memref_slice %arg2[%add3A_738, %dma_start3A_742] : memref<416x100000xf32, #tpu.memory_space<hbm>> -> memref<1x100000xf32, #tpu.memory_space<hbm>>
    %dma_start3A_744 = tpu.memref_squeeze %dma_start3A_743 : memref<1x100000xf32, #tpu.memory_space<hbm>> -> memref<100000xf32, #tpu.memory_space<hbm>>
    tpu.enqueue_dma source(%dma_start3A_744 : memref<100000xf32, #tpu.memory_space<hbm>>) target(%arg8 : memref<100000xf32, #tpu.memory_space<vmem>>) target_semaphore(%arg10 : memref<!tpu.dma_semaphore, #tpu.memory_space<semaphore_mem>>)
    %jit3A_745 = arith.constant 16 : i32
    %eq3A_746 = arith.constant 0 : i32
    %eq3A_747 = arith.cmpi eq, %jit3A_745, %eq3A_746 : i32
    %jit3A_748 = arith.constant 1 : i32
    %select_n3A_749 = arith.select %eq3A_747, %jit3A_748, %jit3A_745 : i32
    %rem3A_750 = arith.remsi %add3A_738, %select_n3A_749 : i32
    %ne3A_751 = arith.constant 0 : i32
    %ne3A_752 = arith.cmpi ne, %rem3A_750, %ne3A_751 : i32
    %lt3A_753 = arith.constant 0 : i32
    %lt3A_754 = arith.cmpi slt, %rem3A_750, %lt3A_753 : i32
    %lt3A_755 = arith.constant 0 : i32
    %lt3A_756 = arith.cmpi slt, %select_n3A_749, %lt3A_755 : i32
    %ne3A_757 = arith.xori %lt3A_754, %lt3A_756 : i1
    %and3A_758 = arith.andi %ne3A_757, %ne3A_752 : i1
    %add3A_759 = arith.addi %rem3A_750, %select_n3A_749 : i32
    %select_n3A_760 = arith.select %and3A_758, %add3A_759, %rem3A_750 : i32
    %eq3A_761 = arith.constant 0 : i32
    %eq3A_762 = arith.cmpi eq, %select_n3A_760, %eq3A_761 : i32
    %convert_element_type3A_763 = arith.extui %eq3A_762 : i1 to i32
    %cond3A_764 = arith.constant 0 : i32
    %cond3A_765 = arith.cmpi ne, %convert_element_type3A_763, %cond3A_764 : i32
    scf.if %cond3A_765 {
      %jit3A_906 = arith.constant 16 : i32
      %div3A_907 = arith.divsi %add3A_738, %jit3A_906 : i32
      %sign3A_908 = arith.constant 0 : i32
      %sign3A_909 = arith.cmpi sgt, %add3A_738, %sign3A_908 : i32
      %sign3A_910 = arith.extui %sign3A_909 : i1 to i32
      %sign3A_911 = arith.constant 0 : i32
      %sign3A_912 = arith.cmpi slt, %add3A_738, %sign3A_911 : i32
      %sign3A_913 = arith.extui %sign3A_912 : i1 to i32
      %sign3A_914 = arith.subi %sign3A_910, %sign3A_913 : i32
      %sign3A_915 = arith.constant 0 : i32
      %sign3A_916 = arith.cmpi sgt, %jit3A_906, %sign3A_915 : i32
      %sign3A_917 = arith.extui %sign3A_916 : i1 to i32
      %sign3A_918 = arith.constant 0 : i32
      %sign3A_919 = arith.cmpi slt, %jit3A_906, %sign3A_918 : i32
      %sign3A_920 = arith.extui %sign3A_919 : i1 to i32
      %sign3A_921 = arith.subi %sign3A_917, %sign3A_920 : i32
      %ne3A_922 = arith.cmpi ne, %sign3A_914, %sign3A_921 : i32
      %rem3A_923 = arith.remsi %add3A_738, %jit3A_906 : i32
      %ne3A_924 = arith.constant 0 : i32
      %ne3A_925 = arith.cmpi ne, %rem3A_923, %ne3A_924 : i32
      %and3A_926 = arith.andi %ne3A_922, %ne3A_925 : i1
      %sub3A_927 = arith.constant 1 : i32
      %sub3A_928 = arith.subi %div3A_907, %sub3A_927 : i32
      %select_n3A_929 = arith.select %and3A_926, %sub3A_928, %div3A_907 : i32
      %mul3A_930 = arith.constant 4096 : i32
      %mul3A_931 = arith.muli %select_n3A_929, %mul3A_930 : i32
      "tpu.region"() ({
        %run_scoped3A = tpu.sem_alloc : memref<!tpu.dma_semaphore, #tpu.memory_space<semaphore_mem>>
        %dma_start3A_932 = tpu.memref_slice %arg4[%mul3A_931] : memref<106496xi32, #tpu.memory_space<hbm>> -> memref<4096xi32, #tpu.memory_space<hbm>>
        %dma_start3A_933 = tpu.memref_slice %arg4[%mul3A_931] : memref<106496xi32, #tpu.memory_space<hbm>> -> memref<4096xi32, #tpu.memory_space<hbm>>
        tpu.enqueue_dma source(%dma_start3A_933 : memref<4096xi32, #tpu.memory_space<hbm>>) target(%arg7 : memref<4096xi32, #tpu.memory_space<vmem>>) target_semaphore(%run_scoped3A : memref<!tpu.dma_semaphore, #tpu.memory_space<semaphore_mem>>)
        %dma_wait3A_934 = tpu.memref_slice %arg4[%mul3A_931] : memref<106496xi32, #tpu.memory_space<hbm>> -> memref<4096xi32, #tpu.memory_space<hbm>>
        %dma_wait3A_935 = tpu.memref_slice %arg4[%mul3A_931] : memref<106496xi32, #tpu.memory_space<hbm>> -> memref<4096xi32, #tpu.memory_space<hbm>>
        tpu.wait_dma2 semaphore(%run_scoped3A : memref<!tpu.dma_semaphore, #tpu.memory_space<semaphore_mem>>) src(%dma_wait3A_935 : memref<4096xi32, #tpu.memory_space<hbm>>) dst(%arg7 : memref<4096xi32, #tpu.memory_space<vmem>>)
        tpu.yield
      }) : () -> ()
    } else {
    }
    %dma_wait3A_766 = arith.constant 1 : i32
    %dma_wait3A_767 = arith.constant 0 : i32
    %dma_wait3A_768 = tpu.memref_slice %arg9[%dma_wait3A_766, %dma_wait3A_767] : memref<2x4096xf32, #tpu.memory_space<vmem>> -> memref<1x4096xf32, #tpu.memory_space<vmem>>
    %dma_wait3A_769 = tpu.memref_squeeze %dma_wait3A_768 : memref<1x4096xf32, #tpu.memory_space<vmem>> -> memref<4096xf32, #tpu.memory_space<vmem>>
    %dma_wait3A_770 = arith.constant 0 : i32
    %dma_wait3A_771 = tpu.memref_slice %arg5[%add3A_598, %dma_wait3A_770] : memref<416x4096xf32, #tpu.memory_space<hbm>> -> memref<1x4096xf32, #tpu.memory_space<hbm>>
    %dma_wait3A_772 = tpu.memref_squeeze %dma_wait3A_771 : memref<1x4096xf32, #tpu.memory_space<hbm>> -> memref<4096xf32, #tpu.memory_space<hbm>>
    %dma_wait3A_773 = arith.constant 0 : i32
    %dma_wait3A_774 = tpu.memref_slice %arg5[%add3A_598, %dma_wait3A_773] : memref<416x4096xf32, #tpu.memory_space<hbm>> -> memref<1x4096xf32, #tpu.memory_space<hbm>>
    %dma_wait3A_775 = tpu.memref_squeeze %dma_wait3A_774 : memref<1x4096xf32, #tpu.memory_space<hbm>> -> memref<4096xf32, #tpu.memory_space<hbm>>
    %dma_wait3A_776 = arith.constant 0 : i32
    %dma_wait3A_777 = tpu.memref_slice %arg9[%dma_wait3A_766, %dma_wait3A_776] : memref<2x4096xf32, #tpu.memory_space<vmem>> -> memref<1x4096xf32, #tpu.memory_space<vmem>>
    %dma_wait3A_778 = tpu.memref_squeeze %dma_wait3A_777 : memref<1x4096xf32, #tpu.memory_space<vmem>> -> memref<4096xf32, #tpu.memory_space<vmem>>
    tpu.wait_dma2 semaphore(%arg11 : memref<!tpu.dma_semaphore, #tpu.memory_space<semaphore_mem>>) src(%dma_wait3A_778 : memref<4096xf32, #tpu.memory_space<vmem>>) dst(%dma_wait3A_775 : memref<4096xf32, #tpu.memory_space<hbm>>)
    %dma_wait3A_779 = arith.constant 0 : i32
    %dma_wait3A_780 = tpu.memref_slice %arg2[%add3A_738, %dma_wait3A_779] : memref<416x100000xf32, #tpu.memory_space<hbm>> -> memref<1x100000xf32, #tpu.memory_space<hbm>>
    %dma_wait3A_781 = tpu.memref_squeeze %dma_wait3A_780 : memref<1x100000xf32, #tpu.memory_space<hbm>> -> memref<100000xf32, #tpu.memory_space<hbm>>
    %dma_wait3A_782 = arith.constant 0 : i32
    %dma_wait3A_783 = tpu.memref_slice %arg2[%add3A_738, %dma_wait3A_782] : memref<416x100000xf32, #tpu.memory_space<hbm>> -> memref<1x100000xf32, #tpu.memory_space<hbm>>
    %dma_wait3A_784 = tpu.memref_squeeze %dma_wait3A_783 : memref<1x100000xf32, #tpu.memory_space<hbm>> -> memref<100000xf32, #tpu.memory_space<hbm>>
    tpu.wait_dma2 semaphore(%arg10 : memref<!tpu.dma_semaphore, #tpu.memory_space<semaphore_mem>>) src(%dma_wait3A_784 : memref<100000xf32, #tpu.memory_space<hbm>>) dst(%arg8 : memref<100000xf32, #tpu.memory_space<vmem>>)
    %scan3A_785 = arith.constant 0 : i32
    %scan3A_786 = arith.constant 0 : i32
    %scan3A_787 = arith.constant 256 : i32
    %scan3A_788 = arith.addi %scan3A_786, %scan3A_787 : i32
    %scan3A_789 = arith.constant 8 : i32
    %scan3A_790 = scf.for %scan3A_906 = %scan3A_786 to %scan3A_788 step %scan3A_789 iter_args(%scan3A_907 = %scan3A_785) -> (i32)  : i32 {
      %mul3A_908 = arith.constant 16 : i32
      %mul3A_909 = arith.muli %scan3A_906, %mul3A_908 : i32
      %get3A = arith.index_cast %mul3A_909 : i32 to index
      %get3A_910 = tpu.vector_load %arg7[%get3A] {strides = array<i32>} : memref<4096xi32, #tpu.memory_space<vmem>>, vector<16xi32>,
      %gather3A = tpu.vector_load_idx %arg8[%get3A_910] : memref<100000xf32, #tpu.memory_space<vmem>>[vector<16xi32>], vector<16xf32>,
      %mul3A_911 = arith.constant 16 : i32
      %mul3A_912 = arith.muli %scan3A_906, %mul3A_911 : i32
      %swap3A = arith.constant 1 : i32
      %swap3A_913 = arith.index_cast %swap3A : i32 to index
      %swap3A_914 = arith.index_cast %mul3A_912 : i32 to index
      %swap3A_915 = tpu.vector_load %arg9[%swap3A_913, %swap3A_914] {strides = array<i32>} : memref<2x4096xf32, #tpu.memory_space<vmem>>, vector<16xf32>,
      tpu.vector_store %arg9[%swap3A_913, %swap3A_914], %gather3A {strides = array<i32>} : memref<2x4096xf32, #tpu.memory_space<vmem>>, vector<16xf32>,
      %scan3A_916 = arith.constant 0 : i32
      %scan3A_917 = arith.constant 1 : i32
      %scan3A_918 = arith.addi %scan3A_906, %scan3A_917 : i32
      %mul3A_919 = arith.constant 16 : i32
      %mul3A_920 = arith.muli %scan3A_918, %mul3A_919 : i32
      %get3A_921 = arith.index_cast %mul3A_920 : i32 to index
      %get3A_922 = tpu.vector_load %arg7[%get3A_921] {strides = array<i32>} : memref<4096xi32, #tpu.memory_space<vmem>>, vector<16xi32>,
      %gather3A_923 = tpu.vector_load_idx %arg8[%get3A_922] : memref<100000xf32, #tpu.memory_space<vmem>>[vector<16xi32>], vector<16xf32>,
      %mul3A_924 = arith.constant 16 : i32
      %mul3A_925 = arith.muli %scan3A_918, %mul3A_924 : i32
      %swap3A_926 = arith.constant 1 : i32
      %swap3A_927 = arith.index_cast %swap3A_926 : i32 to index
      %swap3A_928 = arith.index_cast %mul3A_925 : i32 to index
      %swap3A_929 = tpu.vector_load %arg9[%swap3A_927, %swap3A_928] {strides = array<i32>} : memref<2x4096xf32, #tpu.memory_space<vmem>>, vector<16xf32>,
      tpu.vector_store %arg9[%swap3A_927, %swap3A_928], %gather3A_923 {strides = array<i32>} : memref<2x4096xf32, #tpu.memory_space<vmem>>, vector<16xf32>,
      %scan3A_930 = arith.constant 0 : i32
      %scan3A_931 = arith.constant 2 : i32
      %scan3A_932 = arith.addi %scan3A_906, %scan3A_931 : i32
      %mul3A_933 = arith.constant 16 : i32
      %mul3A_934 = arith.muli %scan3A_932, %mul3A_933 : i32
      %get3A_935 = arith.index_cast %mul3A_934 : i32 to index
      %get3A_936 = tpu.vector_load %arg7[%get3A_935] {strides = array<i32>} : memref<4096xi32, #tpu.memory_space<vmem>>, vector<16xi32>,
      %gather3A_937 = tpu.vector_load_idx %arg8[%get3A_936] : memref<100000xf32, #tpu.memory_space<vmem>>[vector<16xi32>], vector<16xf32>,
      %mul3A_938 = arith.constant 16 : i32
      %mul3A_939 = arith.muli %scan3A_932, %mul3A_938 : i32
      %swap3A_940 = arith.constant 1 : i32
      %swap3A_941 = arith.index_cast %swap3A_940 : i32 to index
      %swap3A_942 = arith.index_cast %mul3A_939 : i32 to index
      %swap3A_943 = tpu.vector_load %arg9[%swap3A_941, %swap3A_942] {strides = array<i32>} : memref<2x4096xf32, #tpu.memory_space<vmem>>, vector<16xf32>,
      tpu.vector_store %arg9[%swap3A_941, %swap3A_942], %gather3A_937 {strides = array<i32>} : memref<2x4096xf32, #tpu.memory_space<vmem>>, vector<16xf32>,
      %scan3A_944 = arith.constant 0 : i32
      %scan3A_945 = arith.constant 3 : i32
      %scan3A_946 = arith.addi %scan3A_906, %scan3A_945 : i32
      %mul3A_947 = arith.constant 16 : i32
      %mul3A_948 = arith.muli %scan3A_946, %mul3A_947 : i32
      %get3A_949 = arith.index_cast %mul3A_948 : i32 to index
      %get3A_950 = tpu.vector_load %arg7[%get3A_949] {strides = array<i32>} : memref<4096xi32, #tpu.memory_space<vmem>>, vector<16xi32>,
      %gather3A_951 = tpu.vector_load_idx %arg8[%get3A_950] : memref<100000xf32, #tpu.memory_space<vmem>>[vector<16xi32>], vector<16xf32>,
      %mul3A_952 = arith.constant 16 : i32
      %mul3A_953 = arith.muli %scan3A_946, %mul3A_952 : i32
      %swap3A_954 = arith.constant 1 : i32
      %swap3A_955 = arith.index_cast %swap3A_954 : i32 to index
      %swap3A_956 = arith.index_cast %mul3A_953 : i32 to index
      %swap3A_957 = tpu.vector_load %arg9[%swap3A_955, %swap3A_956] {strides = array<i32>} : memref<2x4096xf32, #tpu.memory_space<vmem>>, vector<16xf32>,
      tpu.vector_store %arg9[%swap3A_955, %swap3A_956], %gather3A_951 {strides = array<i32>} : memref<2x4096xf32, #tpu.memory_space<vmem>>, vector<16xf32>,
      %scan3A_958 = arith.constant 0 : i32
      %scan3A_959 = arith.constant 4 : i32
      %scan3A_960 = arith.addi %scan3A_906, %scan3A_959 : i32
      %mul3A_961 = arith.constant 16 : i32
      %mul3A_962 = arith.muli %scan3A_960, %mul3A_961 : i32
      %get3A_963 = arith.index_cast %mul3A_962 : i32 to index
      %get3A_964 = tpu.vector_load %arg7[%get3A_963] {strides = array<i32>} : memref<4096xi32, #tpu.memory_space<vmem>>, vector<16xi32>,
      %gather3A_965 = tpu.vector_load_idx %arg8[%get3A_964] : memref<100000xf32, #tpu.memory_space<vmem>>[vector<16xi32>], vector<16xf32>,
      %mul3A_966 = arith.constant 16 : i32
      %mul3A_967 = arith.muli %scan3A_960, %mul3A_966 : i32
      %swap3A_968 = arith.constant 1 : i32
      %swap3A_969 = arith.index_cast %swap3A_968 : i32 to index
      %swap3A_970 = arith.index_cast %mul3A_967 : i32 to index
      %swap3A_971 = tpu.vector_load %arg9[%swap3A_969, %swap3A_970] {strides = array<i32>} : memref<2x4096xf32, #tpu.memory_space<vmem>>, vector<16xf32>,
      tpu.vector_store %arg9[%swap3A_969, %swap3A_970], %gather3A_965 {strides = array<i32>} : memref<2x4096xf32, #tpu.memory_space<vmem>>, vector<16xf32>,
      %scan3A_972 = arith.constant 0 : i32
      %scan3A_973 = arith.constant 5 : i32
      %scan3A_974 = arith.addi %scan3A_906, %scan3A_973 : i32
      %mul3A_975 = arith.constant 16 : i32
      %mul3A_976 = arith.muli %scan3A_974, %mul3A_975 : i32
      %get3A_977 = arith.index_cast %mul3A_976 : i32 to index
      %get3A_978 = tpu.vector_load %arg7[%get3A_977] {strides = array<i32>} : memref<4096xi32, #tpu.memory_space<vmem>>, vector<16xi32>,
      %gather3A_979 = tpu.vector_load_idx %arg8[%get3A_978] : memref<100000xf32, #tpu.memory_space<vmem>>[vector<16xi32>], vector<16xf32>,
      %mul3A_980 = arith.constant 16 : i32
      %mul3A_981 = arith.muli %scan3A_974, %mul3A_980 : i32
      %swap3A_982 = arith.constant 1 : i32
      %swap3A_983 = arith.index_cast %swap3A_982 : i32 to index
      %swap3A_984 = arith.index_cast %mul3A_981 : i32 to index
      %swap3A_985 = tpu.vector_load %arg9[%swap3A_983, %swap3A_984] {strides = array<i32>} : memref<2x4096xf32, #tpu.memory_space<vmem>>, vector<16xf32>,
      tpu.vector_store %arg9[%swap3A_983, %swap3A_984], %gather3A_979 {strides = array<i32>} : memref<2x4096xf32, #tpu.memory_space<vmem>>, vector<16xf32>,
      %scan3A_986 = arith.constant 0 : i32
      %scan3A_987 = arith.constant 6 : i32
      %scan3A_988 = arith.addi %scan3A_906, %scan3A_987 : i32
      %mul3A_989 = arith.constant 16 : i32
      %mul3A_990 = arith.muli %scan3A_988, %mul3A_989 : i32
      %get3A_991 = arith.index_cast %mul3A_990 : i32 to index
      %get3A_992 = tpu.vector_load %arg7[%get3A_991] {strides = array<i32>} : memref<4096xi32, #tpu.memory_space<vmem>>, vector<16xi32>,
      %gather3A_993 = tpu.vector_load_idx %arg8[%get3A_992] : memref<100000xf32, #tpu.memory_space<vmem>>[vector<16xi32>], vector<16xf32>,
      %mul3A_994 = arith.constant 16 : i32
      %mul3A_995 = arith.muli %scan3A_988, %mul3A_994 : i32
      %swap3A_996 = arith.constant 1 : i32
      %swap3A_997 = arith.index_cast %swap3A_996 : i32 to index
      %swap3A_998 = arith.index_cast %mul3A_995 : i32 to index
      %swap3A_999 = tpu.vector_load %arg9[%swap3A_997, %swap3A_998] {strides = array<i32>} : memref<2x4096xf32, #tpu.memory_space<vmem>>, vector<16xf32>,
      tpu.vector_store %arg9[%swap3A_997, %swap3A_998], %gather3A_993 {strides = array<i32>} : memref<2x4096xf32, #tpu.memory_space<vmem>>, vector<16xf32>,
      %scan3A_1000 = arith.constant 0 : i32
      %scan3A_1001 = arith.constant 7 : i32
      %scan3A_1002 = arith.addi %scan3A_906, %scan3A_1001 : i32
      %mul3A_1003 = arith.constant 16 : i32
      %mul3A_1004 = arith.muli %scan3A_1002, %mul3A_1003 : i32
      %get3A_1005 = arith.index_cast %mul3A_1004 : i32 to index
      %get3A_1006 = tpu.vector_load %arg7[%get3A_1005] {strides = array<i32>} : memref<4096xi32, #tpu.memory_space<vmem>>, vector<16xi32>,
      %gather3A_1007 = tpu.vector_load_idx %arg8[%get3A_1006] : memref<100000xf32, #tpu.memory_space<vmem>>[vector<16xi32>], vector<16xf32>,
      %mul3A_1008 = arith.constant 16 : i32
      %mul3A_1009 = arith.muli %scan3A_1002, %mul3A_1008 : i32
      %swap3A_1010 = arith.constant 1 : i32
      %swap3A_1011 = arith.index_cast %swap3A_1010 : i32 to index
      %swap3A_1012 = arith.index_cast %mul3A_1009 : i32 to index
      %swap3A_1013 = tpu.vector_load %arg9[%swap3A_1011, %swap3A_1012] {strides = array<i32>} : memref<2x4096xf32, #tpu.memory_space<vmem>>, vector<16xf32>,
      tpu.vector_store %arg9[%swap3A_1011, %swap3A_1012], %gather3A_1007 {strides = array<i32>} : memref<2x4096xf32, #tpu.memory_space<vmem>>, vector<16xf32>,
      %scan3A_1014 = arith.constant 0 : i32
      scf.yield %scan3A_1014 : i32
    }
    %scan3A_791 = arith.constant 256 : i32
    %dma_start3A_792 = arith.constant 1 : i32
    %dma_start3A_793 = arith.constant 0 : i32
    %dma_start3A_794 = tpu.memref_slice %arg9[%dma_start3A_792, %dma_start3A_793] : memref<2x4096xf32, #tpu.memory_space<vmem>> -> memref<1x4096xf32, #tpu.memory_space<vmem>>
    %dma_start3A_795 = tpu.memref_squeeze %dma_start3A_794 : memref<1x4096xf32, #tpu.memory_space<vmem>> -> memref<4096xf32, #tpu.memory_space<vmem>>
    %dma_start3A_796 = arith.constant 0 : i32
    %dma_start3A_797 = tpu.memref_slice %arg5[%add3A_738, %dma_start3A_796] : memref<416x4096xf32, #tpu.memory_space<hbm>> -> memref<1x4096xf32, #tpu.memory_space<hbm>>
    %dma_start3A_798 = tpu.memref_squeeze %dma_start3A_797 : memref<1x4096xf32, #tpu.memory_space<hbm>> -> memref<4096xf32, #tpu.memory_space<hbm>>
    %dma_start3A_799 = arith.constant 0 : i32
    %dma_start3A_800 = tpu.memref_slice %arg5[%add3A_738, %dma_start3A_799] : memref<416x4096xf32, #tpu.memory_space<hbm>> -> memref<1x4096xf32, #tpu.memory_space<hbm>>
    %dma_start3A_801 = tpu.memref_squeeze %dma_start3A_800 : memref<1x4096xf32, #tpu.memory_space<hbm>> -> memref<4096xf32, #tpu.memory_space<hbm>>
    %dma_start3A_802 = arith.constant 0 : i32
    %dma_start3A_803 = tpu.memref_slice %arg9[%dma_start3A_792, %dma_start3A_802] : memref<2x4096xf32, #tpu.memory_space<vmem>> -> memref<1x4096xf32, #tpu.memory_space<vmem>>
    %dma_start3A_804 = tpu.memref_squeeze %dma_start3A_803 : memref<1x4096xf32, #tpu.memory_space<vmem>> -> memref<4096xf32, #tpu.memory_space<vmem>>
    tpu.enqueue_dma source(%dma_start3A_804 : memref<4096xf32, #tpu.memory_space<vmem>>) target(%dma_start3A_801 : memref<4096xf32, #tpu.memory_space<hbm>>) target_semaphore(%arg11 : memref<!tpu.dma_semaphore, #tpu.memory_space<semaphore_mem>>)
    %mul3A_805 = arith.constant 13 : i32
    %mul3A_806 = arith.muli %add3A, %mul3A_805 : i32
    %add3A_807 = arith.constant 12 : i32
    %add3A_808 = arith.addi %mul3A_806, %add3A_807 : i32
    %dma_start3A_809 = arith.constant 0 : i32
    %dma_start3A_810 = tpu.memref_slice %arg2[%add3A_808, %dma_start3A_809] : memref<416x100000xf32, #tpu.memory_space<hbm>> -> memref<1x100000xf32, #tpu.memory_space<hbm>>
    %dma_start3A_811 = tpu.memref_squeeze %dma_start3A_810 : memref<1x100000xf32, #tpu.memory_space<hbm>> -> memref<100000xf32, #tpu.memory_space<hbm>>
    %dma_start3A_812 = arith.constant 0 : i32
    %dma_start3A_813 = tpu.memref_slice %arg2[%add3A_808, %dma_start3A_812] : memref<416x100000xf32, #tpu.memory_space<hbm>> -> memref<1x100000xf32, #tpu.memory_space<hbm>>
    %dma_start3A_814 = tpu.memref_squeeze %dma_start3A_813 : memref<1x100000xf32, #tpu.memory_space<hbm>> -> memref<100000xf32, #tpu.memory_space<hbm>>
    tpu.enqueue_dma source(%dma_start3A_814 : memref<100000xf32, #tpu.memory_space<hbm>>) target(%arg8 : memref<100000xf32, #tpu.memory_space<vmem>>) target_semaphore(%arg10 : memref<!tpu.dma_semaphore, #tpu.memory_space<semaphore_mem>>)
    %jit3A_815 = arith.constant 16 : i32
    %eq3A_816 = arith.constant 0 : i32
    %eq3A_817 = arith.cmpi eq, %jit3A_815, %eq3A_816 : i32
    %jit3A_818 = arith.constant 1 : i32
    %select_n3A_819 = arith.select %eq3A_817, %jit3A_818, %jit3A_815 : i32
    %rem3A_820 = arith.remsi %add3A_808, %select_n3A_819 : i32
    %ne3A_821 = arith.constant 0 : i32
    %ne3A_822 = arith.cmpi ne, %rem3A_820, %ne3A_821 : i32
    %lt3A_823 = arith.constant 0 : i32
    %lt3A_824 = arith.cmpi slt, %rem3A_820, %lt3A_823 : i32
    %lt3A_825 = arith.constant 0 : i32
    %lt3A_826 = arith.cmpi slt, %select_n3A_819, %lt3A_825 : i32
    %ne3A_827 = arith.xori %lt3A_824, %lt3A_826 : i1
    %and3A_828 = arith.andi %ne3A_827, %ne3A_822 : i1
    %add3A_829 = arith.addi %rem3A_820, %select_n3A_819 : i32
    %select_n3A_830 = arith.select %and3A_828, %add3A_829, %rem3A_820 : i32
    %eq3A_831 = arith.constant 0 : i32
    %eq3A_832 = arith.cmpi eq, %select_n3A_830, %eq3A_831 : i32
    %convert_element_type3A_833 = arith.extui %eq3A_832 : i1 to i32
    %cond3A_834 = arith.constant 0 : i32
    %cond3A_835 = arith.cmpi ne, %convert_element_type3A_833, %cond3A_834 : i32
    scf.if %cond3A_835 {
      %jit3A_906 = arith.constant 16 : i32
      %div3A_907 = arith.divsi %add3A_808, %jit3A_906 : i32
      %sign3A_908 = arith.constant 0 : i32
      %sign3A_909 = arith.cmpi sgt, %add3A_808, %sign3A_908 : i32
      %sign3A_910 = arith.extui %sign3A_909 : i1 to i32
      %sign3A_911 = arith.constant 0 : i32
      %sign3A_912 = arith.cmpi slt, %add3A_808, %sign3A_911 : i32
      %sign3A_913 = arith.extui %sign3A_912 : i1 to i32
      %sign3A_914 = arith.subi %sign3A_910, %sign3A_913 : i32
      %sign3A_915 = arith.constant 0 : i32
      %sign3A_916 = arith.cmpi sgt, %jit3A_906, %sign3A_915 : i32
      %sign3A_917 = arith.extui %sign3A_916 : i1 to i32
      %sign3A_918 = arith.constant 0 : i32
      %sign3A_919 = arith.cmpi slt, %jit3A_906, %sign3A_918 : i32
      %sign3A_920 = arith.extui %sign3A_919 : i1 to i32
      %sign3A_921 = arith.subi %sign3A_917, %sign3A_920 : i32
      %ne3A_922 = arith.cmpi ne, %sign3A_914, %sign3A_921 : i32
      %rem3A_923 = arith.remsi %add3A_808, %jit3A_906 : i32
      %ne3A_924 = arith.constant 0 : i32
      %ne3A_925 = arith.cmpi ne, %rem3A_923, %ne3A_924 : i32
      %and3A_926 = arith.andi %ne3A_922, %ne3A_925 : i1
      %sub3A_927 = arith.constant 1 : i32
      %sub3A_928 = arith.subi %div3A_907, %sub3A_927 : i32
      %select_n3A_929 = arith.select %and3A_926, %sub3A_928, %div3A_907 : i32
      %mul3A_930 = arith.constant 4096 : i32
      %mul3A_931 = arith.muli %select_n3A_929, %mul3A_930 : i32
      "tpu.region"() ({
        %run_scoped3A = tpu.sem_alloc : memref<!tpu.dma_semaphore, #tpu.memory_space<semaphore_mem>>
        %dma_start3A_932 = tpu.memref_slice %arg4[%mul3A_931] : memref<106496xi32, #tpu.memory_space<hbm>> -> memref<4096xi32, #tpu.memory_space<hbm>>
        %dma_start3A_933 = tpu.memref_slice %arg4[%mul3A_931] : memref<106496xi32, #tpu.memory_space<hbm>> -> memref<4096xi32, #tpu.memory_space<hbm>>
        tpu.enqueue_dma source(%dma_start3A_933 : memref<4096xi32, #tpu.memory_space<hbm>>) target(%arg7 : memref<4096xi32, #tpu.memory_space<vmem>>) target_semaphore(%run_scoped3A : memref<!tpu.dma_semaphore, #tpu.memory_space<semaphore_mem>>)
        %dma_wait3A_934 = tpu.memref_slice %arg4[%mul3A_931] : memref<106496xi32, #tpu.memory_space<hbm>> -> memref<4096xi32, #tpu.memory_space<hbm>>
        %dma_wait3A_935 = tpu.memref_slice %arg4[%mul3A_931] : memref<106496xi32, #tpu.memory_space<hbm>> -> memref<4096xi32, #tpu.memory_space<hbm>>
        tpu.wait_dma2 semaphore(%run_scoped3A : memref<!tpu.dma_semaphore, #tpu.memory_space<semaphore_mem>>) src(%dma_wait3A_935 : memref<4096xi32, #tpu.memory_space<hbm>>) dst(%arg7 : memref<4096xi32, #tpu.memory_space<vmem>>)
        tpu.yield
      }) : () -> ()
    } else {
    }
    %dma_wait3A_836 = arith.constant 0 : i32
    %dma_wait3A_837 = arith.constant 0 : i32
    %dma_wait3A_838 = tpu.memref_slice %arg9[%dma_wait3A_836, %dma_wait3A_837] : memref<2x4096xf32, #tpu.memory_space<vmem>> -> memref<1x4096xf32, #tpu.memory_space<vmem>>
    %dma_wait3A_839 = tpu.memref_squeeze %dma_wait3A_838 : memref<1x4096xf32, #tpu.memory_space<vmem>> -> memref<4096xf32, #tpu.memory_space<vmem>>
    %dma_wait3A_840 = arith.constant 0 : i32
    %dma_wait3A_841 = tpu.memref_slice %arg5[%add3A_668, %dma_wait3A_840] : memref<416x4096xf32, #tpu.memory_space<hbm>> -> memref<1x4096xf32, #tpu.memory_space<hbm>>
    %dma_wait3A_842 = tpu.memref_squeeze %dma_wait3A_841 : memref<1x4096xf32, #tpu.memory_space<hbm>> -> memref<4096xf32, #tpu.memory_space<hbm>>
    %dma_wait3A_843 = arith.constant 0 : i32
    %dma_wait3A_844 = tpu.memref_slice %arg5[%add3A_668, %dma_wait3A_843] : memref<416x4096xf32, #tpu.memory_space<hbm>> -> memref<1x4096xf32, #tpu.memory_space<hbm>>
    %dma_wait3A_845 = tpu.memref_squeeze %dma_wait3A_844 : memref<1x4096xf32, #tpu.memory_space<hbm>> -> memref<4096xf32, #tpu.memory_space<hbm>>
    %dma_wait3A_846 = arith.constant 0 : i32
    %dma_wait3A_847 = tpu.memref_slice %arg9[%dma_wait3A_836, %dma_wait3A_846] : memref<2x4096xf32, #tpu.memory_space<vmem>> -> memref<1x4096xf32, #tpu.memory_space<vmem>>
    %dma_wait3A_848 = tpu.memref_squeeze %dma_wait3A_847 : memref<1x4096xf32, #tpu.memory_space<vmem>> -> memref<4096xf32, #tpu.memory_space<vmem>>
    tpu.wait_dma2 semaphore(%arg11 : memref<!tpu.dma_semaphore, #tpu.memory_space<semaphore_mem>>) src(%dma_wait3A_848 : memref<4096xf32, #tpu.memory_space<vmem>>) dst(%dma_wait3A_845 : memref<4096xf32, #tpu.memory_space<hbm>>)
    %dma_wait3A_849 = arith.constant 0 : i32
    %dma_wait3A_850 = tpu.memref_slice %arg2[%add3A_808, %dma_wait3A_849] : memref<416x100000xf32, #tpu.memory_space<hbm>> -> memref<1x100000xf32, #tpu.memory_space<hbm>>
    %dma_wait3A_851 = tpu.memref_squeeze %dma_wait3A_850 : memref<1x100000xf32, #tpu.memory_space<hbm>> -> memref<100000xf32, #tpu.memory_space<hbm>>
    %dma_wait3A_852 = arith.constant 0 : i32
    %dma_wait3A_853 = tpu.memref_slice %arg2[%add3A_808, %dma_wait3A_852] : memref<416x100000xf32, #tpu.memory_space<hbm>> -> memref<1x100000xf32, #tpu.memory_space<hbm>>
    %dma_wait3A_854 = tpu.memref_squeeze %dma_wait3A_853 : memref<1x100000xf32, #tpu.memory_space<hbm>> -> memref<100000xf32, #tpu.memory_space<hbm>>
    tpu.wait_dma2 semaphore(%arg10 : memref<!tpu.dma_semaphore, #tpu.memory_space<semaphore_mem>>) src(%dma_wait3A_854 : memref<100000xf32, #tpu.memory_space<hbm>>) dst(%arg8 : memref<100000xf32, #tpu.memory_space<vmem>>)
    %scan3A_855 = arith.constant 0 : i32
    %scan3A_856 = arith.constant 0 : i32
    %scan3A_857 = arith.constant 256 : i32
    %scan3A_858 = arith.addi %scan3A_856, %scan3A_857 : i32
    %scan3A_859 = arith.constant 8 : i32
    %scan3A_860 = scf.for %scan3A_906 = %scan3A_856 to %scan3A_858 step %scan3A_859 iter_args(%scan3A_907 = %scan3A_855) -> (i32)  : i32 {
      %mul3A_908 = arith.constant 16 : i32
      %mul3A_909 = arith.muli %scan3A_906, %mul3A_908 : i32
      %get3A = arith.index_cast %mul3A_909 : i32 to index
      %get3A_910 = tpu.vector_load %arg7[%get3A] {strides = array<i32>} : memref<4096xi32, #tpu.memory_space<vmem>>, vector<16xi32>,
      %gather3A = tpu.vector_load_idx %arg8[%get3A_910] : memref<100000xf32, #tpu.memory_space<vmem>>[vector<16xi32>], vector<16xf32>,
      %mul3A_911 = arith.constant 16 : i32
      %mul3A_912 = arith.muli %scan3A_906, %mul3A_911 : i32
      %swap3A = arith.constant 0 : i32
      %swap3A_913 = arith.index_cast %swap3A : i32 to index
      %swap3A_914 = arith.index_cast %mul3A_912 : i32 to index
      %swap3A_915 = tpu.vector_load %arg9[%swap3A_913, %swap3A_914] {strides = array<i32>} : memref<2x4096xf32, #tpu.memory_space<vmem>>, vector<16xf32>,
      tpu.vector_store %arg9[%swap3A_913, %swap3A_914], %gather3A {strides = array<i32>} : memref<2x4096xf32, #tpu.memory_space<vmem>>, vector<16xf32>,
      %scan3A_916 = arith.constant 0 : i32
      %scan3A_917 = arith.constant 1 : i32
      %scan3A_918 = arith.addi %scan3A_906, %scan3A_917 : i32
      %mul3A_919 = arith.constant 16 : i32
      %mul3A_920 = arith.muli %scan3A_918, %mul3A_919 : i32
      %get3A_921 = arith.index_cast %mul3A_920 : i32 to index
      %get3A_922 = tpu.vector_load %arg7[%get3A_921] {strides = array<i32>} : memref<4096xi32, #tpu.memory_space<vmem>>, vector<16xi32>,
      %gather3A_923 = tpu.vector_load_idx %arg8[%get3A_922] : memref<100000xf32, #tpu.memory_space<vmem>>[vector<16xi32>], vector<16xf32>,
      %mul3A_924 = arith.constant 16 : i32
      %mul3A_925 = arith.muli %scan3A_918, %mul3A_924 : i32
      %swap3A_926 = arith.constant 0 : i32
      %swap3A_927 = arith.index_cast %swap3A_926 : i32 to index
      %swap3A_928 = arith.index_cast %mul3A_925 : i32 to index
      %swap3A_929 = tpu.vector_load %arg9[%swap3A_927, %swap3A_928] {strides = array<i32>} : memref<2x4096xf32, #tpu.memory_space<vmem>>, vector<16xf32>,
      tpu.vector_store %arg9[%swap3A_927, %swap3A_928], %gather3A_923 {strides = array<i32>} : memref<2x4096xf32, #tpu.memory_space<vmem>>, vector<16xf32>,
      %scan3A_930 = arith.constant 0 : i32
      %scan3A_931 = arith.constant 2 : i32
      %scan3A_932 = arith.addi %scan3A_906, %scan3A_931 : i32
      %mul3A_933 = arith.constant 16 : i32
      %mul3A_934 = arith.muli %scan3A_932, %mul3A_933 : i32
      %get3A_935 = arith.index_cast %mul3A_934 : i32 to index
      %get3A_936 = tpu.vector_load %arg7[%get3A_935] {strides = array<i32>} : memref<4096xi32, #tpu.memory_space<vmem>>, vector<16xi32>,
      %gather3A_937 = tpu.vector_load_idx %arg8[%get3A_936] : memref<100000xf32, #tpu.memory_space<vmem>>[vector<16xi32>], vector<16xf32>,
      %mul3A_938 = arith.constant 16 : i32
      %mul3A_939 = arith.muli %scan3A_932, %mul3A_938 : i32
      %swap3A_940 = arith.constant 0 : i32
      %swap3A_941 = arith.index_cast %swap3A_940 : i32 to index
      %swap3A_942 = arith.index_cast %mul3A_939 : i32 to index
      %swap3A_943 = tpu.vector_load %arg9[%swap3A_941, %swap3A_942] {strides = array<i32>} : memref<2x4096xf32, #tpu.memory_space<vmem>>, vector<16xf32>,
      tpu.vector_store %arg9[%swap3A_941, %swap3A_942], %gather3A_937 {strides = array<i32>} : memref<2x4096xf32, #tpu.memory_space<vmem>>, vector<16xf32>,
      %scan3A_944 = arith.constant 0 : i32
      %scan3A_945 = arith.constant 3 : i32
      %scan3A_946 = arith.addi %scan3A_906, %scan3A_945 : i32
      %mul3A_947 = arith.constant 16 : i32
      %mul3A_948 = arith.muli %scan3A_946, %mul3A_947 : i32
      %get3A_949 = arith.index_cast %mul3A_948 : i32 to index
      %get3A_950 = tpu.vector_load %arg7[%get3A_949] {strides = array<i32>} : memref<4096xi32, #tpu.memory_space<vmem>>, vector<16xi32>,
      %gather3A_951 = tpu.vector_load_idx %arg8[%get3A_950] : memref<100000xf32, #tpu.memory_space<vmem>>[vector<16xi32>], vector<16xf32>,
      %mul3A_952 = arith.constant 16 : i32
      %mul3A_953 = arith.muli %scan3A_946, %mul3A_952 : i32
      %swap3A_954 = arith.constant 0 : i32
      %swap3A_955 = arith.index_cast %swap3A_954 : i32 to index
      %swap3A_956 = arith.index_cast %mul3A_953 : i32 to index
      %swap3A_957 = tpu.vector_load %arg9[%swap3A_955, %swap3A_956] {strides = array<i32>} : memref<2x4096xf32, #tpu.memory_space<vmem>>, vector<16xf32>,
      tpu.vector_store %arg9[%swap3A_955, %swap3A_956], %gather3A_951 {strides = array<i32>} : memref<2x4096xf32, #tpu.memory_space<vmem>>, vector<16xf32>,
      %scan3A_958 = arith.constant 0 : i32
      %scan3A_959 = arith.constant 4 : i32
      %scan3A_960 = arith.addi %scan3A_906, %scan3A_959 : i32
      %mul3A_961 = arith.constant 16 : i32
      %mul3A_962 = arith.muli %scan3A_960, %mul3A_961 : i32
      %get3A_963 = arith.index_cast %mul3A_962 : i32 to index
      %get3A_964 = tpu.vector_load %arg7[%get3A_963] {strides = array<i32>} : memref<4096xi32, #tpu.memory_space<vmem>>, vector<16xi32>,
      %gather3A_965 = tpu.vector_load_idx %arg8[%get3A_964] : memref<100000xf32, #tpu.memory_space<vmem>>[vector<16xi32>], vector<16xf32>,
      %mul3A_966 = arith.constant 16 : i32
      %mul3A_967 = arith.muli %scan3A_960, %mul3A_966 : i32
      %swap3A_968 = arith.constant 0 : i32
      %swap3A_969 = arith.index_cast %swap3A_968 : i32 to index
      %swap3A_970 = arith.index_cast %mul3A_967 : i32 to index
      %swap3A_971 = tpu.vector_load %arg9[%swap3A_969, %swap3A_970] {strides = array<i32>} : memref<2x4096xf32, #tpu.memory_space<vmem>>, vector<16xf32>,
      tpu.vector_store %arg9[%swap3A_969, %swap3A_970], %gather3A_965 {strides = array<i32>} : memref<2x4096xf32, #tpu.memory_space<vmem>>, vector<16xf32>,
      %scan3A_972 = arith.constant 0 : i32
      %scan3A_973 = arith.constant 5 : i32
      %scan3A_974 = arith.addi %scan3A_906, %scan3A_973 : i32
      %mul3A_975 = arith.constant 16 : i32
      %mul3A_976 = arith.muli %scan3A_974, %mul3A_975 : i32
      %get3A_977 = arith.index_cast %mul3A_976 : i32 to index
      %get3A_978 = tpu.vector_load %arg7[%get3A_977] {strides = array<i32>} : memref<4096xi32, #tpu.memory_space<vmem>>, vector<16xi32>,
      %gather3A_979 = tpu.vector_load_idx %arg8[%get3A_978] : memref<100000xf32, #tpu.memory_space<vmem>>[vector<16xi32>], vector<16xf32>,
      %mul3A_980 = arith.constant 16 : i32
      %mul3A_981 = arith.muli %scan3A_974, %mul3A_980 : i32
      %swap3A_982 = arith.constant 0 : i32
      %swap3A_983 = arith.index_cast %swap3A_982 : i32 to index
      %swap3A_984 = arith.index_cast %mul3A_981 : i32 to index
      %swap3A_985 = tpu.vector_load %arg9[%swap3A_983, %swap3A_984] {strides = array<i32>} : memref<2x4096xf32, #tpu.memory_space<vmem>>, vector<16xf32>,
      tpu.vector_store %arg9[%swap3A_983, %swap3A_984], %gather3A_979 {strides = array<i32>} : memref<2x4096xf32, #tpu.memory_space<vmem>>, vector<16xf32>,
      %scan3A_986 = arith.constant 0 : i32
      %scan3A_987 = arith.constant 6 : i32
      %scan3A_988 = arith.addi %scan3A_906, %scan3A_987 : i32
      %mul3A_989 = arith.constant 16 : i32
      %mul3A_990 = arith.muli %scan3A_988, %mul3A_989 : i32
      %get3A_991 = arith.index_cast %mul3A_990 : i32 to index
      %get3A_992 = tpu.vector_load %arg7[%get3A_991] {strides = array<i32>} : memref<4096xi32, #tpu.memory_space<vmem>>, vector<16xi32>,
      %gather3A_993 = tpu.vector_load_idx %arg8[%get3A_992] : memref<100000xf32, #tpu.memory_space<vmem>>[vector<16xi32>], vector<16xf32>,
      %mul3A_994 = arith.constant 16 : i32
      %mul3A_995 = arith.muli %scan3A_988, %mul3A_994 : i32
      %swap3A_996 = arith.constant 0 : i32
      %swap3A_997 = arith.index_cast %swap3A_996 : i32 to index
      %swap3A_998 = arith.index_cast %mul3A_995 : i32 to index
      %swap3A_999 = tpu.vector_load %arg9[%swap3A_997, %swap3A_998] {strides = array<i32>} : memref<2x4096xf32, #tpu.memory_space<vmem>>, vector<16xf32>,
      tpu.vector_store %arg9[%swap3A_997, %swap3A_998], %gather3A_993 {strides = array<i32>} : memref<2x4096xf32, #tpu.memory_space<vmem>>, vector<16xf32>,
      %scan3A_1000 = arith.constant 0 : i32
      %scan3A_1001 = arith.constant 7 : i32
      %scan3A_1002 = arith.addi %scan3A_906, %scan3A_1001 : i32
      %mul3A_1003 = arith.constant 16 : i32
      %mul3A_1004 = arith.muli %scan3A_1002, %mul3A_1003 : i32
      %get3A_1005 = arith.index_cast %mul3A_1004 : i32 to index
      %get3A_1006 = tpu.vector_load %arg7[%get3A_1005] {strides = array<i32>} : memref<4096xi32, #tpu.memory_space<vmem>>, vector<16xi32>,
      %gather3A_1007 = tpu.vector_load_idx %arg8[%get3A_1006] : memref<100000xf32, #tpu.memory_space<vmem>>[vector<16xi32>], vector<16xf32>,
      %mul3A_1008 = arith.constant 16 : i32
      %mul3A_1009 = arith.muli %scan3A_1002, %mul3A_1008 : i32
      %swap3A_1010 = arith.constant 0 : i32
      %swap3A_1011 = arith.index_cast %swap3A_1010 : i32 to index
      %swap3A_1012 = arith.index_cast %mul3A_1009 : i32 to index
      %swap3A_1013 = tpu.vector_load %arg9[%swap3A_1011, %swap3A_1012] {strides = array<i32>} : memref<2x4096xf32, #tpu.memory_space<vmem>>, vector<16xf32>,
      tpu.vector_store %arg9[%swap3A_1011, %swap3A_1012], %gather3A_1007 {strides = array<i32>} : memref<2x4096xf32, #tpu.memory_space<vmem>>, vector<16xf32>,
      %scan3A_1014 = arith.constant 0 : i32
      scf.yield %scan3A_1014 : i32
    }
    %scan3A_861 = arith.constant 256 : i32
    %dma_start3A_862 = arith.constant 0 : i32
    %dma_start3A_863 = arith.constant 0 : i32
    %dma_start3A_864 = tpu.memref_slice %arg9[%dma_start3A_862, %dma_start3A_863] : memref<2x4096xf32, #tpu.memory_space<vmem>> -> memref<1x4096xf32, #tpu.memory_space<vmem>>
    %dma_start3A_865 = tpu.memref_squeeze %dma_start3A_864 : memref<1x4096xf32, #tpu.memory_space<vmem>> -> memref<4096xf32, #tpu.memory_space<vmem>>
    %dma_start3A_866 = arith.constant 0 : i32
    %dma_start3A_867 = tpu.memref_slice %arg5[%add3A_808, %dma_start3A_866] : memref<416x4096xf32, #tpu.memory_space<hbm>> -> memref<1x4096xf32, #tpu.memory_space<hbm>>
    %dma_start3A_868 = tpu.memref_squeeze %dma_start3A_867 : memref<1x4096xf32, #tpu.memory_space<hbm>> -> memref<4096xf32, #tpu.memory_space<hbm>>
    %dma_start3A_869 = arith.constant 0 : i32
    %dma_start3A_870 = tpu.memref_slice %arg5[%add3A_808, %dma_start3A_869] : memref<416x4096xf32, #tpu.memory_space<hbm>> -> memref<1x4096xf32, #tpu.memory_space<hbm>>
    %dma_start3A_871 = tpu.memref_squeeze %dma_start3A_870 : memref<1x4096xf32, #tpu.memory_space<hbm>> -> memref<4096xf32, #tpu.memory_space<hbm>>
    %dma_start3A_872 = arith.constant 0 : i32
    %dma_start3A_873 = tpu.memref_slice %arg9[%dma_start3A_862, %dma_start3A_872] : memref<2x4096xf32, #tpu.memory_space<vmem>> -> memref<1x4096xf32, #tpu.memory_space<vmem>>
    %dma_start3A_874 = tpu.memref_squeeze %dma_start3A_873 : memref<1x4096xf32, #tpu.memory_space<vmem>> -> memref<4096xf32, #tpu.memory_space<vmem>>
    tpu.enqueue_dma source(%dma_start3A_874 : memref<4096xf32, #tpu.memory_space<vmem>>) target(%dma_start3A_871 : memref<4096xf32, #tpu.memory_space<hbm>>) target_semaphore(%arg11 : memref<!tpu.dma_semaphore, #tpu.memory_space<semaphore_mem>>)
    %dma_wait3A_875 = arith.constant 1 : i32
    %dma_wait3A_876 = arith.constant 0 : i32
    %dma_wait3A_877 = tpu.memref_slice %arg9[%dma_wait3A_875, %dma_wait3A_876] : memref<2x4096xf32, #tpu.memory_space<vmem>> -> memref<1x4096xf32, #tpu.memory_space<vmem>>
    %dma_wait3A_878 = tpu.memref_squeeze %dma_wait3A_877 : memref<1x4096xf32, #tpu.memory_space<vmem>> -> memref<4096xf32, #tpu.memory_space<vmem>>
    %dma_wait3A_879 = arith.constant 0 : i32
    %dma_wait3A_880 = tpu.memref_slice %arg5[%add3A_738, %dma_wait3A_879] : memref<416x4096xf32, #tpu.memory_space<hbm>> -> memref<1x4096xf32, #tpu.memory_space<hbm>>
    %dma_wait3A_881 = tpu.memref_squeeze %dma_wait3A_880 : memref<1x4096xf32, #tpu.memory_space<hbm>> -> memref<4096xf32, #tpu.memory_space<hbm>>
    %dma_wait3A_882 = arith.constant 0 : i32
    %dma_wait3A_883 = tpu.memref_slice %arg5[%add3A_738, %dma_wait3A_882] : memref<416x4096xf32, #tpu.memory_space<hbm>> -> memref<1x4096xf32, #tpu.memory_space<hbm>>
    %dma_wait3A_884 = tpu.memref_squeeze %dma_wait3A_883 : memref<1x4096xf32, #tpu.memory_space<hbm>> -> memref<4096xf32, #tpu.memory_space<hbm>>
    %dma_wait3A_885 = arith.constant 0 : i32
    %dma_wait3A_886 = tpu.memref_slice %arg9[%dma_wait3A_875, %dma_wait3A_885] : memref<2x4096xf32, #tpu.memory_space<vmem>> -> memref<1x4096xf32, #tpu.memory_space<vmem>>
    %dma_wait3A_887 = tpu.memref_squeeze %dma_wait3A_886 : memref<1x4096xf32, #tpu.memory_space<vmem>> -> memref<4096xf32, #tpu.memory_space<vmem>>
    tpu.wait_dma2 semaphore(%arg11 : memref<!tpu.dma_semaphore, #tpu.memory_space<semaphore_mem>>) src(%dma_wait3A_887 : memref<4096xf32, #tpu.memory_space<vmem>>) dst(%dma_wait3A_884 : memref<4096xf32, #tpu.memory_space<hbm>>)
    %lt3A_888 = arith.constant 26 : i32
    %lt3A_889 = arith.cmpi slt, %add3A, %lt3A_888 : i32
    %convert_element_type3A_890 = arith.extui %lt3A_889 : i1 to i32
    %cond3A_891 = arith.constant 0 : i32
    %cond3A_892 = arith.cmpi ne, %convert_element_type3A_890, %cond3A_891 : i32
    scf.if %cond3A_892 {
      %mul3A_906 = arith.constant 4096 : i32
      %mul3A_907 = arith.muli %add3A, %mul3A_906 : i32
      "tpu.region"() ({
        %run_scoped3A_927 = tpu.sem_alloc : memref<!tpu.dma_semaphore, #tpu.memory_space<semaphore_mem>>
        %dma_start3A_928 = tpu.memref_slice %arg4[%mul3A_907] : memref<106496xi32, #tpu.memory_space<hbm>> -> memref<4096xi32, #tpu.memory_space<hbm>>
        %dma_start3A_929 = tpu.memref_slice %arg4[%mul3A_907] : memref<106496xi32, #tpu.memory_space<hbm>> -> memref<4096xi32, #tpu.memory_space<hbm>>
        tpu.enqueue_dma source(%dma_start3A_929 : memref<4096xi32, #tpu.memory_space<hbm>>) target(%arg7 : memref<4096xi32, #tpu.memory_space<vmem>>) target_semaphore(%run_scoped3A_927 : memref<!tpu.dma_semaphore, #tpu.memory_space<semaphore_mem>>)
        %dma_wait3A_930 = tpu.memref_slice %arg4[%mul3A_907] : memref<106496xi32, #tpu.memory_space<hbm>> -> memref<4096xi32, #tpu.memory_space<hbm>>
        %dma_wait3A_931 = tpu.memref_slice %arg4[%mul3A_907] : memref<106496xi32, #tpu.memory_space<hbm>> -> memref<4096xi32, #tpu.memory_space<hbm>>
        tpu.wait_dma2 semaphore(%run_scoped3A_927 : memref<!tpu.dma_semaphore, #tpu.memory_space<semaphore_mem>>) src(%dma_wait3A_931 : memref<4096xi32, #tpu.memory_space<hbm>>) dst(%arg7 : memref<4096xi32, #tpu.memory_space<vmem>>)
        tpu.yield
      }) : () -> ()
      %dma_start3A_908 = arith.constant 0 : i32
      %dma_start3A_909 = tpu.memref_slice %arg3[%add3A, %dma_start3A_908] : memref<26x100000xf32, #tpu.memory_space<hbm>> -> memref<1x100000xf32, #tpu.memory_space<hbm>>
      %dma_start3A_910 = tpu.memref_squeeze %dma_start3A_909 : memref<1x100000xf32, #tpu.memory_space<hbm>> -> memref<100000xf32, #tpu.memory_space<hbm>>
      %dma_start3A_911 = arith.constant 0 : i32
      %dma_start3A_912 = tpu.memref_slice %arg3[%add3A, %dma_start3A_911] : memref<26x100000xf32, #tpu.memory_space<hbm>> -> memref<1x100000xf32, #tpu.memory_space<hbm>>
      %dma_start3A_913 = tpu.memref_squeeze %dma_start3A_912 : memref<1x100000xf32, #tpu.memory_space<hbm>> -> memref<100000xf32, #tpu.memory_space<hbm>>
      tpu.enqueue_dma source(%dma_start3A_913 : memref<100000xf32, #tpu.memory_space<hbm>>) target(%arg8 : memref<100000xf32, #tpu.memory_space<vmem>>) target_semaphore(%arg10 : memref<!tpu.dma_semaphore, #tpu.memory_space<semaphore_mem>>)
      %dma_wait3A_914 = arith.constant 0 : i32
      %dma_wait3A_915 = tpu.memref_slice %arg3[%add3A, %dma_wait3A_914] : memref<26x100000xf32, #tpu.memory_space<hbm>> -> memref<1x100000xf32, #tpu.memory_space<hbm>>
      %dma_wait3A_916 = tpu.memref_squeeze %dma_wait3A_915 : memref<1x100000xf32, #tpu.memory_space<hbm>> -> memref<100000xf32, #tpu.memory_space<hbm>>
      %dma_wait3A_917 = arith.constant 0 : i32
      %dma_wait3A_918 = tpu.memref_slice %arg3[%add3A, %dma_wait3A_917] : memref<26x100000xf32, #tpu.memory_space<hbm>> -> memref<1x100000xf32, #tpu.memory_space<hbm>>
      %dma_wait3A_919 = tpu.memref_squeeze %dma_wait3A_918 : memref<1x100000xf32, #tpu.memory_space<hbm>> -> memref<100000xf32, #tpu.memory_space<hbm>>
      tpu.wait_dma2 semaphore(%arg10 : memref<!tpu.dma_semaphore, #tpu.memory_space<semaphore_mem>>) src(%dma_wait3A_919 : memref<100000xf32, #tpu.memory_space<hbm>>) dst(%arg8 : memref<100000xf32, #tpu.memory_space<vmem>>)
      %scan3A_920 = arith.constant 0 : i32
      %scan3A_921 = arith.constant 0 : i32
      %scan3A_922 = arith.constant 256 : i32
      %scan3A_923 = arith.addi %scan3A_921, %scan3A_922 : i32
      %scan3A_924 = arith.constant 8 : i32
      %scan3A_925 = scf.for %scan3A_927 = %scan3A_921 to %scan3A_923 step %scan3A_924 iter_args(%scan3A_928 = %scan3A_920) -> (i32)  : i32 {
        %mul3A_929 = arith.constant 16 : i32
        %mul3A_930 = arith.muli %scan3A_927, %mul3A_929 : i32
        %get3A = arith.index_cast %mul3A_930 : i32 to index
        %get3A_931 = tpu.vector_load %arg7[%get3A] {strides = array<i32>} : memref<4096xi32, #tpu.memory_space<vmem>>, vector<16xi32>,
        %gather3A = tpu.vector_load_idx %arg8[%get3A_931] : memref<100000xf32, #tpu.memory_space<vmem>>[vector<16xi32>], vector<16xf32>,
        %mul3A_932 = arith.constant 16 : i32
        %mul3A_933 = arith.muli %scan3A_927, %mul3A_932 : i32
        %swap3A = arith.constant 1 : i32
        %swap3A_934 = arith.index_cast %swap3A : i32 to index
        %swap3A_935 = arith.index_cast %mul3A_933 : i32 to index
        %swap3A_936 = tpu.vector_load %arg9[%swap3A_934, %swap3A_935] {strides = array<i32>} : memref<2x4096xf32, #tpu.memory_space<vmem>>, vector<16xf32>,
        tpu.vector_store %arg9[%swap3A_934, %swap3A_935], %gather3A {strides = array<i32>} : memref<2x4096xf32, #tpu.memory_space<vmem>>, vector<16xf32>,
        %scan3A_937 = arith.constant 0 : i32
        %scan3A_938 = arith.constant 1 : i32
        %scan3A_939 = arith.addi %scan3A_927, %scan3A_938 : i32
        %mul3A_940 = arith.constant 16 : i32
        %mul3A_941 = arith.muli %scan3A_939, %mul3A_940 : i32
        %get3A_942 = arith.index_cast %mul3A_941 : i32 to index
        %get3A_943 = tpu.vector_load %arg7[%get3A_942] {strides = array<i32>} : memref<4096xi32, #tpu.memory_space<vmem>>, vector<16xi32>,
        %gather3A_944 = tpu.vector_load_idx %arg8[%get3A_943] : memref<100000xf32, #tpu.memory_space<vmem>>[vector<16xi32>], vector<16xf32>,
        %mul3A_945 = arith.constant 16 : i32
        %mul3A_946 = arith.muli %scan3A_939, %mul3A_945 : i32
        %swap3A_947 = arith.constant 1 : i32
        %swap3A_948 = arith.index_cast %swap3A_947 : i32 to index
        %swap3A_949 = arith.index_cast %mul3A_946 : i32 to index
        %swap3A_950 = tpu.vector_load %arg9[%swap3A_948, %swap3A_949] {strides = array<i32>} : memref<2x4096xf32, #tpu.memory_space<vmem>>, vector<16xf32>,
        tpu.vector_store %arg9[%swap3A_948, %swap3A_949], %gather3A_944 {strides = array<i32>} : memref<2x4096xf32, #tpu.memory_space<vmem>>, vector<16xf32>,
        %scan3A_951 = arith.constant 0 : i32
        %scan3A_952 = arith.constant 2 : i32
        %scan3A_953 = arith.addi %scan3A_927, %scan3A_952 : i32
        %mul3A_954 = arith.constant 16 : i32
        %mul3A_955 = arith.muli %scan3A_953, %mul3A_954 : i32
        %get3A_956 = arith.index_cast %mul3A_955 : i32 to index
        %get3A_957 = tpu.vector_load %arg7[%get3A_956] {strides = array<i32>} : memref<4096xi32, #tpu.memory_space<vmem>>, vector<16xi32>,
        %gather3A_958 = tpu.vector_load_idx %arg8[%get3A_957] : memref<100000xf32, #tpu.memory_space<vmem>>[vector<16xi32>], vector<16xf32>,
        %mul3A_959 = arith.constant 16 : i32
        %mul3A_960 = arith.muli %scan3A_953, %mul3A_959 : i32
        %swap3A_961 = arith.constant 1 : i32
        %swap3A_962 = arith.index_cast %swap3A_961 : i32 to index
        %swap3A_963 = arith.index_cast %mul3A_960 : i32 to index
        %swap3A_964 = tpu.vector_load %arg9[%swap3A_962, %swap3A_963] {strides = array<i32>} : memref<2x4096xf32, #tpu.memory_space<vmem>>, vector<16xf32>,
        tpu.vector_store %arg9[%swap3A_962, %swap3A_963], %gather3A_958 {strides = array<i32>} : memref<2x4096xf32, #tpu.memory_space<vmem>>, vector<16xf32>,
        %scan3A_965 = arith.constant 0 : i32
        %scan3A_966 = arith.constant 3 : i32
        %scan3A_967 = arith.addi %scan3A_927, %scan3A_966 : i32
        %mul3A_968 = arith.constant 16 : i32
        %mul3A_969 = arith.muli %scan3A_967, %mul3A_968 : i32
        %get3A_970 = arith.index_cast %mul3A_969 : i32 to index
        %get3A_971 = tpu.vector_load %arg7[%get3A_970] {strides = array<i32>} : memref<4096xi32, #tpu.memory_space<vmem>>, vector<16xi32>,
        %gather3A_972 = tpu.vector_load_idx %arg8[%get3A_971] : memref<100000xf32, #tpu.memory_space<vmem>>[vector<16xi32>], vector<16xf32>,
        %mul3A_973 = arith.constant 16 : i32
        %mul3A_974 = arith.muli %scan3A_967, %mul3A_973 : i32
        %swap3A_975 = arith.constant 1 : i32
        %swap3A_976 = arith.index_cast %swap3A_975 : i32 to index
        %swap3A_977 = arith.index_cast %mul3A_974 : i32 to index
        %swap3A_978 = tpu.vector_load %arg9[%swap3A_976, %swap3A_977] {strides = array<i32>} : memref<2x4096xf32, #tpu.memory_space<vmem>>, vector<16xf32>,
        tpu.vector_store %arg9[%swap3A_976, %swap3A_977], %gather3A_972 {strides = array<i32>} : memref<2x4096xf32, #tpu.memory_space<vmem>>, vector<16xf32>,
        %scan3A_979 = arith.constant 0 : i32
        %scan3A_980 = arith.constant 4 : i32
        %scan3A_981 = arith.addi %scan3A_927, %scan3A_980 : i32
        %mul3A_982 = arith.constant 16 : i32
        %mul3A_983 = arith.muli %scan3A_981, %mul3A_982 : i32
        %get3A_984 = arith.index_cast %mul3A_983 : i32 to index
        %get3A_985 = tpu.vector_load %arg7[%get3A_984] {strides = array<i32>} : memref<4096xi32, #tpu.memory_space<vmem>>, vector<16xi32>,
        %gather3A_986 = tpu.vector_load_idx %arg8[%get3A_985] : memref<100000xf32, #tpu.memory_space<vmem>>[vector<16xi32>], vector<16xf32>,
        %mul3A_987 = arith.constant 16 : i32
        %mul3A_988 = arith.muli %scan3A_981, %mul3A_987 : i32
        %swap3A_989 = arith.constant 1 : i32
        %swap3A_990 = arith.index_cast %swap3A_989 : i32 to index
        %swap3A_991 = arith.index_cast %mul3A_988 : i32 to index
        %swap3A_992 = tpu.vector_load %arg9[%swap3A_990, %swap3A_991] {strides = array<i32>} : memref<2x4096xf32, #tpu.memory_space<vmem>>, vector<16xf32>,
        tpu.vector_store %arg9[%swap3A_990, %swap3A_991], %gather3A_986 {strides = array<i32>} : memref<2x4096xf32, #tpu.memory_space<vmem>>, vector<16xf32>,
        %scan3A_993 = arith.constant 0 : i32
        %scan3A_994 = arith.constant 5 : i32
        %scan3A_995 = arith.addi %scan3A_927, %scan3A_994 : i32
        %mul3A_996 = arith.constant 16 : i32
        %mul3A_997 = arith.muli %scan3A_995, %mul3A_996 : i32
        %get3A_998 = arith.index_cast %mul3A_997 : i32 to index
        %get3A_999 = tpu.vector_load %arg7[%get3A_998] {strides = array<i32>} : memref<4096xi32, #tpu.memory_space<vmem>>, vector<16xi32>,
        %gather3A_1000 = tpu.vector_load_idx %arg8[%get3A_999] : memref<100000xf32, #tpu.memory_space<vmem>>[vector<16xi32>], vector<16xf32>,
        %mul3A_1001 = arith.constant 16 : i32
        %mul3A_1002 = arith.muli %scan3A_995, %mul3A_1001 : i32
        %swap3A_1003 = arith.constant 1 : i32
        %swap3A_1004 = arith.index_cast %swap3A_1003 : i32 to index
        %swap3A_1005 = arith.index_cast %mul3A_1002 : i32 to index
        %swap3A_1006 = tpu.vector_load %arg9[%swap3A_1004, %swap3A_1005] {strides = array<i32>} : memref<2x4096xf32, #tpu.memory_space<vmem>>, vector<16xf32>,
        tpu.vector_store %arg9[%swap3A_1004, %swap3A_1005], %gather3A_1000 {strides = array<i32>} : memref<2x4096xf32, #tpu.memory_space<vmem>>, vector<16xf32>,
        %scan3A_1007 = arith.constant 0 : i32
        %scan3A_1008 = arith.constant 6 : i32
        %scan3A_1009 = arith.addi %scan3A_927, %scan3A_1008 : i32
        %mul3A_1010 = arith.constant 16 : i32
        %mul3A_1011 = arith.muli %scan3A_1009, %mul3A_1010 : i32
        %get3A_1012 = arith.index_cast %mul3A_1011 : i32 to index
        %get3A_1013 = tpu.vector_load %arg7[%get3A_1012] {strides = array<i32>} : memref<4096xi32, #tpu.memory_space<vmem>>, vector<16xi32>,
        %gather3A_1014 = tpu.vector_load_idx %arg8[%get3A_1013] : memref<100000xf32, #tpu.memory_space<vmem>>[vector<16xi32>], vector<16xf32>,
        %mul3A_1015 = arith.constant 16 : i32
        %mul3A_1016 = arith.muli %scan3A_1009, %mul3A_1015 : i32
        %swap3A_1017 = arith.constant 1 : i32
        %swap3A_1018 = arith.index_cast %swap3A_1017 : i32 to index
        %swap3A_1019 = arith.index_cast %mul3A_1016 : i32 to index
        %swap3A_1020 = tpu.vector_load %arg9[%swap3A_1018, %swap3A_1019] {strides = array<i32>} : memref<2x4096xf32, #tpu.memory_space<vmem>>, vector<16xf32>,
        tpu.vector_store %arg9[%swap3A_1018, %swap3A_1019], %gather3A_1014 {strides = array<i32>} : memref<2x4096xf32, #tpu.memory_space<vmem>>, vector<16xf32>,
        %scan3A_1021 = arith.constant 0 : i32
        %scan3A_1022 = arith.constant 7 : i32
        %scan3A_1023 = arith.addi %scan3A_927, %scan3A_1022 : i32
        %mul3A_1024 = arith.constant 16 : i32
        %mul3A_1025 = arith.muli %scan3A_1023, %mul3A_1024 : i32
        %get3A_1026 = arith.index_cast %mul3A_1025 : i32 to index
        %get3A_1027 = tpu.vector_load %arg7[%get3A_1026] {strides = array<i32>} : memref<4096xi32, #tpu.memory_space<vmem>>, vector<16xi32>,
        %gather3A_1028 = tpu.vector_load_idx %arg8[%get3A_1027] : memref<100000xf32, #tpu.memory_space<vmem>>[vector<16xi32>], vector<16xf32>,
        %mul3A_1029 = arith.constant 16 : i32
        %mul3A_1030 = arith.muli %scan3A_1023, %mul3A_1029 : i32
        %swap3A_1031 = arith.constant 1 : i32
        %swap3A_1032 = arith.index_cast %swap3A_1031 : i32 to index
        %swap3A_1033 = arith.index_cast %mul3A_1030 : i32 to index
        %swap3A_1034 = tpu.vector_load %arg9[%swap3A_1032, %swap3A_1033] {strides = array<i32>} : memref<2x4096xf32, #tpu.memory_space<vmem>>, vector<16xf32>,
        tpu.vector_store %arg9[%swap3A_1032, %swap3A_1033], %gather3A_1028 {strides = array<i32>} : memref<2x4096xf32, #tpu.memory_space<vmem>>, vector<16xf32>,
        %scan3A_1035 = arith.constant 0 : i32
        scf.yield %scan3A_1035 : i32
      }
      %scan3A_926 = arith.constant 256 : i32
      %run_scoped3A = arith.constant 1 : i32
      "tpu.region"() ({
        %run_scoped3A_927 = tpu.sem_alloc : memref<!tpu.dma_semaphore, #tpu.memory_space<semaphore_mem>>
        %dma_start3A_928 = arith.constant 0 : i32
        %dma_start3A_929 = tpu.memref_slice %arg9[%run_scoped3A, %dma_start3A_928] : memref<2x4096xf32, #tpu.memory_space<vmem>> -> memref<1x4096xf32, #tpu.memory_space<vmem>>
        %dma_start3A_930 = tpu.memref_squeeze %dma_start3A_929 : memref<1x4096xf32, #tpu.memory_space<vmem>> -> memref<4096xf32, #tpu.memory_space<vmem>>
        %dma_start3A_931 = arith.constant 0 : i32
        %dma_start3A_932 = tpu.memref_slice %arg6[%add3A, %dma_start3A_931] : memref<26x4096xf32, #tpu.memory_space<hbm>> -> memref<1x4096xf32, #tpu.memory_space<hbm>>
        %dma_start3A_933 = tpu.memref_squeeze %dma_start3A_932 : memref<1x4096xf32, #tpu.memory_space<hbm>> -> memref<4096xf32, #tpu.memory_space<hbm>>
        %dma_start3A_934 = arith.constant 0 : i32
        %dma_start3A_935 = tpu.memref_slice %arg6[%add3A, %dma_start3A_934] : memref<26x4096xf32, #tpu.memory_space<hbm>> -> memref<1x4096xf32, #tpu.memory_space<hbm>>
        %dma_start3A_936 = tpu.memref_squeeze %dma_start3A_935 : memref<1x4096xf32, #tpu.memory_space<hbm>> -> memref<4096xf32, #tpu.memory_space<hbm>>
        %dma_start3A_937 = arith.constant 0 : i32
        %dma_start3A_938 = tpu.memref_slice %arg9[%run_scoped3A, %dma_start3A_937] : memref<2x4096xf32, #tpu.memory_space<vmem>> -> memref<1x4096xf32, #tpu.memory_space<vmem>>
        %dma_start3A_939 = tpu.memref_squeeze %dma_start3A_938 : memref<1x4096xf32, #tpu.memory_space<vmem>> -> memref<4096xf32, #tpu.memory_space<vmem>>
        tpu.enqueue_dma source(%dma_start3A_939 : memref<4096xf32, #tpu.memory_space<vmem>>) target(%dma_start3A_936 : memref<4096xf32, #tpu.memory_space<hbm>>) target_semaphore(%run_scoped3A_927 : memref<!tpu.dma_semaphore, #tpu.memory_space<semaphore_mem>>)
        %dma_wait3A_940 = arith.constant 0 : i32
        %dma_wait3A_941 = tpu.memref_slice %arg9[%run_scoped3A, %dma_wait3A_940] : memref<2x4096xf32, #tpu.memory_space<vmem>> -> memref<1x4096xf32, #tpu.memory_space<vmem>>
        %dma_wait3A_942 = tpu.memref_squeeze %dma_wait3A_941 : memref<1x4096xf32, #tpu.memory_space<vmem>> -> memref<4096xf32, #tpu.memory_space<vmem>>
        %dma_wait3A_943 = arith.constant 0 : i32
        %dma_wait3A_944 = tpu.memref_slice %arg6[%add3A, %dma_wait3A_943] : memref<26x4096xf32, #tpu.memory_space<hbm>> -> memref<1x4096xf32, #tpu.memory_space<hbm>>
        %dma_wait3A_945 = tpu.memref_squeeze %dma_wait3A_944 : memref<1x4096xf32, #tpu.memory_space<hbm>> -> memref<4096xf32, #tpu.memory_space<hbm>>
        %dma_wait3A_946 = arith.constant 0 : i32
        %dma_wait3A_947 = tpu.memref_slice %arg6[%add3A, %dma_wait3A_946] : memref<26x4096xf32, #tpu.memory_space<hbm>> -> memref<1x4096xf32, #tpu.memory_space<hbm>>
        %dma_wait3A_948 = tpu.memref_squeeze %dma_wait3A_947 : memref<1x4096xf32, #tpu.memory_space<hbm>> -> memref<4096xf32, #tpu.memory_space<hbm>>
        %dma_wait3A_949 = arith.constant 0 : i32
        %dma_wait3A_950 = tpu.memref_slice %arg9[%run_scoped3A, %dma_wait3A_949] : memref<2x4096xf32, #tpu.memory_space<vmem>> -> memref<1x4096xf32, #tpu.memory_space<vmem>>
        %dma_wait3A_951 = tpu.memref_squeeze %dma_wait3A_950 : memref<1x4096xf32, #tpu.memory_space<vmem>> -> memref<4096xf32, #tpu.memory_space<vmem>>
        tpu.wait_dma2 semaphore(%run_scoped3A_927 : memref<!tpu.dma_semaphore, #tpu.memory_space<semaphore_mem>>) src(%dma_wait3A_951 : memref<4096xf32, #tpu.memory_space<vmem>>) dst(%dma_wait3A_948 : memref<4096xf32, #tpu.memory_space<hbm>>)
        tpu.yield
      }) : () -> ()
    } else {
    }
    %dma_wait3A_893 = arith.constant 0 : i32
    %dma_wait3A_894 = arith.constant 0 : i32
    %dma_wait3A_895 = tpu.memref_slice %arg9[%dma_wait3A_893, %dma_wait3A_894] : memref<2x4096xf32, #tpu.memory_space<vmem>> -> memref<1x4096xf32, #tpu.memory_space<vmem>>
    %dma_wait3A_896 = tpu.memref_squeeze %dma_wait3A_895 : memref<1x4096xf32, #tpu.memory_space<vmem>> -> memref<4096xf32, #tpu.memory_space<vmem>>
    %dma_wait3A_897 = arith.constant 0 : i32
    %dma_wait3A_898 = tpu.memref_slice %arg5[%add3A_808, %dma_wait3A_897] : memref<416x4096xf32, #tpu.memory_space<hbm>> -> memref<1x4096xf32, #tpu.memory_space<hbm>>
    %dma_wait3A_899 = tpu.memref_squeeze %dma_wait3A_898 : memref<1x4096xf32, #tpu.memory_space<hbm>> -> memref<4096xf32, #tpu.memory_space<hbm>>
    %dma_wait3A_900 = arith.constant 0 : i32
    %dma_wait3A_901 = tpu.memref_slice %arg5[%add3A_808, %dma_wait3A_900] : memref<416x4096xf32, #tpu.memory_space<hbm>> -> memref<1x4096xf32, #tpu.memory_space<hbm>>
    %dma_wait3A_902 = tpu.memref_squeeze %dma_wait3A_901 : memref<1x4096xf32, #tpu.memory_space<hbm>> -> memref<4096xf32, #tpu.memory_space<hbm>>
    %dma_wait3A_903 = arith.constant 0 : i32
    %dma_wait3A_904 = tpu.memref_slice %arg9[%dma_wait3A_893, %dma_wait3A_903] : memref<2x4096xf32, #tpu.memory_space<vmem>> -> memref<1x4096xf32, #tpu.memory_space<vmem>>
    %dma_wait3A_905 = tpu.memref_squeeze %dma_wait3A_904 : memref<1x4096xf32, #tpu.memory_space<vmem>> -> memref<4096xf32, #tpu.memory_space<vmem>>
    tpu.wait_dma2 semaphore(%arg11 : memref<!tpu.dma_semaphore, #tpu.memory_space<semaphore_mem>>) src(%dma_wait3A_905 : memref<4096xf32, #tpu.memory_space<vmem>>) dst(%dma_wait3A_902 : memref<4096xf32, #tpu.memory_space<hbm>>)
    return
  }
}

module attributes {stable_mosaic.version = 14 : i64} {
  func.func @_tc_body(%arg0: i32, %arg1: memref<416x1024xf32, #tpu.memory_space<vmem>>, %arg2: memref<26x1024xf32, #tpu.memory_space<vmem>>, %arg3: memref<13x1024xf32, #tpu.memory_space<vmem>>, %arg4: memref<13x208xf32, #tpu.memory_space<vmem>>, %arg5: memref<1x208xf32, #tpu.memory_space<vmem>>, %arg6: memref<416x400xf32, #tpu.memory_space<vmem>>, %arg7: memref<208x400xf32, #tpu.memory_space<vmem>>, %arg8: memref<1x400xf32, #tpu.memory_space<vmem>>, %arg9: memref<1x400xf32, #tpu.memory_space<vmem>>, %arg10: memref<400x400xf32, #tpu.memory_space<vmem>>, %arg11: memref<1x400xf32, #tpu.memory_space<vmem>>, %arg12: memref<1x400xf32, #tpu.memory_space<vmem>>, %arg13: memref<400x400xf32, #tpu.memory_space<vmem>>, %arg14: memref<1x400xf32, #tpu.memory_space<vmem>>, %arg15: memref<1x400xf32, #tpu.memory_space<vmem>>, %arg16: memref<400x1xf32, #tpu.memory_space<vmem>>, %arg17: memref<13x1xf32, #tpu.memory_space<vmem>>, %arg18: memref<1x1xf32, #tpu.memory_space<vmem>>, %arg19: memref<1024x1xf32, #tpu.memory_space<vmem>>) attributes {dimension_semantics = [#tpu.dimension_semantics<arbitrary>], iteration_bounds = array<i64: 4>, scalar_prefetch = 0 : i64, scratch_operands = 0 : i64, tpu.core_type = #tpu.core_type<tc>, window_params = [{transform_indices = @transform_0, window_bounds = array<i64: 416, 1024>}, {transform_indices = @transform_1, window_bounds = array<i64: 26, 1024>}, {transform_indices = @transform_2, window_bounds = array<i64: 13, 1024>}, {pipeline_mode = #tpu.pipeline_mode<synchronous>, transform_indices = @transform_3, window_bounds = array<i64: 13, 208>}, {pipeline_mode = #tpu.pipeline_mode<synchronous>, transform_indices = @transform_4, window_bounds = array<i64: 1, 208>}, {pipeline_mode = #tpu.pipeline_mode<synchronous>, transform_indices = @transform_5, window_bounds = array<i64: 416, 400>}, {pipeline_mode = #tpu.pipeline_mode<synchronous>, transform_indices = @transform_6, window_bounds = array<i64: 208, 400>}, {pipeline_mode = #tpu.pipeline_mode<synchronous>, transform_indices = @transform_7, window_bounds = array<i64: 1, 400>}, {pipeline_mode = #tpu.pipeline_mode<synchronous>, transform_indices = @transform_8, window_bounds = array<i64: 1, 400>}, {pipeline_mode = #tpu.pipeline_mode<synchronous>, transform_indices = @transform_9, window_bounds = array<i64: 400, 400>}, {pipeline_mode = #tpu.pipeline_mode<synchronous>, transform_indices = @transform_10, window_bounds = array<i64: 1, 400>}, {pipeline_mode = #tpu.pipeline_mode<synchronous>, transform_indices = @transform_11, window_bounds = array<i64: 1, 400>}, {pipeline_mode = #tpu.pipeline_mode<synchronous>, transform_indices = @transform_12, window_bounds = array<i64: 400, 400>}, {pipeline_mode = #tpu.pipeline_mode<synchronous>, transform_indices = @transform_13, window_bounds = array<i64: 1, 400>}, {pipeline_mode = #tpu.pipeline_mode<synchronous>, transform_indices = @transform_14, window_bounds = array<i64: 1, 400>}, {pipeline_mode = #tpu.pipeline_mode<synchronous>, transform_indices = @transform_15, window_bounds = array<i64: 400, 1>}, {pipeline_mode = #tpu.pipeline_mode<synchronous>, transform_indices = @transform_16, window_bounds = array<i64: 13, 1>}, {pipeline_mode = #tpu.pipeline_mode<synchronous>, transform_indices = @transform_17, window_bounds = array<i64: 1, 1>}, {transform_indices = @transform_18, window_bounds = array<i64: 1024, 1>}]} {
    %get3A = arith.constant 0 : index
    %get3A_0 = arith.constant 0 : index
    %get3A_1 = vector.load %arg1[%get3A, %get3A_0] : memref<416x1024xf32, #tpu.memory_space<vmem>>, vector<416x1024xf32>
    %get3A_2 = arith.constant 0 : index
    %get3A_3 = arith.constant 0 : index
    %get3A_4 = vector.load %arg3[%get3A_2, %get3A_3] : memref<13x1024xf32, #tpu.memory_space<vmem>>, vector<13x1024xf32>
    %get3A_5 = arith.constant 0 : index
    %get3A_6 = arith.constant 0 : index
    %get3A_7 = vector.load %arg4[%get3A_5, %get3A_6] : memref<13x208xf32, #tpu.memory_space<vmem>>, vector<13x208xf32>
    %dot_general3A = arith.constant dense<0.000000e+00> : vector<1024x208xf32>
    %dot_general3A_8 = tpu.matmul %get3A_4, %get3A_7, %dot_general3A {dimension_numbers = #tpu.dot_dimension_numbers<[0], [0], [1], [1], [0, 1, 1, 1], [], []>, transpose_lhs_hint = false} : vector<13x1024xf32>, vector<13x208xf32>, vector<1024x208xf32> -> vector<1024x208xf32>
    %get3A_9 = arith.constant 0 : index
    %get3A_10 = arith.constant 0 : index
    %get3A_11 = vector.load %arg5[%get3A_9, %get3A_10] : memref<1x208xf32, #tpu.memory_space<vmem>>, vector<1x208xf32>
    %add3A = vector.broadcast %get3A_11 : vector<1x208xf32> to vector<1024x208xf32>
    %add3A_12 = arith.addf %dot_general3A_8, %add3A : vector<1024x208xf32>
    %iota3A = tpu.iota {dimensions = array<i32: 0>} : vector<416x16xi32>
    %iota3A_13 = tpu.iota {dimensions = array<i32: 1>} : vector<416x16xi32>
    %jit3A = arith.constant 16 : i32
    %eq3A = arith.constant 0 : i32
    %eq3A_14 = arith.cmpi eq, %jit3A, %eq3A : i32
    %jit3A_15 = arith.constant 1 : i32
    %select_n3A = arith.select %eq3A_14, %jit3A_15, %jit3A : i32
    %rem3A = vector.broadcast %select_n3A : i32 to vector<416x16xi32>
    %rem3A_16 = arith.remsi %iota3A, %rem3A : vector<416x16xi32>
    %ne3A = arith.constant 0 : i32
    %ne3A_17 = vector.broadcast %ne3A : i32 to vector<416x16xi32>
    %ne3A_18 = arith.cmpi ne, %rem3A_16, %ne3A_17 : vector<416x16xi32>
    %lt3A = arith.constant 0 : i32
    %lt3A_19 = vector.broadcast %lt3A : i32 to vector<416x16xi32>
    %lt3A_20 = arith.cmpi slt, %rem3A_16, %lt3A_19 : vector<416x16xi32>
    %lt3A_21 = arith.constant 0 : i32
    %lt3A_22 = arith.cmpi slt, %select_n3A, %lt3A_21 : i32
    %ne3A_23 = vector.broadcast %lt3A_22 : i1 to vector<416x16xi1>
    %ne3A_24 = vector.broadcast %ne3A_23 : vector<416x16xi1> to vector<416x16xi1>
    %ne3A_25 = arith.xori %lt3A_20, %ne3A_24 : vector<416x16xi1>
    %and3A = arith.andi %ne3A_25, %ne3A_18 : vector<416x16xi1>
    %add3A_26 = vector.broadcast %select_n3A : i32 to vector<416x16xi32>
    %add3A_27 = arith.addi %rem3A_16, %add3A_26 : vector<416x16xi32>
    %select_n3A_28 = arith.select %and3A, %add3A_27, %rem3A_16 : vector<416x16xi1>, vector<416x16xi32>
    %eq3A_29 = arith.cmpi eq, %select_n3A_28, %iota3A_13 : vector<416x16xi32>
    %convert_element_type3A = arith.extui %eq3A_29 : vector<416x16xi1> to vector<416x16xi32>
    %convert_element_type3A_30 = arith.sitofp %convert_element_type3A : vector<416x16xi32> to vector<416x16xf32>
    %dot_general3A_31 = arith.constant dense<0.000000e+00> : vector<1024x16xf32>
    %dot_general3A_32 = tpu.matmul %get3A_1, %convert_element_type3A_30, %dot_general3A_31 {dimension_numbers = #tpu.dot_dimension_numbers<[0], [0], [1], [1], [0, 1, 1, 1], [], []>, transpose_lhs_hint = false} : vector<416x1024xf32>, vector<416x16xf32>, vector<1024x16xf32> -> vector<1024x16xf32>
    %iota3A_33 = tpu.iota {dimensions = array<i32: 0>} : vector<208x16xi32>
    %iota3A_34 = tpu.iota {dimensions = array<i32: 1>} : vector<208x16xi32>
    %jit3A_35 = arith.constant 16 : i32
    %eq3A_36 = arith.constant 0 : i32
    %eq3A_37 = arith.cmpi eq, %jit3A_35, %eq3A_36 : i32
    %jit3A_38 = arith.constant 1 : i32
    %select_n3A_39 = arith.select %eq3A_37, %jit3A_38, %jit3A_35 : i32
    %rem3A_40 = vector.broadcast %select_n3A_39 : i32 to vector<208x16xi32>
    %rem3A_41 = arith.remsi %iota3A_33, %rem3A_40 : vector<208x16xi32>
    %ne3A_42 = arith.constant 0 : i32
    %ne3A_43 = vector.broadcast %ne3A_42 : i32 to vector<208x16xi32>
    %ne3A_44 = arith.cmpi ne, %rem3A_41, %ne3A_43 : vector<208x16xi32>
    %lt3A_45 = arith.constant 0 : i32
    %lt3A_46 = vector.broadcast %lt3A_45 : i32 to vector<208x16xi32>
    %lt3A_47 = arith.cmpi slt, %rem3A_41, %lt3A_46 : vector<208x16xi32>
    %lt3A_48 = arith.constant 0 : i32
    %lt3A_49 = arith.cmpi slt, %select_n3A_39, %lt3A_48 : i32
    %ne3A_50 = vector.broadcast %lt3A_49 : i1 to vector<208x16xi1>
    %ne3A_51 = vector.broadcast %ne3A_50 : vector<208x16xi1> to vector<208x16xi1>
    %ne3A_52 = arith.xori %lt3A_47, %ne3A_51 : vector<208x16xi1>
    %and3A_53 = arith.andi %ne3A_52, %ne3A_44 : vector<208x16xi1>
    %add3A_54 = vector.broadcast %select_n3A_39 : i32 to vector<208x16xi32>
    %add3A_55 = arith.addi %rem3A_41, %add3A_54 : vector<208x16xi32>
    %select_n3A_56 = arith.select %and3A_53, %add3A_55, %rem3A_41 : vector<208x16xi1>, vector<208x16xi32>
    %eq3A_57 = arith.cmpi eq, %select_n3A_56, %iota3A_34 : vector<208x16xi32>
    %convert_element_type3A_58 = arith.extui %eq3A_57 : vector<208x16xi1> to vector<208x16xi32>
    %convert_element_type3A_59 = arith.sitofp %convert_element_type3A_58 : vector<208x16xi32> to vector<208x16xf32>
    %dot_general3A_60 = arith.constant dense<0.000000e+00> : vector<1024x16xf32>
    %dot_general3A_61 = tpu.matmul %add3A_12, %convert_element_type3A_59, %dot_general3A_60 {dimension_numbers = #tpu.dot_dimension_numbers<[1], [0], [0], [1], [0, 0, 1, 1], [], []>, transpose_lhs_hint = false} : vector<1024x208xf32>, vector<208x16xf32>, vector<1024x16xf32> -> vector<1024x16xf32>
    %add3A_62 = arith.addf %dot_general3A_32, %dot_general3A_61 : vector<1024x16xf32>
    %mul3A = arith.mulf %add3A_62, %add3A_62 : vector<1024x16xf32>
    %reduce_sum3A = arith.constant dense<0.000000e+00> : vector<1024xf32>
    %reduce_sum3A_63 = vector.multi_reduction <add>, %mul3A, %reduce_sum3A [1] : vector<1024x16xf32> to vector<1024xf32>
    %broadcast_in_dim3A = vector.shape_cast %reduce_sum3A_63 : vector<1024xf32> to vector<1024x1xf32>
    %mul3A_64 = arith.mulf %get3A_1, %get3A_1 : vector<416x1024xf32>
    %broadcast_in_dim3A_65 = arith.constant 1.000000e+00 : f32
    %broadcast_in_dim3A_66 = vector.broadcast %broadcast_in_dim3A_65 : f32 to vector<416x1xf32>
    %dot_general3A_67 = arith.constant dense<0.000000e+00> : vector<1024x1xf32>
    %dot_general3A_68 = tpu.matmul %mul3A_64, %broadcast_in_dim3A_66, %dot_general3A_67 {dimension_numbers = #tpu.dot_dimension_numbers<[0], [0], [1], [1], [0, 1, 1, 1], [], []>, transpose_lhs_hint = false} : vector<416x1024xf32>, vector<416x1xf32>, vector<1024x1xf32> -> vector<1024x1xf32>
    %mul3A_69 = arith.mulf %add3A_12, %add3A_12 : vector<1024x208xf32>
    %reduce_sum3A_70 = arith.constant dense<0.000000e+00> : vector<1024xf32>
    %reduce_sum3A_71 = vector.multi_reduction <add>, %mul3A_69, %reduce_sum3A_70 [1] : vector<1024x208xf32> to vector<1024xf32>
    %broadcast_in_dim3A_72 = vector.shape_cast %reduce_sum3A_71 : vector<1024xf32> to vector<1024x1xf32>
    %add3A_73 = arith.addf %dot_general3A_68, %broadcast_in_dim3A_72 : vector<1024x1xf32>
    %sub3A = arith.subf %broadcast_in_dim3A, %add3A_73 : vector<1024x1xf32>
    %mul3A_74 = arith.constant 5.000000e-01 : f32
    %mul3A_75 = vector.broadcast %mul3A_74 : f32 to vector<1024x1xf32>
    %mul3A_76 = arith.mulf %mul3A_75, %sub3A : vector<1024x1xf32>
    %get3A_77 = arith.constant 0 : index
    %get3A_78 = arith.constant 0 : index
    %get3A_79 = vector.load %arg2[%get3A_77, %get3A_78] : memref<26x1024xf32, #tpu.memory_space<vmem>>, vector<26x1024xf32>
    %broadcast_in_dim3A_80 = arith.constant 1.000000e+00 : f32
    %broadcast_in_dim3A_81 = vector.broadcast %broadcast_in_dim3A_80 : f32 to vector<26x1xf32>
    %dot_general3A_82 = arith.constant dense<0.000000e+00> : vector<1024x1xf32>
    %dot_general3A_83 = tpu.matmul %get3A_79, %broadcast_in_dim3A_81, %dot_general3A_82 {dimension_numbers = #tpu.dot_dimension_numbers<[0], [0], [1], [1], [0, 1, 1, 1], [], []>, transpose_lhs_hint = false} : vector<26x1024xf32>, vector<26x1xf32>, vector<1024x1xf32> -> vector<1024x1xf32>
    %get3A_84 = arith.constant 0 : index
    %get3A_85 = arith.constant 0 : index
    %get3A_86 = vector.load %arg17[%get3A_84, %get3A_85] : memref<13x1xf32, #tpu.memory_space<vmem>>, vector<13x1xf32>
    %dot_general3A_87 = arith.constant dense<0.000000e+00> : vector<1024x1xf32>
    %dot_general3A_88 = tpu.matmul %get3A_4, %get3A_86, %dot_general3A_87 {dimension_numbers = #tpu.dot_dimension_numbers<[0], [0], [1], [1], [0, 1, 1, 1], [], []>, transpose_lhs_hint = false} : vector<13x1024xf32>, vector<13x1xf32>, vector<1024x1xf32> -> vector<1024x1xf32>
    %add3A_89 = arith.addf %dot_general3A_83, %dot_general3A_88 : vector<1024x1xf32>
    %get3A_90 = arith.constant 0 : index
    %get3A_91 = arith.constant 0 : index
    %get3A_92 = vector.load %arg6[%get3A_90, %get3A_91] : memref<416x400xf32, #tpu.memory_space<vmem>>, vector<416x400xf32>
    %dot_general3A_93 = arith.constant dense<0.000000e+00> : vector<1024x400xf32>
    %dot_general3A_94 = tpu.matmul %get3A_1, %get3A_92, %dot_general3A_93 {dimension_numbers = #tpu.dot_dimension_numbers<[0], [0], [1], [1], [0, 1, 1, 1], [], []>, transpose_lhs_hint = false} : vector<416x1024xf32>, vector<416x400xf32>, vector<1024x400xf32> -> vector<1024x400xf32>
    %get3A_95 = arith.constant 0 : index
    %get3A_96 = arith.constant 0 : index
    %get3A_97 = vector.load %arg7[%get3A_95, %get3A_96] : memref<208x400xf32, #tpu.memory_space<vmem>>, vector<208x400xf32>
    %dot_general3A_98 = arith.constant dense<0.000000e+00> : vector<1024x400xf32>
    %dot_general3A_99 = tpu.matmul %add3A_12, %get3A_97, %dot_general3A_98 {dimension_numbers = #tpu.dot_dimension_numbers<[1], [0], [0], [1], [0, 0, 1, 1], [], []>, transpose_lhs_hint = false} : vector<1024x208xf32>, vector<208x400xf32>, vector<1024x400xf32> -> vector<1024x400xf32>
    %add3A_100 = arith.addf %dot_general3A_94, %dot_general3A_99 : vector<1024x400xf32>
    %get3A_101 = arith.constant 0 : index
    %get3A_102 = arith.constant 0 : index
    %get3A_103 = vector.load %arg8[%get3A_101, %get3A_102] : memref<1x400xf32, #tpu.memory_space<vmem>>, vector<1x400xf32>
    %mul3A_104 = vector.broadcast %get3A_103 : vector<1x400xf32> to vector<1024x400xf32>
    %mul3A_105 = arith.mulf %add3A_100, %mul3A_104 : vector<1024x400xf32>
    %get3A_106 = arith.constant 0 : index
    %get3A_107 = arith.constant 0 : index
    %get3A_108 = vector.load %arg9[%get3A_106, %get3A_107] : memref<1x400xf32, #tpu.memory_space<vmem>>, vector<1x400xf32>
    %add3A_109 = vector.broadcast %get3A_108 : vector<1x400xf32> to vector<1024x400xf32>
    %add3A_110 = arith.addf %mul3A_105, %add3A_109 : vector<1024x400xf32>
    %max3A = arith.constant 0.000000e+00 : f32
    %max3A_111 = vector.broadcast %max3A : f32 to vector<1024x400xf32>
    %max3A_112 = arith.maximumf %add3A_110, %max3A_111 : vector<1024x400xf32>
    %get3A_113 = arith.constant 0 : index
    %get3A_114 = arith.constant 0 : index
    %get3A_115 = vector.load %arg10[%get3A_113, %get3A_114] : memref<400x400xf32, #tpu.memory_space<vmem>>, vector<400x400xf32>
    %dot_general3A_116 = arith.constant dense<0.000000e+00> : vector<1024x400xf32>
    %dot_general3A_117 = tpu.matmul %max3A_112, %get3A_115, %dot_general3A_116 {dimension_numbers = #tpu.dot_dimension_numbers<[1], [0], [0], [1], [0, 0, 1, 1], [], []>, transpose_lhs_hint = false} : vector<1024x400xf32>, vector<400x400xf32>, vector<1024x400xf32> -> vector<1024x400xf32>
    %get3A_118 = arith.constant 0 : index
    %get3A_119 = arith.constant 0 : index
    %get3A_120 = vector.load %arg11[%get3A_118, %get3A_119] : memref<1x400xf32, #tpu.memory_space<vmem>>, vector<1x400xf32>
    %mul3A_121 = vector.broadcast %get3A_120 : vector<1x400xf32> to vector<1024x400xf32>
    %mul3A_122 = arith.mulf %dot_general3A_117, %mul3A_121 : vector<1024x400xf32>
    %get3A_123 = arith.constant 0 : index
    %get3A_124 = arith.constant 0 : index
    %get3A_125 = vector.load %arg12[%get3A_123, %get3A_124] : memref<1x400xf32, #tpu.memory_space<vmem>>, vector<1x400xf32>
    %add3A_126 = vector.broadcast %get3A_125 : vector<1x400xf32> to vector<1024x400xf32>
    %add3A_127 = arith.addf %mul3A_122, %add3A_126 : vector<1024x400xf32>
    %max3A_128 = arith.constant 0.000000e+00 : f32
    %max3A_129 = vector.broadcast %max3A_128 : f32 to vector<1024x400xf32>
    %max3A_130 = arith.maximumf %add3A_127, %max3A_129 : vector<1024x400xf32>
    %get3A_131 = arith.constant 0 : index
    %get3A_132 = arith.constant 0 : index
    %get3A_133 = vector.load %arg13[%get3A_131, %get3A_132] : memref<400x400xf32, #tpu.memory_space<vmem>>, vector<400x400xf32>
    %dot_general3A_134 = arith.constant dense<0.000000e+00> : vector<1024x400xf32>
    %dot_general3A_135 = tpu.matmul %max3A_130, %get3A_133, %dot_general3A_134 {dimension_numbers = #tpu.dot_dimension_numbers<[1], [0], [0], [1], [0, 0, 1, 1], [], []>, transpose_lhs_hint = false} : vector<1024x400xf32>, vector<400x400xf32>, vector<1024x400xf32> -> vector<1024x400xf32>
    %get3A_136 = arith.constant 0 : index
    %get3A_137 = arith.constant 0 : index
    %get3A_138 = vector.load %arg14[%get3A_136, %get3A_137] : memref<1x400xf32, #tpu.memory_space<vmem>>, vector<1x400xf32>
    %mul3A_139 = vector.broadcast %get3A_138 : vector<1x400xf32> to vector<1024x400xf32>
    %mul3A_140 = arith.mulf %dot_general3A_135, %mul3A_139 : vector<1024x400xf32>
    %get3A_141 = arith.constant 0 : index
    %get3A_142 = arith.constant 0 : index
    %get3A_143 = vector.load %arg15[%get3A_141, %get3A_142] : memref<1x400xf32, #tpu.memory_space<vmem>>, vector<1x400xf32>
    %add3A_144 = vector.broadcast %get3A_143 : vector<1x400xf32> to vector<1024x400xf32>
    %add3A_145 = arith.addf %mul3A_140, %add3A_144 : vector<1024x400xf32>
    %max3A_146 = arith.constant 0.000000e+00 : f32
    %max3A_147 = vector.broadcast %max3A_146 : f32 to vector<1024x400xf32>
    %max3A_148 = arith.maximumf %add3A_145, %max3A_147 : vector<1024x400xf32>
    %get3A_149 = arith.constant 0 : index
    %get3A_150 = arith.constant 0 : index
    %get3A_151 = vector.load %arg16[%get3A_149, %get3A_150] : memref<400x1xf32, #tpu.memory_space<vmem>>, vector<400x1xf32>
    %dot_general3A_152 = arith.constant dense<0.000000e+00> : vector<1024x1xf32>
    %dot_general3A_153 = tpu.matmul %max3A_148, %get3A_151, %dot_general3A_152 {dimension_numbers = #tpu.dot_dimension_numbers<[1], [0], [0], [1], [0, 0, 1, 1], [], []>, transpose_lhs_hint = false} : vector<1024x400xf32>, vector<400x1xf32>, vector<1024x1xf32> -> vector<1024x1xf32>
    %add3A_154 = arith.addf %add3A_89, %mul3A_76 : vector<1024x1xf32>
    %add3A_155 = arith.addf %add3A_154, %dot_general3A_153 : vector<1024x1xf32>
    %get3A_156 = arith.constant 0 : index
    %get3A_157 = arith.constant 0 : index
    %get3A_158 = vector.load %arg18[%get3A_156, %get3A_157] : memref<1x1xf32, #tpu.memory_space<vmem>>, vector<1x1xf32>
    %add3A_159 = vector.broadcast %get3A_158 : vector<1x1xf32> to vector<1024x1xf32>
    %add3A_160 = arith.addf %add3A_155, %add3A_159 : vector<1024x1xf32>
    %swap3A = arith.constant 0 : index
    %swap3A_161 = arith.constant 0 : index
    %swap3A_162 = vector.load %arg19[%swap3A, %swap3A_161] : memref<1024x1xf32, #tpu.memory_space<vmem>>, vector<1024x1xf32>
    tpu.vector_store %arg19[%swap3A, %swap3A_161], %add3A_160 {strides = array<i32>} : memref<1024x1xf32, #tpu.memory_space<vmem>>, vector<1024x1xf32>,
    return
  }
  func.func @transform_0(%arg0: i32) -> (i32, i32) {
    %c0_i32 = arith.constant 0 : i32
    %c0_i32_0 = arith.constant 0 : i32
    return %c0_i32, %arg0 : i32, i32
  }
  func.func @transform_1(%arg0: i32) -> (i32, i32) {
    %c0_i32 = arith.constant 0 : i32
    %c0_i32_0 = arith.constant 0 : i32
    return %c0_i32, %arg0 : i32, i32
  }
  func.func @transform_2(%arg0: i32) -> (i32, i32) {
    %c0_i32 = arith.constant 0 : i32
    %c0_i32_0 = arith.constant 0 : i32
    return %c0_i32, %arg0 : i32, i32
  }
  func.func @transform_3(%arg0: i32) -> (i32, i32) {
    %c0_i32 = arith.constant 0 : i32
    %c0_i32_0 = arith.constant 0 : i32
    %c0_i32_1 = arith.constant 0 : i32
    return %c0_i32, %c0_i32_0 : i32, i32
  }
  func.func @transform_4(%arg0: i32) -> (i32, i32) {
    %c0_i32 = arith.constant 0 : i32
    %c0_i32_0 = arith.constant 0 : i32
    %c0_i32_1 = arith.constant 0 : i32
    return %c0_i32, %c0_i32_0 : i32, i32
  }
  func.func @transform_5(%arg0: i32) -> (i32, i32) {
    %c0_i32 = arith.constant 0 : i32
    %c0_i32_0 = arith.constant 0 : i32
    %c0_i32_1 = arith.constant 0 : i32
    return %c0_i32, %c0_i32_0 : i32, i32
  }
  func.func @transform_6(%arg0: i32) -> (i32, i32) {
    %c0_i32 = arith.constant 0 : i32
    %c0_i32_0 = arith.constant 0 : i32
    %c0_i32_1 = arith.constant 0 : i32
    return %c0_i32, %c0_i32_0 : i32, i32
  }
  func.func @transform_7(%arg0: i32) -> (i32, i32) {
    %c0_i32 = arith.constant 0 : i32
    %c0_i32_0 = arith.constant 0 : i32
    %c0_i32_1 = arith.constant 0 : i32
    return %c0_i32, %c0_i32_0 : i32, i32
  }
  func.func @transform_8(%arg0: i32) -> (i32, i32) {
    %c0_i32 = arith.constant 0 : i32
    %c0_i32_0 = arith.constant 0 : i32
    %c0_i32_1 = arith.constant 0 : i32
    return %c0_i32, %c0_i32_0 : i32, i32
  }
  func.func @transform_9(%arg0: i32) -> (i32, i32) {
    %c0_i32 = arith.constant 0 : i32
    %c0_i32_0 = arith.constant 0 : i32
    %c0_i32_1 = arith.constant 0 : i32
    return %c0_i32, %c0_i32_0 : i32, i32
  }
  func.func @transform_10(%arg0: i32) -> (i32, i32) {
    %c0_i32 = arith.constant 0 : i32
    %c0_i32_0 = arith.constant 0 : i32
    %c0_i32_1 = arith.constant 0 : i32
    return %c0_i32, %c0_i32_0 : i32, i32
  }
  func.func @transform_11(%arg0: i32) -> (i32, i32) {
    %c0_i32 = arith.constant 0 : i32
    %c0_i32_0 = arith.constant 0 : i32
    %c0_i32_1 = arith.constant 0 : i32
    return %c0_i32, %c0_i32_0 : i32, i32
  }
  func.func @transform_12(%arg0: i32) -> (i32, i32) {
    %c0_i32 = arith.constant 0 : i32
    %c0_i32_0 = arith.constant 0 : i32
    %c0_i32_1 = arith.constant 0 : i32
    return %c0_i32, %c0_i32_0 : i32, i32
  }
  func.func @transform_13(%arg0: i32) -> (i32, i32) {
    %c0_i32 = arith.constant 0 : i32
    %c0_i32_0 = arith.constant 0 : i32
    %c0_i32_1 = arith.constant 0 : i32
    return %c0_i32, %c0_i32_0 : i32, i32
  }
  func.func @transform_14(%arg0: i32) -> (i32, i32) {
    %c0_i32 = arith.constant 0 : i32
    %c0_i32_0 = arith.constant 0 : i32
    %c0_i32_1 = arith.constant 0 : i32
    return %c0_i32, %c0_i32_0 : i32, i32
  }
  func.func @transform_15(%arg0: i32) -> (i32, i32) {
    %c0_i32 = arith.constant 0 : i32
    %c0_i32_0 = arith.constant 0 : i32
    %c0_i32_1 = arith.constant 0 : i32
    return %c0_i32, %c0_i32_0 : i32, i32
  }
  func.func @transform_16(%arg0: i32) -> (i32, i32) {
    %c0_i32 = arith.constant 0 : i32
    %c0_i32_0 = arith.constant 0 : i32
    %c0_i32_1 = arith.constant 0 : i32
    return %c0_i32, %c0_i32_0 : i32, i32
  }
  func.func @transform_17(%arg0: i32) -> (i32, i32) {
    %c0_i32 = arith.constant 0 : i32
    %c0_i32_0 = arith.constant 0 : i32
    %c0_i32_1 = arith.constant 0 : i32
    return %c0_i32, %c0_i32_0 : i32, i32
  }
  func.func @transform_18(%arg0: i32) -> (i32, i32) {
    %c0_i32 = arith.constant 0 : i32
    %c0_i32_0 = arith.constant 0 : i32
    return %arg0, %c0_i32 : i32, i32
  }
}

</mosaic_0001>

<sc_bundles>
// kernel: kernel.4.cloned.1.call-start
scs
__scs_entry_jumppad:
0x0: {  	(pc) =	sbr.rel $0x88, $3  }
0x1: {  	(tag) =	ssettag $0x0;
	lr =	simm.s32 $0x1  }
0x2: {  	[smem:$0x3F8A] =	sst lr;
	_ =	strace $0xD0000000  }
0x3: {  	_ = 	snop  }
0x4: {  	_ = 	snop  }
0x5: {  	_ = 	snop  }
0x6: {  	_ = 	snop  }
0x7: {  	_ = 	snop  }
__scs_overlays_trampoline_lowered:
0x8: {  	[smem:$0x3F99] =	sst s0  }
0x9: {  	[smem:$0x3F9A] =	sst s1  }
0xa: {  	[smem:$0x3F9B] =	sst s2  }
0xb: {  	[smem:$0x3F9C] =	sst s3  }
0xc: {  	[smem:$0x3F9D] =	sst s4  }
0xd: {  	[smem:$0x3F9E] =	sst s5  }
0xe: {  	[smem:$0x3F9F] =	sst s6  }
0xf: {  	[smem:$0x3FA0] =	sst s7  }
0x10: {  	[smem:$0x3FA1] =	sst s8  }
0x11: {  	[smem:$0x3FA2] =	sst s9;
	s0 =	simm.s32 @!p0 $0x0  }
0x12: {  	s1 =	sld [smem:$0x3F88];
	s0 =	simm.s32 @p0 $0x1  }
0x13: {  	[smem:$0x3FA3] =	sst s0;
	s0 =	simm.s32 @!p1 $0x0  }
0x14: {  	s2 =	sld [smem:$0x3F87];
	s0 =	simm.s32 @p1 $0x1  }
0x15: {  	[smem:$0x3FA4] =	sst s0;
	s0 =	simm.s32 @!p2 $0x0  }
0x16: {  	s3 =	sld [smem:$0x3FDB];
	s0 =	simm.s32 @p2 $0x1  }
0x17: {  	s4 =	simm.s32 $0x1BF5;
	[smem:$0x3FA6] =	sst s0  }
0x18: {  	s0 =	sld [smem:$0x3F89];
	_ =	swait.ge [sflag:s4], $0x0  }
0x19: {  	s7 =	sld [smem:$0x3F8A]  }
0x1a: {  	s8 =	sadd.s32 $0xFFFFE003, lr  }
0x1b: {  	s9 =	sadd.s32 $0xFFFFFEF7, lr;
	s5 =	simm.s32 $0xFFFFFFFF;
	p2 =	slt.u32 s8, $0xFFFFF086  }
0x1c: {  	p1 =	slt.u32 s9, $0xF7A;
	s5 =	simm.s32 @!p2 $0x0  }
0x1d: {  	s5 =	simm.s32 @p1 $0x1;
	p0 =	seq.s32 s7, s2  }
0x1e: {  	s7 =	smul.u32 @!p0 $0xF7A, s2;
	p2 =	seq.s32 @!p0 s5, $0x0  }
0x1f: {  	s9 =	smul.u32 $0xF7A, s1;
	s8 =	simm.s32 @!p0 $0x1BF5;
	p2 =	por !p2, p0  }
0x20: {  	[sflag:s8] =	ssyncset.s32 @!p0 $0xFFFFF086;
	s6 =	sadd.s32 @!p0 s3, s7;
	s7 =	simm.s32 @!p0 $0x108  }
0x21: {  	s3 =	sadd.s32 s3, s9;
	s6 =	sadd.s32 @!p0 $0x88, s6;
	s7 =	simm.s32 @p2 $0x1082  }
0x22: {  	[simem:s7], [sflag:s8] =	dma.local @!p0 [hbm:s6], $0xF7A  }
0x23: {  	s9 =	sor.u32 $0xD0000000, s2;
	s6 =	simm.s32 $0x108;
	_ =	swait.ge @!p0 [sflag:s8], $0x0  }
0x24: {  	s3 =	sadd.s32 $0x88, s3;
	s6 =	simm.s32 @!p1 $0x1082;
	[sflag:s4] =	ssyncset.s32 $0xFFFFF086  }
0x25: {  	[simem:s6], [sflag:s4] =	dma.local [hbm:s3], $0xF7A  }
0x26: {  	[smem:$0x3F8A] =	sst s1;
	(tag) =	ssettag s2;
	_ =	strace s9  }
0x27: {  	s1 =	sld [smem:$0x3F9A]  }
0x28: {  	s2 =	sld [smem:$0x3F9B]  }
0x29: {  	s4 =	sld [smem:$0x3F9D]  }
0x2a: {  	p0 =	seq.s32 s5, $0x0;
	s5 =	sld [smem:$0x3F9E]  }
0x2b: {  	s6 =	sld [smem:$0x3F9F]  }
0x2c: {  	s7 =	sld [smem:$0x3FA0]  }
0x2d: {  	s3 =	simm.s32 $0x108;
	s8 =	sld [smem:$0x3FA1]  }
0x2e: {  	s3 =	simm.s32 @!p0 $0x1082;
	s9 =	sld [smem:$0x3FA2]  }
0x2f: {  	lr =	sadd.s32 s0, s3;
	s0 =	sld [smem:$0x3F99]  }
0x30: {  	s3 =	sld [smem:$0x3F9C]  }
0x31: {  	[smem:$0x3FA5] =	sst s10  }
0x32: {  	s10 =	sld [smem:$0x3FA3];
	_ =	sdelay $0x3  }
0x33: {  	p0 =	seq.s32 s10, $0x1;
	s10 =	sld [smem:$0x3FA5];
	_ =	sdelay $0x3  }
0x34: {  	[smem:$0x3FA5] =	sst s10  }
0x35: {  	s10 =	sld [smem:$0x3FA4];
	_ =	sdelay $0x3  }
0x36: {  	p1 =	seq.s32 s10, $0x1;
	s10 =	sld [smem:$0x3FA5];
	_ =	sdelay $0x3  }
0x37: {  	[smem:$0x3FA5] =	sst s10  }
0x38: {  	s10 =	sld [smem:$0x3FA6]  }
0x39: {  	_ = 	snop;
	(pc) =	sbr.ind lr, $3  }
0x3a: {  	_ = 	snop  }
0x3b: {  	_ = 	snop  }
0x3c: {  	p2 =	seq.s32 s10, $0x1;
	s10 =	sld [smem:$0x3FA5]  }
0x3d: {  	_ =	shalt  }
0x3e: {  	_ =	shalt  }
0x3f: {  	_ =	shalt  }
0x40: {  	_ =	shalt  }
0x41: {  	_ =	shalt  }
0x42: {  	_ =	shalt  }
0x43: {  	_ =	shalt  }
0x44: {  	_ =	shalt  }
0x45: {  	_ =	shalt  }
0x46: {  	_ =	shalt  }
0x47: {  	_ =	shalt  }
0x48: {  	_ =	shalt  }
0x49: {  	_ =	shalt  }
0x4a: {  	_ =	shalt  }
0x4b: {  	_ =	shalt  }
0x4c: {  	_ =	shalt  }
0x4d: {  	_ =	shalt  }
0x4e: {  	_ =	shalt  }
0x4f: {  	_ =	shalt  }
0x50: {  	_ =	shalt  }
0x51: {  	_ =	shalt  }
0x52: {  	_ =	shalt  }
0x53: {  	_ =	shalt  }
0x54: {  	_ =	shalt  }
0x55: {  	_ =	shalt  }
0x56: {  	_ =	shalt  }
0x57: {  	_ =	shalt  }
0x58: {  	_ =	shalt  }
0x59: {  	_ =	shalt  }
0x5a: {  	_ =	shalt  }
0x5b: {  	_ =	shalt  }
0x5c: {  	_ =	shalt  }
0x5d: {  	_ =	shalt  }
0x5e: {  	_ =	shalt  }
0x5f: {  	_ =	shalt  }
0x60: {  	_ =	shalt  }
0x61: {  	_ =	shalt  }
0x62: {  	_ =	shalt  }
0x63: {  	_ =	shalt  }
0x64: {  	_ =	shalt  }
0x65: {  	_ =	shalt  }
0x66: {  	_ =	shalt  }
0x67: {  	_ =	shalt  }
0x68: {  	_ =	shalt  }
0x69: {  	_ =	shalt  }
0x6a: {  	_ =	shalt  }
0x6b: {  	_ =	shalt  }
0x6c: {  	_ =	shalt  }
0x6d: {  	_ =	shalt  }
0x6e: {  	_ =	shalt  }
0x6f: {  	_ =	shalt  }
0x70: {  	_ =	shalt  }
0x71: {  	_ =	shalt  }
0x72: {  	_ =	shalt  }
0x73: {  	_ =	shalt  }
0x74: {  	_ =	shalt  }
0x75: {  	_ =	shalt  }
0x76: {  	_ =	shalt  }
0x77: {  	_ =	shalt  }
0x78: {  	_ =	shalt  }
0x79: {  	_ =	shalt  }
0x7a: {  	_ =	shalt  }
0x7b: {  	_ =	shalt  }
0x7c: {  	_ =	shalt  }
0x7d: {  	_ =	shalt  }
0x7e: {  	_ =	shalt  }
0x7f: {  	_ =	shalt  }
0x80: {  	_ =	shalt  }
0x81: {  	_ =	shalt  }
0x82: {  	_ =	shalt  }
0x83: {  	_ =	shalt  }
0x84: {  	_ =	shalt  }
0x85: {  	_ =	shalt  }
0x86: {  	_ =	shalt  }
0x87: {  	_ =	shalt  }
.Lfunc_end0:
.L_simem_size_0:
called_computation_lowered:
.L_overlay_start_0:
0x88: {  	s2 =	sld [smem:$0x3FD9]  }
0x89: {  	s3 =	sld [smem:$0x3FFE];
	_ =	sdelay $0x1  }
0x8a: {  	s1 =	srdreg.scid  }
0x8b: {  	s0 =	sand.u32 $0x1, s1  }
0x8c: {  	s17 =	sshll.u32 s0, $0xA;
	s2 =	sadd.s32 s3, s2  }
0x8d: {  	s2 =	sadd.s32 s2, s17  }
0x8e: {  	[smem:$0x3FB1] =	sst s2  }
0x8f: {  	_ = 	snop  }
0x90: {  	s2 =	sld [smem:$0x3FC3];
	(tm) =	ssettm $0x1  }
0x91: {  	s18 =	sld [smem:$0x3FFB];
	_ =	sdelay $0x3  }
0x92: {  	_ =	strace s18  }
0x93: {  	s3 =	sld [smem:$0x3FFC];
	_ =	sdelay $0x3  }
0x94: {  	_ =	strace s3  }
0x95: {  	s3 =	sld [smem:$0x3FFD];
	_ =	sdelay $0x3  }
0x96: {  	_ =	strace s3  }
0x97: {  	_ =	strace $0x8FFFFFFF  }
0x98: {  	s19 =	sld [smem:$0x3FDB];
	_ =	sdelay $0x1  }
0x99: {  	s4 =	simm.s32 $_scs_section_size  }
0x9a: {  	s5 =	simm.s32 $_size__tile_overlayer_lowered;
	s6 =	simm.s32 $_tile_overlayer_lowered  }
0x9b: {  	s22 =	simm.s32 $0x1BFF;
	s21 =	sshll.u32 s6, $0x1;
	s3 =	sadd.s32 s4, s19  }
0x9c: {  	s7 =	simm.s32 $0x0;
	s20 =	sshll.u32 s5, $0x1;
	s5 =	sadd.s32 s21, s3  }
0x9d: {  	[timem:s7], [sflag:s22] =	dma.local [hbm:s5], s20  }
0x9e: {  	_ =	swait.ge [sflag:s22], s20  }
0x9f: {  	s4 =	ssub.s32 $0x0, s20;
	[sflag:s22] =	ssyncset.done $0x0  }
0xa0: {  	[sflag:s22] =	ssyncadd.s32 s4;
	_ =	sdelay $0x1  }
0xa1: {  	s23 =	simm.s32 $0x1B8B  }
0xa2: {  	_ =	swait.ge [sflag:s23], $0x1  }
0xa3: {  	[sflag:s23] =	ssyncset.done $0x0  }
0xa4: {  	s25 =	simm.s32 $0x1B8E;
	s24 =	sld [smem:$0x3FFE];
	[sflag:s23] =	ssyncadd.s32 $0xFFFFFFFF  }
0xa5: {  	s26 =	simm.s32 $execute0_lowered;
	[smem:$0x3FD2] =	sst s25  }
0xa6: {  	s5 =	sshll.u32 s26, $0x1;
	_ =	strace $0x80000046;
	[dreg:$0x1] =	wrdreg $0xFFFFFFFF  }
0xa7: {  	s28 =	simm.s32 $_size_execute0_lowered;
	s3 =	sadd.s32 s3, s5;
	[dreg:$0x0] =	wrdreg $0x0  }
0xa8: {  	s5 =	sshll.u32 s28, $0x1;
	[dreg:$0x2] =	wrdreg s3  }
0xa9: {  	[dreg:$0x3] =	wrdreg s5  }
0xaa: {  	[dreg:$0x4] =	wrdreg $0xC0  }
0xab: {  	_ =	task [dreg:s7], $0x5FFFF  }
0xac: {  	[dreg:$0x1] =	wrdreg $0xFFFFFFFF  }
0xad: {  	[dreg:$0x0] =	wrdreg $0x60  }
0xae: {  	[dreg:$0x2] =	wrdreg s2  }
0xaf: {  	[dreg:$0x3] =	wrdreg s24  }
0xb0: {  	[dreg:$0x4] =	wrdreg $0x9  }
0xb1: {  	_ =	task.clear_ibuf [dreg:s7], $0x5FFFF;
	_ =	strace $0x90000046  }
0xb2: {  	s29 =	simm.s32 $0x9;
	_ =	strace $0x80000048  }
0xb3: {  	_ =	swait.ge [sflag:s29], $0x1  }
0xb4: {  	[sflag:s29] =	ssyncadd.s32 $0xFFFFFFFF  }
0xb5: {  	_ =	strace $0x90000048  }
0xb6: {  	_ =	sfence  }
0xb7: {  	s30 =	sld [smem:$0x0];
	_ =	sdelay $0x2  }
0xb8: {  	s31 =	sshll.u32 s1, $0xD;
	s1 =	sshrl.u32 s1, $0x2  }
0xb9: {  	s3 =	sand.u32 $0x4000, s31;
	s1 =	sadd.s32 s1, s30  }
0xba: {  	s0 =	sor.u32 s3, s0;
	s1 =	sshll.u32 s1, $0x11  }
0xbb: {  	s0 =	sor.u32 s1, s0  }
0xbc: {  	s0 =	sadd.s32 $0x8F2B, s0  }
0xbd: {  	[sflag:s0] =	ssyncadd.remote.s32 $0x1  }
0xbe: {  	_ =	sfence.sel $0xFFFF  }
0xbf: {  	[dreg:$0x0] =	wrdreg $0xFFFFFFFF;
	(pc) =	sbr.abs _section_cstart, $3  }
0xc0: {  	[dreg:$0x1] =	wrdreg $0xFFFFFFFF  }
0xc1: {  	_ =	task.clear_ibuf [dreg:s7], $0x2FFFF;
	_ =	strace $0x9FFFFFFF  }
0xc2: {  	(tm) =	ssettm $0x7FFFFFFF  }
0xc3: {  	_ =	shalt  }
tec
execute0_lowered:
.L_overlay_start_1:
0x0: {  	(tag) =	ssettag $0x1  }
0x1: {  	s0 =	srdreg.scid;
	s2 =	stileid.u32  }
0x2: {  	s1 =	sand.u32 $0x1, s0;
	s18 =	sshll.u32 s2, $0x1  }
0x3: {  	s2 =	sshrl.u32 s2, $0x2;
	s11 =	sor.u32 s1, s18  }
0x4: {  	s3 =	smul.u32 $0xC3800, s2;
	s2 =	sshll.u32 s2, $0xF;
	s5 =	ssub.s32 $0x2, s1  }
0x5: {  	s0 =	sshll.u32 s11, $0x7;
	s20 =	sshrl.u32 s5, $0x1;
	[smem:$0x7F4] =	sst s11  }
0x6: {  	s4 =	sand.u32 $0x380, s0;
	s0 =	smul.u32 $0xD, s11;
	s22 =	ssub.s32 s5, s20  }
0x7: {  	s31 =	sor.u32 s3, s4;
	s19 =	sor.u32 s2, s4;
	[dreg:$0x1b] =	wrdreg s22  }
0x8: {  	s12 =	sadd.s32 $0x1, s0;
	[dreg:$0x1c] =	wrdreg s19;
	s21 =	sadd.s32 $0x2, s0  }
0x9: {  	s28 =	sadd.s32 $0x3, s0;
	s18 =	sadd.s32 $0x4, s0;
	s29 =	sadd.s32 $0x7, s0  }
0xa: {  	s30 =	sadd.s32 $0xC, s0;
	s6 =	sshrl.u32 s12, $0x3;
	s7 =	sshll.u32 s12, $0x7  }
0xb: {  	[dreg:$0x1d] =	wrdreg s21;
	s24 =	sshrl.u32 s21, $0x3;
	s25 =	sshll.u32 s21, $0x7  }
0xc: {  	s3 =	sshrl.u32 s28, $0x3;
	s4 =	sshll.u32 s28, $0x7;
	[dreg:$0x1e] =	wrdreg s18  }
0xd: {  	s19 =	sshrl.u32 s18, $0x3;
	s20 =	sshll.u32 s18, $0x7;
	s8 =	smul.u32 $0xC3800, s6  }
0xe: {  	s21 =	sadd.s32 $0x5, s0;
	s23 =	sand.u32 $0x380, s7;
	s26 =	smul.u32 $0xC3800, s24  }
0xf: {  	s6 =	sshll.u32 s6, $0xF;
	s7 =	sand.u32 $0x380, s25;
	s5 =	sshll.u32 s24, $0xF  }
0x10: {  	s9 =	smul.u32 $0xC3800, s3;
	s13 =	sand.u32 $0x380, s4;
	[dreg:$0x1f] =	wrdreg s21  }
0x11: {  	s22 =	smul.u32 $0xC3800, s19;
	s18 =	sshll.u32 s21, $0x7;
	s1 =	sor.u32 s23, s6  }
0x12: {  	s10 =	sor.u32 s7, s5;
	s6 =	sshll.u32 s3, $0xF;
	s24 =	sand.u32 $0x380, s18  }
0x13: {  	s14 =	sor.u32 s23, s8;
	[smem:$0x7EB] =	sst s1;
	s15 =	sor.u32 s7, s26  }
0x14: {  	[smem:$0x7EC] =	sst s10;
	s16 =	sor.u32 s13, s9;
	s17 =	sor.u32 s13, s6  }
0x15: {  	s8 =	sand.u32 $0x380, s20;
	s10 =	sshrl.u32 s21, $0x3;
	s7 =	sshll.u32 s19, $0xF  }
0x16: {  	s26 =	sadd.s32 $0x6, s0;
	s21 =	sshrl.u32 s29, $0x3;
	s13 =	smul.u32 $0x280, s11  }
0x17: {  	s20 =	sshll.u32 s29, $0x7;
	[smem:$0x7ED] =	sst s17;
	s19 =	smul.u32 $0xC3800, s10  }
0x18: {  	s17 =	sor.u32 s8, s22;
	s23 =	sor.u32 s8, s7;
	s25 =	sshll.u32 s10, $0xF  }
0x19: {  	[smem:$0x7EF] =	sst s26;
	s2 =	sshrl.u32 s26, $0x3;
	s3 =	sshll.u32 s26, $0x7  }
0x1a: {  	s22 =	smul.u32 $0xC3800, s21;
	s5 =	sand.u32 $0x380, s20;
	s6 =	sshll.u32 s21, $0xF  }
0x1b: {  	s7 =	sshrl.u32 s0, $0x3;
	s26 =	sadd.s32 $0x8, s0;
	s15 =	sshrl.u32 s15, $0x3  }
0x1c: {  	s16 =	sshrl.u32 s16, $0x3;
	[smem:$0x7EE] =	sst s23;
	s8 =	sor.u32 s24, s25  }
0x1d: {  	s4 =	smul.u32 $0xC3800, s2;
	s10 =	sand.u32 $0x380, s3;
	s9 =	sshll.u32 s2, $0xF  }
0x1e: {  	[smem:$0x7F0] =	sst s26;
	s21 =	sor.u32 s5, s6;
	s2 =	smul.u32 $0xC3800, s7  }
0x1f: {  	s23 =	sshrl.u32 s26, $0x3;
	s17 =	sshrl.u32 s17, $0x3;
	s19 =	sor.u32 s24, s19  }
0x20: {  	s20 =	sor.u32 s10, s9;
	s25 =	sor.u32 s5, s22;
	s22 =	sand.u32 $0x380, s13  }
0x21: {  	s26 =	smul.u32 $0xC3800, s23;
	s13 =	sadd.s32 $0x9, s0;
	s3 =	sshll.u32 s23, $0xF  }
0x22: {  	s9 =	sadd.s32 $0xA, s0;
	s24 =	sor.u32 s10, s4;
	s10 =	sshll.u32 s7, $0xF  }
0x23: {  	s5 =	sor.u32 s22, s2;
	s4 =	sshrl.u32 s13, $0x3;
	s6 =	sshll.u32 s13, $0x7  }
0x24: {  	[smem:$0x7F2] =	sst s9;
	s19 =	sshrl.u32 s19, $0x3;
	s18 =	sor.u32 s22, s10  }
0x25: {  	s26 =	sor.u32 s22, s26;
	s7 =	smul.u32 $0xC3800, s4;
	s22 =	sor.u32 s22, s3  }
0x26: {  	s1 =	sand.u32 $0x380, s6;
	s10 =	sshrl.u32 s9, $0x3;
	s3 =	sshll.u32 s9, $0x7  }
0x27: {  	s23 =	sshll.u32 s4, $0xF;
	s9 =	sadd.s32 $0xB, s0;
	s6 =	smul.u32 $0xC3800, s10  }
0x28: {  	s2 =	sand.u32 $0x380, s3;
	[smem:$0x7F3] =	sst s9;
	s23 =	sor.u32 s1, s23  }
0x29: {  	s3 =	sshrl.u32 s9, $0x3;
	s10 =	sshll.u32 s10, $0xF;
	s4 =	sshll.u32 s9, $0x7  }
0x2a: {  	s7 =	sor.u32 s1, s7;
	s9 =	smul.u32 $0xC3800, s3;
	s1 =	sand.u32 $0x380, s4  }
0x2b: {  	s3 =	sshll.u32 s3, $0xF;
	s6 =	sor.u32 s2, s6;
	s2 =	sor.u32 s2, s10  }
0x2c: {  	s10 =	sshrl.u32 s14, $0x3;
	s14 =	rddreg [dreg:$0x0];
	s7 =	sshrl.u32 s7, $0x3  }
0x2d: {  	s4 =	sor.u32 s1, s9;
	s9 =	sshrl.u32 s5, $0x3;
	s15 =	sadd.s32 s14, s15  }
0x2e: {  	s1 =	sor.u32 s1, s3;
	s3 =	sadd.s32 s14, s9;
	[dreg:$0x5] =	wrdreg s15  }
0x2f: {  	s2 =	sshrl.u32 s2, $0x3;
	s9 =	sadd.s32 s14, s10;
	[dreg:$0x3] =	wrdreg s3  }
0x30: {  	s15 =	sadd.s32 s14, s19;
	s10 =	sshrl.u32 s6, $0x3;
	[dreg:$0x4] =	wrdreg s9  }
0x31: {  	s4 =	sshrl.u32 s4, $0x3;
	s3 =	sadd.s32 s14, s16;
	[dreg:$0x8] =	wrdreg s15  }
0x32: {  	s9 =	sadd.s32 s14, s17;
	s16 =	sshrl.u32 s24, $0x3;
	[dreg:$0x6] =	wrdreg s3  }
0x33: {  	s17 =	sshrl.u32 s25, $0x3;
	s4 =	sadd.s32 s14, s4;
	[dreg:$0x7] =	wrdreg s9  }
0x34: {  	s25 =	sshrl.u32 s26, $0x3;
	s26 =	sshll.u32 s30, $0x7;
	[dreg:$0xe] =	wrdreg s4  }
0x35: {  	s3 =	sadd.s32 s14, s16;
	s9 =	sand.u32 $0x380, s26;
	s26 =	sld [smem:$0x7EC]  }
0x36: {  	s1 =	sshrl.u32 s1, $0x3;
	s19 =	sadd.s32 s14, s17;
	[dreg:$0x9] =	wrdreg s3  }
0x37: {  	s24 =	sshrl.u32 s30, $0x3;
	s5 =	sadd.s32 s14, s25;
	[dreg:$0xa] =	wrdreg s19  }
0x38: {  	s0 =	smul.u32 $0xC3800, s24;
	s4 =	sshrl.u32 s31, $0x3;
	[dreg:$0xb] =	wrdreg s5  }
0x39: {  	s31 =	sand.u32 $0xF, s12;
	s3 =	sshll.u32 s24, $0xF;
	s24 =	sld [smem:$0x7EB]  }
0x3a: {  	s5 =	sadd.s32 s14, s7;
	s19 =	sshrl.u32 s18, $0x3;
	s7 =	sld [smem:$0x7ED]  }
0x3b: {  	[dreg:$0xc] =	wrdreg s5;
	s15 =	sor.u32 s9, s0;
	s5 =	sadd.s32 s14, s10  }
0x3c: {  	s3 =	sor.u32 s9, s3;
	[dreg:$0xd] =	wrdreg s5;
	s16 =	sshrl.u32 s15, $0x3  }
0x3d: {  	s5 =	rddreg [dreg:$0x1];
	s0 =	sshrl.u32 s26, $0x3;
	s26 =	sshrl.u32 s22, $0x3  }
0x3e: {  	s17 =	sadd.s32 s14, s16;
	s25 =	sshrl.u32 s24, $0x3;
	s10 =	sadd.s32 $0x68200, s5  }
0x3f: {  	s9 =	sshrl.u32 s7, $0x3;
	s24 =	sshrl.u32 s20, $0x3;
	s7 =	rddreg [dreg:$0x1c]  }
0x40: {  	s6 =	sadd.s32 s4, s5;
	[dreg:$0xf] =	wrdreg s17;
	s14 =	sadd.s32 s10, s19  }
0x41: {  	s15 =	sadd.s32 s10, s25;
	s16 =	sadd.s32 s10, s0;
	s17 =	sld [smem:$0x7EE]  }
0x42: {  	s19 =	sshrl.u32 s8, $0x3;
	s25 =	sshrl.u32 s21, $0x3;
	s20 =	sadd.s32 s10, s24  }
0x43: {  	s22 =	sadd.s32 s10, s26;
	s0 =	sshrl.u32 s23, $0x3;
	s24 =	sadd.s32 s10, s2  }
0x44: {  	s2 =	sshrl.u32 s3, $0x3;
	s3 =	smul.u32 $0x1A0, s11;
	[smem:$0x7FB] =	sst s6  }
0x45: {  	s8 =	sshrl.u32 s7, $0x3;
	s11 =	sshll.u32 s28, $0x5;
	s21 =	sadd.s32 s10, s25  }
0x46: {  	s23 =	sadd.s32 s10, s0;
	s25 =	sadd.s32 s10, s1;
	s0 =	sadd.s32 s8, s5  }
0x47: {  	s26 =	sadd.s32 s10, s2;
	s1 =	sadd.s32 $0x64E00, s5;
	[smem:$0x7FC] =	sst s0  }
0x48: {  	s2 =	sand.u32 $0x3E00, s3;
	s18 =	sshrl.u32 s17, $0x3;
	s17 =	sadd.s32 s10, s9  }
0x49: {  	s2 =	sadd.s32 s1, s2;
	s9 =	sshll.u32 s12, $0x5;
	s12 =	rddreg [dreg:$0x1d]  }
0x4a: {  	s19 =	sadd.s32 s10, s19;
	s18 =	sadd.s32 s10, s18;
	[dreg:$0x10] =	wrdreg s2  }
0x4b: {  	s3 =	sand.u32 $0x7E00, s9;
	s2 =	sand.u32 $0x7E00, s11;
	s11 =	sld [smem:$0x7EF]  }
0x4c: {  	s10 =	sshll.u32 s12, $0x5;
	s4 =	sadd.s32 s1, s2;
	s2 =	rddreg [dreg:$0x1e]  }
0x4d: {  	s3 =	sadd.s32 s1, s3;
	s0 =	sand.u32 $0x7E00, s10;
	s10 =	rddreg [dreg:$0x1f]  }
0x4e: {  	[dreg:$0x11] =	wrdreg s3  }
0x4f: {  	s3 =	sadd.s32 s1, s0;
	[dreg:$0x13] =	wrdreg s4;
	s5 =	sshll.u32 s2, $0x5  }
0x50: {  	[dreg:$0x12] =	wrdreg s3;
	s3 =	sand.u32 $0x7E00, s5  }
0x51: {  	s6 =	sshll.u32 s10, $0x5;
	s7 =	sshll.u32 s11, $0x5;
	s3 =	sadd.s32 s1, s3  }
0x52: {  	s8 =	sand.u32 $0x7E00, s6;
	s9 =	sand.u32 $0x7E00, s7;
	[dreg:$0x14] =	wrdreg s3  }
0x53: {  	s3 =	sadd.s32 s1, s8;
	s0 =	sadd.s32 s1, s9;
	s9 =	sld [smem:$0x7F0]  }
0x54: {  	s4 =	sshll.u32 s29, $0x5;
	s7 =	sshll.u32 s13, $0x5;
	[dreg:$0x15] =	wrdreg s3  }
0x55: {  	[dreg:$0x16] =	wrdreg s0;
	s3 =	sand.u32 $0x7E00, s4;
	s0 =	sand.u32 $0x7E00, s7  }
0x56: {  	s4 =	sadd.s32 s1, s0;
	s0 =	sld [smem:$0x7F2];
	s5 =	sshll.u32 s9, $0x5  }
0x57: {  	s3 =	sadd.s32 s1, s3;
	s8 =	sand.u32 $0x7E00, s5  }
0x58: {  	[dreg:$0x17] =	wrdreg s3;
	s3 =	sadd.s32 s1, s8  }
0x59: {  	s5 =	sshll.u32 s0, $0x5;
	[dreg:$0x18] =	wrdreg s3  }
0x5a: {  	s3 =	sand.u32 $0x7E00, s5;
	s5 =	sld [smem:$0x7F3];
	_ =	sdelay $0x2  }
0x5b: {  	s8 =	sshll.u32 s30, $0x5;
	s7 =	sshll.u32 s5, $0x5  }
0x5c: {  	[smem:$0x7F1] =	sst s4;
	s4 =	sand.u32 $0x7E00, s7;
	s7 =	sand.u32 $0x7E00, s8  }
0x5d: {  	s8 =	sadd.s32 s1, s4;
	s4 =	sadd.s32 s1, s7;
	s7 =	sld [smem:$0x7F4]  }
0x5e: {  	_ = 	snop  }
0x5f: {  	p0 =	sne.s32 s31, $0x0;
	s31 =	simm.s32 $0x2  }
0x60: {  	s6 =	smov.u32 s29;
	s29 =	sadd.s32 s1, s3;
	s3 =	sshll.u32 s7, $0x9  }
0x61: {  	s2 =	sand.u32 $0xF, s2;
	s7 =	sand.u32 $0xF, s12;
	s1 =	sadd.s32 s1, s3  }
0x62: {  	s12 =	sand.u32 $0xF, s28;
	[dreg:$0x19] =	wrdreg s1;
	s1 =	simm.s32 @!p0 $0x0  }
0x63: {  	s28 =	simm.s32 $0x1000;
	s1 =	simm.s32 @p0 $0x1;
	p0 =	sne.s32 s7, $0x0  }
0x64: {  	s3 =	sand.u32 $0xF, s10;
	[smem:$0x7F5] =	sst s1;
	s1 =	simm.s32 @!p0 $0x0  }
0x65: {  	s10 =	sand.u32 $0xF, s11;
	s1 =	simm.s32 @p0 $0x1;
	p0 =	sne.s32 s12, $0x0  }
0x66: {  	s11 =	sand.u32 $0xF, s6;
	[smem:$0x7F6] =	sst s1;
	s1 =	simm.s32 @!p0 $0x0  }
0x67: {  	s6 =	smov.u32 s4;
	s1 =	simm.s32 @p0 $0x1;
	p0 =	sne.s32 s2, $0x0  }
0x68: {  	s4 =	sand.u32 $0xF, s5;
	[smem:$0x7F7] =	sst s1;
	s1 =	simm.s32 @!p0 $0x0  }
0x69: {  	s5 =	sand.u32 $0xF, s30;
	s1 =	simm.s32 @p0 $0x1;
	p0 =	sne.s32 s3, $0x0  }
0x6a: {  	s30 =	simm.s32 $0x1;
	[smem:$0x7F8] =	sst s1;
	s1 =	simm.s32 @!p0 $0x0  }
0x6b: {  	s12 =	sand.u32 $0xF, s9;
	s1 =	simm.s32 @p0 $0x1;
	p0 =	sne.s32 s10, $0x0  }
0x6c: {  	s9 =	simm.s32 $0x0;
	[smem:$0x7F9] =	sst s1;
	s1 =	simm.s32 @!p0 $0x0  }
0x6d: {  	p6 =	sne.s32 s11, $0x0;
	[smem:$0x7FF] =	sst s9;
	s1 =	simm.s32 @p0 $0x1  }
0x6e: {  	p3 =	sne.s32 s4, $0x0;
	p4 =	sne.s32 s5, $0x0;
	[smem:$0x7FA] =	sst s1  }
0x6f: {  	s7 =	smov.u32 s29;
	s29 =	simm.s32 $0x3;
	_ =	strace $0x80000047  }
0x70: {  	s2 =	sand.u32 $0xF, s13;
	s13 =	stileid.u32;
	s10 =	sld [smem:$0x7FB]  }
0x71: {  	p1 =	sne.s32 s2, $0x0;
	p5 =	sgt.u32 s13, $0xC;
	s13 =	simm.s32 $0x400  }
.Ltmp0:
0x72: {  	s3 =	sand.u32 $0xF, s0;
	s11 =	sld [smem:$0x7FC];
	(pc) =	sbr.rel .LBB2_1-.Ltmp0, $4  }
0x73: {  	p0 =	sne.s32 s12, $0x0;
	s12 =	rddreg [dreg:$0x1b];
	s0 =	sadd.s32 $0x3200, s10  }
0x74: {  	p2 =	sne.s32 s3, $0x0;
	[dreg:$0x1a] =	wrdreg s0;
	s0 =	simm.s32 @!p5 $0x0  }
0x75: {  	s10 =	sadd.s32 $0x9C200, s11;
	s11 =	smax.u32 s12, $0x1;
	s0 =	simm.s32 @p5 $0x1  }
0x76: {  	s12 =	simm.s32 $0x80;
	[smem:$0x7FD] =	sst s0;
	s0 =	simm.s32 $0x0  }
.LBB2_58:
0x77: {  	[hbm4b:s4+s9] =	stream.linear.scatter [tilespmem:s1], [sflag:$0x3], $0x80, $0x38;
	[tilespmem:$0x1B700] =	vst v63  }
0x78: {  	_ =	swait.ge [sflag:s29], $0x1000  }
0x79: {  	[sflag:s29] =	ssyncset.done $0x0  }
0x7a: {  	[sflag:s29] =	ssyncadd.s32 $0xFFFFF000  }
.LBB2_59:
0x7b: {  	s0 =	sadd.s32 $0x1, s0  }
0x7c: {  	p5 =	sne.s32 s0, s11  }
.Ltmp1:
0x7d: {  	_ = 	snop;
	(pc) =	sbr.rel @!p5 .LBB2_60-.Ltmp1, $4  }
0x7e: {  	_ = 	snop  }
0x7f: {  	_ =	swait.ge [sflag:s31], $0x1000  }
0x80: {  	[sflag:s31] =	ssyncset.done $0x0  }
0x81: {  	[sflag:s31] =	ssyncadd.s32 $0xFFFFF000  }
.LBB2_1:
0x82: {  	s1 =	rddreg [dreg:$0x3]  }
0x83: {  	[tilespmem:s28], [sflag:$0x1] =	stream.strided.gather [hbm4b:s1+s12], $0x18700, s13, s12, $0x38;
	[tilespmem:$0x1B700] =	vst v63  }
0x84: {  	s5 =	rddreg [dreg:$0x10]  }
0x85: {  	[tilespmem:s9], [sflag:$0x3] =	stream.linear.gather [hbm4b:s5+s9], $0x1000, $0x38;
	[tilespmem:$0x1B700] =	vst v63  }
0x86: {  	_ =	swait.ge [sflag:s29], $0x1000  }
0x87: {  	[sflag:s29] =	ssyncset.done $0x0  }
0x88: {  	[sflag:s29] =	ssyncadd.s32 $0xFFFFF000  }
0x89: {  	_ =	swait.ge [sflag:s30], $0x18700  }
0x8a: {  	s2 =	simm.s32 $0x40;
	[sflag:s30] =	ssyncset.done $0x0  }
0x8b: {  	s3 =	simm.s32 $0x19740;
	s1 =	simm.s32 $0xFFFFFFF8;
	[sflag:s30] =	ssyncadd.s32 $0xFFFE7900  }
.LBB2_2:
0x8c: {  	v0 =	vld [tilespmem:s2+$0xFFFFFFC0];
	_ =	sdelay $0x7  }
0x8d: {  	v0 =	vld.idx.msk [tilespmem:v0+s28+$0x0], $0xffff;
	_ =	sdelay $0x4  }
0x8e: {  	[tilespmem:s3+$0xFFFFFFC0] =	vst v0  }
0x8f: {  	v0 =	vld [tilespmem:s2+$0xFFFFFFD0];
	_ =	sdelay $0x7  }
0x90: {  	v0 =	vld.idx.msk [tilespmem:v0+s28+$0x0], $0xffff;
	_ =	sdelay $0x4  }
0x91: {  	[tilespmem:s3+$0xFFFFFFD0] =	vst v0  }
0x92: {  	v0 =	vld [tilespmem:s2+$0xFFFFFFE0];
	_ =	sdelay $0x7  }
0x93: {  	v0 =	vld.idx.msk [tilespmem:v0+s28+$0x0], $0xffff;
	_ =	sdelay $0x4  }
0x94: {  	[tilespmem:s3+$0xFFFFFFE0] =	vst v0  }
0x95: {  	v0 =	vld [tilespmem:s2+$0xFFFFFFF0];
	_ =	sdelay $0x7  }
0x96: {  	v0 =	vld.idx.msk [tilespmem:v0+s28+$0x0], $0xffff;
	_ =	sdelay $0x4  }
0x97: {  	[tilespmem:s3+$0xFFFFFFF0] =	vst v0  }
0x98: {  	v0 =	vld [tilespmem:s2+$0x0];
	_ =	sdelay $0x7  }
0x99: {  	v0 =	vld.idx.msk [tilespmem:v0+s28+$0x0], $0xffff;
	_ =	sdelay $0x4  }
0x9a: {  	[tilespmem:s3+$0x0] =	vst v0  }
0x9b: {  	v0 =	vld [tilespmem:s2+$0x10];
	_ =	sdelay $0x7  }
0x9c: {  	v0 =	vld.idx.msk [tilespmem:v0+s28+$0x0], $0xffff;
	_ =	sdelay $0x4  }
0x9d: {  	[tilespmem:s3+$0x10] =	vst v0  }
0x9e: {  	v0 =	vld [tilespmem:s2+$0x20];
	_ =	sdelay $0x7  }
0x9f: {  	v0 =	vld.idx.msk [tilespmem:v0+s28+$0x0], $0xffff;
	_ =	sdelay $0x4  }
0xa0: {  	[tilespmem:s3+$0x20] =	vst v0  }
0xa1: {  	v0 =	vld [tilespmem:s2+$0x30];
	_ =	sdelay $0x6  }
0xa2: {  	s1 =	sadd.s32 $0x8, s1  }
0xa3: {  	p5 =	slt.u32 s1, $0xF8;
	v0 =	vld.idx.msk [tilespmem:v0+s28+$0x0], $0xffff  }
.Ltmp2:
0xa4: {  	_ = 	snop;
	(pc) =	sbr.rel @p5 .LBB2_2-.Ltmp2, $2  }
0xa5: {  	_ =	sdelay $0x2  }
0xa6: {  	s2 =	sadd.s32 $0x80, s2;
	[tilespmem:s3+$0x30] =	vst v0;
	s3 =	sadd.s32 $0x100, s3  }
0xa7: {  	s1 =	simm.s32 $0x19700  }
0xa8: {  	s2 =	simm.s32 $0x80;
	s4 =	sadd.s32 $0x0, s14;
	s3 =	simm.s32 $0x19800  }
.LBB2_4:
0xa9: {  	[hbm4b:s4+s9] =	stream.linear.scatter [tilespmem:s1], [sflag:$0x2], $0x80, $0x38;
	[tilespmem:$0x1B700] =	vst v63  }
0xaa: {  	s4 =	smov.u32 s2;
	s1 =	smov.u32 s3;
	p5 =	sne.s32 s2, $0xF80  }
.Ltmp3:
0xab: {  	s2 =	sadd.s32 $0x80, s2;
	(pc) =	sbr.rel @p5 .LBB2_4-.Ltmp3, $2  }
0xac: {  	_ =	sdelay $0x2  }
0xad: {  	s3 =	sadd.s32 $0x100, s3;
	s4 =	sadd.s32 s4, s14  }
0xae: {  	[hbm4b:s4+s9] =	stream.linear.scatter [tilespmem:s1], [sflag:$0x2], $0x80, $0x38;
	[tilespmem:$0x1B700] =	vst v63  }
0xaf: {  	s5 =	sld [smem:$0x7F5]  }
0xb0: {  	s4 =	rddreg [dreg:$0x4]  }
0xb1: {  	[tilespmem:s28], [sflag:$0x1] =	stream.strided.gather [hbm4b:s4+s12], $0x18700, s13, s12, $0x38;
	[tilespmem:$0x1B700] =	vst v63  }
0xb2: {  	p5 =	seq.s32 s5, $0x1  }
0xb3: {  	s2 =	rddreg [dreg:$0x11];
	s1 =	simm.s32 @!p5 $0x0  }
0xb4: {  	[tilespmem:s1], [sflag:$0x3] =	stream.linear.gather @!p5 [hbm4b:s2+s1], $0x1000, $0x38;
	[tilespmem:$0x1B700] =	vst v63  }
0xb5: {  	s1 =	simm.s32 @!p5 $0x3  }
0xb6: {  	_ =	swait.ge @!p5 [sflag:s1], $0x1000  }
0xb7: {  	[sflag:s1] =	ssyncset.done @!p5 $0x0  }
0xb8: {  	[sflag:s1] =	ssyncadd.s32 @!p5 $0xFFFFF000  }
0xb9: {  	_ =	swait.ge [sflag:s30], $0x18700  }
0xba: {  	s3 =	simm.s32 $0x197F0;
	[sflag:s30] =	ssyncset.done $0x0  }
0xbb: {  	s2 =	simm.s32 $0x40;
	s1 =	simm.s32 $0xFFFFFFF8;
	[sflag:s30] =	ssyncadd.s32 $0xFFFE7900  }
.LBB2_6:
0xbc: {  	v0 =	vld [tilespmem:s2+$0xFFFFFFC0];
	_ =	sdelay $0x7  }
0xbd: {  	v0 =	vld.idx.msk [tilespmem:v0+s28+$0x0], $0xffff;
	_ =	sdelay $0x4  }
0xbe: {  	[tilespmem:s3+$0xFFFFFF90] =	vst v0  }
0xbf: {  	v0 =	vld [tilespmem:s2+$0xFFFFFFD0];
	_ =	sdelay $0x7  }
0xc0: {  	v0 =	vld.idx.msk [tilespmem:v0+s28+$0x0], $0xffff;
	_ =	sdelay $0x4  }
0xc1: {  	[tilespmem:s3+$0xFFFFFFA0] =	vst v0  }
0xc2: {  	v0 =	vld [tilespmem:s2+$0xFFFFFFE0];
	_ =	sdelay $0x7  }
0xc3: {  	v0 =	vld.idx.msk [tilespmem:v0+s28+$0x0], $0xffff;
	_ =	sdelay $0x4  }
0xc4: {  	[tilespmem:s3+$0xFFFFFFB0] =	vst v0  }
0xc5: {  	v0 =	vld [tilespmem:s2+$0xFFFFFFF0];
	_ =	sdelay $0x7  }
0xc6: {  	v0 =	vld.idx.msk [tilespmem:v0+s28+$0x0], $0xffff;
	_ =	sdelay $0x4  }
0xc7: {  	[tilespmem:s3+$0xFFFFFFC0] =	vst v0  }
0xc8: {  	v0 =	vld [tilespmem:s2+$0x0];
	_ =	sdelay $0x7  }
0xc9: {  	v0 =	vld.idx.msk [tilespmem:v0+s28+$0x0], $0xffff;
	_ =	sdelay $0x4  }
0xca: {  	[tilespmem:s3+$0xFFFFFFD0] =	vst v0  }
0xcb: {  	v0 =	vld [tilespmem:s2+$0x10];
	_ =	sdelay $0x7  }
0xcc: {  	v0 =	vld.idx.msk [tilespmem:v0+s28+$0x0], $0xffff;
	_ =	sdelay $0x4  }
0xcd: {  	[tilespmem:s3+$0xFFFFFFE0] =	vst v0  }
0xce: {  	v0 =	vld [tilespmem:s2+$0x20];
	_ =	sdelay $0x7  }
0xcf: {  	v0 =	vld.idx.msk [tilespmem:v0+s28+$0x0], $0xffff;
	_ =	sdelay $0x4  }
0xd0: {  	[tilespmem:s3+$0xFFFFFFF0] =	vst v0  }
0xd1: {  	v0 =	vld [tilespmem:s2+$0x30];
	_ =	sdelay $0x6  }
0xd2: {  	s1 =	sadd.s32 $0x8, s1  }
0xd3: {  	p5 =	slt.u32 s1, $0xF8;
	v0 =	vld.idx.msk [tilespmem:v0+s28+$0x0], $0xffff  }
.Ltmp4:
0xd4: {  	_ = 	snop;
	(pc) =	sbr.rel @p5 .LBB2_6-.Ltmp4, $2  }
0xd5: {  	_ =	sdelay $0x2  }
0xd6: {  	s2 =	sadd.s32 $0x80, s2;
	[tilespmem:s3+$0x0] =	vst v0;
	s3 =	sadd.s32 $0x100, s3  }
0xd7: {  	s1 =	simm.s32 $0x19780  }
0xd8: {  	s2 =	simm.s32 $0x80;
	s4 =	sadd.s32 $0x0, s15;
	s3 =	simm.s32 $0x19880  }
.LBB2_8:
0xd9: {  	[hbm4b:s4+s9] =	stream.linear.scatter [tilespmem:s1], [sflag:$0x2], $0x80, $0x38;
	[tilespmem:$0x1B700] =	vst v63  }
0xda: {  	s4 =	smov.u32 s2;
	s1 =	smov.u32 s3;
	p5 =	sne.s32 s2, $0xF80  }
.Ltmp5:
0xdb: {  	s2 =	sadd.s32 $0x80, s2;
	(pc) =	sbr.rel @p5 .LBB2_8-.Ltmp5, $2  }
0xdc: {  	_ =	sdelay $0x2  }
0xdd: {  	s3 =	sadd.s32 $0x100, s3;
	s4 =	sadd.s32 s4, s15  }
0xde: {  	[hbm4b:s4+s9] =	stream.linear.scatter [tilespmem:s1], [sflag:$0x2], $0x80, $0x38;
	[tilespmem:$0x1B700] =	vst v63  }
0xdf: {  	s5 =	sld [smem:$0x7F6]  }
0xe0: {  	s4 =	rddreg [dreg:$0x5]  }
0xe1: {  	[tilespmem:s28], [sflag:$0x1] =	stream.strided.gather [hbm4b:s4+s12], $0x18700, s13, s12, $0x38;
	[tilespmem:$0x1B700] =	vst v63  }
0xe2: {  	p5 =	seq.s32 s5, $0x1  }
0xe3: {  	s2 =	rddreg [dreg:$0x12];
	s1 =	simm.s32 @!p5 $0x0  }
0xe4: {  	[tilespmem:s1], [sflag:$0x3] =	stream.linear.gather @!p5 [hbm4b:s2+s1], $0x1000, $0x38;
	[tilespmem:$0x1B700] =	vst v63  }
0xe5: {  	s1 =	simm.s32 @!p5 $0x3  }
0xe6: {  	_ =	swait.ge @!p5 [sflag:s1], $0x1000  }
0xe7: {  	[sflag:s1] =	ssyncset.done @!p5 $0x0  }
0xe8: {  	[sflag:s1] =	ssyncadd.s32 @!p5 $0xFFFFF000  }
0xe9: {  	_ =	swait.ge [sflag:s31], $0x1000  }
0xea: {  	[sflag:s31] =	ssyncset.done $0x0  }
0xeb: {  	[sflag:s31] =	ssyncadd.s32 $0xFFFFF000  }
0xec: {  	_ =	swait.ge [sflag:s30], $0x18700  }
0xed: {  	s3 =	simm.s32 $0x19740;
	[sflag:s30] =	ssyncset.done $0x0  }
0xee: {  	s2 =	simm.s32 $0x40;
	s1 =	simm.s32 $0xFFFFFFF8;
	[sflag:s30] =	ssyncadd.s32 $0xFFFE7900  }
.LBB2_10:
0xef: {  	v0 =	vld [tilespmem:s2+$0xFFFFFFC0];
	_ =	sdelay $0x7  }
0xf0: {  	v0 =	vld.idx.msk [tilespmem:v0+s28+$0x0], $0xffff;
	_ =	sdelay $0x4  }
0xf1: {  	[tilespmem:s3+$0xFFFFFFC0] =	vst v0  }
0xf2: {  	v0 =	vld [tilespmem:s2+$0xFFFFFFD0];
	_ =	sdelay $0x7  }
0xf3: {  	v0 =	vld.idx.msk [tilespmem:v0+s28+$0x0], $0xffff;
	_ =	sdelay $0x4  }
0xf4: {  	[tilespmem:s3+$0xFFFFFFD0] =	vst v0  }
0xf5: {  	v0 =	vld [tilespmem:s2+$0xFFFFFFE0];
	_ =	sdelay $0x7  }
0xf6: {  	v0 =	vld.idx.msk [tilespmem:v0+s28+$0x0], $0xffff;
	_ =	sdelay $0x4  }
0xf7: {  	[tilespmem:s3+$0xFFFFFFE0] =	vst v0  }
0xf8: {  	v0 =	vld [tilespmem:s2+$0xFFFFFFF0];
	_ =	sdelay $0x7  }
0xf9: {  	v0 =	vld.idx.msk [tilespmem:v0+s28+$0x0], $0xffff;
	_ =	sdelay $0x4  }
0xfa: {  	[tilespmem:s3+$0xFFFFFFF0] =	vst v0  }
0xfb: {  	v0 =	vld [tilespmem:s2+$0x0];
	_ =	sdelay $0x7  }
0xfc: {  	v0 =	vld.idx.msk [tilespmem:v0+s28+$0x0], $0xffff;
	_ =	sdelay $0x4  }
0xfd: {  	[tilespmem:s3+$0x0] =	vst v0  }
0xfe: {  	v0 =	vld [tilespmem:s2+$0x10];
	_ =	sdelay $0x7  }
0xff: {  	v0 =	vld.idx.msk [tilespmem:v0+s28+$0x0], $0xffff;
	_ =	sdelay $0x4  }
0x100: {  	[tilespmem:s3+$0x10] =	vst v0  }
0x101: {  	v0 =	vld [tilespmem:s2+$0x20];
	_ =	sdelay $0x7  }
0x102: {  	v0 =	vld.idx.msk [tilespmem:v0+s28+$0x0], $0xffff;
	_ =	sdelay $0x4  }
0x103: {  	[tilespmem:s3+$0x20] =	vst v0  }
0x104: {  	v0 =	vld [tilespmem:s2+$0x30];
	_ =	sdelay $0x6  }
0x105: {  	s1 =	sadd.s32 $0x8, s1  }
0x106: {  	p5 =	slt.u32 s1, $0xF8;
	v0 =	vld.idx.msk [tilespmem:v0+s28+$0x0], $0xffff  }
.Ltmp6:
0x107: {  	_ = 	snop;
	(pc) =	sbr.rel @p5 .LBB2_10-.Ltmp6, $2  }
0x108: {  	_ =	sdelay $0x2  }
0x109: {  	s2 =	sadd.s32 $0x80, s2;
	[tilespmem:s3+$0x30] =	vst v0;
	s3 =	sadd.s32 $0x100, s3  }
0x10a: {  	s1 =	simm.s32 $0x19700  }
0x10b: {  	s2 =	simm.s32 $0x80;
	s4 =	sadd.s32 $0x0, s16;
	s3 =	simm.s32 $0x19800  }
.LBB2_12:
0x10c: {  	[hbm4b:s4+s9] =	stream.linear.scatter [tilespmem:s1], [sflag:$0x2], $0x80, $0x38;
	[tilespmem:$0x1B700] =	vst v63  }
0x10d: {  	s4 =	smov.u32 s2;
	s1 =	smov.u32 s3;
	p5 =	sne.s32 s2, $0xF80  }
.Ltmp7:
0x10e: {  	s2 =	sadd.s32 $0x80, s2;
	(pc) =	sbr.rel @p5 .LBB2_12-.Ltmp7, $2  }
0x10f: {  	_ =	sdelay $0x2  }
0x110: {  	s3 =	sadd.s32 $0x100, s3;
	s4 =	sadd.s32 s4, s16  }
0x111: {  	[hbm4b:s4+s9] =	stream.linear.scatter [tilespmem:s1], [sflag:$0x2], $0x80, $0x38;
	[tilespmem:$0x1B700] =	vst v63  }
0x112: {  	s5 =	sld [smem:$0x7F7]  }
0x113: {  	s4 =	rddreg [dreg:$0x6]  }
0x114: {  	[tilespmem:s28], [sflag:$0x1] =	stream.strided.gather [hbm4b:s4+s12], $0x18700, s13, s12, $0x38;
	[tilespmem:$0x1B700] =	vst v63  }
0x115: {  	p5 =	seq.s32 s5, $0x1  }
0x116: {  	s2 =	rddreg [dreg:$0x13];
	s1 =	simm.s32 @!p5 $0x0  }
0x117: {  	[tilespmem:s1], [sflag:$0x3] =	stream.linear.gather @!p5 [hbm4b:s2+s1], $0x1000, $0x38;
	[tilespmem:$0x1B700] =	vst v63  }
0x118: {  	s1 =	simm.s32 @!p5 $0x3  }
0x119: {  	_ =	swait.ge @!p5 [sflag:s1], $0x1000  }
0x11a: {  	[sflag:s1] =	ssyncset.done @!p5 $0x0  }
0x11b: {  	[sflag:s1] =	ssyncadd.s32 @!p5 $0xFFFFF000  }
0x11c: {  	_ =	swait.ge [sflag:s31], $0x1000  }
0x11d: {  	[sflag:s31] =	ssyncset.done $0x0  }
0x11e: {  	[sflag:s31] =	ssyncadd.s32 $0xFFFFF000  }
0x11f: {  	_ =	swait.ge [sflag:s30], $0x18700  }
0x120: {  	s3 =	simm.s32 $0x197F0;
	[sflag:s30] =	ssyncset.done $0x0  }
0x121: {  	s2 =	simm.s32 $0x40;
	s1 =	simm.s32 $0xFFFFFFF8;
	[sflag:s30] =	ssyncadd.s32 $0xFFFE7900  }
.LBB2_14:
0x122: {  	v0 =	vld [tilespmem:s2+$0xFFFFFFC0];
	_ =	sdelay $0x7  }
0x123: {  	v0 =	vld.idx.msk [tilespmem:v0+s28+$0x0], $0xffff;
	_ =	sdelay $0x4  }
0x124: {  	[tilespmem:s3+$0xFFFFFF90] =	vst v0  }
0x125: {  	v0 =	vld [tilespmem:s2+$0xFFFFFFD0];
	_ =	sdelay $0x7  }
0x126: {  	v0 =	vld.idx.msk [tilespmem:v0+s28+$0x0], $0xffff;
	_ =	sdelay $0x4  }
0x127: {  	[tilespmem:s3+$0xFFFFFFA0] =	vst v0  }
0x128: {  	v0 =	vld [tilespmem:s2+$0xFFFFFFE0];
	_ =	sdelay $0x7  }
0x129: {  	v0 =	vld.idx.msk [tilespmem:v0+s28+$0x0], $0xffff;
	_ =	sdelay $0x4  }
0x12a: {  	[tilespmem:s3+$0xFFFFFFB0] =	vst v0  }
0x12b: {  	v0 =	vld [tilespmem:s2+$0xFFFFFFF0];
	_ =	sdelay $0x7  }
0x12c: {  	v0 =	vld.idx.msk [tilespmem:v0+s28+$0x0], $0xffff;
	_ =	sdelay $0x4  }
0x12d: {  	[tilespmem:s3+$0xFFFFFFC0] =	vst v0  }
0x12e: {  	v0 =	vld [tilespmem:s2+$0x0];
	_ =	sdelay $0x7  }
0x12f: {  	v0 =	vld.idx.msk [tilespmem:v0+s28+$0x0], $0xffff;
	_ =	sdelay $0x4  }
0x130: {  	[tilespmem:s3+$0xFFFFFFD0] =	vst v0  }
0x131: {  	v0 =	vld [tilespmem:s2+$0x10];
	_ =	sdelay $0x7  }
0x132: {  	v0 =	vld.idx.msk [tilespmem:v0+s28+$0x0], $0xffff;
	_ =	sdelay $0x4  }
0x133: {  	[tilespmem:s3+$0xFFFFFFE0] =	vst v0  }
0x134: {  	v0 =	vld [tilespmem:s2+$0x20];
	_ =	sdelay $0x7  }
0x135: {  	v0 =	vld.idx.msk [tilespmem:v0+s28+$0x0], $0xffff;
	_ =	sdelay $0x4  }
0x136: {  	[tilespmem:s3+$0xFFFFFFF0] =	vst v0  }
0x137: {  	v0 =	vld [tilespmem:s2+$0x30];
	_ =	sdelay $0x6  }
0x138: {  	s1 =	sadd.s32 $0x8, s1  }
0x139: {  	p5 =	slt.u32 s1, $0xF8;
	v0 =	vld.idx.msk [tilespmem:v0+s28+$0x0], $0xffff  }
.Ltmp8:
0x13a: {  	_ = 	snop;
	(pc) =	sbr.rel @p5 .LBB2_14-.Ltmp8, $2  }
0x13b: {  	_ =	sdelay $0x2  }
0x13c: {  	s2 =	sadd.s32 $0x80, s2;
	[tilespmem:s3+$0x0] =	vst v0;
	s3 =	sadd.s32 $0x100, s3  }
0x13d: {  	s1 =	simm.s32 $0x19780  }
0x13e: {  	s2 =	simm.s32 $0x80;
	s4 =	sadd.s32 $0x0, s17;
	s3 =	simm.s32 $0x19880  }
.LBB2_16:
0x13f: {  	[hbm4b:s4+s9] =	stream.linear.scatter [tilespmem:s1], [sflag:$0x2], $0x80, $0x38;
	[tilespmem:$0x1B700] =	vst v63  }
0x140: {  	s4 =	smov.u32 s2;
	s1 =	smov.u32 s3;
	p5 =	sne.s32 s2, $0xF80  }
.Ltmp9:
0x141: {  	s2 =	sadd.s32 $0x80, s2;
	(pc) =	sbr.rel @p5 .LBB2_16-.Ltmp9, $2  }
0x142: {  	_ =	sdelay $0x2  }
0x143: {  	s3 =	sadd.s32 $0x100, s3;
	s4 =	sadd.s32 s4, s17  }
0x144: {  	[hbm4b:s4+s9] =	stream.linear.scatter [tilespmem:s1], [sflag:$0x2], $0x80, $0x38;
	[tilespmem:$0x1B700] =	vst v63  }
0x145: {  	s5 =	sld [smem:$0x7F8]  }
0x146: {  	s4 =	rddreg [dreg:$0x7]  }
0x147: {  	[tilespmem:s28], [sflag:$0x1] =	stream.strided.gather [hbm4b:s4+s12], $0x18700, s13, s12, $0x38;
	[tilespmem:$0x1B700] =	vst v63  }
0x148: {  	p5 =	seq.s32 s5, $0x1  }
0x149: {  	s2 =	rddreg [dreg:$0x14];
	s1 =	simm.s32 @!p5 $0x0  }
0x14a: {  	[tilespmem:s1], [sflag:$0x3] =	stream.linear.gather @!p5 [hbm4b:s2+s1], $0x1000, $0x38;
	[tilespmem:$0x1B700] =	vst v63  }
0x14b: {  	s1 =	simm.s32 @!p5 $0x3  }
0x14c: {  	_ =	swait.ge @!p5 [sflag:s1], $0x1000  }
0x14d: {  	[sflag:s1] =	ssyncset.done @!p5 $0x0  }
0x14e: {  	[sflag:s1] =	ssyncadd.s32 @!p5 $0xFFFFF000  }
0x14f: {  	_ =	swait.ge [sflag:s31], $0x1000  }
0x150: {  	[sflag:s31] =	ssyncset.done $0x0  }
0x151: {  	[sflag:s31] =	ssyncadd.s32 $0xFFFFF000  }
0x152: {  	_ =	swait.ge [sflag:s30], $0x18700  }
0x153: {  	s3 =	simm.s32 $0x19740;
	[sflag:s30] =	ssyncset.done $0x0  }
0x154: {  	s2 =	simm.s32 $0x40;
	s1 =	simm.s32 $0xFFFFFFF8;
	[sflag:s30] =	ssyncadd.s32 $0xFFFE7900  }
.LBB2_18:
0x155: {  	v0 =	vld [tilespmem:s2+$0xFFFFFFC0];
	_ =	sdelay $0x7  }
0x156: {  	v0 =	vld.idx.msk [tilespmem:v0+s28+$0x0], $0xffff;
	_ =	sdelay $0x4  }
0x157: {  	[tilespmem:s3+$0xFFFFFFC0] =	vst v0  }
0x158: {  	v0 =	vld [tilespmem:s2+$0xFFFFFFD0];
	_ =	sdelay $0x7  }
0x159: {  	v0 =	vld.idx.msk [tilespmem:v0+s28+$0x0], $0xffff;
	_ =	sdelay $0x4  }
0x15a: {  	[tilespmem:s3+$0xFFFFFFD0] =	vst v0  }
0x15b: {  	v0 =	vld [tilespmem:s2+$0xFFFFFFE0];
	_ =	sdelay $0x7  }
0x15c: {  	v0 =	vld.idx.msk [tilespmem:v0+s28+$0x0], $0xffff;
	_ =	sdelay $0x4  }
0x15d: {  	[tilespmem:s3+$0xFFFFFFE0] =	vst v0  }
0x15e: {  	v0 =	vld [tilespmem:s2+$0xFFFFFFF0];
	_ =	sdelay $0x7  }
0x15f: {  	v0 =	vld.idx.msk [tilespmem:v0+s28+$0x0], $0xffff;
	_ =	sdelay $0x4  }
0x160: {  	[tilespmem:s3+$0xFFFFFFF0] =	vst v0  }
0x161: {  	v0 =	vld [tilespmem:s2+$0x0];
	_ =	sdelay $0x7  }
0x162: {  	v0 =	vld.idx.msk [tilespmem:v0+s28+$0x0], $0xffff;
	_ =	sdelay $0x4  }
0x163: {  	[tilespmem:s3+$0x0] =	vst v0  }
0x164: {  	v0 =	vld [tilespmem:s2+$0x10];
	_ =	sdelay $0x7  }
0x165: {  	v0 =	vld.idx.msk [tilespmem:v0+s28+$0x0], $0xffff;
	_ =	sdelay $0x4  }
0x166: {  	[tilespmem:s3+$0x10] =	vst v0  }
0x167: {  	v0 =	vld [tilespmem:s2+$0x20];
	_ =	sdelay $0x7  }
0x168: {  	v0 =	vld.idx.msk [tilespmem:v0+s28+$0x0], $0xffff;
	_ =	sdelay $0x4  }
0x169: {  	[tilespmem:s3+$0x20] =	vst v0  }
0x16a: {  	v0 =	vld [tilespmem:s2+$0x30];
	_ =	sdelay $0x6  }
0x16b: {  	s1 =	sadd.s32 $0x8, s1  }
0x16c: {  	p5 =	slt.u32 s1, $0xF8;
	v0 =	vld.idx.msk [tilespmem:v0+s28+$0x0], $0xffff  }
.Ltmp10:
0x16d: {  	_ = 	snop;
	(pc) =	sbr.rel @p5 .LBB2_18-.Ltmp10, $2  }
0x16e: {  	_ =	sdelay $0x2  }
0x16f: {  	s2 =	sadd.s32 $0x80, s2;
	[tilespmem:s3+$0x30] =	vst v0;
	s3 =	sadd.s32 $0x100, s3  }
0x170: {  	s1 =	simm.s32 $0x19700  }
0x171: {  	s2 =	simm.s32 $0x80;
	s4 =	sadd.s32 $0x0, s18;
	s3 =	simm.s32 $0x19800  }
.LBB2_20:
0x172: {  	[hbm4b:s4+s9] =	stream.linear.scatter [tilespmem:s1], [sflag:$0x2], $0x80, $0x38;
	[tilespmem:$0x1B700] =	vst v63  }
0x173: {  	s4 =	smov.u32 s2;
	s1 =	smov.u32 s3;
	p5 =	sne.s32 s2, $0xF80  }
.Ltmp11:
0x174: {  	s2 =	sadd.s32 $0x80, s2;
	(pc) =	sbr.rel @p5 .LBB2_20-.Ltmp11, $2  }
0x175: {  	_ =	sdelay $0x2  }
0x176: {  	s3 =	sadd.s32 $0x100, s3;
	s4 =	sadd.s32 s4, s18  }
0x177: {  	[hbm4b:s4+s9] =	stream.linear.scatter [tilespmem:s1], [sflag:$0x2], $0x80, $0x38;
	[tilespmem:$0x1B700] =	vst v63  }
0x178: {  	s5 =	sld [smem:$0x7F9]  }
0x179: {  	s4 =	rddreg [dreg:$0x8]  }
0x17a: {  	[tilespmem:s28], [sflag:$0x1] =	stream.strided.gather [hbm4b:s4+s12], $0x18700, s13, s12, $0x38;
	[tilespmem:$0x1B700] =	vst v63  }
0x17b: {  	p5 =	seq.s32 s5, $0x1  }
0x17c: {  	s2 =	rddreg [dreg:$0x15];
	s1 =	simm.s32 @!p5 $0x0  }
0x17d: {  	[tilespmem:s1], [sflag:$0x3] =	stream.linear.gather @!p5 [hbm4b:s2+s1], $0x1000, $0x38;
	[tilespmem:$0x1B700] =	vst v63  }
0x17e: {  	s1 =	simm.s32 @!p5 $0x3  }
0x17f: {  	_ =	swait.ge @!p5 [sflag:s1], $0x1000  }
0x180: {  	[sflag:s1] =	ssyncset.done @!p5 $0x0  }
0x181: {  	[sflag:s1] =	ssyncadd.s32 @!p5 $0xFFFFF000  }
0x182: {  	_ =	swait.ge [sflag:s31], $0x1000  }
0x183: {  	[sflag:s31] =	ssyncset.done $0x0  }
0x184: {  	[sflag:s31] =	ssyncadd.s32 $0xFFFFF000  }
0x185: {  	_ =	swait.ge [sflag:s30], $0x18700  }
0x186: {  	s3 =	simm.s32 $0x197F0;
	[sflag:s30] =	ssyncset.done $0x0  }
0x187: {  	s2 =	simm.s32 $0x40;
	s1 =	simm.s32 $0xFFFFFFF8;
	[sflag:s30] =	ssyncadd.s32 $0xFFFE7900  }
.LBB2_22:
0x188: {  	v0 =	vld [tilespmem:s2+$0xFFFFFFC0];
	_ =	sdelay $0x7  }
0x189: {  	v0 =	vld.idx.msk [tilespmem:v0+s28+$0x0], $0xffff;
	_ =	sdelay $0x4  }
0x18a: {  	[tilespmem:s3+$0xFFFFFF90] =	vst v0  }
0x18b: {  	v0 =	vld [tilespmem:s2+$0xFFFFFFD0];
	_ =	sdelay $0x7  }
0x18c: {  	v0 =	vld.idx.msk [tilespmem:v0+s28+$0x0], $0xffff;
	_ =	sdelay $0x4  }
0x18d: {  	[tilespmem:s3+$0xFFFFFFA0] =	vst v0  }
0x18e: {  	v0 =	vld [tilespmem:s2+$0xFFFFFFE0];
	_ =	sdelay $0x7  }
0x18f: {  	v0 =	vld.idx.msk [tilespmem:v0+s28+$0x0], $0xffff;
	_ =	sdelay $0x4  }
0x190: {  	[tilespmem:s3+$0xFFFFFFB0] =	vst v0  }
0x191: {  	v0 =	vld [tilespmem:s2+$0xFFFFFFF0];
	_ =	sdelay $0x7  }
0x192: {  	v0 =	vld.idx.msk [tilespmem:v0+s28+$0x0], $0xffff;
	_ =	sdelay $0x4  }
0x193: {  	[tilespmem:s3+$0xFFFFFFC0] =	vst v0  }
0x194: {  	v0 =	vld [tilespmem:s2+$0x0];
	_ =	sdelay $0x7  }
0x195: {  	v0 =	vld.idx.msk [tilespmem:v0+s28+$0x0], $0xffff;
	_ =	sdelay $0x4  }
0x196: {  	[tilespmem:s3+$0xFFFFFFD0] =	vst v0  }
0x197: {  	v0 =	vld [tilespmem:s2+$0x10];
	_ =	sdelay $0x7  }
0x198: {  	v0 =	vld.idx.msk [tilespmem:v0+s28+$0x0], $0xffff;
	_ =	sdelay $0x4  }
0x199: {  	[tilespmem:s3+$0xFFFFFFE0] =	vst v0  }
0x19a: {  	v0 =	vld [tilespmem:s2+$0x20];
	_ =	sdelay $0x7  }
0x19b: {  	v0 =	vld.idx.msk [tilespmem:v0+s28+$0x0], $0xffff;
	_ =	sdelay $0x4  }
0x19c: {  	[tilespmem:s3+$0xFFFFFFF0] =	vst v0  }
0x19d: {  	v0 =	vld [tilespmem:s2+$0x30];
	_ =	sdelay $0x6  }
0x19e: {  	s1 =	sadd.s32 $0x8, s1  }
0x19f: {  	p5 =	slt.u32 s1, $0xF8;
	v0 =	vld.idx.msk [tilespmem:v0+s28+$0x0], $0xffff  }
.Ltmp12:
0x1a0: {  	_ = 	snop;
	(pc) =	sbr.rel @p5 .LBB2_22-.Ltmp12, $2  }
0x1a1: {  	_ =	sdelay $0x2  }
0x1a2: {  	s2 =	sadd.s32 $0x80, s2;
	[tilespmem:s3+$0x0] =	vst v0;
	s3 =	sadd.s32 $0x100, s3  }
0x1a3: {  	s1 =	simm.s32 $0x19780  }
0x1a4: {  	s2 =	simm.s32 $0x80;
	s4 =	sadd.s32 $0x0, s19;
	s3 =	simm.s32 $0x19880  }
.LBB2_24:
0x1a5: {  	[hbm4b:s4+s9] =	stream.linear.scatter [tilespmem:s1], [sflag:$0x2], $0x80, $0x38;
	[tilespmem:$0x1B700] =	vst v63  }
0x1a6: {  	s4 =	smov.u32 s2;
	s1 =	smov.u32 s3;
	p5 =	sne.s32 s2, $0xF80  }
.Ltmp13:
0x1a7: {  	s2 =	sadd.s32 $0x80, s2;
	(pc) =	sbr.rel @p5 .LBB2_24-.Ltmp13, $2  }
0x1a8: {  	_ =	sdelay $0x2  }
0x1a9: {  	s3 =	sadd.s32 $0x100, s3;
	s4 =	sadd.s32 s4, s19  }
0x1aa: {  	[hbm4b:s4+s9] =	stream.linear.scatter [tilespmem:s1], [sflag:$0x2], $0x80, $0x38;
	[tilespmem:$0x1B700] =	vst v63  }
0x1ab: {  	s5 =	sld [smem:$0x7FA]  }
0x1ac: {  	s4 =	rddreg [dreg:$0x9]  }
0x1ad: {  	[tilespmem:s28], [sflag:$0x1] =	stream.strided.gather [hbm4b:s4+s12], $0x18700, s13, s12, $0x38;
	[tilespmem:$0x1B700] =	vst v63  }
0x1ae: {  	p5 =	seq.s32 s5, $0x1  }
0x1af: {  	s2 =	rddreg [dreg:$0x16];
	s1 =	simm.s32 @!p5 $0x0  }
0x1b0: {  	[tilespmem:s1], [sflag:$0x3] =	stream.linear.gather @!p5 [hbm4b:s2+s1], $0x1000, $0x38;
	[tilespmem:$0x1B700] =	vst v63  }
0x1b1: {  	s1 =	simm.s32 @!p5 $0x3  }
0x1b2: {  	_ =	swait.ge @!p5 [sflag:s1], $0x1000  }
0x1b3: {  	[sflag:s1] =	ssyncset.done @!p5 $0x0  }
0x1b4: {  	[sflag:s1] =	ssyncadd.s32 @!p5 $0xFFFFF000  }
0x1b5: {  	_ =	swait.ge [sflag:s31], $0x1000  }
0x1b6: {  	[sflag:s31] =	ssyncset.done $0x0  }
0x1b7: {  	[sflag:s31] =	ssyncadd.s32 $0xFFFFF000  }
0x1b8: {  	_ =	swait.ge [sflag:s30], $0x18700  }
0x1b9: {  	s3 =	simm.s32 $0x19740;
	[sflag:s30] =	ssyncset.done $0x0  }
0x1ba: {  	s2 =	simm.s32 $0x40;
	s1 =	simm.s32 $0xFFFFFFF8;
	[sflag:s30] =	ssyncadd.s32 $0xFFFE7900  }
.LBB2_26:
0x1bb: {  	v0 =	vld [tilespmem:s2+$0xFFFFFFC0];
	_ =	sdelay $0x7  }
0x1bc: {  	v0 =	vld.idx.msk [tilespmem:v0+s28+$0x0], $0xffff;
	_ =	sdelay $0x4  }
0x1bd: {  	[tilespmem:s3+$0xFFFFFFC0] =	vst v0  }
0x1be: {  	v0 =	vld [tilespmem:s2+$0xFFFFFFD0];
	_ =	sdelay $0x7  }
0x1bf: {  	v0 =	vld.idx.msk [tilespmem:v0+s28+$0x0], $0xffff;
	_ =	sdelay $0x4  }
0x1c0: {  	[tilespmem:s3+$0xFFFFFFD0] =	vst v0  }
0x1c1: {  	v0 =	vld [tilespmem:s2+$0xFFFFFFE0];
	_ =	sdelay $0x7  }
0x1c2: {  	v0 =	vld.idx.msk [tilespmem:v0+s28+$0x0], $0xffff;
	_ =	sdelay $0x4  }
0x1c3: {  	[tilespmem:s3+$0xFFFFFFE0] =	vst v0  }
0x1c4: {  	v0 =	vld [tilespmem:s2+$0xFFFFFFF0];
	_ =	sdelay $0x7  }
0x1c5: {  	v0 =	vld.idx.msk [tilespmem:v0+s28+$0x0], $0xffff;
	_ =	sdelay $0x4  }
0x1c6: {  	[tilespmem:s3+$0xFFFFFFF0] =	vst v0  }
0x1c7: {  	v0 =	vld [tilespmem:s2+$0x0];
	_ =	sdelay $0x7  }
0x1c8: {  	v0 =	vld.idx.msk [tilespmem:v0+s28+$0x0], $0xffff;
	_ =	sdelay $0x4  }
0x1c9: {  	[tilespmem:s3+$0x0] =	vst v0  }
0x1ca: {  	v0 =	vld [tilespmem:s2+$0x10];
	_ =	sdelay $0x7  }
0x1cb: {  	v0 =	vld.idx.msk [tilespmem:v0+s28+$0x0], $0xffff;
	_ =	sdelay $0x4  }
0x1cc: {  	[tilespmem:s3+$0x10] =	vst v0  }
0x1cd: {  	v0 =	vld [tilespmem:s2+$0x20];
	_ =	sdelay $0x7  }
0x1ce: {  	v0 =	vld.idx.msk [tilespmem:v0+s28+$0x0], $0xffff;
	_ =	sdelay $0x4  }
0x1cf: {  	[tilespmem:s3+$0x20] =	vst v0  }
0x1d0: {  	v0 =	vld [tilespmem:s2+$0x30];
	_ =	sdelay $0x6  }
0x1d1: {  	s1 =	sadd.s32 $0x8, s1  }
0x1d2: {  	p5 =	slt.u32 s1, $0xF8;
	v0 =	vld.idx.msk [tilespmem:v0+s28+$0x0], $0xffff  }
.Ltmp14:
0x1d3: {  	_ = 	snop;
	(pc) =	sbr.rel @p5 .LBB2_26-.Ltmp14, $2  }
0x1d4: {  	_ =	sdelay $0x2  }
0x1d5: {  	s2 =	sadd.s32 $0x80, s2;
	[tilespmem:s3+$0x30] =	vst v0;
	s3 =	sadd.s32 $0x100, s3  }
0x1d6: {  	s1 =	simm.s32 $0x19700  }
0x1d7: {  	s2 =	simm.s32 $0x80;
	s4 =	sadd.s32 $0x0, s20;
	s3 =	simm.s32 $0x19800  }
.LBB2_28:
0x1d8: {  	[hbm4b:s4+s9] =	stream.linear.scatter [tilespmem:s1], [sflag:$0x2], $0x80, $0x38;
	[tilespmem:$0x1B700] =	vst v63  }
0x1d9: {  	s4 =	smov.u32 s2;
	s1 =	smov.u32 s3;
	p5 =	sne.s32 s2, $0xF80  }
.Ltmp15:
0x1da: {  	s2 =	sadd.s32 $0x80, s2;
	(pc) =	sbr.rel @p5 .LBB2_28-.Ltmp15, $2  }
0x1db: {  	_ =	sdelay $0x2  }
0x1dc: {  	s3 =	sadd.s32 $0x100, s3;
	s4 =	sadd.s32 s4, s20  }
0x1dd: {  	[hbm4b:s4+s9] =	stream.linear.scatter [tilespmem:s1], [sflag:$0x2], $0x80, $0x38;
	[tilespmem:$0x1B700] =	vst v63  }
0x1de: {  	s5 =	rddreg [dreg:$0xa]  }
0x1df: {  	[tilespmem:s28], [sflag:$0x1] =	stream.strided.gather [hbm4b:s5+s12], $0x18700, s13, s12, $0x38;
	[tilespmem:$0x1B700] =	vst v63  }
0x1e0: {  	s1 =	simm.s32 @!p6 $0x0;
	s2 =	rddreg [dreg:$0x17]  }
0x1e1: {  	[tilespmem:s1], [sflag:$0x3] =	stream.linear.gather @!p6 [hbm4b:s2+s1], $0x1000, $0x38;
	[tilespmem:$0x1B700] =	vst v63  }
0x1e2: {  	s1 =	simm.s32 @!p6 $0x3  }
0x1e3: {  	_ =	swait.ge @!p6 [sflag:s1], $0x1000  }
0x1e4: {  	[sflag:s1] =	ssyncset.done @!p6 $0x0  }
0x1e5: {  	[sflag:s1] =	ssyncadd.s32 @!p6 $0xFFFFF000  }
0x1e6: {  	_ =	swait.ge [sflag:s31], $0x1000  }
0x1e7: {  	[sflag:s31] =	ssyncset.done $0x0  }
0x1e8: {  	[sflag:s31] =	ssyncadd.s32 $0xFFFFF000  }
0x1e9: {  	_ =	swait.ge [sflag:s30], $0x18700  }
0x1ea: {  	s3 =	simm.s32 $0x197F0;
	[sflag:s30] =	ssyncset.done $0x0  }
0x1eb: {  	s2 =	simm.s32 $0x40;
	s1 =	simm.s32 $0xFFFFFFF8;
	[sflag:s30] =	ssyncadd.s32 $0xFFFE7900  }
.LBB2_30:
0x1ec: {  	v0 =	vld [tilespmem:s2+$0xFFFFFFC0];
	_ =	sdelay $0x7  }
0x1ed: {  	v0 =	vld.idx.msk [tilespmem:v0+s28+$0x0], $0xffff;
	_ =	sdelay $0x4  }
0x1ee: {  	[tilespmem:s3+$0xFFFFFF90] =	vst v0  }
0x1ef: {  	v0 =	vld [tilespmem:s2+$0xFFFFFFD0];
	_ =	sdelay $0x7  }
0x1f0: {  	v0 =	vld.idx.msk [tilespmem:v0+s28+$0x0], $0xffff;
	_ =	sdelay $0x4  }
0x1f1: {  	[tilespmem:s3+$0xFFFFFFA0] =	vst v0  }
0x1f2: {  	v0 =	vld [tilespmem:s2+$0xFFFFFFE0];
	_ =	sdelay $0x7  }
0x1f3: {  	v0 =	vld.idx.msk [tilespmem:v0+s28+$0x0], $0xffff;
	_ =	sdelay $0x4  }
0x1f4: {  	[tilespmem:s3+$0xFFFFFFB0] =	vst v0  }
0x1f5: {  	v0 =	vld [tilespmem:s2+$0xFFFFFFF0];
	_ =	sdelay $0x7  }
0x1f6: {  	v0 =	vld.idx.msk [tilespmem:v0+s28+$0x0], $0xffff;
	_ =	sdelay $0x4  }
0x1f7: {  	[tilespmem:s3+$0xFFFFFFC0] =	vst v0  }
0x1f8: {  	v0 =	vld [tilespmem:s2+$0x0];
	_ =	sdelay $0x7  }
0x1f9: {  	v0 =	vld.idx.msk [tilespmem:v0+s28+$0x0], $0xffff;
	_ =	sdelay $0x4  }
0x1fa: {  	[tilespmem:s3+$0xFFFFFFD0] =	vst v0  }
0x1fb: {  	v0 =	vld [tilespmem:s2+$0x10];
	_ =	sdelay $0x7  }
0x1fc: {  	v0 =	vld.idx.msk [tilespmem:v0+s28+$0x0], $0xffff;
	_ =	sdelay $0x4  }
0x1fd: {  	[tilespmem:s3+$0xFFFFFFE0] =	vst v0  }
0x1fe: {  	v0 =	vld [tilespmem:s2+$0x20];
	_ =	sdelay $0x7  }
0x1ff: {  	v0 =	vld.idx.msk [tilespmem:v0+s28+$0x0], $0xffff;
	_ =	sdelay $0x4  }
0x200: {  	[tilespmem:s3+$0xFFFFFFF0] =	vst v0  }
0x201: {  	v0 =	vld [tilespmem:s2+$0x30];
	_ =	sdelay $0x6  }
0x202: {  	s1 =	sadd.s32 $0x8, s1  }
0x203: {  	p5 =	slt.u32 s1, $0xF8;
	v0 =	vld.idx.msk [tilespmem:v0+s28+$0x0], $0xffff  }
.Ltmp16:
0x204: {  	_ = 	snop;
	(pc) =	sbr.rel @p5 .LBB2_30-.Ltmp16, $2  }
0x205: {  	_ =	sdelay $0x2  }
0x206: {  	s2 =	sadd.s32 $0x80, s2;
	[tilespmem:s3+$0x0] =	vst v0;
	s3 =	sadd.s32 $0x100, s3  }
0x207: {  	s1 =	simm.s32 $0x19780  }
0x208: {  	s2 =	simm.s32 $0x80;
	s4 =	sadd.s32 $0x0, s21;
	s3 =	simm.s32 $0x19880  }
.LBB2_32:
0x209: {  	[hbm4b:s4+s9] =	stream.linear.scatter [tilespmem:s1], [sflag:$0x2], $0x80, $0x38;
	[tilespmem:$0x1B700] =	vst v63  }
0x20a: {  	s4 =	smov.u32 s2;
	s1 =	smov.u32 s3;
	p5 =	sne.s32 s2, $0xF80  }
.Ltmp17:
0x20b: {  	s2 =	sadd.s32 $0x80, s2;
	(pc) =	sbr.rel @p5 .LBB2_32-.Ltmp17, $2  }
0x20c: {  	_ =	sdelay $0x2  }
0x20d: {  	s3 =	sadd.s32 $0x100, s3;
	s4 =	sadd.s32 s4, s21  }
0x20e: {  	[hbm4b:s4+s9] =	stream.linear.scatter [tilespmem:s1], [sflag:$0x2], $0x80, $0x38;
	[tilespmem:$0x1B700] =	vst v63  }
0x20f: {  	s5 =	rddreg [dreg:$0xb]  }
0x210: {  	[tilespmem:s28], [sflag:$0x1] =	stream.strided.gather [hbm4b:s5+s12], $0x18700, s13, s12, $0x38;
	[tilespmem:$0x1B700] =	vst v63  }
0x211: {  	s1 =	simm.s32 @!p0 $0x0;
	s2 =	rddreg [dreg:$0x18]  }
0x212: {  	[tilespmem:s1], [sflag:$0x3] =	stream.linear.gather @!p0 [hbm4b:s2+s1], $0x1000, $0x38;
	[tilespmem:$0x1B700] =	vst v63  }
0x213: {  	s1 =	simm.s32 @!p0 $0x3  }
0x214: {  	_ =	swait.ge @!p0 [sflag:s1], $0x1000  }
0x215: {  	[sflag:s1] =	ssyncset.done @!p0 $0x0  }
0x216: {  	[sflag:s1] =	ssyncadd.s32 @!p0 $0xFFFFF000  }
0x217: {  	_ =	swait.ge [sflag:s31], $0x1000  }
0x218: {  	[sflag:s31] =	ssyncset.done $0x0  }
0x219: {  	[sflag:s31] =	ssyncadd.s32 $0xFFFFF000  }
0x21a: {  	_ =	swait.ge [sflag:s30], $0x18700  }
0x21b: {  	s3 =	simm.s32 $0x19740;
	[sflag:s30] =	ssyncset.done $0x0  }
0x21c: {  	s2 =	simm.s32 $0x40;
	s1 =	simm.s32 $0xFFFFFFF8;
	[sflag:s30] =	ssyncadd.s32 $0xFFFE7900  }
.LBB2_34:
0x21d: {  	v0 =	vld [tilespmem:s2+$0xFFFFFFC0];
	_ =	sdelay $0x7  }
0x21e: {  	v0 =	vld.idx.msk [tilespmem:v0+s28+$0x0], $0xffff;
	_ =	sdelay $0x4  }
0x21f: {  	[tilespmem:s3+$0xFFFFFFC0] =	vst v0  }
0x220: {  	v0 =	vld [tilespmem:s2+$0xFFFFFFD0];
	_ =	sdelay $0x7  }
0x221: {  	v0 =	vld.idx.msk [tilespmem:v0+s28+$0x0], $0xffff;
	_ =	sdelay $0x4  }
0x222: {  	[tilespmem:s3+$0xFFFFFFD0] =	vst v0  }
0x223: {  	v0 =	vld [tilespmem:s2+$0xFFFFFFE0];
	_ =	sdelay $0x7  }
0x224: {  	v0 =	vld.idx.msk [tilespmem:v0+s28+$0x0], $0xffff;
	_ =	sdelay $0x4  }
0x225: {  	[tilespmem:s3+$0xFFFFFFE0] =	vst v0  }
0x226: {  	v0 =	vld [tilespmem:s2+$0xFFFFFFF0];
	_ =	sdelay $0x7  }
0x227: {  	v0 =	vld.idx.msk [tilespmem:v0+s28+$0x0], $0xffff;
	_ =	sdelay $0x4  }
0x228: {  	[tilespmem:s3+$0xFFFFFFF0] =	vst v0  }
0x229: {  	v0 =	vld [tilespmem:s2+$0x0];
	_ =	sdelay $0x7  }
0x22a: {  	v0 =	vld.idx.msk [tilespmem:v0+s28+$0x0], $0xffff;
	_ =	sdelay $0x4  }
0x22b: {  	[tilespmem:s3+$0x0] =	vst v0  }
0x22c: {  	v0 =	vld [tilespmem:s2+$0x10];
	_ =	sdelay $0x7  }
0x22d: {  	v0 =	vld.idx.msk [tilespmem:v0+s28+$0x0], $0xffff;
	_ =	sdelay $0x4  }
0x22e: {  	[tilespmem:s3+$0x10] =	vst v0  }
0x22f: {  	v0 =	vld [tilespmem:s2+$0x20];
	_ =	sdelay $0x7  }
0x230: {  	v0 =	vld.idx.msk [tilespmem:v0+s28+$0x0], $0xffff;
	_ =	sdelay $0x4  }
0x231: {  	[tilespmem:s3+$0x20] =	vst v0  }
0x232: {  	v0 =	vld [tilespmem:s2+$0x30];
	_ =	sdelay $0x6  }
0x233: {  	s1 =	sadd.s32 $0x8, s1  }
0x234: {  	p5 =	slt.u32 s1, $0xF8;
	v0 =	vld.idx.msk [tilespmem:v0+s28+$0x0], $0xffff  }
.Ltmp18:
0x235: {  	_ = 	snop;
	(pc) =	sbr.rel @p5 .LBB2_34-.Ltmp18, $2  }
0x236: {  	_ =	sdelay $0x2  }
0x237: {  	s2 =	sadd.s32 $0x80, s2;
	[tilespmem:s3+$0x30] =	vst v0;
	s3 =	sadd.s32 $0x100, s3  }
0x238: {  	s1 =	simm.s32 $0x19700  }
0x239: {  	s2 =	simm.s32 $0x80;
	s4 =	sadd.s32 $0x0, s22;
	s3 =	simm.s32 $0x19800  }
.LBB2_36:
0x23a: {  	[hbm4b:s4+s9] =	stream.linear.scatter [tilespmem:s1], [sflag:$0x2], $0x80, $0x38;
	[tilespmem:$0x1B700] =	vst v63  }
0x23b: {  	s4 =	smov.u32 s2;
	s1 =	smov.u32 s3;
	p5 =	sne.s32 s2, $0xF80  }
.Ltmp19:
0x23c: {  	s2 =	sadd.s32 $0x80, s2;
	(pc) =	sbr.rel @p5 .LBB2_36-.Ltmp19, $2  }
0x23d: {  	_ =	sdelay $0x2  }
0x23e: {  	s3 =	sadd.s32 $0x100, s3;
	s4 =	sadd.s32 s4, s22  }
0x23f: {  	[hbm4b:s4+s9] =	stream.linear.scatter [tilespmem:s1], [sflag:$0x2], $0x80, $0x38;
	[tilespmem:$0x1B700] =	vst v63  }
0x240: {  	s5 =	rddreg [dreg:$0xc]  }
0x241: {  	s2 =	sld [smem:$0x7F1]  }
0x242: {  	[tilespmem:s28], [sflag:$0x1] =	stream.strided.gather [hbm4b:s5+s12], $0x18700, s13, s12, $0x38;
	[tilespmem:$0x1B700] =	vst v63  }
0x243: {  	s1 =	simm.s32 @!p1 $0x0  }
0x244: {  	[tilespmem:s1], [sflag:$0x3] =	stream.linear.gather @!p1 [hbm4b:s2+s1], $0x1000, $0x38;
	[tilespmem:$0x1B700] =	vst v63  }
0x245: {  	s1 =	simm.s32 @!p1 $0x3  }
0x246: {  	_ =	swait.ge @!p1 [sflag:s1], $0x1000  }
0x247: {  	[sflag:s1] =	ssyncset.done @!p1 $0x0  }
0x248: {  	[sflag:s1] =	ssyncadd.s32 @!p1 $0xFFFFF000  }
0x249: {  	_ =	swait.ge [sflag:s31], $0x1000  }
0x24a: {  	[sflag:s31] =	ssyncset.done $0x0  }
0x24b: {  	[sflag:s31] =	ssyncadd.s32 $0xFFFFF000  }
0x24c: {  	_ =	swait.ge [sflag:s30], $0x18700  }
0x24d: {  	s3 =	simm.s32 $0x197F0;
	[sflag:s30] =	ssyncset.done $0x0  }
0x24e: {  	s2 =	simm.s32 $0x40;
	s1 =	simm.s32 $0xFFFFFFF8;
	[sflag:s30] =	ssyncadd.s32 $0xFFFE7900  }
.LBB2_38:
0x24f: {  	v0 =	vld [tilespmem:s2+$0xFFFFFFC0];
	_ =	sdelay $0x7  }
0x250: {  	v0 =	vld.idx.msk [tilespmem:v0+s28+$0x0], $0xffff;
	_ =	sdelay $0x4  }
0x251: {  	[tilespmem:s3+$0xFFFFFF90] =	vst v0  }
0x252: {  	v0 =	vld [tilespmem:s2+$0xFFFFFFD0];
	_ =	sdelay $0x7  }
0x253: {  	v0 =	vld.idx.msk [tilespmem:v0+s28+$0x0], $0xffff;
	_ =	sdelay $0x4  }
0x254: {  	[tilespmem:s3+$0xFFFFFFA0] =	vst v0  }
0x255: {  	v0 =	vld [tilespmem:s2+$0xFFFFFFE0];
	_ =	sdelay $0x7  }
0x256: {  	v0 =	vld.idx.msk [tilespmem:v0+s28+$0x0], $0xffff;
	_ =	sdelay $0x4  }
0x257: {  	[tilespmem:s3+$0xFFFFFFB0] =	vst v0  }
0x258: {  	v0 =	vld [tilespmem:s2+$0xFFFFFFF0];
	_ =	sdelay $0x7  }
0x259: {  	v0 =	vld.idx.msk [tilespmem:v0+s28+$0x0], $0xffff;
	_ =	sdelay $0x4  }
0x25a: {  	[tilespmem:s3+$0xFFFFFFC0] =	vst v0  }
0x25b: {  	v0 =	vld [tilespmem:s2+$0x0];
	_ =	sdelay $0x7  }
0x25c: {  	v0 =	vld.idx.msk [tilespmem:v0+s28+$0x0], $0xffff;
	_ =	sdelay $0x4  }
0x25d: {  	[tilespmem:s3+$0xFFFFFFD0] =	vst v0  }
0x25e: {  	v0 =	vld [tilespmem:s2+$0x10];
	_ =	sdelay $0x7  }
0x25f: {  	v0 =	vld.idx.msk [tilespmem:v0+s28+$0x0], $0xffff;
	_ =	sdelay $0x4  }
0x260: {  	[tilespmem:s3+$0xFFFFFFE0] =	vst v0  }
0x261: {  	v0 =	vld [tilespmem:s2+$0x20];
	_ =	sdelay $0x7  }
0x262: {  	v0 =	vld.idx.msk [tilespmem:v0+s28+$0x0], $0xffff;
	_ =	sdelay $0x4  }
0x263: {  	[tilespmem:s3+$0xFFFFFFF0] =	vst v0  }
0x264: {  	v0 =	vld [tilespmem:s2+$0x30];
	_ =	sdelay $0x6  }
0x265: {  	s1 =	sadd.s32 $0x8, s1  }
0x266: {  	p5 =	slt.u32 s1, $0xF8;
	v0 =	vld.idx.msk [tilespmem:v0+s28+$0x0], $0xffff  }
.Ltmp20:
0x267: {  	_ = 	snop;
	(pc) =	sbr.rel @p5 .LBB2_38-.Ltmp20, $2  }
0x268: {  	_ =	sdelay $0x2  }
0x269: {  	s2 =	sadd.s32 $0x80, s2;
	[tilespmem:s3+$0x0] =	vst v0;
	s3 =	sadd.s32 $0x100, s3  }
0x26a: {  	s1 =	simm.s32 $0x19780  }
0x26b: {  	s2 =	simm.s32 $0x80;
	s4 =	sadd.s32 $0x0, s23;
	s3 =	simm.s32 $0x19880  }
.LBB2_40:
0x26c: {  	[hbm4b:s4+s9] =	stream.linear.scatter [tilespmem:s1], [sflag:$0x2], $0x80, $0x38;
	[tilespmem:$0x1B700] =	vst v63  }
0x26d: {  	s4 =	smov.u32 s2;
	s1 =	smov.u32 s3;
	p5 =	sne.s32 s2, $0xF80  }
.Ltmp21:
0x26e: {  	s2 =	sadd.s32 $0x80, s2;
	(pc) =	sbr.rel @p5 .LBB2_40-.Ltmp21, $2  }
0x26f: {  	_ =	sdelay $0x2  }
0x270: {  	s3 =	sadd.s32 $0x100, s3;
	s4 =	sadd.s32 s4, s23  }
0x271: {  	[hbm4b:s4+s9] =	stream.linear.scatter [tilespmem:s1], [sflag:$0x2], $0x80, $0x38;
	[tilespmem:$0x1B700] =	vst v63  }
0x272: {  	s5 =	rddreg [dreg:$0xd]  }
0x273: {  	[tilespmem:s28], [sflag:$0x1] =	stream.strided.gather [hbm4b:s5+s12], $0x18700, s13, s12, $0x38;
	[tilespmem:$0x1B700] =	vst v63  }
0x274: {  	s1 =	simm.s32 @!p2 $0x0  }
0x275: {  	[tilespmem:s1], [sflag:$0x3] =	stream.linear.gather @!p2 [hbm4b:s7+s1], $0x1000, $0x38;
	[tilespmem:$0x1B700] =	vst v63  }
0x276: {  	s1 =	simm.s32 @!p2 $0x3  }
0x277: {  	_ =	swait.ge @!p2 [sflag:s1], $0x1000  }
0x278: {  	[sflag:s1] =	ssyncset.done @!p2 $0x0  }
0x279: {  	[sflag:s1] =	ssyncadd.s32 @!p2 $0xFFFFF000  }
0x27a: {  	_ =	swait.ge [sflag:s31], $0x1000  }
0x27b: {  	[sflag:s31] =	ssyncset.done $0x0  }
0x27c: {  	[sflag:s31] =	ssyncadd.s32 $0xFFFFF000  }
0x27d: {  	_ =	swait.ge [sflag:s30], $0x18700  }
0x27e: {  	s2 =	simm.s32 $0x40;
	[sflag:s30] =	ssyncset.done $0x0  }
0x27f: {  	s3 =	simm.s32 $0x19740;
	s1 =	simm.s32 $0xFFFFFFF8;
	[sflag:s30] =	ssyncadd.s32 $0xFFFE7900  }
.LBB2_42:
0x280: {  	v0 =	vld [tilespmem:s2+$0xFFFFFFC0];
	_ =	sdelay $0x7  }
0x281: {  	v0 =	vld.idx.msk [tilespmem:v0+s28+$0x0], $0xffff;
	_ =	sdelay $0x4  }
0x282: {  	[tilespmem:s3+$0xFFFFFFC0] =	vst v0  }
0x283: {  	v0 =	vld [tilespmem:s2+$0xFFFFFFD0];
	_ =	sdelay $0x7  }
0x284: {  	v0 =	vld.idx.msk [tilespmem:v0+s28+$0x0], $0xffff;
	_ =	sdelay $0x4  }
0x285: {  	[tilespmem:s3+$0xFFFFFFD0] =	vst v0  }
0x286: {  	v0 =	vld [tilespmem:s2+$0xFFFFFFE0];
	_ =	sdelay $0x7  }
0x287: {  	v0 =	vld.idx.msk [tilespmem:v0+s28+$0x0], $0xffff;
	_ =	sdelay $0x4  }
0x288: {  	[tilespmem:s3+$0xFFFFFFE0] =	vst v0  }
0x289: {  	v0 =	vld [tilespmem:s2+$0xFFFFFFF0];
	_ =	sdelay $0x7  }
0x28a: {  	v0 =	vld.idx.msk [tilespmem:v0+s28+$0x0], $0xffff;
	_ =	sdelay $0x4  }
0x28b: {  	[tilespmem:s3+$0xFFFFFFF0] =	vst v0  }
0x28c: {  	v0 =	vld [tilespmem:s2+$0x0];
	_ =	sdelay $0x7  }
0x28d: {  	v0 =	vld.idx.msk [tilespmem:v0+s28+$0x0], $0xffff;
	_ =	sdelay $0x4  }
0x28e: {  	[tilespmem:s3+$0x0] =	vst v0  }
0x28f: {  	v0 =	vld [tilespmem:s2+$0x10];
	_ =	sdelay $0x7  }
0x290: {  	v0 =	vld.idx.msk [tilespmem:v0+s28+$0x0], $0xffff;
	_ =	sdelay $0x4  }
0x291: {  	[tilespmem:s3+$0x10] =	vst v0  }
0x292: {  	v0 =	vld [tilespmem:s2+$0x20];
	_ =	sdelay $0x7  }
0x293: {  	v0 =	vld.idx.msk [tilespmem:v0+s28+$0x0], $0xffff;
	_ =	sdelay $0x4  }
0x294: {  	[tilespmem:s3+$0x20] =	vst v0  }
0x295: {  	v0 =	vld [tilespmem:s2+$0x30];
	_ =	sdelay $0x6  }
0x296: {  	s1 =	sadd.s32 $0x8, s1  }
0x297: {  	p5 =	slt.u32 s1, $0xF8;
	v0 =	vld.idx.msk [tilespmem:v0+s28+$0x0], $0xffff  }
.Ltmp22:
0x298: {  	_ = 	snop;
	(pc) =	sbr.rel @p5 .LBB2_42-.Ltmp22, $2  }
0x299: {  	_ =	sdelay $0x2  }
0x29a: {  	s2 =	sadd.s32 $0x80, s2;
	[tilespmem:s3+$0x30] =	vst v0;
	s3 =	sadd.s32 $0x100, s3  }
0x29b: {  	s1 =	simm.s32 $0x19700  }
0x29c: {  	s2 =	simm.s32 $0x80;
	s4 =	sadd.s32 $0x0, s24;
	s3 =	simm.s32 $0x19800  }
.LBB2_44:
0x29d: {  	[hbm4b:s4+s9] =	stream.linear.scatter [tilespmem:s1], [sflag:$0x2], $0x80, $0x38;
	[tilespmem:$0x1B700] =	vst v63  }
0x29e: {  	s4 =	smov.u32 s2;
	s1 =	smov.u32 s3;
	p5 =	sne.s32 s2, $0xF80  }
.Ltmp23:
0x29f: {  	s2 =	sadd.s32 $0x80, s2;
	(pc) =	sbr.rel @p5 .LBB2_44-.Ltmp23, $2  }
0x2a0: {  	_ =	sdelay $0x2  }
0x2a1: {  	s3 =	sadd.s32 $0x100, s3;
	s4 =	sadd.s32 s4, s24  }
0x2a2: {  	[hbm4b:s4+s9] =	stream.linear.scatter [tilespmem:s1], [sflag:$0x2], $0x80, $0x38;
	[tilespmem:$0x1B700] =	vst v63  }
0x2a3: {  	s5 =	rddreg [dreg:$0xe]  }
0x2a4: {  	[tilespmem:s28], [sflag:$0x1] =	stream.strided.gather [hbm4b:s5+s12], $0x18700, s13, s12, $0x38;
	[tilespmem:$0x1B700] =	vst v63  }
0x2a5: {  	s1 =	simm.s32 @!p3 $0x0  }
0x2a6: {  	[tilespmem:s1], [sflag:$0x3] =	stream.linear.gather @!p3 [hbm4b:s8+s1], $0x1000, $0x38;
	[tilespmem:$0x1B700] =	vst v63  }
0x2a7: {  	s1 =	simm.s32 @!p3 $0x3  }
0x2a8: {  	_ =	swait.ge @!p3 [sflag:s1], $0x1000  }
0x2a9: {  	[sflag:s1] =	ssyncset.done @!p3 $0x0  }
0x2aa: {  	[sflag:s1] =	ssyncadd.s32 @!p3 $0xFFFFF000  }
0x2ab: {  	_ =	swait.ge [sflag:s31], $0x1000  }
0x2ac: {  	[sflag:s31] =	ssyncset.done $0x0  }
0x2ad: {  	[sflag:s31] =	ssyncadd.s32 $0xFFFFF000  }
0x2ae: {  	_ =	swait.ge [sflag:s30], $0x18700  }
0x2af: {  	s2 =	simm.s32 $0x40;
	[sflag:s30] =	ssyncset.done $0x0  }
0x2b0: {  	s3 =	simm.s32 $0x197F0;
	s1 =	simm.s32 $0xFFFFFFF8;
	[sflag:s30] =	ssyncadd.s32 $0xFFFE7900  }
.LBB2_46:
0x2b1: {  	v0 =	vld [tilespmem:s2+$0xFFFFFFC0];
	_ =	sdelay $0x7  }
0x2b2: {  	v0 =	vld.idx.msk [tilespmem:v0+s28+$0x0], $0xffff;
	_ =	sdelay $0x4  }
0x2b3: {  	[tilespmem:s3+$0xFFFFFF90] =	vst v0  }
0x2b4: {  	v0 =	vld [tilespmem:s2+$0xFFFFFFD0];
	_ =	sdelay $0x7  }
0x2b5: {  	v0 =	vld.idx.msk [tilespmem:v0+s28+$0x0], $0xffff;
	_ =	sdelay $0x4  }
0x2b6: {  	[tilespmem:s3+$0xFFFFFFA0] =	vst v0  }
0x2b7: {  	v0 =	vld [tilespmem:s2+$0xFFFFFFE0];
	_ =	sdelay $0x7  }
0x2b8: {  	v0 =	vld.idx.msk [tilespmem:v0+s28+$0x0], $0xffff;
	_ =	sdelay $0x4  }
0x2b9: {  	[tilespmem:s3+$0xFFFFFFB0] =	vst v0  }
0x2ba: {  	v0 =	vld [tilespmem:s2+$0xFFFFFFF0];
	_ =	sdelay $0x7  }
0x2bb: {  	v0 =	vld.idx.msk [tilespmem:v0+s28+$0x0], $0xffff;
	_ =	sdelay $0x4  }
0x2bc: {  	[tilespmem:s3+$0xFFFFFFC0] =	vst v0  }
0x2bd: {  	v0 =	vld [tilespmem:s2+$0x0];
	_ =	sdelay $0x7  }
0x2be: {  	v0 =	vld.idx.msk [tilespmem:v0+s28+$0x0], $0xffff;
	_ =	sdelay $0x4  }
0x2bf: {  	[tilespmem:s3+$0xFFFFFFD0] =	vst v0  }
0x2c0: {  	v0 =	vld [tilespmem:s2+$0x10];
	_ =	sdelay $0x7  }
0x2c1: {  	v0 =	vld.idx.msk [tilespmem:v0+s28+$0x0], $0xffff;
	_ =	sdelay $0x4  }
0x2c2: {  	[tilespmem:s3+$0xFFFFFFE0] =	vst v0  }
0x2c3: {  	v0 =	vld [tilespmem:s2+$0x20];
	_ =	sdelay $0x7  }
0x2c4: {  	v0 =	vld.idx.msk [tilespmem:v0+s28+$0x0], $0xffff;
	_ =	sdelay $0x4  }
0x2c5: {  	[tilespmem:s3+$0xFFFFFFF0] =	vst v0  }
0x2c6: {  	v0 =	vld [tilespmem:s2+$0x30];
	_ =	sdelay $0x6  }
0x2c7: {  	s1 =	sadd.s32 $0x8, s1  }
0x2c8: {  	p5 =	slt.u32 s1, $0xF8;
	v0 =	vld.idx.msk [tilespmem:v0+s28+$0x0], $0xffff  }
.Ltmp24:
0x2c9: {  	_ = 	snop;
	(pc) =	sbr.rel @p5 .LBB2_46-.Ltmp24, $2  }
0x2ca: {  	_ =	sdelay $0x2  }
0x2cb: {  	s2 =	sadd.s32 $0x80, s2;
	[tilespmem:s3+$0x0] =	vst v0;
	s3 =	sadd.s32 $0x100, s3  }
0x2cc: {  	s1 =	simm.s32 $0x19780  }
0x2cd: {  	s2 =	simm.s32 $0x80;
	s4 =	sadd.s32 $0x0, s25;
	s3 =	simm.s32 $0x19880  }
.LBB2_48:
0x2ce: {  	[hbm4b:s4+s9] =	stream.linear.scatter [tilespmem:s1], [sflag:$0x2], $0x80, $0x38;
	[tilespmem:$0x1B700] =	vst v63  }
0x2cf: {  	s4 =	smov.u32 s2;
	s1 =	smov.u32 s3;
	p5 =	sne.s32 s2, $0xF80  }
.Ltmp25:
0x2d0: {  	s2 =	sadd.s32 $0x80, s2;
	(pc) =	sbr.rel @p5 .LBB2_48-.Ltmp25, $2  }
0x2d1: {  	_ =	sdelay $0x2  }
0x2d2: {  	s3 =	sadd.s32 $0x100, s3;
	s4 =	sadd.s32 s4, s25  }
0x2d3: {  	[hbm4b:s4+s9] =	stream.linear.scatter [tilespmem:s1], [sflag:$0x2], $0x80, $0x38;
	[tilespmem:$0x1B700] =	vst v63  }
0x2d4: {  	s5 =	rddreg [dreg:$0xf]  }
0x2d5: {  	[tilespmem:s28], [sflag:$0x1] =	stream.strided.gather [hbm4b:s5+s12], $0x18700, s13, s12, $0x38;
	[tilespmem:$0x1B700] =	vst v63  }
0x2d6: {  	s1 =	simm.s32 @!p4 $0x0  }
0x2d7: {  	[tilespmem:s1], [sflag:$0x3] =	stream.linear.gather @!p4 [hbm4b:s6+s1], $0x1000, $0x38;
	[tilespmem:$0x1B700] =	vst v63  }
0x2d8: {  	s1 =	simm.s32 @!p4 $0x3  }
0x2d9: {  	_ =	swait.ge @!p4 [sflag:s1], $0x1000  }
0x2da: {  	[sflag:s1] =	ssyncset.done @!p4 $0x0  }
0x2db: {  	[sflag:s1] =	ssyncadd.s32 @!p4 $0xFFFFF000  }
0x2dc: {  	_ =	swait.ge [sflag:s31], $0x1000  }
0x2dd: {  	[sflag:s31] =	ssyncset.done $0x0  }
0x2de: {  	[sflag:s31] =	ssyncadd.s32 $0xFFFFF000  }
0x2df: {  	_ =	swait.ge [sflag:s30], $0x18700  }
0x2e0: {  	s2 =	simm.s32 $0x40;
	[sflag:s30] =	ssyncset.done $0x0  }
0x2e1: {  	s3 =	simm.s32 $0x19740;
	s1 =	simm.s32 $0xFFFFFFF8;
	[sflag:s30] =	ssyncadd.s32 $0xFFFE7900  }
.LBB2_50:
0x2e2: {  	v0 =	vld [tilespmem:s2+$0xFFFFFFC0];
	_ =	sdelay $0x7  }
0x2e3: {  	v0 =	vld.idx.msk [tilespmem:v0+s28+$0x0], $0xffff;
	_ =	sdelay $0x4  }
0x2e4: {  	[tilespmem:s3+$0xFFFFFFC0] =	vst v0  }
0x2e5: {  	v0 =	vld [tilespmem:s2+$0xFFFFFFD0];
	_ =	sdelay $0x7  }
0x2e6: {  	v0 =	vld.idx.msk [tilespmem:v0+s28+$0x0], $0xffff;
	_ =	sdelay $0x4  }
0x2e7: {  	[tilespmem:s3+$0xFFFFFFD0] =	vst v0  }
0x2e8: {  	v0 =	vld [tilespmem:s2+$0xFFFFFFE0];
	_ =	sdelay $0x7  }
0x2e9: {  	v0 =	vld.idx.msk [tilespmem:v0+s28+$0x0], $0xffff;
	_ =	sdelay $0x4  }
0x2ea: {  	[tilespmem:s3+$0xFFFFFFE0] =	vst v0  }
0x2eb: {  	v0 =	vld [tilespmem:s2+$0xFFFFFFF0];
	_ =	sdelay $0x7  }
0x2ec: {  	v0 =	vld.idx.msk [tilespmem:v0+s28+$0x0], $0xffff;
	_ =	sdelay $0x4  }
0x2ed: {  	[tilespmem:s3+$0xFFFFFFF0] =	vst v0  }
0x2ee: {  	v0 =	vld [tilespmem:s2+$0x0];
	_ =	sdelay $0x7  }
0x2ef: {  	v0 =	vld.idx.msk [tilespmem:v0+s28+$0x0], $0xffff;
	_ =	sdelay $0x4  }
0x2f0: {  	[tilespmem:s3+$0x0] =	vst v0  }
0x2f1: {  	v0 =	vld [tilespmem:s2+$0x10];
	_ =	sdelay $0x7  }
0x2f2: {  	v0 =	vld.idx.msk [tilespmem:v0+s28+$0x0], $0xffff;
	_ =	sdelay $0x4  }
0x2f3: {  	[tilespmem:s3+$0x10] =	vst v0  }
0x2f4: {  	v0 =	vld [tilespmem:s2+$0x20];
	_ =	sdelay $0x7  }
0x2f5: {  	v0 =	vld.idx.msk [tilespmem:v0+s28+$0x0], $0xffff;
	_ =	sdelay $0x4  }
0x2f6: {  	[tilespmem:s3+$0x20] =	vst v0  }
0x2f7: {  	v0 =	vld [tilespmem:s2+$0x30];
	_ =	sdelay $0x6  }
0x2f8: {  	s1 =	sadd.s32 $0x8, s1  }
0x2f9: {  	p5 =	slt.u32 s1, $0xF8;
	v0 =	vld.idx.msk [tilespmem:v0+s28+$0x0], $0xffff  }
.Ltmp26:
0x2fa: {  	_ = 	snop;
	(pc) =	sbr.rel @p5 .LBB2_50-.Ltmp26, $2  }
0x2fb: {  	_ =	sdelay $0x2  }
0x2fc: {  	s2 =	sadd.s32 $0x80, s2;
	[tilespmem:s3+$0x30] =	vst v0;
	s3 =	sadd.s32 $0x100, s3  }
0x2fd: {  	s1 =	simm.s32 $0x19700  }
0x2fe: {  	s2 =	simm.s32 $0x80;
	s4 =	sadd.s32 $0x0, s26;
	s3 =	simm.s32 $0x19800  }
.LBB2_52:
0x2ff: {  	[hbm4b:s4+s9] =	stream.linear.scatter [tilespmem:s1], [sflag:$0x2], $0x80, $0x38;
	[tilespmem:$0x1B700] =	vst v63  }
0x300: {  	s4 =	smov.u32 s2;
	s1 =	smov.u32 s3;
	p5 =	sne.s32 s2, $0xF80  }
.Ltmp27:
0x301: {  	s2 =	sadd.s32 $0x80, s2;
	(pc) =	sbr.rel @p5 .LBB2_52-.Ltmp27, $2  }
0x302: {  	_ =	sdelay $0x2  }
0x303: {  	s3 =	sadd.s32 $0x100, s3;
	s4 =	sadd.s32 s4, s26  }
0x304: {  	[hbm4b:s4+s9] =	stream.linear.scatter [tilespmem:s1], [sflag:$0x2], $0x80, $0x38;
	[tilespmem:$0x1B700] =	vst v63  }
0x305: {  	_ =	swait.ge [sflag:s31], $0x1000  }
0x306: {  	s5 =	sld [smem:$0x7FD];
	_ =	sdelay $0x2  }
0x307: {  	p5 =	seq.s32 s5, $0x1  }
.Ltmp28:
0x308: {  	_ = 	snop;
	(pc) =	sbr.rel @p5 .LBB2_59-.Ltmp28, $3  }
0x309: {  	_ =	sdelay $0x1  }
0x30a: {  	[sflag:s31] =	ssyncset.done $0x0  }
0x30b: {  	[sflag:s31] =	ssyncadd.s32 $0xFFFFF000  }
0x30c: {  	s1 =	rddreg [dreg:$0x19]  }
0x30d: {  	[tilespmem:s9], [sflag:$0x3] =	stream.linear.gather [hbm4b:s1+s9], $0x1000, $0x38;
	[tilespmem:$0x1B700] =	vst v63  }
0x30e: {  	_ =	swait.ge [sflag:s29], $0x1000  }
0x30f: {  	[sflag:s29] =	ssyncset.done $0x0  }
0x310: {  	s5 =	rddreg [dreg:$0x1a];
	[sflag:s29] =	ssyncadd.s32 $0xFFFFF000  }
0x311: {  	[tilespmem:s28], [sflag:$0x1] =	stream.strided.gather [hbm4b:s5+s12], $0x18700, s13, s12, $0x38;
	[tilespmem:$0x1B700] =	vst v63  }
0x312: {  	_ =	swait.ge [sflag:s30], $0x18700  }
0x313: {  	s2 =	simm.s32 $0x40;
	[sflag:s30] =	ssyncset.done $0x0  }
0x314: {  	s3 =	simm.s32 $0x197F0;
	s1 =	simm.s32 $0xFFFFFFF8;
	[sflag:s30] =	ssyncadd.s32 $0xFFFE7900  }
.LBB2_55:
0x315: {  	v0 =	vld [tilespmem:s2+$0xFFFFFFC0];
	_ =	sdelay $0x7  }
0x316: {  	v0 =	vld.idx.msk [tilespmem:v0+s28+$0x0], $0xffff;
	_ =	sdelay $0x4  }
0x317: {  	[tilespmem:s3+$0xFFFFFF90] =	vst v0  }
0x318: {  	v0 =	vld [tilespmem:s2+$0xFFFFFFD0];
	_ =	sdelay $0x7  }
0x319: {  	v0 =	vld.idx.msk [tilespmem:v0+s28+$0x0], $0xffff;
	_ =	sdelay $0x4  }
0x31a: {  	[tilespmem:s3+$0xFFFFFFA0] =	vst v0  }
0x31b: {  	v0 =	vld [tilespmem:s2+$0xFFFFFFE0];
	_ =	sdelay $0x7  }
0x31c: {  	v0 =	vld.idx.msk [tilespmem:v0+s28+$0x0], $0xffff;
	_ =	sdelay $0x4  }
0x31d: {  	[tilespmem:s3+$0xFFFFFFB0] =	vst v0  }
0x31e: {  	v0 =	vld [tilespmem:s2+$0xFFFFFFF0];
	_ =	sdelay $0x7  }
0x31f: {  	v0 =	vld.idx.msk [tilespmem:v0+s28+$0x0], $0xffff;
	_ =	sdelay $0x4  }
0x320: {  	[tilespmem:s3+$0xFFFFFFC0] =	vst v0  }
0x321: {  	v0 =	vld [tilespmem:s2+$0x0];
	_ =	sdelay $0x7  }
0x322: {  	v0 =	vld.idx.msk [tilespmem:v0+s28+$0x0], $0xffff;
	_ =	sdelay $0x4  }
0x323: {  	[tilespmem:s3+$0xFFFFFFD0] =	vst v0  }
0x324: {  	v0 =	vld [tilespmem:s2+$0x10];
	_ =	sdelay $0x7  }
0x325: {  	v0 =	vld.idx.msk [tilespmem:v0+s28+$0x0], $0xffff;
	_ =	sdelay $0x4  }
0x326: {  	[tilespmem:s3+$0xFFFFFFE0] =	vst v0  }
0x327: {  	v0 =	vld [tilespmem:s2+$0x20];
	_ =	sdelay $0x7  }
0x328: {  	v0 =	vld.idx.msk [tilespmem:v0+s28+$0x0], $0xffff;
	_ =	sdelay $0x4  }
0x329: {  	[tilespmem:s3+$0xFFFFFFF0] =	vst v0  }
0x32a: {  	v0 =	vld [tilespmem:s2+$0x30];
	_ =	sdelay $0x6  }
0x32b: {  	s1 =	sadd.s32 $0x8, s1  }
0x32c: {  	p5 =	slt.u32 s1, $0xF8;
	v0 =	vld.idx.msk [tilespmem:v0+s28+$0x0], $0xffff  }
.Ltmp29:
0x32d: {  	_ = 	snop;
	(pc) =	sbr.rel @p5 .LBB2_55-.Ltmp29, $2  }
0x32e: {  	_ =	sdelay $0x2  }
0x32f: {  	s2 =	sadd.s32 $0x80, s2;
	[tilespmem:s3+$0x0] =	vst v0;
	s3 =	sadd.s32 $0x100, s3  }
0x330: {  	s1 =	simm.s32 $0x19780  }
0x331: {  	s2 =	simm.s32 $0x80;
	s4 =	sadd.s32 $0x0, s10;
	s3 =	simm.s32 $0x19880  }
.LBB2_57:
0x332: {  	[hbm4b:s4+s9] =	stream.linear.scatter [tilespmem:s1], [sflag:$0x3], $0x80, $0x38;
	[tilespmem:$0x1B700] =	vst v63  }
0x333: {  	s4 =	smov.u32 s2;
	s1 =	smov.u32 s3;
	p5 =	sne.s32 s2, $0xF80  }
.Ltmp30:
0x334: {  	s2 =	sadd.s32 $0x80, s2;
	(pc) =	sbr.rel @p5 .LBB2_57-.Ltmp30, $2  }
0x335: {  	_ =	sdelay $0x2  }
0x336: {  	s3 =	sadd.s32 $0x100, s3;
	s4 =	sadd.s32 s4, s10  }
.Ltmp31:
0x337: {  	_ = 	snop;
	(pc) =	sbr.rel .LBB2_58-.Ltmp31, $1  }
0x338: {  	_ =	sdelay $0x3  }
.LBB2_60:
0x339: {  	_ =	sfence.sel $0x180000  }
0x33a: {  	[bflag:$0x0] =	sbarrier.arrive $0xFFFF  }
0x33b: {  	_ =	strace $0x90000047  }
0x33c: {  	s0 =	stileid.u32;
	[bflag:$0x2] =	sbarrier.arrive $0xFFFF  }
0x33d: {  	p0 =	sne.s32 s0, $0x0;
	s0 =	rddreg [dreg:$0x2]  }
0x33e: {  	s0 =	sadd.s32 @!p0 $0x100000, s0  }
0x33f: {  	[sflag:s0] =	ssyncadd.tile.s32 @!p0 $0x1;
	_ =	shalt  }
.Lfunc_end2:
_tile_overlayer_lowered:
.L_overlay_start_2:
0x340: {  	(tag) =	ssettag $0x2  }
0x341: {  	s0 =	rddreg [dreg:$0x0];
	s2 =	stileid.u32  }
0x342: {  	s1 =	rddreg [dreg:$0x1];
	p0 =	sne.s32 s2, $0x0  }
0x343: {  	s3 =	rddreg [dreg:$0x2];
	[bflag:$0x3] =	sbarrier.arrive $0xFFFF;
	s2 =	simm.s32 @!p0 $0x1C03  }
0x344: {  	[timem:s3], [sflag:s2] =	dma.local @!p0 [hbm:s0], s1  }
0x345: {  	s0 =	simm.s32 @!p0 $0x3  }
0x346: {  	_ =	swait.ge @!p0 [sflag:s0], s1  }
0x347: {  	s1 =	ssub.s32 @!p0 $0x0, s1;
	[sflag:s0] =	ssyncset.done @!p0 $0x0  }
0x348: {  	[sflag:s0] =	ssyncadd.s32 @!p0 s1  }
0x349: {  	[bflag:$0x3] =	sbarrier.arrive $0xFFFF  }
0x34a: {  	_ =	shalt  }

</sc_bundles>
